<compile_context>
chip_gen: v7x
topology: tpu7x:2x2x1
jax: 0.10.2.dev20260603
libtpu: 0.0.44.dev20260713+nightly
codegen_flags: <defaults>
</compile_context>

<pallas_src>
import functools

import jax
import jax.numpy as jnp
from jax import lax
from jax.experimental import pallas as pl
from jax.experimental.pallas import tpu as pltpu
from jax.experimental.pallas import tpu_sc as plsc

N = 10000
F = 128
NCORES = 2
NSUB = 16
NTILES = NCORES * NSUB
CHUNK = 128
DEG_PAD = 10240
DSLICE = DEG_PAD // NSUB
ROWS_PER_TILE = DEG_PAD // NSUB
ZBLK = 128
NSELF = -(-N // CHUNK)
SELF_LAST = (NSELF - 2) * CHUNK


def _rsqrt16(d):
    i = plsc.bitcast(d, jnp.int32)
    i = jnp.full((16,), 0x5F3759DF, jnp.int32) - lax.shift_right_logical(i, 1)
    y = plsc.bitcast(i, jnp.float32)
    half_d = d * 0.5
    for _ in range(3):
        y = y * (1.5 - half_d * y * y)
    return y


def _sc_deg_kernel(nreal, nsteps, sidx_hbm, ew_hbm, zeros_hbm, out_hbm,
                   sbuf0, sbuf1, ewbuf0, ewbuf1, scidx0, scidx1,
                   scdat0, scdat1, bounce, msem0, msem1, ssem0, ssem1,
                   deg_spmem):
    c = lax.axis_index("c")
    s = lax.axis_index("s")
    t = c * NSUB + s

    @pl.when(s == 0)
    def _zero():
        pltpu.sync_copy(zeros_hbm, bounce)
        pltpu.sync_copy(bounce, deg_spmem)

    plsc.subcore_barrier()

    sbufs = (sbuf0, sbuf1)
    ewbufs = (ewbuf0, ewbuf1)
    scidxs = (scidx0, scidx1)
    scdats = (scdat0, scdat1)
    msems = (msem0, msem1)
    ssems = (ssem0, ssem1)

    def _valid(m):
        return m * NTILES + t < nreal

    def _issue_meta(m, slot):
        base = (m * NTILES + t) * CHUNK
        pltpu.async_copy(sidx_hbm.at[pl.ds(base, CHUNK)], sbufs[slot], msems[slot])
        pltpu.async_copy(ew_hbm.at[pl.ds(base, CHUNK)], ewbufs[slot], msems[slot])

    def _wait_meta(m, slot):
        base = (m * NTILES + t) * CHUNK
        pltpu.make_async_copy(sidx_hbm.at[pl.ds(base, CHUNK)], sbufs[slot], msems[slot]).wait()
        pltpu.make_async_copy(ew_hbm.at[pl.ds(base, CHUNK)], ewbufs[slot], msems[slot]).wait()

    def _drain_scatter(slot):
        pltpu.make_async_copy(scdats[slot], deg_spmem.at[scidxs[slot]], ssems[slot]).wait()

    pltpu.sync_copy(sidx_hbm.at[pl.ds(t * CHUNK, CHUNK)], sbuf0)
    pltpu.sync_copy(ew_hbm.at[pl.ds(t * CHUNK, CHUNK)], ewbuf0)
    _issue_meta(1, 1)

    def _step(m, cur, nxt):
        @pl.when(jnp.logical_and(m >= 2, _valid(m)))
        def _dr():
            _drain_scatter(cur)
        @pl.when(_valid(m + 1))
        def _w():
            _wait_meta(m + 1, nxt)
        @pl.when(_valid(m))
        def _sc():
            for g in range(CHUNK // 16):
                sl = pl.ds(g * 16, 16)
                scidxs[cur][sl] = sbufs[cur][sl]
                scdats[cur][sl] = ewbufs[cur][sl]
            pltpu.async_copy(scdats[cur], deg_spmem.at[scidxs[cur]], ssems[cur], add=True)
        @pl.when(_valid(m + 2))
        def _i():
            _issue_meta(m + 2, cur)

    def chunk(j, carry):
        _step(2 * j, 0, 1)
        _step(2 * j + 1, 1, 0)
        return carry

    lax.fori_loop(0, nsteps // 2, chunk, 0)
    _drain_scatter(0)
    _drain_scatter(1)
    plsc.subcore_barrier()

    @pl.when(s == 0)
    def _out():
        pltpu.sync_copy(deg_spmem, bounce)
        pltpu.sync_copy(bounce, out_hbm.at[pl.ds(c * DEG_PAD, DEG_PAD)])


def _sc_agg_kernel(nreal, nsteps, rows_hbm, sidx_hbm, ew_hbm, deg_hbm, x_hbm,
                   zeros2_hbm, out_hbm,
                   rbuf0, rbuf1, sbuf0, sbuf1, ewbuf0, ewbuf1, nbuf,
                   scidx0, scidx1, db0, db1, disbuf, xrows0, xrows1,
                   msem0, msem1, gsem0, gsem1, ssem0, ssem1,
                   dis_spmem, agg_spmem):
    c = lax.axis_index("c")
    s = lax.axis_index("s")
    t = c * NSUB + s
    lanes = lax.iota(jnp.int32, 16)

    dbase = s * DSLICE
    pltpu.sync_copy(deg_hbm.at[pl.ds(dbase, DSLICE)], db0)
    pltpu.sync_copy(deg_hbm.at[pl.ds(DEG_PAD + dbase, DSLICE)], db1)
    for g in range(DSLICE // 16):
        sl = pl.ds(g * 16, 16)
        db0[sl] = _rsqrt16(db0[sl] + db1[sl] + 1.0)
    pltpu.sync_copy(db0, dis_spmem.at[pl.ds(dbase, DSLICE)])

    pltpu.sync_copy(zeros2_hbm, xrows0)
    for k in range(ROWS_PER_TILE // ZBLK):
        pltpu.sync_copy(xrows0.at[pl.ds(0, ZBLK)],
                        agg_spmem.at[pl.ds(s * ROWS_PER_TILE + k * ZBLK, ZBLK)])
    plsc.subcore_barrier()
    pltpu.sync_copy(dis_spmem, disbuf)

    rbufs = (rbuf0, rbuf1)
    sbufs = (sbuf0, sbuf1)
    ewbufs = (ewbuf0, ewbuf1)
    scidxs = (scidx0, scidx1)
    xrows = (xrows0, xrows1)
    msems = (msem0, msem1)
    gsems = (gsem0, gsem1)
    ssems = (ssem0, ssem1)

    def _valid(m):
        return m * NTILES + t < nreal

    def _issue_meta(m, slot):
        base = (m * NTILES + t) * CHUNK
        pltpu.async_copy(rows_hbm.at[pl.ds(base, CHUNK)], rbufs[slot], msems[slot])
        pltpu.async_copy(sidx_hbm.at[pl.ds(base, CHUNK)], sbufs[slot], msems[slot])
        pltpu.async_copy(ew_hbm.at[pl.ds(base, CHUNK)], ewbufs[slot], msems[slot])

    def _wait_meta(m, slot):
        base = (m * NTILES + t) * CHUNK
        pltpu.make_async_copy(rows_hbm.at[pl.ds(base, CHUNK)], rbufs[slot], msems[slot]).wait()
        pltpu.make_async_copy(sidx_hbm.at[pl.ds(base, CHUNK)], sbufs[slot], msems[slot]).wait()
        pltpu.make_async_copy(ew_hbm.at[pl.ds(base, CHUNK)], ewbufs[slot], msems[slot]).wait()

    def _drain_scatter(slot):
        pltpu.make_async_copy(xrows[slot], agg_spmem.at[scidxs[slot]], ssems[slot]).wait()

    def _scale_rows(buf, nrows):
        @plsc.parallel_loop(0, nrows, unroll=8)
        def edge(e):
            ev = jnp.full((16,), 0, jnp.int32) + e
            ns = plsc.load_gather(nbuf, [ev])
            for l in range(F // 16):
                buf[e, pl.ds(l * 16, 16)] = buf[e, pl.ds(l * 16, 16)] * ns

    pltpu.sync_copy(rows_hbm.at[pl.ds(t * CHUNK, CHUNK)], rbuf0)
    pltpu.sync_copy(sidx_hbm.at[pl.ds(t * CHUNK, CHUNK)], sbuf0)
    pltpu.sync_copy(ew_hbm.at[pl.ds(t * CHUNK, CHUNK)], ewbuf0)
    pltpu.async_copy(x_hbm.at[rbuf0], xrows0, gsem0)
    _issue_meta(1, 1)

    def _step(m, cur, nxt):
        @pl.when(_valid(m + 1))
        def _wi():
            _wait_meta(m + 1, nxt)
            @pl.when(m >= 1)
            def _drs():
                _drain_scatter(nxt)
            pltpu.async_copy(x_hbm.at[rbufs[nxt]], xrows[nxt], gsems[nxt])
        @pl.when(_valid(m))
        def _body():
            pltpu.make_async_copy(x_hbm.at[rbufs[cur]], xrows[cur], gsems[cur]).wait()
            for g in range(CHUNK // 16):
                sl = pl.ds(g * 16, 16)
                r16 = rbufs[cur][sl]
                c16 = sbufs[cur][sl]
                e16 = ewbufs[cur][sl]
                nbuf[sl] = plsc.load_gather(disbuf, [r16]) * e16 * plsc.load_gather(disbuf, [c16])
                scidxs[cur][sl] = c16
            @pl.when(_valid(m + 2))
            def _im():
                _issue_meta(m + 2, cur)
            _scale_rows(xrows[cur], CHUNK)
            pltpu.async_copy(xrows[cur], agg_spmem.at[scidxs[cur]], ssems[cur], add=True)

    def chunk(j, carry):
        _step(2 * j, 0, 1)
        _step(2 * j + 1, 1, 0)
        return carry

    lax.fori_loop(0, nsteps // 2, chunk, 0)
    _drain_scatter(0)
    _drain_scatter(1)

    def _self_unit(u, carry):
        @pl.when(u * NTILES + t < NSELF)
        def _do():
            uu = u * NTILES + t
            nb = jnp.minimum(uu * CHUNK, N - CHUNK)
            thr = jnp.where(uu == NSELF - 1, SELF_LAST + CHUNK, 0)
            pltpu.sync_copy(x_hbm.at[pl.ds(nb, CHUNK)], xrows0)
            for g in range(CHUNK // 16):
                sl = pl.ds(g * 16, 16)
                r16 = lanes + (nb + g * 16)
                d16 = plsc.load_gather(disbuf, [r16])
                nbuf[sl] = jnp.where(r16 >= thr, d16 * d16, 0.0)
                scidx0[sl] = r16
            _scale_rows(xrows0, CHUNK)
            pltpu.sync_copy(xrows0, agg_spmem.at[scidx0], add=True)
        return carry

    lax.fori_loop(0, -(-NSELF // NTILES), _self_unit, 0)
    plsc.subcore_barrier()

    for k in range(ROWS_PER_TILE // ZBLK):
        base = s * ROWS_PER_TILE + k * ZBLK
        pltpu.sync_copy(agg_spmem.at[pl.ds(base, ZBLK)], xrows0.at[pl.ds(0, ZBLK)])
        pltpu.sync_copy(xrows0.at[pl.ds(0, ZBLK)], out_hbm.at[c, pl.ds(base, ZBLK)])


def _tc_mlp_kernel(agg_ref, w1_ref, b1_ref, wl1_ref, bl1_ref, wl2_ref,
                   bl2_ref, wl3_ref, bl3_ref, out_ref):
    a = agg_ref[0] + agg_ref[1]
    h = jnp.dot(a, w1_ref[...], preferred_element_type=jnp.float32) + b1_ref[...]
    h = jnp.maximum(h, 0.0)
    h = jnp.dot(h, wl1_ref[...], preferred_element_type=jnp.float32) + bl1_ref[...]
    h = jnp.maximum(h, 0.0)
    h = jnp.dot(h, wl2_ref[...], preferred_element_type=jnp.float32) + bl2_ref[...]
    h = jnp.maximum(h, 0.0)
    o = jnp.dot(h, wl3_ref[...], preferred_element_type=jnp.float32) + bl3_ref[...]
    m = jnp.max(o, axis=1, keepdims=True)
    ex = jnp.exp(o - m)
    out_ref[...] = ex / jnp.sum(ex, axis=1, keepdims=True)


def kernel(x, edge_index, edge_weight, W1, b1, Wl1, bl1, Wl2, bl2, Wl3, bl3):
    E = edge_weight.shape[0]
    assert E % CHUNK == 0
    nreal = E // CHUNK
    nsteps = -(-nreal // (2 * NTILES)) * 2

    ei_flat = edge_index.reshape(-1)
    rows_flat = ei_flat[:E]
    cols_flat = ei_flat[E:]
    zeros1 = jnp.zeros((DEG_PAD,), jnp.float32)
    zeros2 = jnp.zeros((CHUNK, F), jnp.float32)

    mesh = plsc.VectorSubcoreMesh(core_axis_name="c", subcore_axis_name="s")
    sc_params = pltpu.CompilerParams(needs_layout_passes=False)

    deg_parts = pl.kernel(
        functools.partial(_sc_deg_kernel, nreal, nsteps),
        mesh=mesh,
        out_type=jax.ShapeDtypeStruct((NCORES * DEG_PAD,), jnp.float32),
        scratch_types=[
            pltpu.VMEM((CHUNK,), jnp.int32),
            pltpu.VMEM((CHUNK,), jnp.int32),
            pltpu.VMEM((CHUNK,), jnp.float32),
            pltpu.VMEM((CHUNK,), jnp.float32),
            pltpu.VMEM((CHUNK,), jnp.int32),
            pltpu.VMEM((CHUNK,), jnp.int32),
            pltpu.VMEM((CHUNK,), jnp.float32),
            pltpu.VMEM((CHUNK,), jnp.float32),
            pltpu.VMEM((DEG_PAD,), jnp.float32),
            pltpu.SemaphoreType.DMA,
            pltpu.SemaphoreType.DMA,
            pltpu.SemaphoreType.DMA,
            pltpu.SemaphoreType.DMA,
            pltpu.VMEM_SHARED((DEG_PAD,), jnp.float32),
        ],
        compiler_params=sc_params,
    )(cols_flat, edge_weight, zeros1)

    agg = pl.kernel(
        functools.partial(_sc_agg_kernel, nreal, nsteps),
        mesh=mesh,
        out_type=jax.ShapeDtypeStruct((NCORES, DEG_PAD, F), jnp.float32),
        scratch_types=[
            pltpu.VMEM((CHUNK,), jnp.int32),
            pltpu.VMEM((CHUNK,), jnp.int32),
            pltpu.VMEM((CHUNK,), jnp.int32),
            pltpu.VMEM((CHUNK,), jnp.int32),
            pltpu.VMEM((CHUNK,), jnp.float32),
            pltpu.VMEM((CHUNK,), jnp.float32),
            pltpu.VMEM((CHUNK,), jnp.float32),
            pltpu.VMEM((CHUNK,), jnp.int32),
            pltpu.VMEM((CHUNK,), jnp.int32),
            pltpu.VMEM((DSLICE,), jnp.float32),
            pltpu.VMEM((DSLICE,), jnp.float32),
            pltpu.VMEM((DEG_PAD,), jnp.float32),
            pltpu.VMEM((CHUNK, F), jnp.float32),
            pltpu.VMEM((CHUNK, F), jnp.float32),
            pltpu.SemaphoreType.DMA,
            pltpu.SemaphoreType.DMA,
            pltpu.SemaphoreType.DMA,
            pltpu.SemaphoreType.DMA,
            pltpu.SemaphoreType.DMA,
            pltpu.SemaphoreType.DMA,
            pltpu.VMEM_SHARED((DEG_PAD,), jnp.float32),
            pltpu.VMEM_SHARED((DEG_PAD, F), jnp.float32),
        ],
        compiler_params=sc_params,
    )(rows_flat, cols_flat, edge_weight, deg_parts, x, zeros2)

    blk = 1000
    grid = (N // blk,)
    out = pl.pallas_call(
        _tc_mlp_kernel,
        grid=grid,
        in_specs=[
            pl.BlockSpec((NCORES, blk, F), lambda i: (0, i, 0)),
            pl.BlockSpec(W1.shape, lambda i: (0, 0)),
            pl.BlockSpec((1, b1.shape[0]), lambda i: (0, 0)),
            pl.BlockSpec(Wl1.shape, lambda i: (0, 0)),
            pl.BlockSpec((1, bl1.shape[0]), lambda i: (0, 0)),
            pl.BlockSpec(Wl2.shape, lambda i: (0, 0)),
            pl.BlockSpec((1, bl2.shape[0]), lambda i: (0, 0)),
            pl.BlockSpec(Wl3.shape, lambda i: (0, 0)),
            pl.BlockSpec((1, bl3.shape[0]), lambda i: (0, 0)),
        ],
        out_specs=pl.BlockSpec((blk, Wl3.shape[1]), lambda i: (i, 0)),
        out_shape=jax.ShapeDtypeStruct((N, Wl3.shape[1]), jnp.float32),
    )(agg, W1, b1.reshape(1, -1), Wl1, bl1.reshape(1, -1),
      Wl2, bl2.reshape(1, -1), Wl3, bl3.reshape(1, -1))
    return out

# --- scband reference (transcript-rebuilt; emitter-appended) ---
"""Pipeline reference for scband-gcn-80805514707410 (READ-ONLY COPY).

The authoritative reference and input builder live on the scoring server;
editing this copy changes nothing except your own understanding.
"""

import jax, jax.numpy as jnp
import numpy as np

N = 10000
E = 320000
F_IN = 128
H1 = 512
H2 = 64
H3 = 32
NUM_CLASSES = 32


def setup_inputs(seed: int = 0) -> dict:
    key = jax.random.key(seed)
    ks = jax.random.split(key, 12)
    x = jax.random.normal(ks[0], (N, F_IN), dtype=jnp.float32)
    edge_index = jax.random.randint(ks[1], (2, E), 0, N, dtype=jnp.int32)
    edge_weight = jax.random.uniform(ks[2], (E,), dtype=jnp.float32)
    # GCNConv params (glorot-ish scale)
    W1 = jax.random.normal(ks[3], (F_IN, H1), dtype=jnp.float32) * (1.0 / np.sqrt(F_IN))
    b1 = jnp.zeros((H1,), dtype=jnp.float32)
    # Linear layers
    Wl1 = jax.random.normal(ks[4], (H1, H2), dtype=jnp.float32) * (1.0 / np.sqrt(H1))
    bl1 = jax.random.normal(ks[5], (H2,), dtype=jnp.float32) * 0.01
    Wl2 = jax.random.normal(ks[6], (H2, H3), dtype=jnp.float32) * (1.0 / np.sqrt(H2))
    bl2 = jax.random.normal(ks[7], (H3,), dtype=jnp.float32) * 0.01
    Wl3 = jax.random.normal(ks[8], (H3, NUM_CLASSES), dtype=jnp.float32) * (1.0 / np.sqrt(H3))
    bl3 = jax.random.normal(ks[9], (NUM_CLASSES,), dtype=jnp.float32) * 0.01
    return {"x": x, "edge_index": edge_index, "edge_weight": edge_weight,
            "W1": W1, "b1": b1, "Wl1": Wl1, "bl1": bl1,
            "Wl2": Wl2, "bl2": bl2, "Wl3": Wl3, "bl3": bl3}


def reference(x, edge_index, edge_weight, W1, b1, Wl1, bl1, Wl2, bl2, Wl3, bl3):
    n = x.shape[0]
    # --- GCNConv: add self-loops, symmetric normalization D^-1/2 (A+I) D^-1/2 ---
    loop = jnp.arange(n, dtype=edge_index.dtype)
    row = jnp.concatenate([edge_index[0], loop])
    col = jnp.concatenate([edge_index[1], loop])
    ew = jnp.concatenate([edge_weight, jnp.ones((n,), dtype=edge_weight.dtype)])
    deg = jnp.zeros((n,), dtype=jnp.float32).at[col].add(ew)
    deg_inv_sqrt = jnp.where(deg > 0, 1.0 / jnp.sqrt(deg), 0.0)
    norm = deg_inv_sqrt[row] * ew * deg_inv_sqrt[col]
    h = x @ W1
    msg = h[row] * norm[:, None]
    out = jnp.zeros((n, h.shape[1]), dtype=jnp.float32).at[col].add(msg) + b1
    # --- rest of the network (dropout is identity in eval/deterministic mode) ---
    out = jax.nn.relu(out)
    out = jax.nn.relu(out @ Wl1 + bl1)
    out = jax.nn.relu(out @ Wl2 + bl2)
    out = out @ Wl3 + bl3
    return jax.nn.softmax(out, axis=1)

if __name__ == "__main__":
    import jax
    _d = setup_inputs()
    print(jax.jit(kernel)(*tuple(_d.values())))

</pallas_src>

<mosaic_0001>
#map = affine_map<(d0, d1) -> (0)>
module attributes {stable_mosaic.version = 14 : i64} {
  func.func @_sc_deg_kernel(%arg0: i32, %arg1: i32, %arg2: memref<320000xi32, #tpu.memory_space<hbm>>, %arg3: memref<320000xf32, #tpu.memory_space<hbm>>, %arg4: memref<10240xf32, #tpu.memory_space<hbm>>, %arg5: memref<20480xf32, #tpu.memory_space<hbm>>, %arg6: memref<128xi32, #tpu.memory_space<vmem>>, %arg7: memref<128xi32, #tpu.memory_space<vmem>>, %arg8: memref<128xf32, #tpu.memory_space<vmem>>, %arg9: memref<128xf32, #tpu.memory_space<vmem>>, %arg10: memref<128xi32, #tpu.memory_space<vmem>>, %arg11: memref<128xi32, #tpu.memory_space<vmem>>, %arg12: memref<128xf32, #tpu.memory_space<vmem>>, %arg13: memref<128xf32, #tpu.memory_space<vmem>>, %arg14: memref<10240xf32, #tpu.memory_space<vmem>>, %arg15: memref<!tpu.dma_semaphore, #tpu.memory_space<semaphore_mem>>, %arg16: memref<!tpu.dma_semaphore, #tpu.memory_space<semaphore_mem>>, %arg17: memref<!tpu.dma_semaphore, #tpu.memory_space<semaphore_mem>>, %arg18: memref<!tpu.dma_semaphore, #tpu.memory_space<semaphore_mem>>, %arg19: memref<10240xf32, #tpu.memory_space<vmem_shared>>) attributes {dimension_semantics = [#tpu.dimension_semantics<core_parallel>, #tpu.dimension_semantics<subcore_parallel>], iteration_bounds = array<i64: 2, 16>, scalar_prefetch = 0 : i64, scratch_operands = 14 : i64, tpu.core_type = #tpu.core_type<sc_vector_subcore>, window_params = [{transform_indices = #map}, {transform_indices = #map}, {transform_indices = #map}, {transform_indices = #map}]} {
    %mul3A = arith.constant 16 : i32
    %mul3A_0 = arith.muli %arg0, %mul3A : i32
    %add3A = arith.addi %mul3A_0, %arg1 : i32
    %eq3A = arith.constant 0 : i32
    %eq3A_1 = arith.cmpi eq, %arg1, %eq3A : i32
    %convert_element_type3A = arith.extui %eq3A_1 : i1 to i32
    %cond3A = arith.constant 0 : i32
    %cond3A_2 = arith.cmpi ne, %convert_element_type3A, %cond3A : i32
    scf.if %cond3A_2 {
      "tpu.region"() ({
        %run_scoped3A = tpu.sem_alloc : memref<!tpu.dma_semaphore, #tpu.memory_space<semaphore_mem>>
        tpu.enqueue_dma source(%arg4 : memref<10240xf32, #tpu.memory_space<hbm>>) target(%arg14 : memref<10240xf32, #tpu.memory_space<vmem>>) target_semaphore(%run_scoped3A : memref<!tpu.dma_semaphore, #tpu.memory_space<semaphore_mem>>)
        tpu.wait_dma2 semaphore(%run_scoped3A : memref<!tpu.dma_semaphore, #tpu.memory_space<semaphore_mem>>) src(%arg4 : memref<10240xf32, #tpu.memory_space<hbm>>) dst(%arg14 : memref<10240xf32, #tpu.memory_space<vmem>>)
        tpu.yield
      }) : () -> ()
      "tpu.region"() ({
        %run_scoped3A = tpu.sem_alloc : memref<!tpu.dma_semaphore, #tpu.memory_space<semaphore_mem>>
        tpu.enqueue_dma source(%arg14 : memref<10240xf32, #tpu.memory_space<vmem>>) target(%arg19 : memref<10240xf32, #tpu.memory_space<vmem_shared>>) target_semaphore(%run_scoped3A : memref<!tpu.dma_semaphore, #tpu.memory_space<semaphore_mem>>)
        tpu.wait_dma2 semaphore(%run_scoped3A : memref<!tpu.dma_semaphore, #tpu.memory_space<semaphore_mem>>) src(%arg14 : memref<10240xf32, #tpu.memory_space<vmem>>) dst(%arg19 : memref<10240xf32, #tpu.memory_space<vmem_shared>>)
        tpu.yield
      }) : () -> ()
    } else {
    }
    %barrier3A = arith.constant 0 : index
    tpu.barrier barrier_id(%barrier3A)
    %mul3A_3 = arith.constant 128 : i32
    %mul3A_4 = arith.muli %add3A, %mul3A_3 : i32
    "tpu.region"() ({
      %run_scoped3A = tpu.sem_alloc : memref<!tpu.dma_semaphore, #tpu.memory_space<semaphore_mem>>
      %dma_start3A_28 = tpu.memref_slice %arg2[%mul3A_4] : memref<320000xi32, #tpu.memory_space<hbm>> -> memref<128xi32, #tpu.memory_space<hbm>>
      %dma_start3A_29 = tpu.memref_slice %arg2[%mul3A_4] : memref<320000xi32, #tpu.memory_space<hbm>> -> memref<128xi32, #tpu.memory_space<hbm>>
      tpu.enqueue_dma source(%dma_start3A_29 : memref<128xi32, #tpu.memory_space<hbm>>) target(%arg6 : memref<128xi32, #tpu.memory_space<vmem>>) target_semaphore(%run_scoped3A : memref<!tpu.dma_semaphore, #tpu.memory_space<semaphore_mem>>)
      %dma_wait3A_30 = tpu.memref_slice %arg2[%mul3A_4] : memref<320000xi32, #tpu.memory_space<hbm>> -> memref<128xi32, #tpu.memory_space<hbm>>
      %dma_wait3A_31 = tpu.memref_slice %arg2[%mul3A_4] : memref<320000xi32, #tpu.memory_space<hbm>> -> memref<128xi32, #tpu.memory_space<hbm>>
      tpu.wait_dma2 semaphore(%run_scoped3A : memref<!tpu.dma_semaphore, #tpu.memory_space<semaphore_mem>>) src(%dma_wait3A_31 : memref<128xi32, #tpu.memory_space<hbm>>) dst(%arg6 : memref<128xi32, #tpu.memory_space<vmem>>)
      tpu.yield
    }) : () -> ()
    %mul3A_5 = arith.constant 128 : i32
    %mul3A_6 = arith.muli %add3A, %mul3A_5 : i32
    "tpu.region"() ({
      %run_scoped3A = tpu.sem_alloc : memref<!tpu.dma_semaphore, #tpu.memory_space<semaphore_mem>>
      %dma_start3A_28 = tpu.memref_slice %arg3[%mul3A_6] : memref<320000xf32, #tpu.memory_space<hbm>> -> memref<128xf32, #tpu.memory_space<hbm>>
      %dma_start3A_29 = tpu.memref_slice %arg3[%mul3A_6] : memref<320000xf32, #tpu.memory_space<hbm>> -> memref<128xf32, #tpu.memory_space<hbm>>
      tpu.enqueue_dma source(%dma_start3A_29 : memref<128xf32, #tpu.memory_space<hbm>>) target(%arg8 : memref<128xf32, #tpu.memory_space<vmem>>) target_semaphore(%run_scoped3A : memref<!tpu.dma_semaphore, #tpu.memory_space<semaphore_mem>>)
      %dma_wait3A_30 = tpu.memref_slice %arg3[%mul3A_6] : memref<320000xf32, #tpu.memory_space<hbm>> -> memref<128xf32, #tpu.memory_space<hbm>>
      %dma_wait3A_31 = tpu.memref_slice %arg3[%mul3A_6] : memref<320000xf32, #tpu.memory_space<hbm>> -> memref<128xf32, #tpu.memory_space<hbm>>
      tpu.wait_dma2 semaphore(%run_scoped3A : memref<!tpu.dma_semaphore, #tpu.memory_space<semaphore_mem>>) src(%dma_wait3A_31 : memref<128xf32, #tpu.memory_space<hbm>>) dst(%arg8 : memref<128xf32, #tpu.memory_space<vmem>>)
      tpu.yield
    }) : () -> ()
    %add3A_7 = arith.constant 32 : i32
    %add3A_8 = arith.addi %add3A_7, %add3A : i32
    %mul3A_9 = arith.constant 128 : i32
    %mul3A_10 = arith.muli %add3A_8, %mul3A_9 : i32
    %dma_start3A = tpu.memref_slice %arg2[%mul3A_10] : memref<320000xi32, #tpu.memory_space<hbm>> -> memref<128xi32, #tpu.memory_space<hbm>>
    %dma_start3A_11 = tpu.memref_slice %arg2[%mul3A_10] : memref<320000xi32, #tpu.memory_space<hbm>> -> memref<128xi32, #tpu.memory_space<hbm>>
    tpu.enqueue_dma source(%dma_start3A_11 : memref<128xi32, #tpu.memory_space<hbm>>) target(%arg7 : memref<128xi32, #tpu.memory_space<vmem>>) target_semaphore(%arg16 : memref<!tpu.dma_semaphore, #tpu.memory_space<semaphore_mem>>)
    %dma_start3A_12 = tpu.memref_slice %arg3[%mul3A_10] : memref<320000xf32, #tpu.memory_space<hbm>> -> memref<128xf32, #tpu.memory_space<hbm>>
    %dma_start3A_13 = tpu.memref_slice %arg3[%mul3A_10] : memref<320000xf32, #tpu.memory_space<hbm>> -> memref<128xf32, #tpu.memory_space<hbm>>
    tpu.enqueue_dma source(%dma_start3A_13 : memref<128xf32, #tpu.memory_space<hbm>>) target(%arg9 : memref<128xf32, #tpu.memory_space<vmem>>) target_semaphore(%arg16 : memref<!tpu.dma_semaphore, #tpu.memory_space<semaphore_mem>>)
    %scan3A = arith.constant 0 : i32
    %scan3A_14 = arith.constant 0 : i32
    %scan3A_15 = arith.constant 40 : i32
    %scan3A_16 = arith.addi %scan3A_14, %scan3A_15 : i32
    %scan3A_17 = arith.constant 1 : i32
    scf.for %scan3A_28 = %scan3A_14 to %scan3A_16 step %scan3A_17  : i32 {
      %mul3A_29 = arith.constant 2 : i32
      %mul3A_30 = arith.muli %mul3A_29, %scan3A_28 : i32
      %ge3A = arith.constant 2 : i32
      %ge3A_31 = arith.cmpi sge, %mul3A_30, %ge3A : i32
      %mul3A_32 = arith.constant 32 : i32
      %mul3A_33 = arith.muli %mul3A_30, %mul3A_32 : i32
      %add3A_34 = arith.addi %mul3A_33, %add3A : i32
      %lt3A = arith.constant 2500 : i32
      %lt3A_35 = arith.cmpi slt, %add3A_34, %lt3A : i32
      %and3A = arith.andi %ge3A_31, %lt3A_35 : i1
      %convert_element_type3A_36 = arith.extui %and3A : i1 to i32
      %cond3A_37 = arith.constant 0 : i32
      %cond3A_38 = arith.cmpi ne, %convert_element_type3A_36, %cond3A_37 : i32
      scf.if %cond3A_38 {
        %dma_wait3A_110 = arith.constant 0 : i32
        %dma_wait3A_111 = tpu.memref_slice %arg19[%dma_wait3A_110] : memref<10240xf32, #tpu.memory_space<vmem_shared>> -> memref<10240xf32, #tpu.memory_space<vmem_shared>>
        tpu.wait_indirect_dma semaphore(%arg17 : memref<!tpu.dma_semaphore, #tpu.memory_space<semaphore_mem>>) src(%arg12 : memref<128xf32, #tpu.memory_space<vmem>>) dst(%dma_wait3A_111 : memref<10240xf32, #tpu.memory_space<vmem_shared>>)
      } else {
      }
      %add3A_39 = arith.constant 1 : i32
      %add3A_40 = arith.addi %mul3A_30, %add3A_39 : i32
      %mul3A_41 = arith.constant 32 : i32
      %mul3A_42 = arith.muli %add3A_40, %mul3A_41 : i32
      %add3A_43 = arith.addi %mul3A_42, %add3A : i32
      %lt3A_44 = arith.constant 2500 : i32
      %lt3A_45 = arith.cmpi slt, %add3A_43, %lt3A_44 : i32
      %convert_element_type3A_46 = arith.extui %lt3A_45 : i1 to i32
      %cond3A_47 = arith.constant 0 : i32
      %cond3A_48 = arith.cmpi ne, %convert_element_type3A_46, %cond3A_47 : i32
      scf.if %cond3A_48 {
        %add3A_110 = arith.constant 1 : i32
        %add3A_111 = arith.addi %mul3A_30, %add3A_110 : i32
        %mul3A_112 = arith.constant 32 : i32
        %mul3A_113 = arith.muli %add3A_111, %mul3A_112 : i32
        %add3A_114 = arith.addi %mul3A_113, %add3A : i32
        %mul3A_115 = arith.constant 128 : i32
        %mul3A_116 = arith.muli %add3A_114, %mul3A_115 : i32
        %dma_wait3A_117 = tpu.memref_slice %arg2[%mul3A_116] : memref<320000xi32, #tpu.memory_space<hbm>> -> memref<128xi32, #tpu.memory_space<hbm>>
        %dma_wait3A_118 = tpu.memref_slice %arg2[%mul3A_116] : memref<320000xi32, #tpu.memory_space<hbm>> -> memref<128xi32, #tpu.memory_space<hbm>>
        tpu.wait_dma2 semaphore(%arg16 : memref<!tpu.dma_semaphore, #tpu.memory_space<semaphore_mem>>) src(%dma_wait3A_118 : memref<128xi32, #tpu.memory_space<hbm>>) dst(%arg7 : memref<128xi32, #tpu.memory_space<vmem>>)
        %dma_wait3A_119 = tpu.memref_slice %arg3[%mul3A_116] : memref<320000xf32, #tpu.memory_space<hbm>> -> memref<128xf32, #tpu.memory_space<hbm>>
        %dma_wait3A_120 = tpu.memref_slice %arg3[%mul3A_116] : memref<320000xf32, #tpu.memory_space<hbm>> -> memref<128xf32, #tpu.memory_space<hbm>>
        tpu.wait_dma2 semaphore(%arg16 : memref<!tpu.dma_semaphore, #tpu.memory_space<semaphore_mem>>) src(%dma_wait3A_120 : memref<128xf32, #tpu.memory_space<hbm>>) dst(%arg9 : memref<128xf32, #tpu.memory_space<vmem>>)
      } else {
      }
      %mul3A_49 = arith.constant 32 : i32
      %mul3A_50 = arith.muli %mul3A_30, %mul3A_49 : i32
      %add3A_51 = arith.addi %mul3A_50, %add3A : i32
      %lt3A_52 = arith.constant 2500 : i32
      %lt3A_53 = arith.cmpi slt, %add3A_51, %lt3A_52 : i32
      %convert_element_type3A_54 = arith.extui %lt3A_53 : i1 to i32
      %cond3A_55 = arith.constant 0 : i32
      %cond3A_56 = arith.cmpi ne, %convert_element_type3A_54, %cond3A_55 : i32
      scf.if %cond3A_56 {
        %get3A = arith.constant 0 : index
        %get3A_110 = tpu.vector_load %arg6[%get3A] {strides = array<i32>} : memref<128xi32, #tpu.memory_space<vmem>>, vector<16xi32>,
        %swap3A = arith.constant 0 : index
        %swap3A_111 = tpu.vector_load %arg10[%swap3A] {strides = array<i32>} : memref<128xi32, #tpu.memory_space<vmem>>, vector<16xi32>,
        tpu.vector_store %arg10[%swap3A], %get3A_110 {strides = array<i32>} : memref<128xi32, #tpu.memory_space<vmem>>, vector<16xi32>,
        %get3A_112 = arith.constant 0 : index
        %get3A_113 = tpu.vector_load %arg8[%get3A_112] {strides = array<i32>} : memref<128xf32, #tpu.memory_space<vmem>>, vector<16xf32>,
        %swap3A_114 = arith.constant 0 : index
        %swap3A_115 = tpu.vector_load %arg12[%swap3A_114] {strides = array<i32>} : memref<128xf32, #tpu.memory_space<vmem>>, vector<16xf32>,
        tpu.vector_store %arg12[%swap3A_114], %get3A_113 {strides = array<i32>} : memref<128xf32, #tpu.memory_space<vmem>>, vector<16xf32>,
        %get3A_116 = arith.constant 16 : index
        %get3A_117 = tpu.vector_load %arg6[%get3A_116] {strides = array<i32>} : memref<128xi32, #tpu.memory_space<vmem>>, vector<16xi32>,
        %swap3A_118 = arith.constant 16 : index
        %swap3A_119 = tpu.vector_load %arg10[%swap3A_118] {strides = array<i32>} : memref<128xi32, #tpu.memory_space<vmem>>, vector<16xi32>,
        tpu.vector_store %arg10[%swap3A_118], %get3A_117 {strides = array<i32>} : memref<128xi32, #tpu.memory_space<vmem>>, vector<16xi32>,
        %get3A_120 = arith.constant 16 : index
        %get3A_121 = tpu.vector_load %arg8[%get3A_120] {strides = array<i32>} : memref<128xf32, #tpu.memory_space<vmem>>, vector<16xf32>,
        %swap3A_122 = arith.constant 16 : index
        %swap3A_123 = tpu.vector_load %arg12[%swap3A_122] {strides = array<i32>} : memref<128xf32, #tpu.memory_space<vmem>>, vector<16xf32>,
        tpu.vector_store %arg12[%swap3A_122], %get3A_121 {strides = array<i32>} : memref<128xf32, #tpu.memory_space<vmem>>, vector<16xf32>,
        %get3A_124 = arith.constant 32 : index
        %get3A_125 = tpu.vector_load %arg6[%get3A_124] {strides = array<i32>} : memref<128xi32, #tpu.memory_space<vmem>>, vector<16xi32>,
        %swap3A_126 = arith.constant 32 : index
        %swap3A_127 = tpu.vector_load %arg10[%swap3A_126] {strides = array<i32>} : memref<128xi32, #tpu.memory_space<vmem>>, vector<16xi32>,
        tpu.vector_store %arg10[%swap3A_126], %get3A_125 {strides = array<i32>} : memref<128xi32, #tpu.memory_space<vmem>>, vector<16xi32>,
        %get3A_128 = arith.constant 32 : index
        %get3A_129 = tpu.vector_load %arg8[%get3A_128] {strides = array<i32>} : memref<128xf32, #tpu.memory_space<vmem>>, vector<16xf32>,
        %swap3A_130 = arith.constant 32 : index
        %swap3A_131 = tpu.vector_load %arg12[%swap3A_130] {strides = array<i32>} : memref<128xf32, #tpu.memory_space<vmem>>, vector<16xf32>,
        tpu.vector_store %arg12[%swap3A_130], %get3A_129 {strides = array<i32>} : memref<128xf32, #tpu.memory_space<vmem>>, vector<16xf32>,
        %get3A_132 = arith.constant 48 : index
        %get3A_133 = tpu.vector_load %arg6[%get3A_132] {strides = array<i32>} : memref<128xi32, #tpu.memory_space<vmem>>, vector<16xi32>,
        %swap3A_134 = arith.constant 48 : index
        %swap3A_135 = tpu.vector_load %arg10[%swap3A_134] {strides = array<i32>} : memref<128xi32, #tpu.memory_space<vmem>>, vector<16xi32>,
        tpu.vector_store %arg10[%swap3A_134], %get3A_133 {strides = array<i32>} : memref<128xi32, #tpu.memory_space<vmem>>, vector<16xi32>,
        %get3A_136 = arith.constant 48 : index
        %get3A_137 = tpu.vector_load %arg8[%get3A_136] {strides = array<i32>} : memref<128xf32, #tpu.memory_space<vmem>>, vector<16xf32>,
        %swap3A_138 = arith.constant 48 : index
        %swap3A_139 = tpu.vector_load %arg12[%swap3A_138] {strides = array<i32>} : memref<128xf32, #tpu.memory_space<vmem>>, vector<16xf32>,
        tpu.vector_store %arg12[%swap3A_138], %get3A_137 {strides = array<i32>} : memref<128xf32, #tpu.memory_space<vmem>>, vector<16xf32>,
        %get3A_140 = arith.constant 64 : index
        %get3A_141 = tpu.vector_load %arg6[%get3A_140] {strides = array<i32>} : memref<128xi32, #tpu.memory_space<vmem>>, vector<16xi32>,
        %swap3A_142 = arith.constant 64 : index
        %swap3A_143 = tpu.vector_load %arg10[%swap3A_142] {strides = array<i32>} : memref<128xi32, #tpu.memory_space<vmem>>, vector<16xi32>,
        tpu.vector_store %arg10[%swap3A_142], %get3A_141 {strides = array<i32>} : memref<128xi32, #tpu.memory_space<vmem>>, vector<16xi32>,
        %get3A_144 = arith.constant 64 : index
        %get3A_145 = tpu.vector_load %arg8[%get3A_144] {strides = array<i32>} : memref<128xf32, #tpu.memory_space<vmem>>, vector<16xf32>,
        %swap3A_146 = arith.constant 64 : index
        %swap3A_147 = tpu.vector_load %arg12[%swap3A_146] {strides = array<i32>} : memref<128xf32, #tpu.memory_space<vmem>>, vector<16xf32>,
        tpu.vector_store %arg12[%swap3A_146], %get3A_145 {strides = array<i32>} : memref<128xf32, #tpu.memory_space<vmem>>, vector<16xf32>,
        %get3A_148 = arith.constant 80 : index
        %get3A_149 = tpu.vector_load %arg6[%get3A_148] {strides = array<i32>} : memref<128xi32, #tpu.memory_space<vmem>>, vector<16xi32>,
        %swap3A_150 = arith.constant 80 : index
        %swap3A_151 = tpu.vector_load %arg10[%swap3A_150] {strides = array<i32>} : memref<128xi32, #tpu.memory_space<vmem>>, vector<16xi32>,
        tpu.vector_store %arg10[%swap3A_150], %get3A_149 {strides = array<i32>} : memref<128xi32, #tpu.memory_space<vmem>>, vector<16xi32>,
        %get3A_152 = arith.constant 80 : index
        %get3A_153 = tpu.vector_load %arg8[%get3A_152] {strides = array<i32>} : memref<128xf32, #tpu.memory_space<vmem>>, vector<16xf32>,
        %swap3A_154 = arith.constant 80 : index
        %swap3A_155 = tpu.vector_load %arg12[%swap3A_154] {strides = array<i32>} : memref<128xf32, #tpu.memory_space<vmem>>, vector<16xf32>,
        tpu.vector_store %arg12[%swap3A_154], %get3A_153 {strides = array<i32>} : memref<128xf32, #tpu.memory_space<vmem>>, vector<16xf32>,
        %get3A_156 = arith.constant 96 : index
        %get3A_157 = tpu.vector_load %arg6[%get3A_156] {strides = array<i32>} : memref<128xi32, #tpu.memory_space<vmem>>, vector<16xi32>,
        %swap3A_158 = arith.constant 96 : index
        %swap3A_159 = tpu.vector_load %arg10[%swap3A_158] {strides = array<i32>} : memref<128xi32, #tpu.memory_space<vmem>>, vector<16xi32>,
        tpu.vector_store %arg10[%swap3A_158], %get3A_157 {strides = array<i32>} : memref<128xi32, #tpu.memory_space<vmem>>, vector<16xi32>,
        %get3A_160 = arith.constant 96 : index
        %get3A_161 = tpu.vector_load %arg8[%get3A_160] {strides = array<i32>} : memref<128xf32, #tpu.memory_space<vmem>>, vector<16xf32>,
        %swap3A_162 = arith.constant 96 : index
        %swap3A_163 = tpu.vector_load %arg12[%swap3A_162] {strides = array<i32>} : memref<128xf32, #tpu.memory_space<vmem>>, vector<16xf32>,
        tpu.vector_store %arg12[%swap3A_162], %get3A_161 {strides = array<i32>} : memref<128xf32, #tpu.memory_space<vmem>>, vector<16xf32>,
        %get3A_164 = arith.constant 112 : index
        %get3A_165 = tpu.vector_load %arg6[%get3A_164] {strides = array<i32>} : memref<128xi32, #tpu.memory_space<vmem>>, vector<16xi32>,
        %swap3A_166 = arith.constant 112 : index
        %swap3A_167 = tpu.vector_load %arg10[%swap3A_166] {strides = array<i32>} : memref<128xi32, #tpu.memory_space<vmem>>, vector<16xi32>,
        tpu.vector_store %arg10[%swap3A_166], %get3A_165 {strides = array<i32>} : memref<128xi32, #tpu.memory_space<vmem>>, vector<16xi32>,
        %get3A_168 = arith.constant 112 : index
        %get3A_169 = tpu.vector_load %arg8[%get3A_168] {strides = array<i32>} : memref<128xf32, #tpu.memory_space<vmem>>, vector<16xf32>,
        %swap3A_170 = arith.constant 112 : index
        %swap3A_171 = tpu.vector_load %arg12[%swap3A_170] {strides = array<i32>} : memref<128xf32, #tpu.memory_space<vmem>>, vector<16xf32>,
        tpu.vector_store %arg12[%swap3A_170], %get3A_169 {strides = array<i32>} : memref<128xf32, #tpu.memory_space<vmem>>, vector<16xf32>,
        %dma_start3A_172 = arith.constant 0 : i32
        %dma_start3A_173 = tpu.memref_slice %arg19[%dma_start3A_172] : memref<10240xf32, #tpu.memory_space<vmem_shared>> -> memref<10240xf32, #tpu.memory_space<vmem_shared>>
        tpu.enqueue_indirect_dma source(%arg12 : memref<128xf32, #tpu.memory_space<vmem>>) target(%dma_start3A_173 : memref<10240xf32, #tpu.memory_space<vmem_shared>>) offsets(%arg10 : memref<128xi32, #tpu.memory_space<vmem>>) semaphore(%arg17 : memref<!tpu.dma_semaphore, #tpu.memory_space<semaphore_mem>>) {add = true}
      } else {
      }
      %add3A_57 = arith.constant 2 : i32
      %add3A_58 = arith.addi %mul3A_30, %add3A_57 : i32
      %mul3A_59 = arith.constant 32 : i32
      %mul3A_60 = arith.muli %add3A_58, %mul3A_59 : i32
      %add3A_61 = arith.addi %mul3A_60, %add3A : i32
      %lt3A_62 = arith.constant 2500 : i32
      %lt3A_63 = arith.cmpi slt, %add3A_61, %lt3A_62 : i32
      %convert_element_type3A_64 = arith.extui %lt3A_63 : i1 to i32
      %cond3A_65 = arith.constant 0 : i32
      %cond3A_66 = arith.cmpi ne, %convert_element_type3A_64, %cond3A_65 : i32
      scf.if %cond3A_66 {
        %add3A_110 = arith.constant 2 : i32
        %add3A_111 = arith.addi %mul3A_30, %add3A_110 : i32
        %mul3A_112 = arith.constant 32 : i32
        %mul3A_113 = arith.muli %add3A_111, %mul3A_112 : i32
        %add3A_114 = arith.addi %mul3A_113, %add3A : i32
        %mul3A_115 = arith.constant 128 : i32
        %mul3A_116 = arith.muli %add3A_114, %mul3A_115 : i32
        %dma_start3A_117 = tpu.memref_slice %arg2[%mul3A_116] : memref<320000xi32, #tpu.memory_space<hbm>> -> memref<128xi32, #tpu.memory_space<hbm>>
        %dma_start3A_118 = tpu.memref_slice %arg2[%mul3A_116] : memref<320000xi32, #tpu.memory_space<hbm>> -> memref<128xi32, #tpu.memory_space<hbm>>
        tpu.enqueue_dma source(%dma_start3A_118 : memref<128xi32, #tpu.memory_space<hbm>>) target(%arg6 : memref<128xi32, #tpu.memory_space<vmem>>) target_semaphore(%arg15 : memref<!tpu.dma_semaphore, #tpu.memory_space<semaphore_mem>>)
        %dma_start3A_119 = tpu.memref_slice %arg3[%mul3A_116] : memref<320000xf32, #tpu.memory_space<hbm>> -> memref<128xf32, #tpu.memory_space<hbm>>
        %dma_start3A_120 = tpu.memref_slice %arg3[%mul3A_116] : memref<320000xf32, #tpu.memory_space<hbm>> -> memref<128xf32, #tpu.memory_space<hbm>>
        tpu.enqueue_dma source(%dma_start3A_120 : memref<128xf32, #tpu.memory_space<hbm>>) target(%arg8 : memref<128xf32, #tpu.memory_space<vmem>>) target_semaphore(%arg15 : memref<!tpu.dma_semaphore, #tpu.memory_space<semaphore_mem>>)
      } else {
      }
      %mul3A_67 = arith.constant 2 : i32
      %mul3A_68 = arith.muli %mul3A_67, %scan3A_28 : i32
      %add3A_69 = arith.constant 1 : i32
      %add3A_70 = arith.addi %mul3A_68, %add3A_69 : i32
      %ge3A_71 = arith.constant 2 : i32
      %ge3A_72 = arith.cmpi sge, %add3A_70, %ge3A_71 : i32
      %mul3A_73 = arith.constant 32 : i32
      %mul3A_74 = arith.muli %add3A_70, %mul3A_73 : i32
      %add3A_75 = arith.addi %mul3A_74, %add3A : i32
      %lt3A_76 = arith.constant 2500 : i32
      %lt3A_77 = arith.cmpi slt, %add3A_75, %lt3A_76 : i32
      %and3A_78 = arith.andi %ge3A_72, %lt3A_77 : i1
      %convert_element_type3A_79 = arith.extui %and3A_78 : i1 to i32
      %cond3A_80 = arith.constant 0 : i32
      %cond3A_81 = arith.cmpi ne, %convert_element_type3A_79, %cond3A_80 : i32
      scf.if %cond3A_81 {
        %dma_wait3A_110 = arith.constant 0 : i32
        %dma_wait3A_111 = tpu.memref_slice %arg19[%dma_wait3A_110] : memref<10240xf32, #tpu.memory_space<vmem_shared>> -> memref<10240xf32, #tpu.memory_space<vmem_shared>>
        tpu.wait_indirect_dma semaphore(%arg18 : memref<!tpu.dma_semaphore, #tpu.memory_space<semaphore_mem>>) src(%arg13 : memref<128xf32, #tpu.memory_space<vmem>>) dst(%dma_wait3A_111 : memref<10240xf32, #tpu.memory_space<vmem_shared>>)
      } else {
      }
      %add3A_82 = arith.constant 1 : i32
      %add3A_83 = arith.addi %add3A_70, %add3A_82 : i32
      %mul3A_84 = arith.constant 32 : i32
      %mul3A_85 = arith.muli %add3A_83, %mul3A_84 : i32
      %add3A_86 = arith.addi %mul3A_85, %add3A : i32
      %lt3A_87 = arith.constant 2500 : i32
      %lt3A_88 = arith.cmpi slt, %add3A_86, %lt3A_87 : i32
      %convert_element_type3A_89 = arith.extui %lt3A_88 : i1 to i32
      %cond3A_90 = arith.constant 0 : i32
      %cond3A_91 = arith.cmpi ne, %convert_element_type3A_89, %cond3A_90 : i32
      scf.if %cond3A_91 {
        %add3A_110 = arith.constant 1 : i32
        %add3A_111 = arith.addi %add3A_70, %add3A_110 : i32
        %mul3A_112 = arith.constant 32 : i32
        %mul3A_113 = arith.muli %add3A_111, %mul3A_112 : i32
        %add3A_114 = arith.addi %mul3A_113, %add3A : i32
        %mul3A_115 = arith.constant 128 : i32
        %mul3A_116 = arith.muli %add3A_114, %mul3A_115 : i32
        %dma_wait3A_117 = tpu.memref_slice %arg2[%mul3A_116] : memref<320000xi32, #tpu.memory_space<hbm>> -> memref<128xi32, #tpu.memory_space<hbm>>
        %dma_wait3A_118 = tpu.memref_slice %arg2[%mul3A_116] : memref<320000xi32, #tpu.memory_space<hbm>> -> memref<128xi32, #tpu.memory_space<hbm>>
        tpu.wait_dma2 semaphore(%arg15 : memref<!tpu.dma_semaphore, #tpu.memory_space<semaphore_mem>>) src(%dma_wait3A_118 : memref<128xi32, #tpu.memory_space<hbm>>) dst(%arg6 : memref<128xi32, #tpu.memory_space<vmem>>)
        %dma_wait3A_119 = tpu.memref_slice %arg3[%mul3A_116] : memref<320000xf32, #tpu.memory_space<hbm>> -> memref<128xf32, #tpu.memory_space<hbm>>
        %dma_wait3A_120 = tpu.memref_slice %arg3[%mul3A_116] : memref<320000xf32, #tpu.memory_space<hbm>> -> memref<128xf32, #tpu.memory_space<hbm>>
        tpu.wait_dma2 semaphore(%arg15 : memref<!tpu.dma_semaphore, #tpu.memory_space<semaphore_mem>>) src(%dma_wait3A_120 : memref<128xf32, #tpu.memory_space<hbm>>) dst(%arg8 : memref<128xf32, #tpu.memory_space<vmem>>)
      } else {
      }
      %mul3A_92 = arith.constant 32 : i32
      %mul3A_93 = arith.muli %add3A_70, %mul3A_92 : i32
      %add3A_94 = arith.addi %mul3A_93, %add3A : i32
      %lt3A_95 = arith.constant 2500 : i32
      %lt3A_96 = arith.cmpi slt, %add3A_94, %lt3A_95 : i32
      %convert_element_type3A_97 = arith.extui %lt3A_96 : i1 to i32
      %cond3A_98 = arith.constant 0 : i32
      %cond3A_99 = arith.cmpi ne, %convert_element_type3A_97, %cond3A_98 : i32
      scf.if %cond3A_99 {
        %get3A = arith.constant 0 : index
        %get3A_110 = tpu.vector_load %arg7[%get3A] {strides = array<i32>} : memref<128xi32, #tpu.memory_space<vmem>>, vector<16xi32>,
        %swap3A = arith.constant 0 : index
        %swap3A_111 = tpu.vector_load %arg11[%swap3A] {strides = array<i32>} : memref<128xi32, #tpu.memory_space<vmem>>, vector<16xi32>,
        tpu.vector_store %arg11[%swap3A], %get3A_110 {strides = array<i32>} : memref<128xi32, #tpu.memory_space<vmem>>, vector<16xi32>,
        %get3A_112 = arith.constant 0 : index
        %get3A_113 = tpu.vector_load %arg9[%get3A_112] {strides = array<i32>} : memref<128xf32, #tpu.memory_space<vmem>>, vector<16xf32>,
        %swap3A_114 = arith.constant 0 : index
        %swap3A_115 = tpu.vector_load %arg13[%swap3A_114] {strides = array<i32>} : memref<128xf32, #tpu.memory_space<vmem>>, vector<16xf32>,
        tpu.vector_store %arg13[%swap3A_114], %get3A_113 {strides = array<i32>} : memref<128xf32, #tpu.memory_space<vmem>>, vector<16xf32>,
        %get3A_116 = arith.constant 16 : index
        %get3A_117 = tpu.vector_load %arg7[%get3A_116] {strides = array<i32>} : memref<128xi32, #tpu.memory_space<vmem>>, vector<16xi32>,
        %swap3A_118 = arith.constant 16 : index
        %swap3A_119 = tpu.vector_load %arg11[%swap3A_118] {strides = array<i32>} : memref<128xi32, #tpu.memory_space<vmem>>, vector<16xi32>,
        tpu.vector_store %arg11[%swap3A_118], %get3A_117 {strides = array<i32>} : memref<128xi32, #tpu.memory_space<vmem>>, vector<16xi32>,
        %get3A_120 = arith.constant 16 : index
        %get3A_121 = tpu.vector_load %arg9[%get3A_120] {strides = array<i32>} : memref<128xf32, #tpu.memory_space<vmem>>, vector<16xf32>,
        %swap3A_122 = arith.constant 16 : index
        %swap3A_123 = tpu.vector_load %arg13[%swap3A_122] {strides = array<i32>} : memref<128xf32, #tpu.memory_space<vmem>>, vector<16xf32>,
        tpu.vector_store %arg13[%swap3A_122], %get3A_121 {strides = array<i32>} : memref<128xf32, #tpu.memory_space<vmem>>, vector<16xf32>,
        %get3A_124 = arith.constant 32 : index
        %get3A_125 = tpu.vector_load %arg7[%get3A_124] {strides = array<i32>} : memref<128xi32, #tpu.memory_space<vmem>>, vector<16xi32>,
        %swap3A_126 = arith.constant 32 : index
        %swap3A_127 = tpu.vector_load %arg11[%swap3A_126] {strides = array<i32>} : memref<128xi32, #tpu.memory_space<vmem>>, vector<16xi32>,
        tpu.vector_store %arg11[%swap3A_126], %get3A_125 {strides = array<i32>} : memref<128xi32, #tpu.memory_space<vmem>>, vector<16xi32>,
        %get3A_128 = arith.constant 32 : index
        %get3A_129 = tpu.vector_load %arg9[%get3A_128] {strides = array<i32>} : memref<128xf32, #tpu.memory_space<vmem>>, vector<16xf32>,
        %swap3A_130 = arith.constant 32 : index
        %swap3A_131 = tpu.vector_load %arg13[%swap3A_130] {strides = array<i32>} : memref<128xf32, #tpu.memory_space<vmem>>, vector<16xf32>,
        tpu.vector_store %arg13[%swap3A_130], %get3A_129 {strides = array<i32>} : memref<128xf32, #tpu.memory_space<vmem>>, vector<16xf32>,
        %get3A_132 = arith.constant 48 : index
        %get3A_133 = tpu.vector_load %arg7[%get3A_132] {strides = array<i32>} : memref<128xi32, #tpu.memory_space<vmem>>, vector<16xi32>,
        %swap3A_134 = arith.constant 48 : index
        %swap3A_135 = tpu.vector_load %arg11[%swap3A_134] {strides = array<i32>} : memref<128xi32, #tpu.memory_space<vmem>>, vector<16xi32>,
        tpu.vector_store %arg11[%swap3A_134], %get3A_133 {strides = array<i32>} : memref<128xi32, #tpu.memory_space<vmem>>, vector<16xi32>,
        %get3A_136 = arith.constant 48 : index
        %get3A_137 = tpu.vector_load %arg9[%get3A_136] {strides = array<i32>} : memref<128xf32, #tpu.memory_space<vmem>>, vector<16xf32>,
        %swap3A_138 = arith.constant 48 : index
        %swap3A_139 = tpu.vector_load %arg13[%swap3A_138] {strides = array<i32>} : memref<128xf32, #tpu.memory_space<vmem>>, vector<16xf32>,
        tpu.vector_store %arg13[%swap3A_138], %get3A_137 {strides = array<i32>} : memref<128xf32, #tpu.memory_space<vmem>>, vector<16xf32>,
        %get3A_140 = arith.constant 64 : index
        %get3A_141 = tpu.vector_load %arg7[%get3A_140] {strides = array<i32>} : memref<128xi32, #tpu.memory_space<vmem>>, vector<16xi32>,
        %swap3A_142 = arith.constant 64 : index
        %swap3A_143 = tpu.vector_load %arg11[%swap3A_142] {strides = array<i32>} : memref<128xi32, #tpu.memory_space<vmem>>, vector<16xi32>,
        tpu.vector_store %arg11[%swap3A_142], %get3A_141 {strides = array<i32>} : memref<128xi32, #tpu.memory_space<vmem>>, vector<16xi32>,
        %get3A_144 = arith.constant 64 : index
        %get3A_145 = tpu.vector_load %arg9[%get3A_144] {strides = array<i32>} : memref<128xf32, #tpu.memory_space<vmem>>, vector<16xf32>,
        %swap3A_146 = arith.constant 64 : index
        %swap3A_147 = tpu.vector_load %arg13[%swap3A_146] {strides = array<i32>} : memref<128xf32, #tpu.memory_space<vmem>>, vector<16xf32>,
        tpu.vector_store %arg13[%swap3A_146], %get3A_145 {strides = array<i32>} : memref<128xf32, #tpu.memory_space<vmem>>, vector<16xf32>,
        %get3A_148 = arith.constant 80 : index
        %get3A_149 = tpu.vector_load %arg7[%get3A_148] {strides = array<i32>} : memref<128xi32, #tpu.memory_space<vmem>>, vector<16xi32>,
        %swap3A_150 = arith.constant 80 : index
        %swap3A_151 = tpu.vector_load %arg11[%swap3A_150] {strides = array<i32>} : memref<128xi32, #tpu.memory_space<vmem>>, vector<16xi32>,
        tpu.vector_store %arg11[%swap3A_150], %get3A_149 {strides = array<i32>} : memref<128xi32, #tpu.memory_space<vmem>>, vector<16xi32>,
        %get3A_152 = arith.constant 80 : index
        %get3A_153 = tpu.vector_load %arg9[%get3A_152] {strides = array<i32>} : memref<128xf32, #tpu.memory_space<vmem>>, vector<16xf32>,
        %swap3A_154 = arith.constant 80 : index
        %swap3A_155 = tpu.vector_load %arg13[%swap3A_154] {strides = array<i32>} : memref<128xf32, #tpu.memory_space<vmem>>, vector<16xf32>,
        tpu.vector_store %arg13[%swap3A_154], %get3A_153 {strides = array<i32>} : memref<128xf32, #tpu.memory_space<vmem>>, vector<16xf32>,
        %get3A_156 = arith.constant 96 : index
        %get3A_157 = tpu.vector_load %arg7[%get3A_156] {strides = array<i32>} : memref<128xi32, #tpu.memory_space<vmem>>, vector<16xi32>,
        %swap3A_158 = arith.constant 96 : index
        %swap3A_159 = tpu.vector_load %arg11[%swap3A_158] {strides = array<i32>} : memref<128xi32, #tpu.memory_space<vmem>>, vector<16xi32>,
        tpu.vector_store %arg11[%swap3A_158], %get3A_157 {strides = array<i32>} : memref<128xi32, #tpu.memory_space<vmem>>, vector<16xi32>,
        %get3A_160 = arith.constant 96 : index
        %get3A_161 = tpu.vector_load %arg9[%get3A_160] {strides = array<i32>} : memref<128xf32, #tpu.memory_space<vmem>>, vector<16xf32>,
        %swap3A_162 = arith.constant 96 : index
        %swap3A_163 = tpu.vector_load %arg13[%swap3A_162] {strides = array<i32>} : memref<128xf32, #tpu.memory_space<vmem>>, vector<16xf32>,
        tpu.vector_store %arg13[%swap3A_162], %get3A_161 {strides = array<i32>} : memref<128xf32, #tpu.memory_space<vmem>>, vector<16xf32>,
        %get3A_164 = arith.constant 112 : index
        %get3A_165 = tpu.vector_load %arg7[%get3A_164] {strides = array<i32>} : memref<128xi32, #tpu.memory_space<vmem>>, vector<16xi32>,
        %swap3A_166 = arith.constant 112 : index
        %swap3A_167 = tpu.vector_load %arg11[%swap3A_166] {strides = array<i32>} : memref<128xi32, #tpu.memory_space<vmem>>, vector<16xi32>,
        tpu.vector_store %arg11[%swap3A_166], %get3A_165 {strides = array<i32>} : memref<128xi32, #tpu.memory_space<vmem>>, vector<16xi32>,
        %get3A_168 = arith.constant 112 : index
        %get3A_169 = tpu.vector_load %arg9[%get3A_168] {strides = array<i32>} : memref<128xf32, #tpu.memory_space<vmem>>, vector<16xf32>,
        %swap3A_170 = arith.constant 112 : index
        %swap3A_171 = tpu.vector_load %arg13[%swap3A_170] {strides = array<i32>} : memref<128xf32, #tpu.memory_space<vmem>>, vector<16xf32>,
        tpu.vector_store %arg13[%swap3A_170], %get3A_169 {strides = array<i32>} : memref<128xf32, #tpu.memory_space<vmem>>, vector<16xf32>,
        %dma_start3A_172 = arith.constant 0 : i32
        %dma_start3A_173 = tpu.memref_slice %arg19[%dma_start3A_172] : memref<10240xf32, #tpu.memory_space<vmem_shared>> -> memref<10240xf32, #tpu.memory_space<vmem_shared>>
        tpu.enqueue_indirect_dma source(%arg13 : memref<128xf32, #tpu.memory_space<vmem>>) target(%dma_start3A_173 : memref<10240xf32, #tpu.memory_space<vmem_shared>>) offsets(%arg11 : memref<128xi32, #tpu.memory_space<vmem>>) semaphore(%arg18 : memref<!tpu.dma_semaphore, #tpu.memory_space<semaphore_mem>>) {add = true}
      } else {
      }
      %add3A_100 = arith.constant 2 : i32
      %add3A_101 = arith.addi %add3A_70, %add3A_100 : i32
      %mul3A_102 = arith.constant 32 : i32
      %mul3A_103 = arith.muli %add3A_101, %mul3A_102 : i32
      %add3A_104 = arith.addi %mul3A_103, %add3A : i32
      %lt3A_105 = arith.constant 2500 : i32
      %lt3A_106 = arith.cmpi slt, %add3A_104, %lt3A_105 : i32
      %convert_element_type3A_107 = arith.extui %lt3A_106 : i1 to i32
      %cond3A_108 = arith.constant 0 : i32
      %cond3A_109 = arith.cmpi ne, %convert_element_type3A_107, %cond3A_108 : i32
      scf.if %cond3A_109 {
        %add3A_110 = arith.constant 2 : i32
        %add3A_111 = arith.addi %add3A_70, %add3A_110 : i32
        %mul3A_112 = arith.constant 32 : i32
        %mul3A_113 = arith.muli %add3A_111, %mul3A_112 : i32
        %add3A_114 = arith.addi %mul3A_113, %add3A : i32
        %mul3A_115 = arith.constant 128 : i32
        %mul3A_116 = arith.muli %add3A_114, %mul3A_115 : i32
        %dma_start3A_117 = tpu.memref_slice %arg2[%mul3A_116] : memref<320000xi32, #tpu.memory_space<hbm>> -> memref<128xi32, #tpu.memory_space<hbm>>
        %dma_start3A_118 = tpu.memref_slice %arg2[%mul3A_116] : memref<320000xi32, #tpu.memory_space<hbm>> -> memref<128xi32, #tpu.memory_space<hbm>>
        tpu.enqueue_dma source(%dma_start3A_118 : memref<128xi32, #tpu.memory_space<hbm>>) target(%arg7 : memref<128xi32, #tpu.memory_space<vmem>>) target_semaphore(%arg16 : memref<!tpu.dma_semaphore, #tpu.memory_space<semaphore_mem>>)
        %dma_start3A_119 = tpu.memref_slice %arg3[%mul3A_116] : memref<320000xf32, #tpu.memory_space<hbm>> -> memref<128xf32, #tpu.memory_space<hbm>>
        %dma_start3A_120 = tpu.memref_slice %arg3[%mul3A_116] : memref<320000xf32, #tpu.memory_space<hbm>> -> memref<128xf32, #tpu.memory_space<hbm>>
        tpu.enqueue_dma source(%dma_start3A_120 : memref<128xf32, #tpu.memory_space<hbm>>) target(%arg9 : memref<128xf32, #tpu.memory_space<vmem>>) target_semaphore(%arg16 : memref<!tpu.dma_semaphore, #tpu.memory_space<semaphore_mem>>)
      } else {
      }
    }
    %scan3A_18 = arith.constant 40 : i32
    %dma_wait3A = arith.constant 0 : i32
    %dma_wait3A_19 = tpu.memref_slice %arg19[%dma_wait3A] : memref<10240xf32, #tpu.memory_space<vmem_shared>> -> memref<10240xf32, #tpu.memory_space<vmem_shared>>
    tpu.wait_indirect_dma semaphore(%arg17 : memref<!tpu.dma_semaphore, #tpu.memory_space<semaphore_mem>>) src(%arg12 : memref<128xf32, #tpu.memory_space<vmem>>) dst(%dma_wait3A_19 : memref<10240xf32, #tpu.memory_space<vmem_shared>>)
    %dma_wait3A_20 = arith.constant 0 : i32
    %dma_wait3A_21 = tpu.memref_slice %arg19[%dma_wait3A_20] : memref<10240xf32, #tpu.memory_space<vmem_shared>> -> memref<10240xf32, #tpu.memory_space<vmem_shared>>
    tpu.wait_indirect_dma semaphore(%arg18 : memref<!tpu.dma_semaphore, #tpu.memory_space<semaphore_mem>>) src(%arg13 : memref<128xf32, #tpu.memory_space<vmem>>) dst(%dma_wait3A_21 : memref<10240xf32, #tpu.memory_space<vmem_shared>>)
    %barrier3A_22 = arith.constant 0 : index
    tpu.barrier barrier_id(%barrier3A_22)
    %eq3A_23 = arith.constant 0 : i32
    %eq3A_24 = arith.cmpi eq, %arg1, %eq3A_23 : i32
    %convert_element_type3A_25 = arith.extui %eq3A_24 : i1 to i32
    %cond3A_26 = arith.constant 0 : i32
    %cond3A_27 = arith.cmpi ne, %convert_element_type3A_25, %cond3A_26 : i32
    scf.if %cond3A_27 {
      "tpu.region"() ({
        %run_scoped3A = tpu.sem_alloc : memref<!tpu.dma_semaphore, #tpu.memory_space<semaphore_mem>>
        tpu.enqueue_dma source(%arg19 : memref<10240xf32, #tpu.memory_space<vmem_shared>>) target(%arg14 : memref<10240xf32, #tpu.memory_space<vmem>>) target_semaphore(%run_scoped3A : memref<!tpu.dma_semaphore, #tpu.memory_space<semaphore_mem>>)
        tpu.wait_dma2 semaphore(%run_scoped3A : memref<!tpu.dma_semaphore, #tpu.memory_space<semaphore_mem>>) src(%arg19 : memref<10240xf32, #tpu.memory_space<vmem_shared>>) dst(%arg14 : memref<10240xf32, #tpu.memory_space<vmem>>)
        tpu.yield
      }) : () -> ()
      %mul3A_28 = arith.constant 10240 : i32
      %mul3A_29 = arith.muli %arg0, %mul3A_28 : i32
      "tpu.region"() ({
        %run_scoped3A = tpu.sem_alloc : memref<!tpu.dma_semaphore, #tpu.memory_space<semaphore_mem>>
        %dma_start3A_30 = tpu.memref_slice %arg5[%mul3A_29] : memref<20480xf32, #tpu.memory_space<hbm>> -> memref<10240xf32, #tpu.memory_space<hbm>>
        %dma_start3A_31 = tpu.memref_slice %arg5[%mul3A_29] : memref<20480xf32, #tpu.memory_space<hbm>> -> memref<10240xf32, #tpu.memory_space<hbm>>
        tpu.enqueue_dma source(%arg14 : memref<10240xf32, #tpu.memory_space<vmem>>) target(%dma_start3A_31 : memref<10240xf32, #tpu.memory_space<hbm>>) target_semaphore(%run_scoped3A : memref<!tpu.dma_semaphore, #tpu.memory_space<semaphore_mem>>)
        %dma_wait3A_32 = tpu.memref_slice %arg5[%mul3A_29] : memref<20480xf32, #tpu.memory_space<hbm>> -> memref<10240xf32, #tpu.memory_space<hbm>>
        %dma_wait3A_33 = tpu.memref_slice %arg5[%mul3A_29] : memref<20480xf32, #tpu.memory_space<hbm>> -> memref<10240xf32, #tpu.memory_space<hbm>>
        tpu.wait_dma2 semaphore(%run_scoped3A : memref<!tpu.dma_semaphore, #tpu.memory_space<semaphore_mem>>) src(%arg14 : memref<10240xf32, #tpu.memory_space<vmem>>) dst(%dma_wait3A_33 : memref<10240xf32, #tpu.memory_space<hbm>>)
        tpu.yield
      }) : () -> ()
    } else {
    }
    return
  }
}

#map = affine_map<(d0, d1) -> (0)>
#map1 = affine_map<(d0, d1) -> (0, 0)>
#map2 = affine_map<(d0, d1) -> (0, 0, 0)>
module attributes {stable_mosaic.version = 14 : i64} {
  func.func @_sc_agg_kernel(%arg0: i32, %arg1: i32, %arg2: memref<320000xi32, #tpu.memory_space<hbm>>, %arg3: memref<320000xi32, #tpu.memory_space<hbm>>, %arg4: memref<320000xf32, #tpu.memory_space<hbm>>, %arg5: memref<20480xf32, #tpu.memory_space<hbm>>, %arg6: memref<10000x128xf32, #tpu.memory_space<hbm>>, %arg7: memref<128x128xf32, #tpu.memory_space<hbm>>, %arg8: memref<2x10240x128xf32, #tpu.memory_space<hbm>>, %arg9: memref<128xi32, #tpu.memory_space<vmem>>, %arg10: memref<128xi32, #tpu.memory_space<vmem>>, %arg11: memref<128xi32, #tpu.memory_space<vmem>>, %arg12: memref<128xi32, #tpu.memory_space<vmem>>, %arg13: memref<128xf32, #tpu.memory_space<vmem>>, %arg14: memref<128xf32, #tpu.memory_space<vmem>>, %arg15: memref<128xf32, #tpu.memory_space<vmem>>, %arg16: memref<128xi32, #tpu.memory_space<vmem>>, %arg17: memref<128xi32, #tpu.memory_space<vmem>>, %arg18: memref<640xf32, #tpu.memory_space<vmem>>, %arg19: memref<640xf32, #tpu.memory_space<vmem>>, %arg20: memref<10240xf32, #tpu.memory_space<vmem>>, %arg21: memref<128x128xf32, #tpu.memory_space<vmem>>, %arg22: memref<128x128xf32, #tpu.memory_space<vmem>>, %arg23: memref<!tpu.dma_semaphore, #tpu.memory_space<semaphore_mem>>, %arg24: memref<!tpu.dma_semaphore, #tpu.memory_space<semaphore_mem>>, %arg25: memref<!tpu.dma_semaphore, #tpu.memory_space<semaphore_mem>>, %arg26: memref<!tpu.dma_semaphore, #tpu.memory_space<semaphore_mem>>, %arg27: memref<!tpu.dma_semaphore, #tpu.memory_space<semaphore_mem>>, %arg28: memref<!tpu.dma_semaphore, #tpu.memory_space<semaphore_mem>>, %arg29: memref<10240xf32, #tpu.memory_space<vmem_shared>>, %arg30: memref<10240x128xf32, #tpu.memory_space<vmem_shared>>) attributes {dimension_semantics = [#tpu.dimension_semantics<core_parallel>, #tpu.dimension_semantics<subcore_parallel>], iteration_bounds = array<i64: 2, 16>, scalar_prefetch = 0 : i64, scratch_operands = 22 : i64, tpu.core_type = #tpu.core_type<sc_vector_subcore>, window_params = [{transform_indices = #map}, {transform_indices = #map}, {transform_indices = #map}, {transform_indices = #map}, {transform_indices = #map1}, {transform_indices = #map1}, {transform_indices = #map2}]} {
    %mul3A = arith.constant 16 : i32
    %mul3A_0 = arith.muli %arg0, %mul3A : i32
    %add3A = arith.addi %mul3A_0, %arg1 : i32
    %iota3A = tpu.iota {dimensions = array<i32: 0>} : vector<16xi32>
    %mul3A_1 = arith.constant 640 : i32
    %mul3A_2 = arith.muli %arg1, %mul3A_1 : i32
    "tpu.region"() ({
      %run_scoped3A = tpu.sem_alloc : memref<!tpu.dma_semaphore, #tpu.memory_space<semaphore_mem>>
      %dma_start3A_1634 = tpu.memref_slice %arg5[%mul3A_2] : memref<20480xf32, #tpu.memory_space<hbm>> -> memref<640xf32, #tpu.memory_space<hbm>>
      %dma_start3A_1635 = tpu.memref_slice %arg5[%mul3A_2] : memref<20480xf32, #tpu.memory_space<hbm>> -> memref<640xf32, #tpu.memory_space<hbm>>
      tpu.enqueue_dma source(%dma_start3A_1635 : memref<640xf32, #tpu.memory_space<hbm>>) target(%arg18 : memref<640xf32, #tpu.memory_space<vmem>>) target_semaphore(%run_scoped3A : memref<!tpu.dma_semaphore, #tpu.memory_space<semaphore_mem>>)
      %dma_wait3A_1636 = tpu.memref_slice %arg5[%mul3A_2] : memref<20480xf32, #tpu.memory_space<hbm>> -> memref<640xf32, #tpu.memory_space<hbm>>
      %dma_wait3A_1637 = tpu.memref_slice %arg5[%mul3A_2] : memref<20480xf32, #tpu.memory_space<hbm>> -> memref<640xf32, #tpu.memory_space<hbm>>
      tpu.wait_dma2 semaphore(%run_scoped3A : memref<!tpu.dma_semaphore, #tpu.memory_space<semaphore_mem>>) src(%dma_wait3A_1637 : memref<640xf32, #tpu.memory_space<hbm>>) dst(%arg18 : memref<640xf32, #tpu.memory_space<vmem>>)
      tpu.yield
    }) : () -> ()
    %add3A_3 = arith.constant 10240 : i32
    %add3A_4 = arith.addi %add3A_3, %mul3A_2 : i32
    "tpu.region"() ({
      %run_scoped3A = tpu.sem_alloc : memref<!tpu.dma_semaphore, #tpu.memory_space<semaphore_mem>>
      %dma_start3A_1634 = tpu.memref_slice %arg5[%add3A_4] : memref<20480xf32, #tpu.memory_space<hbm>> -> memref<640xf32, #tpu.memory_space<hbm>>
      %dma_start3A_1635 = tpu.memref_slice %arg5[%add3A_4] : memref<20480xf32, #tpu.memory_space<hbm>> -> memref<640xf32, #tpu.memory_space<hbm>>
      tpu.enqueue_dma source(%dma_start3A_1635 : memref<640xf32, #tpu.memory_space<hbm>>) target(%arg19 : memref<640xf32, #tpu.memory_space<vmem>>) target_semaphore(%run_scoped3A : memref<!tpu.dma_semaphore, #tpu.memory_space<semaphore_mem>>)
      %dma_wait3A_1636 = tpu.memref_slice %arg5[%add3A_4] : memref<20480xf32, #tpu.memory_space<hbm>> -> memref<640xf32, #tpu.memory_space<hbm>>
      %dma_wait3A_1637 = tpu.memref_slice %arg5[%add3A_4] : memref<20480xf32, #tpu.memory_space<hbm>> -> memref<640xf32, #tpu.memory_space<hbm>>
      tpu.wait_dma2 semaphore(%run_scoped3A : memref<!tpu.dma_semaphore, #tpu.memory_space<semaphore_mem>>) src(%dma_wait3A_1637 : memref<640xf32, #tpu.memory_space<hbm>>) dst(%arg19 : memref<640xf32, #tpu.memory_space<vmem>>)
      tpu.yield
    }) : () -> ()
    %get3A = arith.constant 0 : index
    %get3A_5 = tpu.vector_load %arg18[%get3A] {strides = array<i32>} : memref<640xf32, #tpu.memory_space<vmem>>, vector<16xf32>,
    %get3A_6 = arith.constant 0 : index
    %get3A_7 = tpu.vector_load %arg19[%get3A_6] {strides = array<i32>} : memref<640xf32, #tpu.memory_space<vmem>>, vector<16xf32>,
    %add3A_8 = arith.addf %get3A_5, %get3A_7 : vector<16xf32>
    %add3A_9 = arith.constant 1.000000e+00 : f32
    %add3A_10 = vector.broadcast %add3A_9 : f32 to vector<16xf32>
    %add3A_11 = arith.addf %add3A_8, %add3A_10 : vector<16xf32>
    %bitcast3A = vector.bitcast %add3A_11 : vector<16xf32> to vector<16xi32>
    %broadcast_in_dim3A = arith.constant 1597463007 : i32
    %broadcast_in_dim3A_12 = vector.broadcast %broadcast_in_dim3A : i32 to vector<16xi32>
    %shift_right_logical3A = arith.constant 1 : i32
    %shift_right_logical3A_13 = vector.broadcast %shift_right_logical3A : i32 to vector<16xi32>
    %shift_right_logical3A_14 = arith.shrui %bitcast3A, %shift_right_logical3A_13 : vector<16xi32>
    %sub3A = arith.subi %broadcast_in_dim3A_12, %shift_right_logical3A_14 : vector<16xi32>
    %bitcast3A_15 = vector.bitcast %sub3A : vector<16xi32> to vector<16xf32>
    %mul3A_16 = arith.constant 5.000000e-01 : f32
    %mul3A_17 = vector.broadcast %mul3A_16 : f32 to vector<16xf32>
    %mul3A_18 = arith.mulf %add3A_11, %mul3A_17 : vector<16xf32>
    %mul3A_19 = arith.mulf %mul3A_18, %bitcast3A_15 : vector<16xf32>
    %mul3A_20 = arith.mulf %mul3A_19, %bitcast3A_15 : vector<16xf32>
    %sub3A_21 = arith.constant 1.500000e+00 : f32
    %sub3A_22 = vector.broadcast %sub3A_21 : f32 to vector<16xf32>
    %sub3A_23 = arith.subf %sub3A_22, %mul3A_20 : vector<16xf32>
    %mul3A_24 = arith.mulf %bitcast3A_15, %sub3A_23 : vector<16xf32>
    %mul3A_25 = arith.mulf %mul3A_18, %mul3A_24 : vector<16xf32>
    %mul3A_26 = arith.mulf %mul3A_25, %mul3A_24 : vector<16xf32>
    %sub3A_27 = arith.constant 1.500000e+00 : f32
    %sub3A_28 = vector.broadcast %sub3A_27 : f32 to vector<16xf32>
    %sub3A_29 = arith.subf %sub3A_28, %mul3A_26 : vector<16xf32>
    %mul3A_30 = arith.mulf %mul3A_24, %sub3A_29 : vector<16xf32>
    %mul3A_31 = arith.mulf %mul3A_18, %mul3A_30 : vector<16xf32>
    %mul3A_32 = arith.mulf %mul3A_31, %mul3A_30 : vector<16xf32>
    %sub3A_33 = arith.constant 1.500000e+00 : f32
    %sub3A_34 = vector.broadcast %sub3A_33 : f32 to vector<16xf32>
    %sub3A_35 = arith.subf %sub3A_34, %mul3A_32 : vector<16xf32>
    %mul3A_36 = arith.mulf %mul3A_30, %sub3A_35 : vector<16xf32>
    %swap3A = arith.constant 0 : index
    %swap3A_37 = tpu.vector_load %arg18[%swap3A] {strides = array<i32>} : memref<640xf32, #tpu.memory_space<vmem>>, vector<16xf32>,
    tpu.vector_store %arg18[%swap3A], %mul3A_36 {strides = array<i32>} : memref<640xf32, #tpu.memory_space<vmem>>, vector<16xf32>,
    %get3A_38 = arith.constant 16 : index
    %get3A_39 = tpu.vector_load %arg18[%get3A_38] {strides = array<i32>} : memref<640xf32, #tpu.memory_space<vmem>>, vector<16xf32>,
    %get3A_40 = arith.constant 16 : index
    %get3A_41 = tpu.vector_load %arg19[%get3A_40] {strides = array<i32>} : memref<640xf32, #tpu.memory_space<vmem>>, vector<16xf32>,
    %add3A_42 = arith.addf %get3A_39, %get3A_41 : vector<16xf32>
    %add3A_43 = arith.constant 1.000000e+00 : f32
    %add3A_44 = vector.broadcast %add3A_43 : f32 to vector<16xf32>
    %add3A_45 = arith.addf %add3A_42, %add3A_44 : vector<16xf32>
    %bitcast3A_46 = vector.bitcast %add3A_45 : vector<16xf32> to vector<16xi32>
    %broadcast_in_dim3A_47 = arith.constant 1597463007 : i32
    %broadcast_in_dim3A_48 = vector.broadcast %broadcast_in_dim3A_47 : i32 to vector<16xi32>
    %shift_right_logical3A_49 = arith.constant 1 : i32
    %shift_right_logical3A_50 = vector.broadcast %shift_right_logical3A_49 : i32 to vector<16xi32>
    %shift_right_logical3A_51 = arith.shrui %bitcast3A_46, %shift_right_logical3A_50 : vector<16xi32>
    %sub3A_52 = arith.subi %broadcast_in_dim3A_48, %shift_right_logical3A_51 : vector<16xi32>
    %bitcast3A_53 = vector.bitcast %sub3A_52 : vector<16xi32> to vector<16xf32>
    %mul3A_54 = arith.constant 5.000000e-01 : f32
    %mul3A_55 = vector.broadcast %mul3A_54 : f32 to vector<16xf32>
    %mul3A_56 = arith.mulf %add3A_45, %mul3A_55 : vector<16xf32>
    %mul3A_57 = arith.mulf %mul3A_56, %bitcast3A_53 : vector<16xf32>
    %mul3A_58 = arith.mulf %mul3A_57, %bitcast3A_53 : vector<16xf32>
    %sub3A_59 = arith.constant 1.500000e+00 : f32
    %sub3A_60 = vector.broadcast %sub3A_59 : f32 to vector<16xf32>
    %sub3A_61 = arith.subf %sub3A_60, %mul3A_58 : vector<16xf32>
    %mul3A_62 = arith.mulf %bitcast3A_53, %sub3A_61 : vector<16xf32>
    %mul3A_63 = arith.mulf %mul3A_56, %mul3A_62 : vector<16xf32>
    %mul3A_64 = arith.mulf %mul3A_63, %mul3A_62 : vector<16xf32>
    %sub3A_65 = arith.constant 1.500000e+00 : f32
    %sub3A_66 = vector.broadcast %sub3A_65 : f32 to vector<16xf32>
    %sub3A_67 = arith.subf %sub3A_66, %mul3A_64 : vector<16xf32>
    %mul3A_68 = arith.mulf %mul3A_62, %sub3A_67 : vector<16xf32>
    %mul3A_69 = arith.mulf %mul3A_56, %mul3A_68 : vector<16xf32>
    %mul3A_70 = arith.mulf %mul3A_69, %mul3A_68 : vector<16xf32>
    %sub3A_71 = arith.constant 1.500000e+00 : f32
    %sub3A_72 = vector.broadcast %sub3A_71 : f32 to vector<16xf32>
    %sub3A_73 = arith.subf %sub3A_72, %mul3A_70 : vector<16xf32>
    %mul3A_74 = arith.mulf %mul3A_68, %sub3A_73 : vector<16xf32>
    %swap3A_75 = arith.constant 16 : index
    %swap3A_76 = tpu.vector_load %arg18[%swap3A_75] {strides = array<i32>} : memref<640xf32, #tpu.memory_space<vmem>>, vector<16xf32>,
    tpu.vector_store %arg18[%swap3A_75], %mul3A_74 {strides = array<i32>} : memref<640xf32, #tpu.memory_space<vmem>>, vector<16xf32>,
    %get3A_77 = arith.constant 32 : index
    %get3A_78 = tpu.vector_load %arg18[%get3A_77] {strides = array<i32>} : memref<640xf32, #tpu.memory_space<vmem>>, vector<16xf32>,
    %get3A_79 = arith.constant 32 : index
    %get3A_80 = tpu.vector_load %arg19[%get3A_79] {strides = array<i32>} : memref<640xf32, #tpu.memory_space<vmem>>, vector<16xf32>,
    %add3A_81 = arith.addf %get3A_78, %get3A_80 : vector<16xf32>
    %add3A_82 = arith.constant 1.000000e+00 : f32
    %add3A_83 = vector.broadcast %add3A_82 : f32 to vector<16xf32>
    %add3A_84 = arith.addf %add3A_81, %add3A_83 : vector<16xf32>
    %bitcast3A_85 = vector.bitcast %add3A_84 : vector<16xf32> to vector<16xi32>
    %broadcast_in_dim3A_86 = arith.constant 1597463007 : i32
    %broadcast_in_dim3A_87 = vector.broadcast %broadcast_in_dim3A_86 : i32 to vector<16xi32>
    %shift_right_logical3A_88 = arith.constant 1 : i32
    %shift_right_logical3A_89 = vector.broadcast %shift_right_logical3A_88 : i32 to vector<16xi32>
    %shift_right_logical3A_90 = arith.shrui %bitcast3A_85, %shift_right_logical3A_89 : vector<16xi32>
    %sub3A_91 = arith.subi %broadcast_in_dim3A_87, %shift_right_logical3A_90 : vector<16xi32>
    %bitcast3A_92 = vector.bitcast %sub3A_91 : vector<16xi32> to vector<16xf32>
    %mul3A_93 = arith.constant 5.000000e-01 : f32
    %mul3A_94 = vector.broadcast %mul3A_93 : f32 to vector<16xf32>
    %mul3A_95 = arith.mulf %add3A_84, %mul3A_94 : vector<16xf32>
    %mul3A_96 = arith.mulf %mul3A_95, %bitcast3A_92 : vector<16xf32>
    %mul3A_97 = arith.mulf %mul3A_96, %bitcast3A_92 : vector<16xf32>
    %sub3A_98 = arith.constant 1.500000e+00 : f32
    %sub3A_99 = vector.broadcast %sub3A_98 : f32 to vector<16xf32>
    %sub3A_100 = arith.subf %sub3A_99, %mul3A_97 : vector<16xf32>
    %mul3A_101 = arith.mulf %bitcast3A_92, %sub3A_100 : vector<16xf32>
    %mul3A_102 = arith.mulf %mul3A_95, %mul3A_101 : vector<16xf32>
    %mul3A_103 = arith.mulf %mul3A_102, %mul3A_101 : vector<16xf32>
    %sub3A_104 = arith.constant 1.500000e+00 : f32
    %sub3A_105 = vector.broadcast %sub3A_104 : f32 to vector<16xf32>
    %sub3A_106 = arith.subf %sub3A_105, %mul3A_103 : vector<16xf32>
    %mul3A_107 = arith.mulf %mul3A_101, %sub3A_106 : vector<16xf32>
    %mul3A_108 = arith.mulf %mul3A_95, %mul3A_107 : vector<16xf32>
    %mul3A_109 = arith.mulf %mul3A_108, %mul3A_107 : vector<16xf32>
    %sub3A_110 = arith.constant 1.500000e+00 : f32
    %sub3A_111 = vector.broadcast %sub3A_110 : f32 to vector<16xf32>
    %sub3A_112 = arith.subf %sub3A_111, %mul3A_109 : vector<16xf32>
    %mul3A_113 = arith.mulf %mul3A_107, %sub3A_112 : vector<16xf32>
    %swap3A_114 = arith.constant 32 : index
    %swap3A_115 = tpu.vector_load %arg18[%swap3A_114] {strides = array<i32>} : memref<640xf32, #tpu.memory_space<vmem>>, vector<16xf32>,
    tpu.vector_store %arg18[%swap3A_114], %mul3A_113 {strides = array<i32>} : memref<640xf32, #tpu.memory_space<vmem>>, vector<16xf32>,
    %get3A_116 = arith.constant 48 : index
    %get3A_117 = tpu.vector_load %arg18[%get3A_116] {strides = array<i32>} : memref<640xf32, #tpu.memory_space<vmem>>, vector<16xf32>,
    %get3A_118 = arith.constant 48 : index
    %get3A_119 = tpu.vector_load %arg19[%get3A_118] {strides = array<i32>} : memref<640xf32, #tpu.memory_space<vmem>>, vector<16xf32>,
    %add3A_120 = arith.addf %get3A_117, %get3A_119 : vector<16xf32>
    %add3A_121 = arith.constant 1.000000e+00 : f32
    %add3A_122 = vector.broadcast %add3A_121 : f32 to vector<16xf32>
    %add3A_123 = arith.addf %add3A_120, %add3A_122 : vector<16xf32>
    %bitcast3A_124 = vector.bitcast %add3A_123 : vector<16xf32> to vector<16xi32>
    %broadcast_in_dim3A_125 = arith.constant 1597463007 : i32
    %broadcast_in_dim3A_126 = vector.broadcast %broadcast_in_dim3A_125 : i32 to vector<16xi32>
    %shift_right_logical3A_127 = arith.constant 1 : i32
    %shift_right_logical3A_128 = vector.broadcast %shift_right_logical3A_127 : i32 to vector<16xi32>
    %shift_right_logical3A_129 = arith.shrui %bitcast3A_124, %shift_right_logical3A_128 : vector<16xi32>
    %sub3A_130 = arith.subi %broadcast_in_dim3A_126, %shift_right_logical3A_129 : vector<16xi32>
    %bitcast3A_131 = vector.bitcast %sub3A_130 : vector<16xi32> to vector<16xf32>
    %mul3A_132 = arith.constant 5.000000e-01 : f32
    %mul3A_133 = vector.broadcast %mul3A_132 : f32 to vector<16xf32>
    %mul3A_134 = arith.mulf %add3A_123, %mul3A_133 : vector<16xf32>
    %mul3A_135 = arith.mulf %mul3A_134, %bitcast3A_131 : vector<16xf32>
    %mul3A_136 = arith.mulf %mul3A_135, %bitcast3A_131 : vector<16xf32>
    %sub3A_137 = arith.constant 1.500000e+00 : f32
    %sub3A_138 = vector.broadcast %sub3A_137 : f32 to vector<16xf32>
    %sub3A_139 = arith.subf %sub3A_138, %mul3A_136 : vector<16xf32>
    %mul3A_140 = arith.mulf %bitcast3A_131, %sub3A_139 : vector<16xf32>
    %mul3A_141 = arith.mulf %mul3A_134, %mul3A_140 : vector<16xf32>
    %mul3A_142 = arith.mulf %mul3A_141, %mul3A_140 : vector<16xf32>
    %sub3A_143 = arith.constant 1.500000e+00 : f32
    %sub3A_144 = vector.broadcast %sub3A_143 : f32 to vector<16xf32>
    %sub3A_145 = arith.subf %sub3A_144, %mul3A_142 : vector<16xf32>
    %mul3A_146 = arith.mulf %mul3A_140, %sub3A_145 : vector<16xf32>
    %mul3A_147 = arith.mulf %mul3A_134, %mul3A_146 : vector<16xf32>
    %mul3A_148 = arith.mulf %mul3A_147, %mul3A_146 : vector<16xf32>
    %sub3A_149 = arith.constant 1.500000e+00 : f32
    %sub3A_150 = vector.broadcast %sub3A_149 : f32 to vector<16xf32>
    %sub3A_151 = arith.subf %sub3A_150, %mul3A_148 : vector<16xf32>
    %mul3A_152 = arith.mulf %mul3A_146, %sub3A_151 : vector<16xf32>
    %swap3A_153 = arith.constant 48 : index
    %swap3A_154 = tpu.vector_load %arg18[%swap3A_153] {strides = array<i32>} : memref<640xf32, #tpu.memory_space<vmem>>, vector<16xf32>,
    tpu.vector_store %arg18[%swap3A_153], %mul3A_152 {strides = array<i32>} : memref<640xf32, #tpu.memory_space<vmem>>, vector<16xf32>,
    %get3A_155 = arith.constant 64 : index
    %get3A_156 = tpu.vector_load %arg18[%get3A_155] {strides = array<i32>} : memref<640xf32, #tpu.memory_space<vmem>>, vector<16xf32>,
    %get3A_157 = arith.constant 64 : index
    %get3A_158 = tpu.vector_load %arg19[%get3A_157] {strides = array<i32>} : memref<640xf32, #tpu.memory_space<vmem>>, vector<16xf32>,
    %add3A_159 = arith.addf %get3A_156, %get3A_158 : vector<16xf32>
    %add3A_160 = arith.constant 1.000000e+00 : f32
    %add3A_161 = vector.broadcast %add3A_160 : f32 to vector<16xf32>
    %add3A_162 = arith.addf %add3A_159, %add3A_161 : vector<16xf32>
    %bitcast3A_163 = vector.bitcast %add3A_162 : vector<16xf32> to vector<16xi32>
    %broadcast_in_dim3A_164 = arith.constant 1597463007 : i32
    %broadcast_in_dim3A_165 = vector.broadcast %broadcast_in_dim3A_164 : i32 to vector<16xi32>
    %shift_right_logical3A_166 = arith.constant 1 : i32
    %shift_right_logical3A_167 = vector.broadcast %shift_right_logical3A_166 : i32 to vector<16xi32>
    %shift_right_logical3A_168 = arith.shrui %bitcast3A_163, %shift_right_logical3A_167 : vector<16xi32>
    %sub3A_169 = arith.subi %broadcast_in_dim3A_165, %shift_right_logical3A_168 : vector<16xi32>
    %bitcast3A_170 = vector.bitcast %sub3A_169 : vector<16xi32> to vector<16xf32>
    %mul3A_171 = arith.constant 5.000000e-01 : f32
    %mul3A_172 = vector.broadcast %mul3A_171 : f32 to vector<16xf32>
    %mul3A_173 = arith.mulf %add3A_162, %mul3A_172 : vector<16xf32>
    %mul3A_174 = arith.mulf %mul3A_173, %bitcast3A_170 : vector<16xf32>
    %mul3A_175 = arith.mulf %mul3A_174, %bitcast3A_170 : vector<16xf32>
    %sub3A_176 = arith.constant 1.500000e+00 : f32
    %sub3A_177 = vector.broadcast %sub3A_176 : f32 to vector<16xf32>
    %sub3A_178 = arith.subf %sub3A_177, %mul3A_175 : vector<16xf32>
    %mul3A_179 = arith.mulf %bitcast3A_170, %sub3A_178 : vector<16xf32>
    %mul3A_180 = arith.mulf %mul3A_173, %mul3A_179 : vector<16xf32>
    %mul3A_181 = arith.mulf %mul3A_180, %mul3A_179 : vector<16xf32>
    %sub3A_182 = arith.constant 1.500000e+00 : f32
    %sub3A_183 = vector.broadcast %sub3A_182 : f32 to vector<16xf32>
    %sub3A_184 = arith.subf %sub3A_183, %mul3A_181 : vector<16xf32>
    %mul3A_185 = arith.mulf %mul3A_179, %sub3A_184 : vector<16xf32>
    %mul3A_186 = arith.mulf %mul3A_173, %mul3A_185 : vector<16xf32>
    %mul3A_187 = arith.mulf %mul3A_186, %mul3A_185 : vector<16xf32>
    %sub3A_188 = arith.constant 1.500000e+00 : f32
    %sub3A_189 = vector.broadcast %sub3A_188 : f32 to vector<16xf32>
    %sub3A_190 = arith.subf %sub3A_189, %mul3A_187 : vector<16xf32>
    %mul3A_191 = arith.mulf %mul3A_185, %sub3A_190 : vector<16xf32>
    %swap3A_192 = arith.constant 64 : index
    %swap3A_193 = tpu.vector_load %arg18[%swap3A_192] {strides = array<i32>} : memref<640xf32, #tpu.memory_space<vmem>>, vector<16xf32>,
    tpu.vector_store %arg18[%swap3A_192], %mul3A_191 {strides = array<i32>} : memref<640xf32, #tpu.memory_space<vmem>>, vector<16xf32>,
    %get3A_194 = arith.constant 80 : index
    %get3A_195 = tpu.vector_load %arg18[%get3A_194] {strides = array<i32>} : memref<640xf32, #tpu.memory_space<vmem>>, vector<16xf32>,
    %get3A_196 = arith.constant 80 : index
    %get3A_197 = tpu.vector_load %arg19[%get3A_196] {strides = array<i32>} : memref<640xf32, #tpu.memory_space<vmem>>, vector<16xf32>,
    %add3A_198 = arith.addf %get3A_195, %get3A_197 : vector<16xf32>
    %add3A_199 = arith.constant 1.000000e+00 : f32
    %add3A_200 = vector.broadcast %add3A_199 : f32 to vector<16xf32>
    %add3A_201 = arith.addf %add3A_198, %add3A_200 : vector<16xf32>
    %bitcast3A_202 = vector.bitcast %add3A_201 : vector<16xf32> to vector<16xi32>
    %broadcast_in_dim3A_203 = arith.constant 1597463007 : i32
    %broadcast_in_dim3A_204 = vector.broadcast %broadcast_in_dim3A_203 : i32 to vector<16xi32>
    %shift_right_logical3A_205 = arith.constant 1 : i32
    %shift_right_logical3A_206 = vector.broadcast %shift_right_logical3A_205 : i32 to vector<16xi32>
    %shift_right_logical3A_207 = arith.shrui %bitcast3A_202, %shift_right_logical3A_206 : vector<16xi32>
    %sub3A_208 = arith.subi %broadcast_in_dim3A_204, %shift_right_logical3A_207 : vector<16xi32>
    %bitcast3A_209 = vector.bitcast %sub3A_208 : vector<16xi32> to vector<16xf32>
    %mul3A_210 = arith.constant 5.000000e-01 : f32
    %mul3A_211 = vector.broadcast %mul3A_210 : f32 to vector<16xf32>
    %mul3A_212 = arith.mulf %add3A_201, %mul3A_211 : vector<16xf32>
    %mul3A_213 = arith.mulf %mul3A_212, %bitcast3A_209 : vector<16xf32>
    %mul3A_214 = arith.mulf %mul3A_213, %bitcast3A_209 : vector<16xf32>
    %sub3A_215 = arith.constant 1.500000e+00 : f32
    %sub3A_216 = vector.broadcast %sub3A_215 : f32 to vector<16xf32>
    %sub3A_217 = arith.subf %sub3A_216, %mul3A_214 : vector<16xf32>
    %mul3A_218 = arith.mulf %bitcast3A_209, %sub3A_217 : vector<16xf32>
    %mul3A_219 = arith.mulf %mul3A_212, %mul3A_218 : vector<16xf32>
    %mul3A_220 = arith.mulf %mul3A_219, %mul3A_218 : vector<16xf32>
    %sub3A_221 = arith.constant 1.500000e+00 : f32
    %sub3A_222 = vector.broadcast %sub3A_221 : f32 to vector<16xf32>
    %sub3A_223 = arith.subf %sub3A_222, %mul3A_220 : vector<16xf32>
    %mul3A_224 = arith.mulf %mul3A_218, %sub3A_223 : vector<16xf32>
    %mul3A_225 = arith.mulf %mul3A_212, %mul3A_224 : vector<16xf32>
    %mul3A_226 = arith.mulf %mul3A_225, %mul3A_224 : vector<16xf32>
    %sub3A_227 = arith.constant 1.500000e+00 : f32
    %sub3A_228 = vector.broadcast %sub3A_227 : f32 to vector<16xf32>
    %sub3A_229 = arith.subf %sub3A_228, %mul3A_226 : vector<16xf32>
    %mul3A_230 = arith.mulf %mul3A_224, %sub3A_229 : vector<16xf32>
    %swap3A_231 = arith.constant 80 : index
    %swap3A_232 = tpu.vector_load %arg18[%swap3A_231] {strides = array<i32>} : memref<640xf32, #tpu.memory_space<vmem>>, vector<16xf32>,
    tpu.vector_store %arg18[%swap3A_231], %mul3A_230 {strides = array<i32>} : memref<640xf32, #tpu.memory_space<vmem>>, vector<16xf32>,
    %get3A_233 = arith.constant 96 : index
    %get3A_234 = tpu.vector_load %arg18[%get3A_233] {strides = array<i32>} : memref<640xf32, #tpu.memory_space<vmem>>, vector<16xf32>,
    %get3A_235 = arith.constant 96 : index
    %get3A_236 = tpu.vector_load %arg19[%get3A_235] {strides = array<i32>} : memref<640xf32, #tpu.memory_space<vmem>>, vector<16xf32>,
    %add3A_237 = arith.addf %get3A_234, %get3A_236 : vector<16xf32>
    %add3A_238 = arith.constant 1.000000e+00 : f32
    %add3A_239 = vector.broadcast %add3A_238 : f32 to vector<16xf32>
    %add3A_240 = arith.addf %add3A_237, %add3A_239 : vector<16xf32>
    %bitcast3A_241 = vector.bitcast %add3A_240 : vector<16xf32> to vector<16xi32>
    %broadcast_in_dim3A_242 = arith.constant 1597463007 : i32
    %broadcast_in_dim3A_243 = vector.broadcast %broadcast_in_dim3A_242 : i32 to vector<16xi32>
    %shift_right_logical3A_244 = arith.constant 1 : i32
    %shift_right_logical3A_245 = vector.broadcast %shift_right_logical3A_244 : i32 to vector<16xi32>
    %shift_right_logical3A_246 = arith.shrui %bitcast3A_241, %shift_right_logical3A_245 : vector<16xi32>
    %sub3A_247 = arith.subi %broadcast_in_dim3A_243, %shift_right_logical3A_246 : vector<16xi32>
    %bitcast3A_248 = vector.bitcast %sub3A_247 : vector<16xi32> to vector<16xf32>
    %mul3A_249 = arith.constant 5.000000e-01 : f32
    %mul3A_250 = vector.broadcast %mul3A_249 : f32 to vector<16xf32>
    %mul3A_251 = arith.mulf %add3A_240, %mul3A_250 : vector<16xf32>
    %mul3A_252 = arith.mulf %mul3A_251, %bitcast3A_248 : vector<16xf32>
    %mul3A_253 = arith.mulf %mul3A_252, %bitcast3A_248 : vector<16xf32>
    %sub3A_254 = arith.constant 1.500000e+00 : f32
    %sub3A_255 = vector.broadcast %sub3A_254 : f32 to vector<16xf32>
    %sub3A_256 = arith.subf %sub3A_255, %mul3A_253 : vector<16xf32>
    %mul3A_257 = arith.mulf %bitcast3A_248, %sub3A_256 : vector<16xf32>
    %mul3A_258 = arith.mulf %mul3A_251, %mul3A_257 : vector<16xf32>
    %mul3A_259 = arith.mulf %mul3A_258, %mul3A_257 : vector<16xf32>
    %sub3A_260 = arith.constant 1.500000e+00 : f32
    %sub3A_261 = vector.broadcast %sub3A_260 : f32 to vector<16xf32>
    %sub3A_262 = arith.subf %sub3A_261, %mul3A_259 : vector<16xf32>
    %mul3A_263 = arith.mulf %mul3A_257, %sub3A_262 : vector<16xf32>
    %mul3A_264 = arith.mulf %mul3A_251, %mul3A_263 : vector<16xf32>
    %mul3A_265 = arith.mulf %mul3A_264, %mul3A_263 : vector<16xf32>
    %sub3A_266 = arith.constant 1.500000e+00 : f32
    %sub3A_267 = vector.broadcast %sub3A_266 : f32 to vector<16xf32>
    %sub3A_268 = arith.subf %sub3A_267, %mul3A_265 : vector<16xf32>
    %mul3A_269 = arith.mulf %mul3A_263, %sub3A_268 : vector<16xf32>
    %swap3A_270 = arith.constant 96 : index
    %swap3A_271 = tpu.vector_load %arg18[%swap3A_270] {strides = array<i32>} : memref<640xf32, #tpu.memory_space<vmem>>, vector<16xf32>,
    tpu.vector_store %arg18[%swap3A_270], %mul3A_269 {strides = array<i32>} : memref<640xf32, #tpu.memory_space<vmem>>, vector<16xf32>,
    %get3A_272 = arith.constant 112 : index
    %get3A_273 = tpu.vector_load %arg18[%get3A_272] {strides = array<i32>} : memref<640xf32, #tpu.memory_space<vmem>>, vector<16xf32>,
    %get3A_274 = arith.constant 112 : index
    %get3A_275 = tpu.vector_load %arg19[%get3A_274] {strides = array<i32>} : memref<640xf32, #tpu.memory_space<vmem>>, vector<16xf32>,
    %add3A_276 = arith.addf %get3A_273, %get3A_275 : vector<16xf32>
    %add3A_277 = arith.constant 1.000000e+00 : f32
    %add3A_278 = vector.broadcast %add3A_277 : f32 to vector<16xf32>
    %add3A_279 = arith.addf %add3A_276, %add3A_278 : vector<16xf32>
    %bitcast3A_280 = vector.bitcast %add3A_279 : vector<16xf32> to vector<16xi32>
    %broadcast_in_dim3A_281 = arith.constant 1597463007 : i32
    %broadcast_in_dim3A_282 = vector.broadcast %broadcast_in_dim3A_281 : i32 to vector<16xi32>
    %shift_right_logical3A_283 = arith.constant 1 : i32
    %shift_right_logical3A_284 = vector.broadcast %shift_right_logical3A_283 : i32 to vector<16xi32>
    %shift_right_logical3A_285 = arith.shrui %bitcast3A_280, %shift_right_logical3A_284 : vector<16xi32>
    %sub3A_286 = arith.subi %broadcast_in_dim3A_282, %shift_right_logical3A_285 : vector<16xi32>
    %bitcast3A_287 = vector.bitcast %sub3A_286 : vector<16xi32> to vector<16xf32>
    %mul3A_288 = arith.constant 5.000000e-01 : f32
    %mul3A_289 = vector.broadcast %mul3A_288 : f32 to vector<16xf32>
    %mul3A_290 = arith.mulf %add3A_279, %mul3A_289 : vector<16xf32>
    %mul3A_291 = arith.mulf %mul3A_290, %bitcast3A_287 : vector<16xf32>
    %mul3A_292 = arith.mulf %mul3A_291, %bitcast3A_287 : vector<16xf32>
    %sub3A_293 = arith.constant 1.500000e+00 : f32
    %sub3A_294 = vector.broadcast %sub3A_293 : f32 to vector<16xf32>
    %sub3A_295 = arith.subf %sub3A_294, %mul3A_292 : vector<16xf32>
    %mul3A_296 = arith.mulf %bitcast3A_287, %sub3A_295 : vector<16xf32>
    %mul3A_297 = arith.mulf %mul3A_290, %mul3A_296 : vector<16xf32>
    %mul3A_298 = arith.mulf %mul3A_297, %mul3A_296 : vector<16xf32>
    %sub3A_299 = arith.constant 1.500000e+00 : f32
    %sub3A_300 = vector.broadcast %sub3A_299 : f32 to vector<16xf32>
    %sub3A_301 = arith.subf %sub3A_300, %mul3A_298 : vector<16xf32>
    %mul3A_302 = arith.mulf %mul3A_296, %sub3A_301 : vector<16xf32>
    %mul3A_303 = arith.mulf %mul3A_290, %mul3A_302 : vector<16xf32>
    %mul3A_304 = arith.mulf %mul3A_303, %mul3A_302 : vector<16xf32>
    %sub3A_305 = arith.constant 1.500000e+00 : f32
    %sub3A_306 = vector.broadcast %sub3A_305 : f32 to vector<16xf32>
    %sub3A_307 = arith.subf %sub3A_306, %mul3A_304 : vector<16xf32>
    %mul3A_308 = arith.mulf %mul3A_302, %sub3A_307 : vector<16xf32>
    %swap3A_309 = arith.constant 112 : index
    %swap3A_310 = tpu.vector_load %arg18[%swap3A_309] {strides = array<i32>} : memref<640xf32, #tpu.memory_space<vmem>>, vector<16xf32>,
    tpu.vector_store %arg18[%swap3A_309], %mul3A_308 {strides = array<i32>} : memref<640xf32, #tpu.memory_space<vmem>>, vector<16xf32>,
    %get3A_311 = arith.constant 128 : index
    %get3A_312 = tpu.vector_load %arg18[%get3A_311] {strides = array<i32>} : memref<640xf32, #tpu.memory_space<vmem>>, vector<16xf32>,
    %get3A_313 = arith.constant 128 : index
    %get3A_314 = tpu.vector_load %arg19[%get3A_313] {strides = array<i32>} : memref<640xf32, #tpu.memory_space<vmem>>, vector<16xf32>,
    %add3A_315 = arith.addf %get3A_312, %get3A_314 : vector<16xf32>
    %add3A_316 = arith.constant 1.000000e+00 : f32
    %add3A_317 = vector.broadcast %add3A_316 : f32 to vector<16xf32>
    %add3A_318 = arith.addf %add3A_315, %add3A_317 : vector<16xf32>
    %bitcast3A_319 = vector.bitcast %add3A_318 : vector<16xf32> to vector<16xi32>
    %broadcast_in_dim3A_320 = arith.constant 1597463007 : i32
    %broadcast_in_dim3A_321 = vector.broadcast %broadcast_in_dim3A_320 : i32 to vector<16xi32>
    %shift_right_logical3A_322 = arith.constant 1 : i32
    %shift_right_logical3A_323 = vector.broadcast %shift_right_logical3A_322 : i32 to vector<16xi32>
    %shift_right_logical3A_324 = arith.shrui %bitcast3A_319, %shift_right_logical3A_323 : vector<16xi32>
    %sub3A_325 = arith.subi %broadcast_in_dim3A_321, %shift_right_logical3A_324 : vector<16xi32>
    %bitcast3A_326 = vector.bitcast %sub3A_325 : vector<16xi32> to vector<16xf32>
    %mul3A_327 = arith.constant 5.000000e-01 : f32
    %mul3A_328 = vector.broadcast %mul3A_327 : f32 to vector<16xf32>
    %mul3A_329 = arith.mulf %add3A_318, %mul3A_328 : vector<16xf32>
    %mul3A_330 = arith.mulf %mul3A_329, %bitcast3A_326 : vector<16xf32>
    %mul3A_331 = arith.mulf %mul3A_330, %bitcast3A_326 : vector<16xf32>
    %sub3A_332 = arith.constant 1.500000e+00 : f32
    %sub3A_333 = vector.broadcast %sub3A_332 : f32 to vector<16xf32>
    %sub3A_334 = arith.subf %sub3A_333, %mul3A_331 : vector<16xf32>
    %mul3A_335 = arith.mulf %bitcast3A_326, %sub3A_334 : vector<16xf32>
    %mul3A_336 = arith.mulf %mul3A_329, %mul3A_335 : vector<16xf32>
    %mul3A_337 = arith.mulf %mul3A_336, %mul3A_335 : vector<16xf32>
    %sub3A_338 = arith.constant 1.500000e+00 : f32
    %sub3A_339 = vector.broadcast %sub3A_338 : f32 to vector<16xf32>
    %sub3A_340 = arith.subf %sub3A_339, %mul3A_337 : vector<16xf32>
    %mul3A_341 = arith.mulf %mul3A_335, %sub3A_340 : vector<16xf32>
    %mul3A_342 = arith.mulf %mul3A_329, %mul3A_341 : vector<16xf32>
    %mul3A_343 = arith.mulf %mul3A_342, %mul3A_341 : vector<16xf32>
    %sub3A_344 = arith.constant 1.500000e+00 : f32
    %sub3A_345 = vector.broadcast %sub3A_344 : f32 to vector<16xf32>
    %sub3A_346 = arith.subf %sub3A_345, %mul3A_343 : vector<16xf32>
    %mul3A_347 = arith.mulf %mul3A_341, %sub3A_346 : vector<16xf32>
    %swap3A_348 = arith.constant 128 : index
    %swap3A_349 = tpu.vector_load %arg18[%swap3A_348] {strides = array<i32>} : memref<640xf32, #tpu.memory_space<vmem>>, vector<16xf32>,
    tpu.vector_store %arg18[%swap3A_348], %mul3A_347 {strides = array<i32>} : memref<640xf32, #tpu.memory_space<vmem>>, vector<16xf32>,
    %get3A_350 = arith.constant 144 : index
    %get3A_351 = tpu.vector_load %arg18[%get3A_350] {strides = array<i32>} : memref<640xf32, #tpu.memory_space<vmem>>, vector<16xf32>,
    %get3A_352 = arith.constant 144 : index
    %get3A_353 = tpu.vector_load %arg19[%get3A_352] {strides = array<i32>} : memref<640xf32, #tpu.memory_space<vmem>>, vector<16xf32>,
    %add3A_354 = arith.addf %get3A_351, %get3A_353 : vector<16xf32>
    %add3A_355 = arith.constant 1.000000e+00 : f32
    %add3A_356 = vector.broadcast %add3A_355 : f32 to vector<16xf32>
    %add3A_357 = arith.addf %add3A_354, %add3A_356 : vector<16xf32>
    %bitcast3A_358 = vector.bitcast %add3A_357 : vector<16xf32> to vector<16xi32>
    %broadcast_in_dim3A_359 = arith.constant 1597463007 : i32
    %broadcast_in_dim3A_360 = vector.broadcast %broadcast_in_dim3A_359 : i32 to vector<16xi32>
    %shift_right_logical3A_361 = arith.constant 1 : i32
    %shift_right_logical3A_362 = vector.broadcast %shift_right_logical3A_361 : i32 to vector<16xi32>
    %shift_right_logical3A_363 = arith.shrui %bitcast3A_358, %shift_right_logical3A_362 : vector<16xi32>
    %sub3A_364 = arith.subi %broadcast_in_dim3A_360, %shift_right_logical3A_363 : vector<16xi32>
    %bitcast3A_365 = vector.bitcast %sub3A_364 : vector<16xi32> to vector<16xf32>
    %mul3A_366 = arith.constant 5.000000e-01 : f32
    %mul3A_367 = vector.broadcast %mul3A_366 : f32 to vector<16xf32>
    %mul3A_368 = arith.mulf %add3A_357, %mul3A_367 : vector<16xf32>
    %mul3A_369 = arith.mulf %mul3A_368, %bitcast3A_365 : vector<16xf32>
    %mul3A_370 = arith.mulf %mul3A_369, %bitcast3A_365 : vector<16xf32>
    %sub3A_371 = arith.constant 1.500000e+00 : f32
    %sub3A_372 = vector.broadcast %sub3A_371 : f32 to vector<16xf32>
    %sub3A_373 = arith.subf %sub3A_372, %mul3A_370 : vector<16xf32>
    %mul3A_374 = arith.mulf %bitcast3A_365, %sub3A_373 : vector<16xf32>
    %mul3A_375 = arith.mulf %mul3A_368, %mul3A_374 : vector<16xf32>
    %mul3A_376 = arith.mulf %mul3A_375, %mul3A_374 : vector<16xf32>
    %sub3A_377 = arith.constant 1.500000e+00 : f32
    %sub3A_378 = vector.broadcast %sub3A_377 : f32 to vector<16xf32>
    %sub3A_379 = arith.subf %sub3A_378, %mul3A_376 : vector<16xf32>
    %mul3A_380 = arith.mulf %mul3A_374, %sub3A_379 : vector<16xf32>
    %mul3A_381 = arith.mulf %mul3A_368, %mul3A_380 : vector<16xf32>
    %mul3A_382 = arith.mulf %mul3A_381, %mul3A_380 : vector<16xf32>
    %sub3A_383 = arith.constant 1.500000e+00 : f32
    %sub3A_384 = vector.broadcast %sub3A_383 : f32 to vector<16xf32>
    %sub3A_385 = arith.subf %sub3A_384, %mul3A_382 : vector<16xf32>
    %mul3A_386 = arith.mulf %mul3A_380, %sub3A_385 : vector<16xf32>
    %swap3A_387 = arith.constant 144 : index
    %swap3A_388 = tpu.vector_load %arg18[%swap3A_387] {strides = array<i32>} : memref<640xf32, #tpu.memory_space<vmem>>, vector<16xf32>,
    tpu.vector_store %arg18[%swap3A_387], %mul3A_386 {strides = array<i32>} : memref<640xf32, #tpu.memory_space<vmem>>, vector<16xf32>,
    %get3A_389 = arith.constant 160 : index
    %get3A_390 = tpu.vector_load %arg18[%get3A_389] {strides = array<i32>} : memref<640xf32, #tpu.memory_space<vmem>>, vector<16xf32>,
    %get3A_391 = arith.constant 160 : index
    %get3A_392 = tpu.vector_load %arg19[%get3A_391] {strides = array<i32>} : memref<640xf32, #tpu.memory_space<vmem>>, vector<16xf32>,
    %add3A_393 = arith.addf %get3A_390, %get3A_392 : vector<16xf32>
    %add3A_394 = arith.constant 1.000000e+00 : f32
    %add3A_395 = vector.broadcast %add3A_394 : f32 to vector<16xf32>
    %add3A_396 = arith.addf %add3A_393, %add3A_395 : vector<16xf32>
    %bitcast3A_397 = vector.bitcast %add3A_396 : vector<16xf32> to vector<16xi32>
    %broadcast_in_dim3A_398 = arith.constant 1597463007 : i32
    %broadcast_in_dim3A_399 = vector.broadcast %broadcast_in_dim3A_398 : i32 to vector<16xi32>
    %shift_right_logical3A_400 = arith.constant 1 : i32
    %shift_right_logical3A_401 = vector.broadcast %shift_right_logical3A_400 : i32 to vector<16xi32>
    %shift_right_logical3A_402 = arith.shrui %bitcast3A_397, %shift_right_logical3A_401 : vector<16xi32>
    %sub3A_403 = arith.subi %broadcast_in_dim3A_399, %shift_right_logical3A_402 : vector<16xi32>
    %bitcast3A_404 = vector.bitcast %sub3A_403 : vector<16xi32> to vector<16xf32>
    %mul3A_405 = arith.constant 5.000000e-01 : f32
    %mul3A_406 = vector.broadcast %mul3A_405 : f32 to vector<16xf32>
    %mul3A_407 = arith.mulf %add3A_396, %mul3A_406 : vector<16xf32>
    %mul3A_408 = arith.mulf %mul3A_407, %bitcast3A_404 : vector<16xf32>
    %mul3A_409 = arith.mulf %mul3A_408, %bitcast3A_404 : vector<16xf32>
    %sub3A_410 = arith.constant 1.500000e+00 : f32
    %sub3A_411 = vector.broadcast %sub3A_410 : f32 to vector<16xf32>
    %sub3A_412 = arith.subf %sub3A_411, %mul3A_409 : vector<16xf32>
    %mul3A_413 = arith.mulf %bitcast3A_404, %sub3A_412 : vector<16xf32>
    %mul3A_414 = arith.mulf %mul3A_407, %mul3A_413 : vector<16xf32>
    %mul3A_415 = arith.mulf %mul3A_414, %mul3A_413 : vector<16xf32>
    %sub3A_416 = arith.constant 1.500000e+00 : f32
    %sub3A_417 = vector.broadcast %sub3A_416 : f32 to vector<16xf32>
    %sub3A_418 = arith.subf %sub3A_417, %mul3A_415 : vector<16xf32>
    %mul3A_419 = arith.mulf %mul3A_413, %sub3A_418 : vector<16xf32>
    %mul3A_420 = arith.mulf %mul3A_407, %mul3A_419 : vector<16xf32>
    %mul3A_421 = arith.mulf %mul3A_420, %mul3A_419 : vector<16xf32>
    %sub3A_422 = arith.constant 1.500000e+00 : f32
    %sub3A_423 = vector.broadcast %sub3A_422 : f32 to vector<16xf32>
    %sub3A_424 = arith.subf %sub3A_423, %mul3A_421 : vector<16xf32>
    %mul3A_425 = arith.mulf %mul3A_419, %sub3A_424 : vector<16xf32>
    %swap3A_426 = arith.constant 160 : index
    %swap3A_427 = tpu.vector_load %arg18[%swap3A_426] {strides = array<i32>} : memref<640xf32, #tpu.memory_space<vmem>>, vector<16xf32>,
    tpu.vector_store %arg18[%swap3A_426], %mul3A_425 {strides = array<i32>} : memref<640xf32, #tpu.memory_space<vmem>>, vector<16xf32>,
    %get3A_428 = arith.constant 176 : index
    %get3A_429 = tpu.vector_load %arg18[%get3A_428] {strides = array<i32>} : memref<640xf32, #tpu.memory_space<vmem>>, vector<16xf32>,
    %get3A_430 = arith.constant 176 : index
    %get3A_431 = tpu.vector_load %arg19[%get3A_430] {strides = array<i32>} : memref<640xf32, #tpu.memory_space<vmem>>, vector<16xf32>,
    %add3A_432 = arith.addf %get3A_429, %get3A_431 : vector<16xf32>
    %add3A_433 = arith.constant 1.000000e+00 : f32
    %add3A_434 = vector.broadcast %add3A_433 : f32 to vector<16xf32>
    %add3A_435 = arith.addf %add3A_432, %add3A_434 : vector<16xf32>
    %bitcast3A_436 = vector.bitcast %add3A_435 : vector<16xf32> to vector<16xi32>
    %broadcast_in_dim3A_437 = arith.constant 1597463007 : i32
    %broadcast_in_dim3A_438 = vector.broadcast %broadcast_in_dim3A_437 : i32 to vector<16xi32>
    %shift_right_logical3A_439 = arith.constant 1 : i32
    %shift_right_logical3A_440 = vector.broadcast %shift_right_logical3A_439 : i32 to vector<16xi32>
    %shift_right_logical3A_441 = arith.shrui %bitcast3A_436, %shift_right_logical3A_440 : vector<16xi32>
    %sub3A_442 = arith.subi %broadcast_in_dim3A_438, %shift_right_logical3A_441 : vector<16xi32>
    %bitcast3A_443 = vector.bitcast %sub3A_442 : vector<16xi32> to vector<16xf32>
    %mul3A_444 = arith.constant 5.000000e-01 : f32
    %mul3A_445 = vector.broadcast %mul3A_444 : f32 to vector<16xf32>
    %mul3A_446 = arith.mulf %add3A_435, %mul3A_445 : vector<16xf32>
    %mul3A_447 = arith.mulf %mul3A_446, %bitcast3A_443 : vector<16xf32>
    %mul3A_448 = arith.mulf %mul3A_447, %bitcast3A_443 : vector<16xf32>
    %sub3A_449 = arith.constant 1.500000e+00 : f32
    %sub3A_450 = vector.broadcast %sub3A_449 : f32 to vector<16xf32>
    %sub3A_451 = arith.subf %sub3A_450, %mul3A_448 : vector<16xf32>
    %mul3A_452 = arith.mulf %bitcast3A_443, %sub3A_451 : vector<16xf32>
    %mul3A_453 = arith.mulf %mul3A_446, %mul3A_452 : vector<16xf32>
    %mul3A_454 = arith.mulf %mul3A_453, %mul3A_452 : vector<16xf32>
    %sub3A_455 = arith.constant 1.500000e+00 : f32
    %sub3A_456 = vector.broadcast %sub3A_455 : f32 to vector<16xf32>
    %sub3A_457 = arith.subf %sub3A_456, %mul3A_454 : vector<16xf32>
    %mul3A_458 = arith.mulf %mul3A_452, %sub3A_457 : vector<16xf32>
    %mul3A_459 = arith.mulf %mul3A_446, %mul3A_458 : vector<16xf32>
    %mul3A_460 = arith.mulf %mul3A_459, %mul3A_458 : vector<16xf32>
    %sub3A_461 = arith.constant 1.500000e+00 : f32
    %sub3A_462 = vector.broadcast %sub3A_461 : f32 to vector<16xf32>
    %sub3A_463 = arith.subf %sub3A_462, %mul3A_460 : vector<16xf32>
    %mul3A_464 = arith.mulf %mul3A_458, %sub3A_463 : vector<16xf32>
    %swap3A_465 = arith.constant 176 : index
    %swap3A_466 = tpu.vector_load %arg18[%swap3A_465] {strides = array<i32>} : memref<640xf32, #tpu.memory_space<vmem>>, vector<16xf32>,
    tpu.vector_store %arg18[%swap3A_465], %mul3A_464 {strides = array<i32>} : memref<640xf32, #tpu.memory_space<vmem>>, vector<16xf32>,
    %get3A_467 = arith.constant 192 : index
    %get3A_468 = tpu.vector_load %arg18[%get3A_467] {strides = array<i32>} : memref<640xf32, #tpu.memory_space<vmem>>, vector<16xf32>,
    %get3A_469 = arith.constant 192 : index
    %get3A_470 = tpu.vector_load %arg19[%get3A_469] {strides = array<i32>} : memref<640xf32, #tpu.memory_space<vmem>>, vector<16xf32>,
    %add3A_471 = arith.addf %get3A_468, %get3A_470 : vector<16xf32>
    %add3A_472 = arith.constant 1.000000e+00 : f32
    %add3A_473 = vector.broadcast %add3A_472 : f32 to vector<16xf32>
    %add3A_474 = arith.addf %add3A_471, %add3A_473 : vector<16xf32>
    %bitcast3A_475 = vector.bitcast %add3A_474 : vector<16xf32> to vector<16xi32>
    %broadcast_in_dim3A_476 = arith.constant 1597463007 : i32
    %broadcast_in_dim3A_477 = vector.broadcast %broadcast_in_dim3A_476 : i32 to vector<16xi32>
    %shift_right_logical3A_478 = arith.constant 1 : i32
    %shift_right_logical3A_479 = vector.broadcast %shift_right_logical3A_478 : i32 to vector<16xi32>
    %shift_right_logical3A_480 = arith.shrui %bitcast3A_475, %shift_right_logical3A_479 : vector<16xi32>
    %sub3A_481 = arith.subi %broadcast_in_dim3A_477, %shift_right_logical3A_480 : vector<16xi32>
    %bitcast3A_482 = vector.bitcast %sub3A_481 : vector<16xi32> to vector<16xf32>
    %mul3A_483 = arith.constant 5.000000e-01 : f32
    %mul3A_484 = vector.broadcast %mul3A_483 : f32 to vector<16xf32>
    %mul3A_485 = arith.mulf %add3A_474, %mul3A_484 : vector<16xf32>
    %mul3A_486 = arith.mulf %mul3A_485, %bitcast3A_482 : vector<16xf32>
    %mul3A_487 = arith.mulf %mul3A_486, %bitcast3A_482 : vector<16xf32>
    %sub3A_488 = arith.constant 1.500000e+00 : f32
    %sub3A_489 = vector.broadcast %sub3A_488 : f32 to vector<16xf32>
    %sub3A_490 = arith.subf %sub3A_489, %mul3A_487 : vector<16xf32>
    %mul3A_491 = arith.mulf %bitcast3A_482, %sub3A_490 : vector<16xf32>
    %mul3A_492 = arith.mulf %mul3A_485, %mul3A_491 : vector<16xf32>
    %mul3A_493 = arith.mulf %mul3A_492, %mul3A_491 : vector<16xf32>
    %sub3A_494 = arith.constant 1.500000e+00 : f32
    %sub3A_495 = vector.broadcast %sub3A_494 : f32 to vector<16xf32>
    %sub3A_496 = arith.subf %sub3A_495, %mul3A_493 : vector<16xf32>
    %mul3A_497 = arith.mulf %mul3A_491, %sub3A_496 : vector<16xf32>
    %mul3A_498 = arith.mulf %mul3A_485, %mul3A_497 : vector<16xf32>
    %mul3A_499 = arith.mulf %mul3A_498, %mul3A_497 : vector<16xf32>
    %sub3A_500 = arith.constant 1.500000e+00 : f32
    %sub3A_501 = vector.broadcast %sub3A_500 : f32 to vector<16xf32>
    %sub3A_502 = arith.subf %sub3A_501, %mul3A_499 : vector<16xf32>
    %mul3A_503 = arith.mulf %mul3A_497, %sub3A_502 : vector<16xf32>
    %swap3A_504 = arith.constant 192 : index
    %swap3A_505 = tpu.vector_load %arg18[%swap3A_504] {strides = array<i32>} : memref<640xf32, #tpu.memory_space<vmem>>, vector<16xf32>,
    tpu.vector_store %arg18[%swap3A_504], %mul3A_503 {strides = array<i32>} : memref<640xf32, #tpu.memory_space<vmem>>, vector<16xf32>,
    %get3A_506 = arith.constant 208 : index
    %get3A_507 = tpu.vector_load %arg18[%get3A_506] {strides = array<i32>} : memref<640xf32, #tpu.memory_space<vmem>>, vector<16xf32>,
    %get3A_508 = arith.constant 208 : index
    %get3A_509 = tpu.vector_load %arg19[%get3A_508] {strides = array<i32>} : memref<640xf32, #tpu.memory_space<vmem>>, vector<16xf32>,
    %add3A_510 = arith.addf %get3A_507, %get3A_509 : vector<16xf32>
    %add3A_511 = arith.constant 1.000000e+00 : f32
    %add3A_512 = vector.broadcast %add3A_511 : f32 to vector<16xf32>
    %add3A_513 = arith.addf %add3A_510, %add3A_512 : vector<16xf32>
    %bitcast3A_514 = vector.bitcast %add3A_513 : vector<16xf32> to vector<16xi32>
    %broadcast_in_dim3A_515 = arith.constant 1597463007 : i32
    %broadcast_in_dim3A_516 = vector.broadcast %broadcast_in_dim3A_515 : i32 to vector<16xi32>
    %shift_right_logical3A_517 = arith.constant 1 : i32
    %shift_right_logical3A_518 = vector.broadcast %shift_right_logical3A_517 : i32 to vector<16xi32>
    %shift_right_logical3A_519 = arith.shrui %bitcast3A_514, %shift_right_logical3A_518 : vector<16xi32>
    %sub3A_520 = arith.subi %broadcast_in_dim3A_516, %shift_right_logical3A_519 : vector<16xi32>
    %bitcast3A_521 = vector.bitcast %sub3A_520 : vector<16xi32> to vector<16xf32>
    %mul3A_522 = arith.constant 5.000000e-01 : f32
    %mul3A_523 = vector.broadcast %mul3A_522 : f32 to vector<16xf32>
    %mul3A_524 = arith.mulf %add3A_513, %mul3A_523 : vector<16xf32>
    %mul3A_525 = arith.mulf %mul3A_524, %bitcast3A_521 : vector<16xf32>
    %mul3A_526 = arith.mulf %mul3A_525, %bitcast3A_521 : vector<16xf32>
    %sub3A_527 = arith.constant 1.500000e+00 : f32
    %sub3A_528 = vector.broadcast %sub3A_527 : f32 to vector<16xf32>
    %sub3A_529 = arith.subf %sub3A_528, %mul3A_526 : vector<16xf32>
    %mul3A_530 = arith.mulf %bitcast3A_521, %sub3A_529 : vector<16xf32>
    %mul3A_531 = arith.mulf %mul3A_524, %mul3A_530 : vector<16xf32>
    %mul3A_532 = arith.mulf %mul3A_531, %mul3A_530 : vector<16xf32>
    %sub3A_533 = arith.constant 1.500000e+00 : f32
    %sub3A_534 = vector.broadcast %sub3A_533 : f32 to vector<16xf32>
    %sub3A_535 = arith.subf %sub3A_534, %mul3A_532 : vector<16xf32>
    %mul3A_536 = arith.mulf %mul3A_530, %sub3A_535 : vector<16xf32>
    %mul3A_537 = arith.mulf %mul3A_524, %mul3A_536 : vector<16xf32>
    %mul3A_538 = arith.mulf %mul3A_537, %mul3A_536 : vector<16xf32>
    %sub3A_539 = arith.constant 1.500000e+00 : f32
    %sub3A_540 = vector.broadcast %sub3A_539 : f32 to vector<16xf32>
    %sub3A_541 = arith.subf %sub3A_540, %mul3A_538 : vector<16xf32>
    %mul3A_542 = arith.mulf %mul3A_536, %sub3A_541 : vector<16xf32>
    %swap3A_543 = arith.constant 208 : index
    %swap3A_544 = tpu.vector_load %arg18[%swap3A_543] {strides = array<i32>} : memref<640xf32, #tpu.memory_space<vmem>>, vector<16xf32>,
    tpu.vector_store %arg18[%swap3A_543], %mul3A_542 {strides = array<i32>} : memref<640xf32, #tpu.memory_space<vmem>>, vector<16xf32>,
    %get3A_545 = arith.constant 224 : index
    %get3A_546 = tpu.vector_load %arg18[%get3A_545] {strides = array<i32>} : memref<640xf32, #tpu.memory_space<vmem>>, vector<16xf32>,
    %get3A_547 = arith.constant 224 : index
    %get3A_548 = tpu.vector_load %arg19[%get3A_547] {strides = array<i32>} : memref<640xf32, #tpu.memory_space<vmem>>, vector<16xf32>,
    %add3A_549 = arith.addf %get3A_546, %get3A_548 : vector<16xf32>
    %add3A_550 = arith.constant 1.000000e+00 : f32
    %add3A_551 = vector.broadcast %add3A_550 : f32 to vector<16xf32>
    %add3A_552 = arith.addf %add3A_549, %add3A_551 : vector<16xf32>
    %bitcast3A_553 = vector.bitcast %add3A_552 : vector<16xf32> to vector<16xi32>
    %broadcast_in_dim3A_554 = arith.constant 1597463007 : i32
    %broadcast_in_dim3A_555 = vector.broadcast %broadcast_in_dim3A_554 : i32 to vector<16xi32>
    %shift_right_logical3A_556 = arith.constant 1 : i32
    %shift_right_logical3A_557 = vector.broadcast %shift_right_logical3A_556 : i32 to vector<16xi32>
    %shift_right_logical3A_558 = arith.shrui %bitcast3A_553, %shift_right_logical3A_557 : vector<16xi32>
    %sub3A_559 = arith.subi %broadcast_in_dim3A_555, %shift_right_logical3A_558 : vector<16xi32>
    %bitcast3A_560 = vector.bitcast %sub3A_559 : vector<16xi32> to vector<16xf32>
    %mul3A_561 = arith.constant 5.000000e-01 : f32
    %mul3A_562 = vector.broadcast %mul3A_561 : f32 to vector<16xf32>
    %mul3A_563 = arith.mulf %add3A_552, %mul3A_562 : vector<16xf32>
    %mul3A_564 = arith.mulf %mul3A_563, %bitcast3A_560 : vector<16xf32>
    %mul3A_565 = arith.mulf %mul3A_564, %bitcast3A_560 : vector<16xf32>
    %sub3A_566 = arith.constant 1.500000e+00 : f32
    %sub3A_567 = vector.broadcast %sub3A_566 : f32 to vector<16xf32>
    %sub3A_568 = arith.subf %sub3A_567, %mul3A_565 : vector<16xf32>
    %mul3A_569 = arith.mulf %bitcast3A_560, %sub3A_568 : vector<16xf32>
    %mul3A_570 = arith.mulf %mul3A_563, %mul3A_569 : vector<16xf32>
    %mul3A_571 = arith.mulf %mul3A_570, %mul3A_569 : vector<16xf32>
    %sub3A_572 = arith.constant 1.500000e+00 : f32
    %sub3A_573 = vector.broadcast %sub3A_572 : f32 to vector<16xf32>
    %sub3A_574 = arith.subf %sub3A_573, %mul3A_571 : vector<16xf32>
    %mul3A_575 = arith.mulf %mul3A_569, %sub3A_574 : vector<16xf32>
    %mul3A_576 = arith.mulf %mul3A_563, %mul3A_575 : vector<16xf32>
    %mul3A_577 = arith.mulf %mul3A_576, %mul3A_575 : vector<16xf32>
    %sub3A_578 = arith.constant 1.500000e+00 : f32
    %sub3A_579 = vector.broadcast %sub3A_578 : f32 to vector<16xf32>
    %sub3A_580 = arith.subf %sub3A_579, %mul3A_577 : vector<16xf32>
    %mul3A_581 = arith.mulf %mul3A_575, %sub3A_580 : vector<16xf32>
    %swap3A_582 = arith.constant 224 : index
    %swap3A_583 = tpu.vector_load %arg18[%swap3A_582] {strides = array<i32>} : memref<640xf32, #tpu.memory_space<vmem>>, vector<16xf32>,
    tpu.vector_store %arg18[%swap3A_582], %mul3A_581 {strides = array<i32>} : memref<640xf32, #tpu.memory_space<vmem>>, vector<16xf32>,
    %get3A_584 = arith.constant 240 : index
    %get3A_585 = tpu.vector_load %arg18[%get3A_584] {strides = array<i32>} : memref<640xf32, #tpu.memory_space<vmem>>, vector<16xf32>,
    %get3A_586 = arith.constant 240 : index
    %get3A_587 = tpu.vector_load %arg19[%get3A_586] {strides = array<i32>} : memref<640xf32, #tpu.memory_space<vmem>>, vector<16xf32>,
    %add3A_588 = arith.addf %get3A_585, %get3A_587 : vector<16xf32>
    %add3A_589 = arith.constant 1.000000e+00 : f32
    %add3A_590 = vector.broadcast %add3A_589 : f32 to vector<16xf32>
    %add3A_591 = arith.addf %add3A_588, %add3A_590 : vector<16xf32>
    %bitcast3A_592 = vector.bitcast %add3A_591 : vector<16xf32> to vector<16xi32>
    %broadcast_in_dim3A_593 = arith.constant 1597463007 : i32
    %broadcast_in_dim3A_594 = vector.broadcast %broadcast_in_dim3A_593 : i32 to vector<16xi32>
    %shift_right_logical3A_595 = arith.constant 1 : i32
    %shift_right_logical3A_596 = vector.broadcast %shift_right_logical3A_595 : i32 to vector<16xi32>
    %shift_right_logical3A_597 = arith.shrui %bitcast3A_592, %shift_right_logical3A_596 : vector<16xi32>
    %sub3A_598 = arith.subi %broadcast_in_dim3A_594, %shift_right_logical3A_597 : vector<16xi32>
    %bitcast3A_599 = vector.bitcast %sub3A_598 : vector<16xi32> to vector<16xf32>
    %mul3A_600 = arith.constant 5.000000e-01 : f32
    %mul3A_601 = vector.broadcast %mul3A_600 : f32 to vector<16xf32>
    %mul3A_602 = arith.mulf %add3A_591, %mul3A_601 : vector<16xf32>
    %mul3A_603 = arith.mulf %mul3A_602, %bitcast3A_599 : vector<16xf32>
    %mul3A_604 = arith.mulf %mul3A_603, %bitcast3A_599 : vector<16xf32>
    %sub3A_605 = arith.constant 1.500000e+00 : f32
    %sub3A_606 = vector.broadcast %sub3A_605 : f32 to vector<16xf32>
    %sub3A_607 = arith.subf %sub3A_606, %mul3A_604 : vector<16xf32>
    %mul3A_608 = arith.mulf %bitcast3A_599, %sub3A_607 : vector<16xf32>
    %mul3A_609 = arith.mulf %mul3A_602, %mul3A_608 : vector<16xf32>
    %mul3A_610 = arith.mulf %mul3A_609, %mul3A_608 : vector<16xf32>
    %sub3A_611 = arith.constant 1.500000e+00 : f32
    %sub3A_612 = vector.broadcast %sub3A_611 : f32 to vector<16xf32>
    %sub3A_613 = arith.subf %sub3A_612, %mul3A_610 : vector<16xf32>
    %mul3A_614 = arith.mulf %mul3A_608, %sub3A_613 : vector<16xf32>
    %mul3A_615 = arith.mulf %mul3A_602, %mul3A_614 : vector<16xf32>
    %mul3A_616 = arith.mulf %mul3A_615, %mul3A_614 : vector<16xf32>
    %sub3A_617 = arith.constant 1.500000e+00 : f32
    %sub3A_618 = vector.broadcast %sub3A_617 : f32 to vector<16xf32>
    %sub3A_619 = arith.subf %sub3A_618, %mul3A_616 : vector<16xf32>
    %mul3A_620 = arith.mulf %mul3A_614, %sub3A_619 : vector<16xf32>
    %swap3A_621 = arith.constant 240 : index
    %swap3A_622 = tpu.vector_load %arg18[%swap3A_621] {strides = array<i32>} : memref<640xf32, #tpu.memory_space<vmem>>, vector<16xf32>,
    tpu.vector_store %arg18[%swap3A_621], %mul3A_620 {strides = array<i32>} : memref<640xf32, #tpu.memory_space<vmem>>, vector<16xf32>,
    %get3A_623 = arith.constant 256 : index
    %get3A_624 = tpu.vector_load %arg18[%get3A_623] {strides = array<i32>} : memref<640xf32, #tpu.memory_space<vmem>>, vector<16xf32>,
    %get3A_625 = arith.constant 256 : index
    %get3A_626 = tpu.vector_load %arg19[%get3A_625] {strides = array<i32>} : memref<640xf32, #tpu.memory_space<vmem>>, vector<16xf32>,
    %add3A_627 = arith.addf %get3A_624, %get3A_626 : vector<16xf32>
    %add3A_628 = arith.constant 1.000000e+00 : f32
    %add3A_629 = vector.broadcast %add3A_628 : f32 to vector<16xf32>
    %add3A_630 = arith.addf %add3A_627, %add3A_629 : vector<16xf32>
    %bitcast3A_631 = vector.bitcast %add3A_630 : vector<16xf32> to vector<16xi32>
    %broadcast_in_dim3A_632 = arith.constant 1597463007 : i32
    %broadcast_in_dim3A_633 = vector.broadcast %broadcast_in_dim3A_632 : i32 to vector<16xi32>
    %shift_right_logical3A_634 = arith.constant 1 : i32
    %shift_right_logical3A_635 = vector.broadcast %shift_right_logical3A_634 : i32 to vector<16xi32>
    %shift_right_logical3A_636 = arith.shrui %bitcast3A_631, %shift_right_logical3A_635 : vector<16xi32>
    %sub3A_637 = arith.subi %broadcast_in_dim3A_633, %shift_right_logical3A_636 : vector<16xi32>
    %bitcast3A_638 = vector.bitcast %sub3A_637 : vector<16xi32> to vector<16xf32>
    %mul3A_639 = arith.constant 5.000000e-01 : f32
    %mul3A_640 = vector.broadcast %mul3A_639 : f32 to vector<16xf32>
    %mul3A_641 = arith.mulf %add3A_630, %mul3A_640 : vector<16xf32>
    %mul3A_642 = arith.mulf %mul3A_641, %bitcast3A_638 : vector<16xf32>
    %mul3A_643 = arith.mulf %mul3A_642, %bitcast3A_638 : vector<16xf32>
    %sub3A_644 = arith.constant 1.500000e+00 : f32
    %sub3A_645 = vector.broadcast %sub3A_644 : f32 to vector<16xf32>
    %sub3A_646 = arith.subf %sub3A_645, %mul3A_643 : vector<16xf32>
    %mul3A_647 = arith.mulf %bitcast3A_638, %sub3A_646 : vector<16xf32>
    %mul3A_648 = arith.mulf %mul3A_641, %mul3A_647 : vector<16xf32>
    %mul3A_649 = arith.mulf %mul3A_648, %mul3A_647 : vector<16xf32>
    %sub3A_650 = arith.constant 1.500000e+00 : f32
    %sub3A_651 = vector.broadcast %sub3A_650 : f32 to vector<16xf32>
    %sub3A_652 = arith.subf %sub3A_651, %mul3A_649 : vector<16xf32>
    %mul3A_653 = arith.mulf %mul3A_647, %sub3A_652 : vector<16xf32>
    %mul3A_654 = arith.mulf %mul3A_641, %mul3A_653 : vector<16xf32>
    %mul3A_655 = arith.mulf %mul3A_654, %mul3A_653 : vector<16xf32>
    %sub3A_656 = arith.constant 1.500000e+00 : f32
    %sub3A_657 = vector.broadcast %sub3A_656 : f32 to vector<16xf32>
    %sub3A_658 = arith.subf %sub3A_657, %mul3A_655 : vector<16xf32>
    %mul3A_659 = arith.mulf %mul3A_653, %sub3A_658 : vector<16xf32>
    %swap3A_660 = arith.constant 256 : index
    %swap3A_661 = tpu.vector_load %arg18[%swap3A_660] {strides = array<i32>} : memref<640xf32, #tpu.memory_space<vmem>>, vector<16xf32>,
    tpu.vector_store %arg18[%swap3A_660], %mul3A_659 {strides = array<i32>} : memref<640xf32, #tpu.memory_space<vmem>>, vector<16xf32>,
    %get3A_662 = arith.constant 272 : index
    %get3A_663 = tpu.vector_load %arg18[%get3A_662] {strides = array<i32>} : memref<640xf32, #tpu.memory_space<vmem>>, vector<16xf32>,
    %get3A_664 = arith.constant 272 : index
    %get3A_665 = tpu.vector_load %arg19[%get3A_664] {strides = array<i32>} : memref<640xf32, #tpu.memory_space<vmem>>, vector<16xf32>,
    %add3A_666 = arith.addf %get3A_663, %get3A_665 : vector<16xf32>
    %add3A_667 = arith.constant 1.000000e+00 : f32
    %add3A_668 = vector.broadcast %add3A_667 : f32 to vector<16xf32>
    %add3A_669 = arith.addf %add3A_666, %add3A_668 : vector<16xf32>
    %bitcast3A_670 = vector.bitcast %add3A_669 : vector<16xf32> to vector<16xi32>
    %broadcast_in_dim3A_671 = arith.constant 1597463007 : i32
    %broadcast_in_dim3A_672 = vector.broadcast %broadcast_in_dim3A_671 : i32 to vector<16xi32>
    %shift_right_logical3A_673 = arith.constant 1 : i32
    %shift_right_logical3A_674 = vector.broadcast %shift_right_logical3A_673 : i32 to vector<16xi32>
    %shift_right_logical3A_675 = arith.shrui %bitcast3A_670, %shift_right_logical3A_674 : vector<16xi32>
    %sub3A_676 = arith.subi %broadcast_in_dim3A_672, %shift_right_logical3A_675 : vector<16xi32>
    %bitcast3A_677 = vector.bitcast %sub3A_676 : vector<16xi32> to vector<16xf32>
    %mul3A_678 = arith.constant 5.000000e-01 : f32
    %mul3A_679 = vector.broadcast %mul3A_678 : f32 to vector<16xf32>
    %mul3A_680 = arith.mulf %add3A_669, %mul3A_679 : vector<16xf32>
    %mul3A_681 = arith.mulf %mul3A_680, %bitcast3A_677 : vector<16xf32>
    %mul3A_682 = arith.mulf %mul3A_681, %bitcast3A_677 : vector<16xf32>
    %sub3A_683 = arith.constant 1.500000e+00 : f32
    %sub3A_684 = vector.broadcast %sub3A_683 : f32 to vector<16xf32>
    %sub3A_685 = arith.subf %sub3A_684, %mul3A_682 : vector<16xf32>
    %mul3A_686 = arith.mulf %bitcast3A_677, %sub3A_685 : vector<16xf32>
    %mul3A_687 = arith.mulf %mul3A_680, %mul3A_686 : vector<16xf32>
    %mul3A_688 = arith.mulf %mul3A_687, %mul3A_686 : vector<16xf32>
    %sub3A_689 = arith.constant 1.500000e+00 : f32
    %sub3A_690 = vector.broadcast %sub3A_689 : f32 to vector<16xf32>
    %sub3A_691 = arith.subf %sub3A_690, %mul3A_688 : vector<16xf32>
    %mul3A_692 = arith.mulf %mul3A_686, %sub3A_691 : vector<16xf32>
    %mul3A_693 = arith.mulf %mul3A_680, %mul3A_692 : vector<16xf32>
    %mul3A_694 = arith.mulf %mul3A_693, %mul3A_692 : vector<16xf32>
    %sub3A_695 = arith.constant 1.500000e+00 : f32
    %sub3A_696 = vector.broadcast %sub3A_695 : f32 to vector<16xf32>
    %sub3A_697 = arith.subf %sub3A_696, %mul3A_694 : vector<16xf32>
    %mul3A_698 = arith.mulf %mul3A_692, %sub3A_697 : vector<16xf32>
    %swap3A_699 = arith.constant 272 : index
    %swap3A_700 = tpu.vector_load %arg18[%swap3A_699] {strides = array<i32>} : memref<640xf32, #tpu.memory_space<vmem>>, vector<16xf32>,
    tpu.vector_store %arg18[%swap3A_699], %mul3A_698 {strides = array<i32>} : memref<640xf32, #tpu.memory_space<vmem>>, vector<16xf32>,
    %get3A_701 = arith.constant 288 : index
    %get3A_702 = tpu.vector_load %arg18[%get3A_701] {strides = array<i32>} : memref<640xf32, #tpu.memory_space<vmem>>, vector<16xf32>,
    %get3A_703 = arith.constant 288 : index
    %get3A_704 = tpu.vector_load %arg19[%get3A_703] {strides = array<i32>} : memref<640xf32, #tpu.memory_space<vmem>>, vector<16xf32>,
    %add3A_705 = arith.addf %get3A_702, %get3A_704 : vector<16xf32>
    %add3A_706 = arith.constant 1.000000e+00 : f32
    %add3A_707 = vector.broadcast %add3A_706 : f32 to vector<16xf32>
    %add3A_708 = arith.addf %add3A_705, %add3A_707 : vector<16xf32>
    %bitcast3A_709 = vector.bitcast %add3A_708 : vector<16xf32> to vector<16xi32>
    %broadcast_in_dim3A_710 = arith.constant 1597463007 : i32
    %broadcast_in_dim3A_711 = vector.broadcast %broadcast_in_dim3A_710 : i32 to vector<16xi32>
    %shift_right_logical3A_712 = arith.constant 1 : i32
    %shift_right_logical3A_713 = vector.broadcast %shift_right_logical3A_712 : i32 to vector<16xi32>
    %shift_right_logical3A_714 = arith.shrui %bitcast3A_709, %shift_right_logical3A_713 : vector<16xi32>
    %sub3A_715 = arith.subi %broadcast_in_dim3A_711, %shift_right_logical3A_714 : vector<16xi32>
    %bitcast3A_716 = vector.bitcast %sub3A_715 : vector<16xi32> to vector<16xf32>
    %mul3A_717 = arith.constant 5.000000e-01 : f32
    %mul3A_718 = vector.broadcast %mul3A_717 : f32 to vector<16xf32>
    %mul3A_719 = arith.mulf %add3A_708, %mul3A_718 : vector<16xf32>
    %mul3A_720 = arith.mulf %mul3A_719, %bitcast3A_716 : vector<16xf32>
    %mul3A_721 = arith.mulf %mul3A_720, %bitcast3A_716 : vector<16xf32>
    %sub3A_722 = arith.constant 1.500000e+00 : f32
    %sub3A_723 = vector.broadcast %sub3A_722 : f32 to vector<16xf32>
    %sub3A_724 = arith.subf %sub3A_723, %mul3A_721 : vector<16xf32>
    %mul3A_725 = arith.mulf %bitcast3A_716, %sub3A_724 : vector<16xf32>
    %mul3A_726 = arith.mulf %mul3A_719, %mul3A_725 : vector<16xf32>
    %mul3A_727 = arith.mulf %mul3A_726, %mul3A_725 : vector<16xf32>
    %sub3A_728 = arith.constant 1.500000e+00 : f32
    %sub3A_729 = vector.broadcast %sub3A_728 : f32 to vector<16xf32>
    %sub3A_730 = arith.subf %sub3A_729, %mul3A_727 : vector<16xf32>
    %mul3A_731 = arith.mulf %mul3A_725, %sub3A_730 : vector<16xf32>
    %mul3A_732 = arith.mulf %mul3A_719, %mul3A_731 : vector<16xf32>
    %mul3A_733 = arith.mulf %mul3A_732, %mul3A_731 : vector<16xf32>
    %sub3A_734 = arith.constant 1.500000e+00 : f32
    %sub3A_735 = vector.broadcast %sub3A_734 : f32 to vector<16xf32>
    %sub3A_736 = arith.subf %sub3A_735, %mul3A_733 : vector<16xf32>
    %mul3A_737 = arith.mulf %mul3A_731, %sub3A_736 : vector<16xf32>
    %swap3A_738 = arith.constant 288 : index
    %swap3A_739 = tpu.vector_load %arg18[%swap3A_738] {strides = array<i32>} : memref<640xf32, #tpu.memory_space<vmem>>, vector<16xf32>,
    tpu.vector_store %arg18[%swap3A_738], %mul3A_737 {strides = array<i32>} : memref<640xf32, #tpu.memory_space<vmem>>, vector<16xf32>,
    %get3A_740 = arith.constant 304 : index
    %get3A_741 = tpu.vector_load %arg18[%get3A_740] {strides = array<i32>} : memref<640xf32, #tpu.memory_space<vmem>>, vector<16xf32>,
    %get3A_742 = arith.constant 304 : index
    %get3A_743 = tpu.vector_load %arg19[%get3A_742] {strides = array<i32>} : memref<640xf32, #tpu.memory_space<vmem>>, vector<16xf32>,
    %add3A_744 = arith.addf %get3A_741, %get3A_743 : vector<16xf32>
    %add3A_745 = arith.constant 1.000000e+00 : f32
    %add3A_746 = vector.broadcast %add3A_745 : f32 to vector<16xf32>
    %add3A_747 = arith.addf %add3A_744, %add3A_746 : vector<16xf32>
    %bitcast3A_748 = vector.bitcast %add3A_747 : vector<16xf32> to vector<16xi32>
    %broadcast_in_dim3A_749 = arith.constant 1597463007 : i32
    %broadcast_in_dim3A_750 = vector.broadcast %broadcast_in_dim3A_749 : i32 to vector<16xi32>
    %shift_right_logical3A_751 = arith.constant 1 : i32
    %shift_right_logical3A_752 = vector.broadcast %shift_right_logical3A_751 : i32 to vector<16xi32>
    %shift_right_logical3A_753 = arith.shrui %bitcast3A_748, %shift_right_logical3A_752 : vector<16xi32>
    %sub3A_754 = arith.subi %broadcast_in_dim3A_750, %shift_right_logical3A_753 : vector<16xi32>
    %bitcast3A_755 = vector.bitcast %sub3A_754 : vector<16xi32> to vector<16xf32>
    %mul3A_756 = arith.constant 5.000000e-01 : f32
    %mul3A_757 = vector.broadcast %mul3A_756 : f32 to vector<16xf32>
    %mul3A_758 = arith.mulf %add3A_747, %mul3A_757 : vector<16xf32>
    %mul3A_759 = arith.mulf %mul3A_758, %bitcast3A_755 : vector<16xf32>
    %mul3A_760 = arith.mulf %mul3A_759, %bitcast3A_755 : vector<16xf32>
    %sub3A_761 = arith.constant 1.500000e+00 : f32
    %sub3A_762 = vector.broadcast %sub3A_761 : f32 to vector<16xf32>
    %sub3A_763 = arith.subf %sub3A_762, %mul3A_760 : vector<16xf32>
    %mul3A_764 = arith.mulf %bitcast3A_755, %sub3A_763 : vector<16xf32>
    %mul3A_765 = arith.mulf %mul3A_758, %mul3A_764 : vector<16xf32>
    %mul3A_766 = arith.mulf %mul3A_765, %mul3A_764 : vector<16xf32>
    %sub3A_767 = arith.constant 1.500000e+00 : f32
    %sub3A_768 = vector.broadcast %sub3A_767 : f32 to vector<16xf32>
    %sub3A_769 = arith.subf %sub3A_768, %mul3A_766 : vector<16xf32>
    %mul3A_770 = arith.mulf %mul3A_764, %sub3A_769 : vector<16xf32>
    %mul3A_771 = arith.mulf %mul3A_758, %mul3A_770 : vector<16xf32>
    %mul3A_772 = arith.mulf %mul3A_771, %mul3A_770 : vector<16xf32>
    %sub3A_773 = arith.constant 1.500000e+00 : f32
    %sub3A_774 = vector.broadcast %sub3A_773 : f32 to vector<16xf32>
    %sub3A_775 = arith.subf %sub3A_774, %mul3A_772 : vector<16xf32>
    %mul3A_776 = arith.mulf %mul3A_770, %sub3A_775 : vector<16xf32>
    %swap3A_777 = arith.constant 304 : index
    %swap3A_778 = tpu.vector_load %arg18[%swap3A_777] {strides = array<i32>} : memref<640xf32, #tpu.memory_space<vmem>>, vector<16xf32>,
    tpu.vector_store %arg18[%swap3A_777], %mul3A_776 {strides = array<i32>} : memref<640xf32, #tpu.memory_space<vmem>>, vector<16xf32>,
    %get3A_779 = arith.constant 320 : index
    %get3A_780 = tpu.vector_load %arg18[%get3A_779] {strides = array<i32>} : memref<640xf32, #tpu.memory_space<vmem>>, vector<16xf32>,
    %get3A_781 = arith.constant 320 : index
    %get3A_782 = tpu.vector_load %arg19[%get3A_781] {strides = array<i32>} : memref<640xf32, #tpu.memory_space<vmem>>, vector<16xf32>,
    %add3A_783 = arith.addf %get3A_780, %get3A_782 : vector<16xf32>
    %add3A_784 = arith.constant 1.000000e+00 : f32
    %add3A_785 = vector.broadcast %add3A_784 : f32 to vector<16xf32>
    %add3A_786 = arith.addf %add3A_783, %add3A_785 : vector<16xf32>
    %bitcast3A_787 = vector.bitcast %add3A_786 : vector<16xf32> to vector<16xi32>
    %broadcast_in_dim3A_788 = arith.constant 1597463007 : i32
    %broadcast_in_dim3A_789 = vector.broadcast %broadcast_in_dim3A_788 : i32 to vector<16xi32>
    %shift_right_logical3A_790 = arith.constant 1 : i32
    %shift_right_logical3A_791 = vector.broadcast %shift_right_logical3A_790 : i32 to vector<16xi32>
    %shift_right_logical3A_792 = arith.shrui %bitcast3A_787, %shift_right_logical3A_791 : vector<16xi32>
    %sub3A_793 = arith.subi %broadcast_in_dim3A_789, %shift_right_logical3A_792 : vector<16xi32>
    %bitcast3A_794 = vector.bitcast %sub3A_793 : vector<16xi32> to vector<16xf32>
    %mul3A_795 = arith.constant 5.000000e-01 : f32
    %mul3A_796 = vector.broadcast %mul3A_795 : f32 to vector<16xf32>
    %mul3A_797 = arith.mulf %add3A_786, %mul3A_796 : vector<16xf32>
    %mul3A_798 = arith.mulf %mul3A_797, %bitcast3A_794 : vector<16xf32>
    %mul3A_799 = arith.mulf %mul3A_798, %bitcast3A_794 : vector<16xf32>
    %sub3A_800 = arith.constant 1.500000e+00 : f32
    %sub3A_801 = vector.broadcast %sub3A_800 : f32 to vector<16xf32>
    %sub3A_802 = arith.subf %sub3A_801, %mul3A_799 : vector<16xf32>
    %mul3A_803 = arith.mulf %bitcast3A_794, %sub3A_802 : vector<16xf32>
    %mul3A_804 = arith.mulf %mul3A_797, %mul3A_803 : vector<16xf32>
    %mul3A_805 = arith.mulf %mul3A_804, %mul3A_803 : vector<16xf32>
    %sub3A_806 = arith.constant 1.500000e+00 : f32
    %sub3A_807 = vector.broadcast %sub3A_806 : f32 to vector<16xf32>
    %sub3A_808 = arith.subf %sub3A_807, %mul3A_805 : vector<16xf32>
    %mul3A_809 = arith.mulf %mul3A_803, %sub3A_808 : vector<16xf32>
    %mul3A_810 = arith.mulf %mul3A_797, %mul3A_809 : vector<16xf32>
    %mul3A_811 = arith.mulf %mul3A_810, %mul3A_809 : vector<16xf32>
    %sub3A_812 = arith.constant 1.500000e+00 : f32
    %sub3A_813 = vector.broadcast %sub3A_812 : f32 to vector<16xf32>
    %sub3A_814 = arith.subf %sub3A_813, %mul3A_811 : vector<16xf32>
    %mul3A_815 = arith.mulf %mul3A_809, %sub3A_814 : vector<16xf32>
    %swap3A_816 = arith.constant 320 : index
    %swap3A_817 = tpu.vector_load %arg18[%swap3A_816] {strides = array<i32>} : memref<640xf32, #tpu.memory_space<vmem>>, vector<16xf32>,
    tpu.vector_store %arg18[%swap3A_816], %mul3A_815 {strides = array<i32>} : memref<640xf32, #tpu.memory_space<vmem>>, vector<16xf32>,
    %get3A_818 = arith.constant 336 : index
    %get3A_819 = tpu.vector_load %arg18[%get3A_818] {strides = array<i32>} : memref<640xf32, #tpu.memory_space<vmem>>, vector<16xf32>,
    %get3A_820 = arith.constant 336 : index
    %get3A_821 = tpu.vector_load %arg19[%get3A_820] {strides = array<i32>} : memref<640xf32, #tpu.memory_space<vmem>>, vector<16xf32>,
    %add3A_822 = arith.addf %get3A_819, %get3A_821 : vector<16xf32>
    %add3A_823 = arith.constant 1.000000e+00 : f32
    %add3A_824 = vector.broadcast %add3A_823 : f32 to vector<16xf32>
    %add3A_825 = arith.addf %add3A_822, %add3A_824 : vector<16xf32>
    %bitcast3A_826 = vector.bitcast %add3A_825 : vector<16xf32> to vector<16xi32>
    %broadcast_in_dim3A_827 = arith.constant 1597463007 : i32
    %broadcast_in_dim3A_828 = vector.broadcast %broadcast_in_dim3A_827 : i32 to vector<16xi32>
    %shift_right_logical3A_829 = arith.constant 1 : i32
    %shift_right_logical3A_830 = vector.broadcast %shift_right_logical3A_829 : i32 to vector<16xi32>
    %shift_right_logical3A_831 = arith.shrui %bitcast3A_826, %shift_right_logical3A_830 : vector<16xi32>
    %sub3A_832 = arith.subi %broadcast_in_dim3A_828, %shift_right_logical3A_831 : vector<16xi32>
    %bitcast3A_833 = vector.bitcast %sub3A_832 : vector<16xi32> to vector<16xf32>
    %mul3A_834 = arith.constant 5.000000e-01 : f32
    %mul3A_835 = vector.broadcast %mul3A_834 : f32 to vector<16xf32>
    %mul3A_836 = arith.mulf %add3A_825, %mul3A_835 : vector<16xf32>
    %mul3A_837 = arith.mulf %mul3A_836, %bitcast3A_833 : vector<16xf32>
    %mul3A_838 = arith.mulf %mul3A_837, %bitcast3A_833 : vector<16xf32>
    %sub3A_839 = arith.constant 1.500000e+00 : f32
    %sub3A_840 = vector.broadcast %sub3A_839 : f32 to vector<16xf32>
    %sub3A_841 = arith.subf %sub3A_840, %mul3A_838 : vector<16xf32>
    %mul3A_842 = arith.mulf %bitcast3A_833, %sub3A_841 : vector<16xf32>
    %mul3A_843 = arith.mulf %mul3A_836, %mul3A_842 : vector<16xf32>
    %mul3A_844 = arith.mulf %mul3A_843, %mul3A_842 : vector<16xf32>
    %sub3A_845 = arith.constant 1.500000e+00 : f32
    %sub3A_846 = vector.broadcast %sub3A_845 : f32 to vector<16xf32>
    %sub3A_847 = arith.subf %sub3A_846, %mul3A_844 : vector<16xf32>
    %mul3A_848 = arith.mulf %mul3A_842, %sub3A_847 : vector<16xf32>
    %mul3A_849 = arith.mulf %mul3A_836, %mul3A_848 : vector<16xf32>
    %mul3A_850 = arith.mulf %mul3A_849, %mul3A_848 : vector<16xf32>
    %sub3A_851 = arith.constant 1.500000e+00 : f32
    %sub3A_852 = vector.broadcast %sub3A_851 : f32 to vector<16xf32>
    %sub3A_853 = arith.subf %sub3A_852, %mul3A_850 : vector<16xf32>
    %mul3A_854 = arith.mulf %mul3A_848, %sub3A_853 : vector<16xf32>
    %swap3A_855 = arith.constant 336 : index
    %swap3A_856 = tpu.vector_load %arg18[%swap3A_855] {strides = array<i32>} : memref<640xf32, #tpu.memory_space<vmem>>, vector<16xf32>,
    tpu.vector_store %arg18[%swap3A_855], %mul3A_854 {strides = array<i32>} : memref<640xf32, #tpu.memory_space<vmem>>, vector<16xf32>,
    %get3A_857 = arith.constant 352 : index
    %get3A_858 = tpu.vector_load %arg18[%get3A_857] {strides = array<i32>} : memref<640xf32, #tpu.memory_space<vmem>>, vector<16xf32>,
    %get3A_859 = arith.constant 352 : index
    %get3A_860 = tpu.vector_load %arg19[%get3A_859] {strides = array<i32>} : memref<640xf32, #tpu.memory_space<vmem>>, vector<16xf32>,
    %add3A_861 = arith.addf %get3A_858, %get3A_860 : vector<16xf32>
    %add3A_862 = arith.constant 1.000000e+00 : f32
    %add3A_863 = vector.broadcast %add3A_862 : f32 to vector<16xf32>
    %add3A_864 = arith.addf %add3A_861, %add3A_863 : vector<16xf32>
    %bitcast3A_865 = vector.bitcast %add3A_864 : vector<16xf32> to vector<16xi32>
    %broadcast_in_dim3A_866 = arith.constant 1597463007 : i32
    %broadcast_in_dim3A_867 = vector.broadcast %broadcast_in_dim3A_866 : i32 to vector<16xi32>
    %shift_right_logical3A_868 = arith.constant 1 : i32
    %shift_right_logical3A_869 = vector.broadcast %shift_right_logical3A_868 : i32 to vector<16xi32>
    %shift_right_logical3A_870 = arith.shrui %bitcast3A_865, %shift_right_logical3A_869 : vector<16xi32>
    %sub3A_871 = arith.subi %broadcast_in_dim3A_867, %shift_right_logical3A_870 : vector<16xi32>
    %bitcast3A_872 = vector.bitcast %sub3A_871 : vector<16xi32> to vector<16xf32>
    %mul3A_873 = arith.constant 5.000000e-01 : f32
    %mul3A_874 = vector.broadcast %mul3A_873 : f32 to vector<16xf32>
    %mul3A_875 = arith.mulf %add3A_864, %mul3A_874 : vector<16xf32>
    %mul3A_876 = arith.mulf %mul3A_875, %bitcast3A_872 : vector<16xf32>
    %mul3A_877 = arith.mulf %mul3A_876, %bitcast3A_872 : vector<16xf32>
    %sub3A_878 = arith.constant 1.500000e+00 : f32
    %sub3A_879 = vector.broadcast %sub3A_878 : f32 to vector<16xf32>
    %sub3A_880 = arith.subf %sub3A_879, %mul3A_877 : vector<16xf32>
    %mul3A_881 = arith.mulf %bitcast3A_872, %sub3A_880 : vector<16xf32>
    %mul3A_882 = arith.mulf %mul3A_875, %mul3A_881 : vector<16xf32>
    %mul3A_883 = arith.mulf %mul3A_882, %mul3A_881 : vector<16xf32>
    %sub3A_884 = arith.constant 1.500000e+00 : f32
    %sub3A_885 = vector.broadcast %sub3A_884 : f32 to vector<16xf32>
    %sub3A_886 = arith.subf %sub3A_885, %mul3A_883 : vector<16xf32>
    %mul3A_887 = arith.mulf %mul3A_881, %sub3A_886 : vector<16xf32>
    %mul3A_888 = arith.mulf %mul3A_875, %mul3A_887 : vector<16xf32>
    %mul3A_889 = arith.mulf %mul3A_888, %mul3A_887 : vector<16xf32>
    %sub3A_890 = arith.constant 1.500000e+00 : f32
    %sub3A_891 = vector.broadcast %sub3A_890 : f32 to vector<16xf32>
    %sub3A_892 = arith.subf %sub3A_891, %mul3A_889 : vector<16xf32>
    %mul3A_893 = arith.mulf %mul3A_887, %sub3A_892 : vector<16xf32>
    %swap3A_894 = arith.constant 352 : index
    %swap3A_895 = tpu.vector_load %arg18[%swap3A_894] {strides = array<i32>} : memref<640xf32, #tpu.memory_space<vmem>>, vector<16xf32>,
    tpu.vector_store %arg18[%swap3A_894], %mul3A_893 {strides = array<i32>} : memref<640xf32, #tpu.memory_space<vmem>>, vector<16xf32>,
    %get3A_896 = arith.constant 368 : index
    %get3A_897 = tpu.vector_load %arg18[%get3A_896] {strides = array<i32>} : memref<640xf32, #tpu.memory_space<vmem>>, vector<16xf32>,
    %get3A_898 = arith.constant 368 : index
    %get3A_899 = tpu.vector_load %arg19[%get3A_898] {strides = array<i32>} : memref<640xf32, #tpu.memory_space<vmem>>, vector<16xf32>,
    %add3A_900 = arith.addf %get3A_897, %get3A_899 : vector<16xf32>
    %add3A_901 = arith.constant 1.000000e+00 : f32
    %add3A_902 = vector.broadcast %add3A_901 : f32 to vector<16xf32>
    %add3A_903 = arith.addf %add3A_900, %add3A_902 : vector<16xf32>
    %bitcast3A_904 = vector.bitcast %add3A_903 : vector<16xf32> to vector<16xi32>
    %broadcast_in_dim3A_905 = arith.constant 1597463007 : i32
    %broadcast_in_dim3A_906 = vector.broadcast %broadcast_in_dim3A_905 : i32 to vector<16xi32>
    %shift_right_logical3A_907 = arith.constant 1 : i32
    %shift_right_logical3A_908 = vector.broadcast %shift_right_logical3A_907 : i32 to vector<16xi32>
    %shift_right_logical3A_909 = arith.shrui %bitcast3A_904, %shift_right_logical3A_908 : vector<16xi32>
    %sub3A_910 = arith.subi %broadcast_in_dim3A_906, %shift_right_logical3A_909 : vector<16xi32>
    %bitcast3A_911 = vector.bitcast %sub3A_910 : vector<16xi32> to vector<16xf32>
    %mul3A_912 = arith.constant 5.000000e-01 : f32
    %mul3A_913 = vector.broadcast %mul3A_912 : f32 to vector<16xf32>
    %mul3A_914 = arith.mulf %add3A_903, %mul3A_913 : vector<16xf32>
    %mul3A_915 = arith.mulf %mul3A_914, %bitcast3A_911 : vector<16xf32>
    %mul3A_916 = arith.mulf %mul3A_915, %bitcast3A_911 : vector<16xf32>
    %sub3A_917 = arith.constant 1.500000e+00 : f32
    %sub3A_918 = vector.broadcast %sub3A_917 : f32 to vector<16xf32>
    %sub3A_919 = arith.subf %sub3A_918, %mul3A_916 : vector<16xf32>
    %mul3A_920 = arith.mulf %bitcast3A_911, %sub3A_919 : vector<16xf32>
    %mul3A_921 = arith.mulf %mul3A_914, %mul3A_920 : vector<16xf32>
    %mul3A_922 = arith.mulf %mul3A_921, %mul3A_920 : vector<16xf32>
    %sub3A_923 = arith.constant 1.500000e+00 : f32
    %sub3A_924 = vector.broadcast %sub3A_923 : f32 to vector<16xf32>
    %sub3A_925 = arith.subf %sub3A_924, %mul3A_922 : vector<16xf32>
    %mul3A_926 = arith.mulf %mul3A_920, %sub3A_925 : vector<16xf32>
    %mul3A_927 = arith.mulf %mul3A_914, %mul3A_926 : vector<16xf32>
    %mul3A_928 = arith.mulf %mul3A_927, %mul3A_926 : vector<16xf32>
    %sub3A_929 = arith.constant 1.500000e+00 : f32
    %sub3A_930 = vector.broadcast %sub3A_929 : f32 to vector<16xf32>
    %sub3A_931 = arith.subf %sub3A_930, %mul3A_928 : vector<16xf32>
    %mul3A_932 = arith.mulf %mul3A_926, %sub3A_931 : vector<16xf32>
    %swap3A_933 = arith.constant 368 : index
    %swap3A_934 = tpu.vector_load %arg18[%swap3A_933] {strides = array<i32>} : memref<640xf32, #tpu.memory_space<vmem>>, vector<16xf32>,
    tpu.vector_store %arg18[%swap3A_933], %mul3A_932 {strides = array<i32>} : memref<640xf32, #tpu.memory_space<vmem>>, vector<16xf32>,
    %get3A_935 = arith.constant 384 : index
    %get3A_936 = tpu.vector_load %arg18[%get3A_935] {strides = array<i32>} : memref<640xf32, #tpu.memory_space<vmem>>, vector<16xf32>,
    %get3A_937 = arith.constant 384 : index
    %get3A_938 = tpu.vector_load %arg19[%get3A_937] {strides = array<i32>} : memref<640xf32, #tpu.memory_space<vmem>>, vector<16xf32>,
    %add3A_939 = arith.addf %get3A_936, %get3A_938 : vector<16xf32>
    %add3A_940 = arith.constant 1.000000e+00 : f32
    %add3A_941 = vector.broadcast %add3A_940 : f32 to vector<16xf32>
    %add3A_942 = arith.addf %add3A_939, %add3A_941 : vector<16xf32>
    %bitcast3A_943 = vector.bitcast %add3A_942 : vector<16xf32> to vector<16xi32>
    %broadcast_in_dim3A_944 = arith.constant 1597463007 : i32
    %broadcast_in_dim3A_945 = vector.broadcast %broadcast_in_dim3A_944 : i32 to vector<16xi32>
    %shift_right_logical3A_946 = arith.constant 1 : i32
    %shift_right_logical3A_947 = vector.broadcast %shift_right_logical3A_946 : i32 to vector<16xi32>
    %shift_right_logical3A_948 = arith.shrui %bitcast3A_943, %shift_right_logical3A_947 : vector<16xi32>
    %sub3A_949 = arith.subi %broadcast_in_dim3A_945, %shift_right_logical3A_948 : vector<16xi32>
    %bitcast3A_950 = vector.bitcast %sub3A_949 : vector<16xi32> to vector<16xf32>
    %mul3A_951 = arith.constant 5.000000e-01 : f32
    %mul3A_952 = vector.broadcast %mul3A_951 : f32 to vector<16xf32>
    %mul3A_953 = arith.mulf %add3A_942, %mul3A_952 : vector<16xf32>
    %mul3A_954 = arith.mulf %mul3A_953, %bitcast3A_950 : vector<16xf32>
    %mul3A_955 = arith.mulf %mul3A_954, %bitcast3A_950 : vector<16xf32>
    %sub3A_956 = arith.constant 1.500000e+00 : f32
    %sub3A_957 = vector.broadcast %sub3A_956 : f32 to vector<16xf32>
    %sub3A_958 = arith.subf %sub3A_957, %mul3A_955 : vector<16xf32>
    %mul3A_959 = arith.mulf %bitcast3A_950, %sub3A_958 : vector<16xf32>
    %mul3A_960 = arith.mulf %mul3A_953, %mul3A_959 : vector<16xf32>
    %mul3A_961 = arith.mulf %mul3A_960, %mul3A_959 : vector<16xf32>
    %sub3A_962 = arith.constant 1.500000e+00 : f32
    %sub3A_963 = vector.broadcast %sub3A_962 : f32 to vector<16xf32>
    %sub3A_964 = arith.subf %sub3A_963, %mul3A_961 : vector<16xf32>
    %mul3A_965 = arith.mulf %mul3A_959, %sub3A_964 : vector<16xf32>
    %mul3A_966 = arith.mulf %mul3A_953, %mul3A_965 : vector<16xf32>
    %mul3A_967 = arith.mulf %mul3A_966, %mul3A_965 : vector<16xf32>
    %sub3A_968 = arith.constant 1.500000e+00 : f32
    %sub3A_969 = vector.broadcast %sub3A_968 : f32 to vector<16xf32>
    %sub3A_970 = arith.subf %sub3A_969, %mul3A_967 : vector<16xf32>
    %mul3A_971 = arith.mulf %mul3A_965, %sub3A_970 : vector<16xf32>
    %swap3A_972 = arith.constant 384 : index
    %swap3A_973 = tpu.vector_load %arg18[%swap3A_972] {strides = array<i32>} : memref<640xf32, #tpu.memory_space<vmem>>, vector<16xf32>,
    tpu.vector_store %arg18[%swap3A_972], %mul3A_971 {strides = array<i32>} : memref<640xf32, #tpu.memory_space<vmem>>, vector<16xf32>,
    %get3A_974 = arith.constant 400 : index
    %get3A_975 = tpu.vector_load %arg18[%get3A_974] {strides = array<i32>} : memref<640xf32, #tpu.memory_space<vmem>>, vector<16xf32>,
    %get3A_976 = arith.constant 400 : index
    %get3A_977 = tpu.vector_load %arg19[%get3A_976] {strides = array<i32>} : memref<640xf32, #tpu.memory_space<vmem>>, vector<16xf32>,
    %add3A_978 = arith.addf %get3A_975, %get3A_977 : vector<16xf32>
    %add3A_979 = arith.constant 1.000000e+00 : f32
    %add3A_980 = vector.broadcast %add3A_979 : f32 to vector<16xf32>
    %add3A_981 = arith.addf %add3A_978, %add3A_980 : vector<16xf32>
    %bitcast3A_982 = vector.bitcast %add3A_981 : vector<16xf32> to vector<16xi32>
    %broadcast_in_dim3A_983 = arith.constant 1597463007 : i32
    %broadcast_in_dim3A_984 = vector.broadcast %broadcast_in_dim3A_983 : i32 to vector<16xi32>
    %shift_right_logical3A_985 = arith.constant 1 : i32
    %shift_right_logical3A_986 = vector.broadcast %shift_right_logical3A_985 : i32 to vector<16xi32>
    %shift_right_logical3A_987 = arith.shrui %bitcast3A_982, %shift_right_logical3A_986 : vector<16xi32>
    %sub3A_988 = arith.subi %broadcast_in_dim3A_984, %shift_right_logical3A_987 : vector<16xi32>
    %bitcast3A_989 = vector.bitcast %sub3A_988 : vector<16xi32> to vector<16xf32>
    %mul3A_990 = arith.constant 5.000000e-01 : f32
    %mul3A_991 = vector.broadcast %mul3A_990 : f32 to vector<16xf32>
    %mul3A_992 = arith.mulf %add3A_981, %mul3A_991 : vector<16xf32>
    %mul3A_993 = arith.mulf %mul3A_992, %bitcast3A_989 : vector<16xf32>
    %mul3A_994 = arith.mulf %mul3A_993, %bitcast3A_989 : vector<16xf32>
    %sub3A_995 = arith.constant 1.500000e+00 : f32
    %sub3A_996 = vector.broadcast %sub3A_995 : f32 to vector<16xf32>
    %sub3A_997 = arith.subf %sub3A_996, %mul3A_994 : vector<16xf32>
    %mul3A_998 = arith.mulf %bitcast3A_989, %sub3A_997 : vector<16xf32>
    %mul3A_999 = arith.mulf %mul3A_992, %mul3A_998 : vector<16xf32>
    %mul3A_1000 = arith.mulf %mul3A_999, %mul3A_998 : vector<16xf32>
    %sub3A_1001 = arith.constant 1.500000e+00 : f32
    %sub3A_1002 = vector.broadcast %sub3A_1001 : f32 to vector<16xf32>
    %sub3A_1003 = arith.subf %sub3A_1002, %mul3A_1000 : vector<16xf32>
    %mul3A_1004 = arith.mulf %mul3A_998, %sub3A_1003 : vector<16xf32>
    %mul3A_1005 = arith.mulf %mul3A_992, %mul3A_1004 : vector<16xf32>
    %mul3A_1006 = arith.mulf %mul3A_1005, %mul3A_1004 : vector<16xf32>
    %sub3A_1007 = arith.constant 1.500000e+00 : f32
    %sub3A_1008 = vector.broadcast %sub3A_1007 : f32 to vector<16xf32>
    %sub3A_1009 = arith.subf %sub3A_1008, %mul3A_1006 : vector<16xf32>
    %mul3A_1010 = arith.mulf %mul3A_1004, %sub3A_1009 : vector<16xf32>
    %swap3A_1011 = arith.constant 400 : index
    %swap3A_1012 = tpu.vector_load %arg18[%swap3A_1011] {strides = array<i32>} : memref<640xf32, #tpu.memory_space<vmem>>, vector<16xf32>,
    tpu.vector_store %arg18[%swap3A_1011], %mul3A_1010 {strides = array<i32>} : memref<640xf32, #tpu.memory_space<vmem>>, vector<16xf32>,
    %get3A_1013 = arith.constant 416 : index
    %get3A_1014 = tpu.vector_load %arg18[%get3A_1013] {strides = array<i32>} : memref<640xf32, #tpu.memory_space<vmem>>, vector<16xf32>,
    %get3A_1015 = arith.constant 416 : index
    %get3A_1016 = tpu.vector_load %arg19[%get3A_1015] {strides = array<i32>} : memref<640xf32, #tpu.memory_space<vmem>>, vector<16xf32>,
    %add3A_1017 = arith.addf %get3A_1014, %get3A_1016 : vector<16xf32>
    %add3A_1018 = arith.constant 1.000000e+00 : f32
    %add3A_1019 = vector.broadcast %add3A_1018 : f32 to vector<16xf32>
    %add3A_1020 = arith.addf %add3A_1017, %add3A_1019 : vector<16xf32>
    %bitcast3A_1021 = vector.bitcast %add3A_1020 : vector<16xf32> to vector<16xi32>
    %broadcast_in_dim3A_1022 = arith.constant 1597463007 : i32
    %broadcast_in_dim3A_1023 = vector.broadcast %broadcast_in_dim3A_1022 : i32 to vector<16xi32>
    %shift_right_logical3A_1024 = arith.constant 1 : i32
    %shift_right_logical3A_1025 = vector.broadcast %shift_right_logical3A_1024 : i32 to vector<16xi32>
    %shift_right_logical3A_1026 = arith.shrui %bitcast3A_1021, %shift_right_logical3A_1025 : vector<16xi32>
    %sub3A_1027 = arith.subi %broadcast_in_dim3A_1023, %shift_right_logical3A_1026 : vector<16xi32>
    %bitcast3A_1028 = vector.bitcast %sub3A_1027 : vector<16xi32> to vector<16xf32>
    %mul3A_1029 = arith.constant 5.000000e-01 : f32
    %mul3A_1030 = vector.broadcast %mul3A_1029 : f32 to vector<16xf32>
    %mul3A_1031 = arith.mulf %add3A_1020, %mul3A_1030 : vector<16xf32>
    %mul3A_1032 = arith.mulf %mul3A_1031, %bitcast3A_1028 : vector<16xf32>
    %mul3A_1033 = arith.mulf %mul3A_1032, %bitcast3A_1028 : vector<16xf32>
    %sub3A_1034 = arith.constant 1.500000e+00 : f32
    %sub3A_1035 = vector.broadcast %sub3A_1034 : f32 to vector<16xf32>
    %sub3A_1036 = arith.subf %sub3A_1035, %mul3A_1033 : vector<16xf32>
    %mul3A_1037 = arith.mulf %bitcast3A_1028, %sub3A_1036 : vector<16xf32>
    %mul3A_1038 = arith.mulf %mul3A_1031, %mul3A_1037 : vector<16xf32>
    %mul3A_1039 = arith.mulf %mul3A_1038, %mul3A_1037 : vector<16xf32>
    %sub3A_1040 = arith.constant 1.500000e+00 : f32
    %sub3A_1041 = vector.broadcast %sub3A_1040 : f32 to vector<16xf32>
    %sub3A_1042 = arith.subf %sub3A_1041, %mul3A_1039 : vector<16xf32>
    %mul3A_1043 = arith.mulf %mul3A_1037, %sub3A_1042 : vector<16xf32>
    %mul3A_1044 = arith.mulf %mul3A_1031, %mul3A_1043 : vector<16xf32>
    %mul3A_1045 = arith.mulf %mul3A_1044, %mul3A_1043 : vector<16xf32>
    %sub3A_1046 = arith.constant 1.500000e+00 : f32
    %sub3A_1047 = vector.broadcast %sub3A_1046 : f32 to vector<16xf32>
    %sub3A_1048 = arith.subf %sub3A_1047, %mul3A_1045 : vector<16xf32>
    %mul3A_1049 = arith.mulf %mul3A_1043, %sub3A_1048 : vector<16xf32>
    %swap3A_1050 = arith.constant 416 : index
    %swap3A_1051 = tpu.vector_load %arg18[%swap3A_1050] {strides = array<i32>} : memref<640xf32, #tpu.memory_space<vmem>>, vector<16xf32>,
    tpu.vector_store %arg18[%swap3A_1050], %mul3A_1049 {strides = array<i32>} : memref<640xf32, #tpu.memory_space<vmem>>, vector<16xf32>,
    %get3A_1052 = arith.constant 432 : index
    %get3A_1053 = tpu.vector_load %arg18[%get3A_1052] {strides = array<i32>} : memref<640xf32, #tpu.memory_space<vmem>>, vector<16xf32>,
    %get3A_1054 = arith.constant 432 : index
    %get3A_1055 = tpu.vector_load %arg19[%get3A_1054] {strides = array<i32>} : memref<640xf32, #tpu.memory_space<vmem>>, vector<16xf32>,
    %add3A_1056 = arith.addf %get3A_1053, %get3A_1055 : vector<16xf32>
    %add3A_1057 = arith.constant 1.000000e+00 : f32
    %add3A_1058 = vector.broadcast %add3A_1057 : f32 to vector<16xf32>
    %add3A_1059 = arith.addf %add3A_1056, %add3A_1058 : vector<16xf32>
    %bitcast3A_1060 = vector.bitcast %add3A_1059 : vector<16xf32> to vector<16xi32>
    %broadcast_in_dim3A_1061 = arith.constant 1597463007 : i32
    %broadcast_in_dim3A_1062 = vector.broadcast %broadcast_in_dim3A_1061 : i32 to vector<16xi32>
    %shift_right_logical3A_1063 = arith.constant 1 : i32
    %shift_right_logical3A_1064 = vector.broadcast %shift_right_logical3A_1063 : i32 to vector<16xi32>
    %shift_right_logical3A_1065 = arith.shrui %bitcast3A_1060, %shift_right_logical3A_1064 : vector<16xi32>
    %sub3A_1066 = arith.subi %broadcast_in_dim3A_1062, %shift_right_logical3A_1065 : vector<16xi32>
    %bitcast3A_1067 = vector.bitcast %sub3A_1066 : vector<16xi32> to vector<16xf32>
    %mul3A_1068 = arith.constant 5.000000e-01 : f32
    %mul3A_1069 = vector.broadcast %mul3A_1068 : f32 to vector<16xf32>
    %mul3A_1070 = arith.mulf %add3A_1059, %mul3A_1069 : vector<16xf32>
    %mul3A_1071 = arith.mulf %mul3A_1070, %bitcast3A_1067 : vector<16xf32>
    %mul3A_1072 = arith.mulf %mul3A_1071, %bitcast3A_1067 : vector<16xf32>
    %sub3A_1073 = arith.constant 1.500000e+00 : f32
    %sub3A_1074 = vector.broadcast %sub3A_1073 : f32 to vector<16xf32>
    %sub3A_1075 = arith.subf %sub3A_1074, %mul3A_1072 : vector<16xf32>
    %mul3A_1076 = arith.mulf %bitcast3A_1067, %sub3A_1075 : vector<16xf32>
    %mul3A_1077 = arith.mulf %mul3A_1070, %mul3A_1076 : vector<16xf32>
    %mul3A_1078 = arith.mulf %mul3A_1077, %mul3A_1076 : vector<16xf32>
    %sub3A_1079 = arith.constant 1.500000e+00 : f32
    %sub3A_1080 = vector.broadcast %sub3A_1079 : f32 to vector<16xf32>
    %sub3A_1081 = arith.subf %sub3A_1080, %mul3A_1078 : vector<16xf32>
    %mul3A_1082 = arith.mulf %mul3A_1076, %sub3A_1081 : vector<16xf32>
    %mul3A_1083 = arith.mulf %mul3A_1070, %mul3A_1082 : vector<16xf32>
    %mul3A_1084 = arith.mulf %mul3A_1083, %mul3A_1082 : vector<16xf32>
    %sub3A_1085 = arith.constant 1.500000e+00 : f32
    %sub3A_1086 = vector.broadcast %sub3A_1085 : f32 to vector<16xf32>
    %sub3A_1087 = arith.subf %sub3A_1086, %mul3A_1084 : vector<16xf32>
    %mul3A_1088 = arith.mulf %mul3A_1082, %sub3A_1087 : vector<16xf32>
    %swap3A_1089 = arith.constant 432 : index
    %swap3A_1090 = tpu.vector_load %arg18[%swap3A_1089] {strides = array<i32>} : memref<640xf32, #tpu.memory_space<vmem>>, vector<16xf32>,
    tpu.vector_store %arg18[%swap3A_1089], %mul3A_1088 {strides = array<i32>} : memref<640xf32, #tpu.memory_space<vmem>>, vector<16xf32>,
    %get3A_1091 = arith.constant 448 : index
    %get3A_1092 = tpu.vector_load %arg18[%get3A_1091] {strides = array<i32>} : memref<640xf32, #tpu.memory_space<vmem>>, vector<16xf32>,
    %get3A_1093 = arith.constant 448 : index
    %get3A_1094 = tpu.vector_load %arg19[%get3A_1093] {strides = array<i32>} : memref<640xf32, #tpu.memory_space<vmem>>, vector<16xf32>,
    %add3A_1095 = arith.addf %get3A_1092, %get3A_1094 : vector<16xf32>
    %add3A_1096 = arith.constant 1.000000e+00 : f32
    %add3A_1097 = vector.broadcast %add3A_1096 : f32 to vector<16xf32>
    %add3A_1098 = arith.addf %add3A_1095, %add3A_1097 : vector<16xf32>
    %bitcast3A_1099 = vector.bitcast %add3A_1098 : vector<16xf32> to vector<16xi32>
    %broadcast_in_dim3A_1100 = arith.constant 1597463007 : i32
    %broadcast_in_dim3A_1101 = vector.broadcast %broadcast_in_dim3A_1100 : i32 to vector<16xi32>
    %shift_right_logical3A_1102 = arith.constant 1 : i32
    %shift_right_logical3A_1103 = vector.broadcast %shift_right_logical3A_1102 : i32 to vector<16xi32>
    %shift_right_logical3A_1104 = arith.shrui %bitcast3A_1099, %shift_right_logical3A_1103 : vector<16xi32>
    %sub3A_1105 = arith.subi %broadcast_in_dim3A_1101, %shift_right_logical3A_1104 : vector<16xi32>
    %bitcast3A_1106 = vector.bitcast %sub3A_1105 : vector<16xi32> to vector<16xf32>
    %mul3A_1107 = arith.constant 5.000000e-01 : f32
    %mul3A_1108 = vector.broadcast %mul3A_1107 : f32 to vector<16xf32>
    %mul3A_1109 = arith.mulf %add3A_1098, %mul3A_1108 : vector<16xf32>
    %mul3A_1110 = arith.mulf %mul3A_1109, %bitcast3A_1106 : vector<16xf32>
    %mul3A_1111 = arith.mulf %mul3A_1110, %bitcast3A_1106 : vector<16xf32>
    %sub3A_1112 = arith.constant 1.500000e+00 : f32
    %sub3A_1113 = vector.broadcast %sub3A_1112 : f32 to vector<16xf32>
    %sub3A_1114 = arith.subf %sub3A_1113, %mul3A_1111 : vector<16xf32>
    %mul3A_1115 = arith.mulf %bitcast3A_1106, %sub3A_1114 : vector<16xf32>
    %mul3A_1116 = arith.mulf %mul3A_1109, %mul3A_1115 : vector<16xf32>
    %mul3A_1117 = arith.mulf %mul3A_1116, %mul3A_1115 : vector<16xf32>
    %sub3A_1118 = arith.constant 1.500000e+00 : f32
    %sub3A_1119 = vector.broadcast %sub3A_1118 : f32 to vector<16xf32>
    %sub3A_1120 = arith.subf %sub3A_1119, %mul3A_1117 : vector<16xf32>
    %mul3A_1121 = arith.mulf %mul3A_1115, %sub3A_1120 : vector<16xf32>
    %mul3A_1122 = arith.mulf %mul3A_1109, %mul3A_1121 : vector<16xf32>
    %mul3A_1123 = arith.mulf %mul3A_1122, %mul3A_1121 : vector<16xf32>
    %sub3A_1124 = arith.constant 1.500000e+00 : f32
    %sub3A_1125 = vector.broadcast %sub3A_1124 : f32 to vector<16xf32>
    %sub3A_1126 = arith.subf %sub3A_1125, %mul3A_1123 : vector<16xf32>
    %mul3A_1127 = arith.mulf %mul3A_1121, %sub3A_1126 : vector<16xf32>
    %swap3A_1128 = arith.constant 448 : index
    %swap3A_1129 = tpu.vector_load %arg18[%swap3A_1128] {strides = array<i32>} : memref<640xf32, #tpu.memory_space<vmem>>, vector<16xf32>,
    tpu.vector_store %arg18[%swap3A_1128], %mul3A_1127 {strides = array<i32>} : memref<640xf32, #tpu.memory_space<vmem>>, vector<16xf32>,
    %get3A_1130 = arith.constant 464 : index
    %get3A_1131 = tpu.vector_load %arg18[%get3A_1130] {strides = array<i32>} : memref<640xf32, #tpu.memory_space<vmem>>, vector<16xf32>,
    %get3A_1132 = arith.constant 464 : index
    %get3A_1133 = tpu.vector_load %arg19[%get3A_1132] {strides = array<i32>} : memref<640xf32, #tpu.memory_space<vmem>>, vector<16xf32>,
    %add3A_1134 = arith.addf %get3A_1131, %get3A_1133 : vector<16xf32>
    %add3A_1135 = arith.constant 1.000000e+00 : f32
    %add3A_1136 = vector.broadcast %add3A_1135 : f32 to vector<16xf32>
    %add3A_1137 = arith.addf %add3A_1134, %add3A_1136 : vector<16xf32>
    %bitcast3A_1138 = vector.bitcast %add3A_1137 : vector<16xf32> to vector<16xi32>
    %broadcast_in_dim3A_1139 = arith.constant 1597463007 : i32
    %broadcast_in_dim3A_1140 = vector.broadcast %broadcast_in_dim3A_1139 : i32 to vector<16xi32>
    %shift_right_logical3A_1141 = arith.constant 1 : i32
    %shift_right_logical3A_1142 = vector.broadcast %shift_right_logical3A_1141 : i32 to vector<16xi32>
    %shift_right_logical3A_1143 = arith.shrui %bitcast3A_1138, %shift_right_logical3A_1142 : vector<16xi32>
    %sub3A_1144 = arith.subi %broadcast_in_dim3A_1140, %shift_right_logical3A_1143 : vector<16xi32>
    %bitcast3A_1145 = vector.bitcast %sub3A_1144 : vector<16xi32> to vector<16xf32>
    %mul3A_1146 = arith.constant 5.000000e-01 : f32
    %mul3A_1147 = vector.broadcast %mul3A_1146 : f32 to vector<16xf32>
    %mul3A_1148 = arith.mulf %add3A_1137, %mul3A_1147 : vector<16xf32>
    %mul3A_1149 = arith.mulf %mul3A_1148, %bitcast3A_1145 : vector<16xf32>
    %mul3A_1150 = arith.mulf %mul3A_1149, %bitcast3A_1145 : vector<16xf32>
    %sub3A_1151 = arith.constant 1.500000e+00 : f32
    %sub3A_1152 = vector.broadcast %sub3A_1151 : f32 to vector<16xf32>
    %sub3A_1153 = arith.subf %sub3A_1152, %mul3A_1150 : vector<16xf32>
    %mul3A_1154 = arith.mulf %bitcast3A_1145, %sub3A_1153 : vector<16xf32>
    %mul3A_1155 = arith.mulf %mul3A_1148, %mul3A_1154 : vector<16xf32>
    %mul3A_1156 = arith.mulf %mul3A_1155, %mul3A_1154 : vector<16xf32>
    %sub3A_1157 = arith.constant 1.500000e+00 : f32
    %sub3A_1158 = vector.broadcast %sub3A_1157 : f32 to vector<16xf32>
    %sub3A_1159 = arith.subf %sub3A_1158, %mul3A_1156 : vector<16xf32>
    %mul3A_1160 = arith.mulf %mul3A_1154, %sub3A_1159 : vector<16xf32>
    %mul3A_1161 = arith.mulf %mul3A_1148, %mul3A_1160 : vector<16xf32>
    %mul3A_1162 = arith.mulf %mul3A_1161, %mul3A_1160 : vector<16xf32>
    %sub3A_1163 = arith.constant 1.500000e+00 : f32
    %sub3A_1164 = vector.broadcast %sub3A_1163 : f32 to vector<16xf32>
    %sub3A_1165 = arith.subf %sub3A_1164, %mul3A_1162 : vector<16xf32>
    %mul3A_1166 = arith.mulf %mul3A_1160, %sub3A_1165 : vector<16xf32>
    %swap3A_1167 = arith.constant 464 : index
    %swap3A_1168 = tpu.vector_load %arg18[%swap3A_1167] {strides = array<i32>} : memref<640xf32, #tpu.memory_space<vmem>>, vector<16xf32>,
    tpu.vector_store %arg18[%swap3A_1167], %mul3A_1166 {strides = array<i32>} : memref<640xf32, #tpu.memory_space<vmem>>, vector<16xf32>,
    %get3A_1169 = arith.constant 480 : index
    %get3A_1170 = tpu.vector_load %arg18[%get3A_1169] {strides = array<i32>} : memref<640xf32, #tpu.memory_space<vmem>>, vector<16xf32>,
    %get3A_1171 = arith.constant 480 : index
    %get3A_1172 = tpu.vector_load %arg19[%get3A_1171] {strides = array<i32>} : memref<640xf32, #tpu.memory_space<vmem>>, vector<16xf32>,
    %add3A_1173 = arith.addf %get3A_1170, %get3A_1172 : vector<16xf32>
    %add3A_1174 = arith.constant 1.000000e+00 : f32
    %add3A_1175 = vector.broadcast %add3A_1174 : f32 to vector<16xf32>
    %add3A_1176 = arith.addf %add3A_1173, %add3A_1175 : vector<16xf32>
    %bitcast3A_1177 = vector.bitcast %add3A_1176 : vector<16xf32> to vector<16xi32>
    %broadcast_in_dim3A_1178 = arith.constant 1597463007 : i32
    %broadcast_in_dim3A_1179 = vector.broadcast %broadcast_in_dim3A_1178 : i32 to vector<16xi32>
    %shift_right_logical3A_1180 = arith.constant 1 : i32
    %shift_right_logical3A_1181 = vector.broadcast %shift_right_logical3A_1180 : i32 to vector<16xi32>
    %shift_right_logical3A_1182 = arith.shrui %bitcast3A_1177, %shift_right_logical3A_1181 : vector<16xi32>
    %sub3A_1183 = arith.subi %broadcast_in_dim3A_1179, %shift_right_logical3A_1182 : vector<16xi32>
    %bitcast3A_1184 = vector.bitcast %sub3A_1183 : vector<16xi32> to vector<16xf32>
    %mul3A_1185 = arith.constant 5.000000e-01 : f32
    %mul3A_1186 = vector.broadcast %mul3A_1185 : f32 to vector<16xf32>
    %mul3A_1187 = arith.mulf %add3A_1176, %mul3A_1186 : vector<16xf32>
    %mul3A_1188 = arith.mulf %mul3A_1187, %bitcast3A_1184 : vector<16xf32>
    %mul3A_1189 = arith.mulf %mul3A_1188, %bitcast3A_1184 : vector<16xf32>
    %sub3A_1190 = arith.constant 1.500000e+00 : f32
    %sub3A_1191 = vector.broadcast %sub3A_1190 : f32 to vector<16xf32>
    %sub3A_1192 = arith.subf %sub3A_1191, %mul3A_1189 : vector<16xf32>
    %mul3A_1193 = arith.mulf %bitcast3A_1184, %sub3A_1192 : vector<16xf32>
    %mul3A_1194 = arith.mulf %mul3A_1187, %mul3A_1193 : vector<16xf32>
    %mul3A_1195 = arith.mulf %mul3A_1194, %mul3A_1193 : vector<16xf32>
    %sub3A_1196 = arith.constant 1.500000e+00 : f32
    %sub3A_1197 = vector.broadcast %sub3A_1196 : f32 to vector<16xf32>
    %sub3A_1198 = arith.subf %sub3A_1197, %mul3A_1195 : vector<16xf32>
    %mul3A_1199 = arith.mulf %mul3A_1193, %sub3A_1198 : vector<16xf32>
    %mul3A_1200 = arith.mulf %mul3A_1187, %mul3A_1199 : vector<16xf32>
    %mul3A_1201 = arith.mulf %mul3A_1200, %mul3A_1199 : vector<16xf32>
    %sub3A_1202 = arith.constant 1.500000e+00 : f32
    %sub3A_1203 = vector.broadcast %sub3A_1202 : f32 to vector<16xf32>
    %sub3A_1204 = arith.subf %sub3A_1203, %mul3A_1201 : vector<16xf32>
    %mul3A_1205 = arith.mulf %mul3A_1199, %sub3A_1204 : vector<16xf32>
    %swap3A_1206 = arith.constant 480 : index
    %swap3A_1207 = tpu.vector_load %arg18[%swap3A_1206] {strides = array<i32>} : memref<640xf32, #tpu.memory_space<vmem>>, vector<16xf32>,
    tpu.vector_store %arg18[%swap3A_1206], %mul3A_1205 {strides = array<i32>} : memref<640xf32, #tpu.memory_space<vmem>>, vector<16xf32>,
    %get3A_1208 = arith.constant 496 : index
    %get3A_1209 = tpu.vector_load %arg18[%get3A_1208] {strides = array<i32>} : memref<640xf32, #tpu.memory_space<vmem>>, vector<16xf32>,
    %get3A_1210 = arith.constant 496 : index
    %get3A_1211 = tpu.vector_load %arg19[%get3A_1210] {strides = array<i32>} : memref<640xf32, #tpu.memory_space<vmem>>, vector<16xf32>,
    %add3A_1212 = arith.addf %get3A_1209, %get3A_1211 : vector<16xf32>
    %add3A_1213 = arith.constant 1.000000e+00 : f32
    %add3A_1214 = vector.broadcast %add3A_1213 : f32 to vector<16xf32>
    %add3A_1215 = arith.addf %add3A_1212, %add3A_1214 : vector<16xf32>
    %bitcast3A_1216 = vector.bitcast %add3A_1215 : vector<16xf32> to vector<16xi32>
    %broadcast_in_dim3A_1217 = arith.constant 1597463007 : i32
    %broadcast_in_dim3A_1218 = vector.broadcast %broadcast_in_dim3A_1217 : i32 to vector<16xi32>
    %shift_right_logical3A_1219 = arith.constant 1 : i32
    %shift_right_logical3A_1220 = vector.broadcast %shift_right_logical3A_1219 : i32 to vector<16xi32>
    %shift_right_logical3A_1221 = arith.shrui %bitcast3A_1216, %shift_right_logical3A_1220 : vector<16xi32>
    %sub3A_1222 = arith.subi %broadcast_in_dim3A_1218, %shift_right_logical3A_1221 : vector<16xi32>
    %bitcast3A_1223 = vector.bitcast %sub3A_1222 : vector<16xi32> to vector<16xf32>
    %mul3A_1224 = arith.constant 5.000000e-01 : f32
    %mul3A_1225 = vector.broadcast %mul3A_1224 : f32 to vector<16xf32>
    %mul3A_1226 = arith.mulf %add3A_1215, %mul3A_1225 : vector<16xf32>
    %mul3A_1227 = arith.mulf %mul3A_1226, %bitcast3A_1223 : vector<16xf32>
    %mul3A_1228 = arith.mulf %mul3A_1227, %bitcast3A_1223 : vector<16xf32>
    %sub3A_1229 = arith.constant 1.500000e+00 : f32
    %sub3A_1230 = vector.broadcast %sub3A_1229 : f32 to vector<16xf32>
    %sub3A_1231 = arith.subf %sub3A_1230, %mul3A_1228 : vector<16xf32>
    %mul3A_1232 = arith.mulf %bitcast3A_1223, %sub3A_1231 : vector<16xf32>
    %mul3A_1233 = arith.mulf %mul3A_1226, %mul3A_1232 : vector<16xf32>
    %mul3A_1234 = arith.mulf %mul3A_1233, %mul3A_1232 : vector<16xf32>
    %sub3A_1235 = arith.constant 1.500000e+00 : f32
    %sub3A_1236 = vector.broadcast %sub3A_1235 : f32 to vector<16xf32>
    %sub3A_1237 = arith.subf %sub3A_1236, %mul3A_1234 : vector<16xf32>
    %mul3A_1238 = arith.mulf %mul3A_1232, %sub3A_1237 : vector<16xf32>
    %mul3A_1239 = arith.mulf %mul3A_1226, %mul3A_1238 : vector<16xf32>
    %mul3A_1240 = arith.mulf %mul3A_1239, %mul3A_1238 : vector<16xf32>
    %sub3A_1241 = arith.constant 1.500000e+00 : f32
    %sub3A_1242 = vector.broadcast %sub3A_1241 : f32 to vector<16xf32>
    %sub3A_1243 = arith.subf %sub3A_1242, %mul3A_1240 : vector<16xf32>
    %mul3A_1244 = arith.mulf %mul3A_1238, %sub3A_1243 : vector<16xf32>
    %swap3A_1245 = arith.constant 496 : index
    %swap3A_1246 = tpu.vector_load %arg18[%swap3A_1245] {strides = array<i32>} : memref<640xf32, #tpu.memory_space<vmem>>, vector<16xf32>,
    tpu.vector_store %arg18[%swap3A_1245], %mul3A_1244 {strides = array<i32>} : memref<640xf32, #tpu.memory_space<vmem>>, vector<16xf32>,
    %get3A_1247 = arith.constant 512 : index
    %get3A_1248 = tpu.vector_load %arg18[%get3A_1247] {strides = array<i32>} : memref<640xf32, #tpu.memory_space<vmem>>, vector<16xf32>,
    %get3A_1249 = arith.constant 512 : index
    %get3A_1250 = tpu.vector_load %arg19[%get3A_1249] {strides = array<i32>} : memref<640xf32, #tpu.memory_space<vmem>>, vector<16xf32>,
    %add3A_1251 = arith.addf %get3A_1248, %get3A_1250 : vector<16xf32>
    %add3A_1252 = arith.constant 1.000000e+00 : f32
    %add3A_1253 = vector.broadcast %add3A_1252 : f32 to vector<16xf32>
    %add3A_1254 = arith.addf %add3A_1251, %add3A_1253 : vector<16xf32>
    %bitcast3A_1255 = vector.bitcast %add3A_1254 : vector<16xf32> to vector<16xi32>
    %broadcast_in_dim3A_1256 = arith.constant 1597463007 : i32
    %broadcast_in_dim3A_1257 = vector.broadcast %broadcast_in_dim3A_1256 : i32 to vector<16xi32>
    %shift_right_logical3A_1258 = arith.constant 1 : i32
    %shift_right_logical3A_1259 = vector.broadcast %shift_right_logical3A_1258 : i32 to vector<16xi32>
    %shift_right_logical3A_1260 = arith.shrui %bitcast3A_1255, %shift_right_logical3A_1259 : vector<16xi32>
    %sub3A_1261 = arith.subi %broadcast_in_dim3A_1257, %shift_right_logical3A_1260 : vector<16xi32>
    %bitcast3A_1262 = vector.bitcast %sub3A_1261 : vector<16xi32> to vector<16xf32>
    %mul3A_1263 = arith.constant 5.000000e-01 : f32
    %mul3A_1264 = vector.broadcast %mul3A_1263 : f32 to vector<16xf32>
    %mul3A_1265 = arith.mulf %add3A_1254, %mul3A_1264 : vector<16xf32>
    %mul3A_1266 = arith.mulf %mul3A_1265, %bitcast3A_1262 : vector<16xf32>
    %mul3A_1267 = arith.mulf %mul3A_1266, %bitcast3A_1262 : vector<16xf32>
    %sub3A_1268 = arith.constant 1.500000e+00 : f32
    %sub3A_1269 = vector.broadcast %sub3A_1268 : f32 to vector<16xf32>
    %sub3A_1270 = arith.subf %sub3A_1269, %mul3A_1267 : vector<16xf32>
    %mul3A_1271 = arith.mulf %bitcast3A_1262, %sub3A_1270 : vector<16xf32>
    %mul3A_1272 = arith.mulf %mul3A_1265, %mul3A_1271 : vector<16xf32>
    %mul3A_1273 = arith.mulf %mul3A_1272, %mul3A_1271 : vector<16xf32>
    %sub3A_1274 = arith.constant 1.500000e+00 : f32
    %sub3A_1275 = vector.broadcast %sub3A_1274 : f32 to vector<16xf32>
    %sub3A_1276 = arith.subf %sub3A_1275, %mul3A_1273 : vector<16xf32>
    %mul3A_1277 = arith.mulf %mul3A_1271, %sub3A_1276 : vector<16xf32>
    %mul3A_1278 = arith.mulf %mul3A_1265, %mul3A_1277 : vector<16xf32>
    %mul3A_1279 = arith.mulf %mul3A_1278, %mul3A_1277 : vector<16xf32>
    %sub3A_1280 = arith.constant 1.500000e+00 : f32
    %sub3A_1281 = vector.broadcast %sub3A_1280 : f32 to vector<16xf32>
    %sub3A_1282 = arith.subf %sub3A_1281, %mul3A_1279 : vector<16xf32>
    %mul3A_1283 = arith.mulf %mul3A_1277, %sub3A_1282 : vector<16xf32>
    %swap3A_1284 = arith.constant 512 : index
    %swap3A_1285 = tpu.vector_load %arg18[%swap3A_1284] {strides = array<i32>} : memref<640xf32, #tpu.memory_space<vmem>>, vector<16xf32>,
    tpu.vector_store %arg18[%swap3A_1284], %mul3A_1283 {strides = array<i32>} : memref<640xf32, #tpu.memory_space<vmem>>, vector<16xf32>,
    %get3A_1286 = arith.constant 528 : index
    %get3A_1287 = tpu.vector_load %arg18[%get3A_1286] {strides = array<i32>} : memref<640xf32, #tpu.memory_space<vmem>>, vector<16xf32>,
    %get3A_1288 = arith.constant 528 : index
    %get3A_1289 = tpu.vector_load %arg19[%get3A_1288] {strides = array<i32>} : memref<640xf32, #tpu.memory_space<vmem>>, vector<16xf32>,
    %add3A_1290 = arith.addf %get3A_1287, %get3A_1289 : vector<16xf32>
    %add3A_1291 = arith.constant 1.000000e+00 : f32
    %add3A_1292 = vector.broadcast %add3A_1291 : f32 to vector<16xf32>
    %add3A_1293 = arith.addf %add3A_1290, %add3A_1292 : vector<16xf32>
    %bitcast3A_1294 = vector.bitcast %add3A_1293 : vector<16xf32> to vector<16xi32>
    %broadcast_in_dim3A_1295 = arith.constant 1597463007 : i32
    %broadcast_in_dim3A_1296 = vector.broadcast %broadcast_in_dim3A_1295 : i32 to vector<16xi32>
    %shift_right_logical3A_1297 = arith.constant 1 : i32
    %shift_right_logical3A_1298 = vector.broadcast %shift_right_logical3A_1297 : i32 to vector<16xi32>
    %shift_right_logical3A_1299 = arith.shrui %bitcast3A_1294, %shift_right_logical3A_1298 : vector<16xi32>
    %sub3A_1300 = arith.subi %broadcast_in_dim3A_1296, %shift_right_logical3A_1299 : vector<16xi32>
    %bitcast3A_1301 = vector.bitcast %sub3A_1300 : vector<16xi32> to vector<16xf32>
    %mul3A_1302 = arith.constant 5.000000e-01 : f32
    %mul3A_1303 = vector.broadcast %mul3A_1302 : f32 to vector<16xf32>
    %mul3A_1304 = arith.mulf %add3A_1293, %mul3A_1303 : vector<16xf32>
    %mul3A_1305 = arith.mulf %mul3A_1304, %bitcast3A_1301 : vector<16xf32>
    %mul3A_1306 = arith.mulf %mul3A_1305, %bitcast3A_1301 : vector<16xf32>
    %sub3A_1307 = arith.constant 1.500000e+00 : f32
    %sub3A_1308 = vector.broadcast %sub3A_1307 : f32 to vector<16xf32>
    %sub3A_1309 = arith.subf %sub3A_1308, %mul3A_1306 : vector<16xf32>
    %mul3A_1310 = arith.mulf %bitcast3A_1301, %sub3A_1309 : vector<16xf32>
    %mul3A_1311 = arith.mulf %mul3A_1304, %mul3A_1310 : vector<16xf32>
    %mul3A_1312 = arith.mulf %mul3A_1311, %mul3A_1310 : vector<16xf32>
    %sub3A_1313 = arith.constant 1.500000e+00 : f32
    %sub3A_1314 = vector.broadcast %sub3A_1313 : f32 to vector<16xf32>
    %sub3A_1315 = arith.subf %sub3A_1314, %mul3A_1312 : vector<16xf32>
    %mul3A_1316 = arith.mulf %mul3A_1310, %sub3A_1315 : vector<16xf32>
    %mul3A_1317 = arith.mulf %mul3A_1304, %mul3A_1316 : vector<16xf32>
    %mul3A_1318 = arith.mulf %mul3A_1317, %mul3A_1316 : vector<16xf32>
    %sub3A_1319 = arith.constant 1.500000e+00 : f32
    %sub3A_1320 = vector.broadcast %sub3A_1319 : f32 to vector<16xf32>
    %sub3A_1321 = arith.subf %sub3A_1320, %mul3A_1318 : vector<16xf32>
    %mul3A_1322 = arith.mulf %mul3A_1316, %sub3A_1321 : vector<16xf32>
    %swap3A_1323 = arith.constant 528 : index
    %swap3A_1324 = tpu.vector_load %arg18[%swap3A_1323] {strides = array<i32>} : memref<640xf32, #tpu.memory_space<vmem>>, vector<16xf32>,
    tpu.vector_store %arg18[%swap3A_1323], %mul3A_1322 {strides = array<i32>} : memref<640xf32, #tpu.memory_space<vmem>>, vector<16xf32>,
    %get3A_1325 = arith.constant 544 : index
    %get3A_1326 = tpu.vector_load %arg18[%get3A_1325] {strides = array<i32>} : memref<640xf32, #tpu.memory_space<vmem>>, vector<16xf32>,
    %get3A_1327 = arith.constant 544 : index
    %get3A_1328 = tpu.vector_load %arg19[%get3A_1327] {strides = array<i32>} : memref<640xf32, #tpu.memory_space<vmem>>, vector<16xf32>,
    %add3A_1329 = arith.addf %get3A_1326, %get3A_1328 : vector<16xf32>
    %add3A_1330 = arith.constant 1.000000e+00 : f32
    %add3A_1331 = vector.broadcast %add3A_1330 : f32 to vector<16xf32>
    %add3A_1332 = arith.addf %add3A_1329, %add3A_1331 : vector<16xf32>
    %bitcast3A_1333 = vector.bitcast %add3A_1332 : vector<16xf32> to vector<16xi32>
    %broadcast_in_dim3A_1334 = arith.constant 1597463007 : i32
    %broadcast_in_dim3A_1335 = vector.broadcast %broadcast_in_dim3A_1334 : i32 to vector<16xi32>
    %shift_right_logical3A_1336 = arith.constant 1 : i32
    %shift_right_logical3A_1337 = vector.broadcast %shift_right_logical3A_1336 : i32 to vector<16xi32>
    %shift_right_logical3A_1338 = arith.shrui %bitcast3A_1333, %shift_right_logical3A_1337 : vector<16xi32>
    %sub3A_1339 = arith.subi %broadcast_in_dim3A_1335, %shift_right_logical3A_1338 : vector<16xi32>
    %bitcast3A_1340 = vector.bitcast %sub3A_1339 : vector<16xi32> to vector<16xf32>
    %mul3A_1341 = arith.constant 5.000000e-01 : f32
    %mul3A_1342 = vector.broadcast %mul3A_1341 : f32 to vector<16xf32>
    %mul3A_1343 = arith.mulf %add3A_1332, %mul3A_1342 : vector<16xf32>
    %mul3A_1344 = arith.mulf %mul3A_1343, %bitcast3A_1340 : vector<16xf32>
    %mul3A_1345 = arith.mulf %mul3A_1344, %bitcast3A_1340 : vector<16xf32>
    %sub3A_1346 = arith.constant 1.500000e+00 : f32
    %sub3A_1347 = vector.broadcast %sub3A_1346 : f32 to vector<16xf32>
    %sub3A_1348 = arith.subf %sub3A_1347, %mul3A_1345 : vector<16xf32>
    %mul3A_1349 = arith.mulf %bitcast3A_1340, %sub3A_1348 : vector<16xf32>
    %mul3A_1350 = arith.mulf %mul3A_1343, %mul3A_1349 : vector<16xf32>
    %mul3A_1351 = arith.mulf %mul3A_1350, %mul3A_1349 : vector<16xf32>
    %sub3A_1352 = arith.constant 1.500000e+00 : f32
    %sub3A_1353 = vector.broadcast %sub3A_1352 : f32 to vector<16xf32>
    %sub3A_1354 = arith.subf %sub3A_1353, %mul3A_1351 : vector<16xf32>
    %mul3A_1355 = arith.mulf %mul3A_1349, %sub3A_1354 : vector<16xf32>
    %mul3A_1356 = arith.mulf %mul3A_1343, %mul3A_1355 : vector<16xf32>
    %mul3A_1357 = arith.mulf %mul3A_1356, %mul3A_1355 : vector<16xf32>
    %sub3A_1358 = arith.constant 1.500000e+00 : f32
    %sub3A_1359 = vector.broadcast %sub3A_1358 : f32 to vector<16xf32>
    %sub3A_1360 = arith.subf %sub3A_1359, %mul3A_1357 : vector<16xf32>
    %mul3A_1361 = arith.mulf %mul3A_1355, %sub3A_1360 : vector<16xf32>
    %swap3A_1362 = arith.constant 544 : index
    %swap3A_1363 = tpu.vector_load %arg18[%swap3A_1362] {strides = array<i32>} : memref<640xf32, #tpu.memory_space<vmem>>, vector<16xf32>,
    tpu.vector_store %arg18[%swap3A_1362], %mul3A_1361 {strides = array<i32>} : memref<640xf32, #tpu.memory_space<vmem>>, vector<16xf32>,
    %get3A_1364 = arith.constant 560 : index
    %get3A_1365 = tpu.vector_load %arg18[%get3A_1364] {strides = array<i32>} : memref<640xf32, #tpu.memory_space<vmem>>, vector<16xf32>,
    %get3A_1366 = arith.constant 560 : index
    %get3A_1367 = tpu.vector_load %arg19[%get3A_1366] {strides = array<i32>} : memref<640xf32, #tpu.memory_space<vmem>>, vector<16xf32>,
    %add3A_1368 = arith.addf %get3A_1365, %get3A_1367 : vector<16xf32>
    %add3A_1369 = arith.constant 1.000000e+00 : f32
    %add3A_1370 = vector.broadcast %add3A_1369 : f32 to vector<16xf32>
    %add3A_1371 = arith.addf %add3A_1368, %add3A_1370 : vector<16xf32>
    %bitcast3A_1372 = vector.bitcast %add3A_1371 : vector<16xf32> to vector<16xi32>
    %broadcast_in_dim3A_1373 = arith.constant 1597463007 : i32
    %broadcast_in_dim3A_1374 = vector.broadcast %broadcast_in_dim3A_1373 : i32 to vector<16xi32>
    %shift_right_logical3A_1375 = arith.constant 1 : i32
    %shift_right_logical3A_1376 = vector.broadcast %shift_right_logical3A_1375 : i32 to vector<16xi32>
    %shift_right_logical3A_1377 = arith.shrui %bitcast3A_1372, %shift_right_logical3A_1376 : vector<16xi32>
    %sub3A_1378 = arith.subi %broadcast_in_dim3A_1374, %shift_right_logical3A_1377 : vector<16xi32>
    %bitcast3A_1379 = vector.bitcast %sub3A_1378 : vector<16xi32> to vector<16xf32>
    %mul3A_1380 = arith.constant 5.000000e-01 : f32
    %mul3A_1381 = vector.broadcast %mul3A_1380 : f32 to vector<16xf32>
    %mul3A_1382 = arith.mulf %add3A_1371, %mul3A_1381 : vector<16xf32>
    %mul3A_1383 = arith.mulf %mul3A_1382, %bitcast3A_1379 : vector<16xf32>
    %mul3A_1384 = arith.mulf %mul3A_1383, %bitcast3A_1379 : vector<16xf32>
    %sub3A_1385 = arith.constant 1.500000e+00 : f32
    %sub3A_1386 = vector.broadcast %sub3A_1385 : f32 to vector<16xf32>
    %sub3A_1387 = arith.subf %sub3A_1386, %mul3A_1384 : vector<16xf32>
    %mul3A_1388 = arith.mulf %bitcast3A_1379, %sub3A_1387 : vector<16xf32>
    %mul3A_1389 = arith.mulf %mul3A_1382, %mul3A_1388 : vector<16xf32>
    %mul3A_1390 = arith.mulf %mul3A_1389, %mul3A_1388 : vector<16xf32>
    %sub3A_1391 = arith.constant 1.500000e+00 : f32
    %sub3A_1392 = vector.broadcast %sub3A_1391 : f32 to vector<16xf32>
    %sub3A_1393 = arith.subf %sub3A_1392, %mul3A_1390 : vector<16xf32>
    %mul3A_1394 = arith.mulf %mul3A_1388, %sub3A_1393 : vector<16xf32>
    %mul3A_1395 = arith.mulf %mul3A_1382, %mul3A_1394 : vector<16xf32>
    %mul3A_1396 = arith.mulf %mul3A_1395, %mul3A_1394 : vector<16xf32>
    %sub3A_1397 = arith.constant 1.500000e+00 : f32
    %sub3A_1398 = vector.broadcast %sub3A_1397 : f32 to vector<16xf32>
    %sub3A_1399 = arith.subf %sub3A_1398, %mul3A_1396 : vector<16xf32>
    %mul3A_1400 = arith.mulf %mul3A_1394, %sub3A_1399 : vector<16xf32>
    %swap3A_1401 = arith.constant 560 : index
    %swap3A_1402 = tpu.vector_load %arg18[%swap3A_1401] {strides = array<i32>} : memref<640xf32, #tpu.memory_space<vmem>>, vector<16xf32>,
    tpu.vector_store %arg18[%swap3A_1401], %mul3A_1400 {strides = array<i32>} : memref<640xf32, #tpu.memory_space<vmem>>, vector<16xf32>,
    %get3A_1403 = arith.constant 576 : index
    %get3A_1404 = tpu.vector_load %arg18[%get3A_1403] {strides = array<i32>} : memref<640xf32, #tpu.memory_space<vmem>>, vector<16xf32>,
    %get3A_1405 = arith.constant 576 : index
    %get3A_1406 = tpu.vector_load %arg19[%get3A_1405] {strides = array<i32>} : memref<640xf32, #tpu.memory_space<vmem>>, vector<16xf32>,
    %add3A_1407 = arith.addf %get3A_1404, %get3A_1406 : vector<16xf32>
    %add3A_1408 = arith.constant 1.000000e+00 : f32
    %add3A_1409 = vector.broadcast %add3A_1408 : f32 to vector<16xf32>
    %add3A_1410 = arith.addf %add3A_1407, %add3A_1409 : vector<16xf32>
    %bitcast3A_1411 = vector.bitcast %add3A_1410 : vector<16xf32> to vector<16xi32>
    %broadcast_in_dim3A_1412 = arith.constant 1597463007 : i32
    %broadcast_in_dim3A_1413 = vector.broadcast %broadcast_in_dim3A_1412 : i32 to vector<16xi32>
    %shift_right_logical3A_1414 = arith.constant 1 : i32
    %shift_right_logical3A_1415 = vector.broadcast %shift_right_logical3A_1414 : i32 to vector<16xi32>
    %shift_right_logical3A_1416 = arith.shrui %bitcast3A_1411, %shift_right_logical3A_1415 : vector<16xi32>
    %sub3A_1417 = arith.subi %broadcast_in_dim3A_1413, %shift_right_logical3A_1416 : vector<16xi32>
    %bitcast3A_1418 = vector.bitcast %sub3A_1417 : vector<16xi32> to vector<16xf32>
    %mul3A_1419 = arith.constant 5.000000e-01 : f32
    %mul3A_1420 = vector.broadcast %mul3A_1419 : f32 to vector<16xf32>
    %mul3A_1421 = arith.mulf %add3A_1410, %mul3A_1420 : vector<16xf32>
    %mul3A_1422 = arith.mulf %mul3A_1421, %bitcast3A_1418 : vector<16xf32>
    %mul3A_1423 = arith.mulf %mul3A_1422, %bitcast3A_1418 : vector<16xf32>
    %sub3A_1424 = arith.constant 1.500000e+00 : f32
    %sub3A_1425 = vector.broadcast %sub3A_1424 : f32 to vector<16xf32>
    %sub3A_1426 = arith.subf %sub3A_1425, %mul3A_1423 : vector<16xf32>
    %mul3A_1427 = arith.mulf %bitcast3A_1418, %sub3A_1426 : vector<16xf32>
    %mul3A_1428 = arith.mulf %mul3A_1421, %mul3A_1427 : vector<16xf32>
    %mul3A_1429 = arith.mulf %mul3A_1428, %mul3A_1427 : vector<16xf32>
    %sub3A_1430 = arith.constant 1.500000e+00 : f32
    %sub3A_1431 = vector.broadcast %sub3A_1430 : f32 to vector<16xf32>
    %sub3A_1432 = arith.subf %sub3A_1431, %mul3A_1429 : vector<16xf32>
    %mul3A_1433 = arith.mulf %mul3A_1427, %sub3A_1432 : vector<16xf32>
    %mul3A_1434 = arith.mulf %mul3A_1421, %mul3A_1433 : vector<16xf32>
    %mul3A_1435 = arith.mulf %mul3A_1434, %mul3A_1433 : vector<16xf32>
    %sub3A_1436 = arith.constant 1.500000e+00 : f32
    %sub3A_1437 = vector.broadcast %sub3A_1436 : f32 to vector<16xf32>
    %sub3A_1438 = arith.subf %sub3A_1437, %mul3A_1435 : vector<16xf32>
    %mul3A_1439 = arith.mulf %mul3A_1433, %sub3A_1438 : vector<16xf32>
    %swap3A_1440 = arith.constant 576 : index
    %swap3A_1441 = tpu.vector_load %arg18[%swap3A_1440] {strides = array<i32>} : memref<640xf32, #tpu.memory_space<vmem>>, vector<16xf32>,
    tpu.vector_store %arg18[%swap3A_1440], %mul3A_1439 {strides = array<i32>} : memref<640xf32, #tpu.memory_space<vmem>>, vector<16xf32>,
    %get3A_1442 = arith.constant 592 : index
    %get3A_1443 = tpu.vector_load %arg18[%get3A_1442] {strides = array<i32>} : memref<640xf32, #tpu.memory_space<vmem>>, vector<16xf32>,
    %get3A_1444 = arith.constant 592 : index
    %get3A_1445 = tpu.vector_load %arg19[%get3A_1444] {strides = array<i32>} : memref<640xf32, #tpu.memory_space<vmem>>, vector<16xf32>,
    %add3A_1446 = arith.addf %get3A_1443, %get3A_1445 : vector<16xf32>
    %add3A_1447 = arith.constant 1.000000e+00 : f32
    %add3A_1448 = vector.broadcast %add3A_1447 : f32 to vector<16xf32>
    %add3A_1449 = arith.addf %add3A_1446, %add3A_1448 : vector<16xf32>
    %bitcast3A_1450 = vector.bitcast %add3A_1449 : vector<16xf32> to vector<16xi32>
    %broadcast_in_dim3A_1451 = arith.constant 1597463007 : i32
    %broadcast_in_dim3A_1452 = vector.broadcast %broadcast_in_dim3A_1451 : i32 to vector<16xi32>
    %shift_right_logical3A_1453 = arith.constant 1 : i32
    %shift_right_logical3A_1454 = vector.broadcast %shift_right_logical3A_1453 : i32 to vector<16xi32>
    %shift_right_logical3A_1455 = arith.shrui %bitcast3A_1450, %shift_right_logical3A_1454 : vector<16xi32>
    %sub3A_1456 = arith.subi %broadcast_in_dim3A_1452, %shift_right_logical3A_1455 : vector<16xi32>
    %bitcast3A_1457 = vector.bitcast %sub3A_1456 : vector<16xi32> to vector<16xf32>
    %mul3A_1458 = arith.constant 5.000000e-01 : f32
    %mul3A_1459 = vector.broadcast %mul3A_1458 : f32 to vector<16xf32>
    %mul3A_1460 = arith.mulf %add3A_1449, %mul3A_1459 : vector<16xf32>
    %mul3A_1461 = arith.mulf %mul3A_1460, %bitcast3A_1457 : vector<16xf32>
    %mul3A_1462 = arith.mulf %mul3A_1461, %bitcast3A_1457 : vector<16xf32>
    %sub3A_1463 = arith.constant 1.500000e+00 : f32
    %sub3A_1464 = vector.broadcast %sub3A_1463 : f32 to vector<16xf32>
    %sub3A_1465 = arith.subf %sub3A_1464, %mul3A_1462 : vector<16xf32>
    %mul3A_1466 = arith.mulf %bitcast3A_1457, %sub3A_1465 : vector<16xf32>
    %mul3A_1467 = arith.mulf %mul3A_1460, %mul3A_1466 : vector<16xf32>
    %mul3A_1468 = arith.mulf %mul3A_1467, %mul3A_1466 : vector<16xf32>
    %sub3A_1469 = arith.constant 1.500000e+00 : f32
    %sub3A_1470 = vector.broadcast %sub3A_1469 : f32 to vector<16xf32>
    %sub3A_1471 = arith.subf %sub3A_1470, %mul3A_1468 : vector<16xf32>
    %mul3A_1472 = arith.mulf %mul3A_1466, %sub3A_1471 : vector<16xf32>
    %mul3A_1473 = arith.mulf %mul3A_1460, %mul3A_1472 : vector<16xf32>
    %mul3A_1474 = arith.mulf %mul3A_1473, %mul3A_1472 : vector<16xf32>
    %sub3A_1475 = arith.constant 1.500000e+00 : f32
    %sub3A_1476 = vector.broadcast %sub3A_1475 : f32 to vector<16xf32>
    %sub3A_1477 = arith.subf %sub3A_1476, %mul3A_1474 : vector<16xf32>
    %mul3A_1478 = arith.mulf %mul3A_1472, %sub3A_1477 : vector<16xf32>
    %swap3A_1479 = arith.constant 592 : index
    %swap3A_1480 = tpu.vector_load %arg18[%swap3A_1479] {strides = array<i32>} : memref<640xf32, #tpu.memory_space<vmem>>, vector<16xf32>,
    tpu.vector_store %arg18[%swap3A_1479], %mul3A_1478 {strides = array<i32>} : memref<640xf32, #tpu.memory_space<vmem>>, vector<16xf32>,
    %get3A_1481 = arith.constant 608 : index
    %get3A_1482 = tpu.vector_load %arg18[%get3A_1481] {strides = array<i32>} : memref<640xf32, #tpu.memory_space<vmem>>, vector<16xf32>,
    %get3A_1483 = arith.constant 608 : index
    %get3A_1484 = tpu.vector_load %arg19[%get3A_1483] {strides = array<i32>} : memref<640xf32, #tpu.memory_space<vmem>>, vector<16xf32>,
    %add3A_1485 = arith.addf %get3A_1482, %get3A_1484 : vector<16xf32>
    %add3A_1486 = arith.constant 1.000000e+00 : f32
    %add3A_1487 = vector.broadcast %add3A_1486 : f32 to vector<16xf32>
    %add3A_1488 = arith.addf %add3A_1485, %add3A_1487 : vector<16xf32>
    %bitcast3A_1489 = vector.bitcast %add3A_1488 : vector<16xf32> to vector<16xi32>
    %broadcast_in_dim3A_1490 = arith.constant 1597463007 : i32
    %broadcast_in_dim3A_1491 = vector.broadcast %broadcast_in_dim3A_1490 : i32 to vector<16xi32>
    %shift_right_logical3A_1492 = arith.constant 1 : i32
    %shift_right_logical3A_1493 = vector.broadcast %shift_right_logical3A_1492 : i32 to vector<16xi32>
    %shift_right_logical3A_1494 = arith.shrui %bitcast3A_1489, %shift_right_logical3A_1493 : vector<16xi32>
    %sub3A_1495 = arith.subi %broadcast_in_dim3A_1491, %shift_right_logical3A_1494 : vector<16xi32>
    %bitcast3A_1496 = vector.bitcast %sub3A_1495 : vector<16xi32> to vector<16xf32>
    %mul3A_1497 = arith.constant 5.000000e-01 : f32
    %mul3A_1498 = vector.broadcast %mul3A_1497 : f32 to vector<16xf32>
    %mul3A_1499 = arith.mulf %add3A_1488, %mul3A_1498 : vector<16xf32>
    %mul3A_1500 = arith.mulf %mul3A_1499, %bitcast3A_1496 : vector<16xf32>
    %mul3A_1501 = arith.mulf %mul3A_1500, %bitcast3A_1496 : vector<16xf32>
    %sub3A_1502 = arith.constant 1.500000e+00 : f32
    %sub3A_1503 = vector.broadcast %sub3A_1502 : f32 to vector<16xf32>
    %sub3A_1504 = arith.subf %sub3A_1503, %mul3A_1501 : vector<16xf32>
    %mul3A_1505 = arith.mulf %bitcast3A_1496, %sub3A_1504 : vector<16xf32>
    %mul3A_1506 = arith.mulf %mul3A_1499, %mul3A_1505 : vector<16xf32>
    %mul3A_1507 = arith.mulf %mul3A_1506, %mul3A_1505 : vector<16xf32>
    %sub3A_1508 = arith.constant 1.500000e+00 : f32
    %sub3A_1509 = vector.broadcast %sub3A_1508 : f32 to vector<16xf32>
    %sub3A_1510 = arith.subf %sub3A_1509, %mul3A_1507 : vector<16xf32>
    %mul3A_1511 = arith.mulf %mul3A_1505, %sub3A_1510 : vector<16xf32>
    %mul3A_1512 = arith.mulf %mul3A_1499, %mul3A_1511 : vector<16xf32>
    %mul3A_1513 = arith.mulf %mul3A_1512, %mul3A_1511 : vector<16xf32>
    %sub3A_1514 = arith.constant 1.500000e+00 : f32
    %sub3A_1515 = vector.broadcast %sub3A_1514 : f32 to vector<16xf32>
    %sub3A_1516 = arith.subf %sub3A_1515, %mul3A_1513 : vector<16xf32>
    %mul3A_1517 = arith.mulf %mul3A_1511, %sub3A_1516 : vector<16xf32>
    %swap3A_1518 = arith.constant 608 : index
    %swap3A_1519 = tpu.vector_load %arg18[%swap3A_1518] {strides = array<i32>} : memref<640xf32, #tpu.memory_space<vmem>>, vector<16xf32>,
    tpu.vector_store %arg18[%swap3A_1518], %mul3A_1517 {strides = array<i32>} : memref<640xf32, #tpu.memory_space<vmem>>, vector<16xf32>,
    %get3A_1520 = arith.constant 624 : index
    %get3A_1521 = tpu.vector_load %arg18[%get3A_1520] {strides = array<i32>} : memref<640xf32, #tpu.memory_space<vmem>>, vector<16xf32>,
    %get3A_1522 = arith.constant 624 : index
    %get3A_1523 = tpu.vector_load %arg19[%get3A_1522] {strides = array<i32>} : memref<640xf32, #tpu.memory_space<vmem>>, vector<16xf32>,
    %add3A_1524 = arith.addf %get3A_1521, %get3A_1523 : vector<16xf32>
    %add3A_1525 = arith.constant 1.000000e+00 : f32
    %add3A_1526 = vector.broadcast %add3A_1525 : f32 to vector<16xf32>
    %add3A_1527 = arith.addf %add3A_1524, %add3A_1526 : vector<16xf32>
    %bitcast3A_1528 = vector.bitcast %add3A_1527 : vector<16xf32> to vector<16xi32>
    %broadcast_in_dim3A_1529 = arith.constant 1597463007 : i32
    %broadcast_in_dim3A_1530 = vector.broadcast %broadcast_in_dim3A_1529 : i32 to vector<16xi32>
    %shift_right_logical3A_1531 = arith.constant 1 : i32
    %shift_right_logical3A_1532 = vector.broadcast %shift_right_logical3A_1531 : i32 to vector<16xi32>
    %shift_right_logical3A_1533 = arith.shrui %bitcast3A_1528, %shift_right_logical3A_1532 : vector<16xi32>
    %sub3A_1534 = arith.subi %broadcast_in_dim3A_1530, %shift_right_logical3A_1533 : vector<16xi32>
    %bitcast3A_1535 = vector.bitcast %sub3A_1534 : vector<16xi32> to vector<16xf32>
    %mul3A_1536 = arith.constant 5.000000e-01 : f32
    %mul3A_1537 = vector.broadcast %mul3A_1536 : f32 to vector<16xf32>
    %mul3A_1538 = arith.mulf %add3A_1527, %mul3A_1537 : vector<16xf32>
    %mul3A_1539 = arith.mulf %mul3A_1538, %bitcast3A_1535 : vector<16xf32>
    %mul3A_1540 = arith.mulf %mul3A_1539, %bitcast3A_1535 : vector<16xf32>
    %sub3A_1541 = arith.constant 1.500000e+00 : f32
    %sub3A_1542 = vector.broadcast %sub3A_1541 : f32 to vector<16xf32>
    %sub3A_1543 = arith.subf %sub3A_1542, %mul3A_1540 : vector<16xf32>
    %mul3A_1544 = arith.mulf %bitcast3A_1535, %sub3A_1543 : vector<16xf32>
    %mul3A_1545 = arith.mulf %mul3A_1538, %mul3A_1544 : vector<16xf32>
    %mul3A_1546 = arith.mulf %mul3A_1545, %mul3A_1544 : vector<16xf32>
    %sub3A_1547 = arith.constant 1.500000e+00 : f32
    %sub3A_1548 = vector.broadcast %sub3A_1547 : f32 to vector<16xf32>
    %sub3A_1549 = arith.subf %sub3A_1548, %mul3A_1546 : vector<16xf32>
    %mul3A_1550 = arith.mulf %mul3A_1544, %sub3A_1549 : vector<16xf32>
    %mul3A_1551 = arith.mulf %mul3A_1538, %mul3A_1550 : vector<16xf32>
    %mul3A_1552 = arith.mulf %mul3A_1551, %mul3A_1550 : vector<16xf32>
    %sub3A_1553 = arith.constant 1.500000e+00 : f32
    %sub3A_1554 = vector.broadcast %sub3A_1553 : f32 to vector<16xf32>
    %sub3A_1555 = arith.subf %sub3A_1554, %mul3A_1552 : vector<16xf32>
    %mul3A_1556 = arith.mulf %mul3A_1550, %sub3A_1555 : vector<16xf32>
    %swap3A_1557 = arith.constant 624 : index
    %swap3A_1558 = tpu.vector_load %arg18[%swap3A_1557] {strides = array<i32>} : memref<640xf32, #tpu.memory_space<vmem>>, vector<16xf32>,
    tpu.vector_store %arg18[%swap3A_1557], %mul3A_1556 {strides = array<i32>} : memref<640xf32, #tpu.memory_space<vmem>>, vector<16xf32>,
    "tpu.region"() ({
      %run_scoped3A = tpu.sem_alloc : memref<!tpu.dma_semaphore, #tpu.memory_space<semaphore_mem>>
      %dma_start3A_1634 = tpu.memref_slice %arg29[%mul3A_2] : memref<10240xf32, #tpu.memory_space<vmem_shared>> -> memref<640xf32, #tpu.memory_space<vmem_shared>>
      %dma_start3A_1635 = tpu.memref_slice %arg29[%mul3A_2] : memref<10240xf32, #tpu.memory_space<vmem_shared>> -> memref<640xf32, #tpu.memory_space<vmem_shared>>
      tpu.enqueue_dma source(%arg18 : memref<640xf32, #tpu.memory_space<vmem>>) target(%dma_start3A_1635 : memref<640xf32, #tpu.memory_space<vmem_shared>>) target_semaphore(%run_scoped3A : memref<!tpu.dma_semaphore, #tpu.memory_space<semaphore_mem>>)
      %dma_wait3A_1636 = tpu.memref_slice %arg29[%mul3A_2] : memref<10240xf32, #tpu.memory_space<vmem_shared>> -> memref<640xf32, #tpu.memory_space<vmem_shared>>
      %dma_wait3A_1637 = tpu.memref_slice %arg29[%mul3A_2] : memref<10240xf32, #tpu.memory_space<vmem_shared>> -> memref<640xf32, #tpu.memory_space<vmem_shared>>
      tpu.wait_dma2 semaphore(%run_scoped3A : memref<!tpu.dma_semaphore, #tpu.memory_space<semaphore_mem>>) src(%arg18 : memref<640xf32, #tpu.memory_space<vmem>>) dst(%dma_wait3A_1637 : memref<640xf32, #tpu.memory_space<vmem_shared>>)
      tpu.yield
    }) : () -> ()
    "tpu.region"() ({
      %run_scoped3A = tpu.sem_alloc : memref<!tpu.dma_semaphore, #tpu.memory_space<semaphore_mem>>
      tpu.enqueue_dma source(%arg7 : memref<128x128xf32, #tpu.memory_space<hbm>>) target(%arg21 : memref<128x128xf32, #tpu.memory_space<vmem>>) target_semaphore(%run_scoped3A : memref<!tpu.dma_semaphore, #tpu.memory_space<semaphore_mem>>)
      tpu.wait_dma2 semaphore(%run_scoped3A : memref<!tpu.dma_semaphore, #tpu.memory_space<semaphore_mem>>) src(%arg7 : memref<128x128xf32, #tpu.memory_space<hbm>>) dst(%arg21 : memref<128x128xf32, #tpu.memory_space<vmem>>)
      tpu.yield
    }) : () -> ()
    %mul3A_1559 = arith.constant 640 : i32
    %mul3A_1560 = arith.muli %arg1, %mul3A_1559 : i32
    %add3A_1561 = arith.constant 0 : i32
    %add3A_1562 = arith.addi %mul3A_1560, %add3A_1561 : i32
    "tpu.region"() ({
      %run_scoped3A = tpu.sem_alloc : memref<!tpu.dma_semaphore, #tpu.memory_space<semaphore_mem>>
      %dma_start3A_1634 = arith.constant 0 : i32
      %dma_start3A_1635 = arith.constant 0 : i32
      %dma_start3A_1636 = tpu.memref_slice %arg21[%dma_start3A_1634, %dma_start3A_1635] : memref<128x128xf32, #tpu.memory_space<vmem>> -> memref<128x128xf32, #tpu.memory_space<vmem>>
      %dma_start3A_1637 = arith.constant 0 : i32
      %dma_start3A_1638 = tpu.memref_slice %arg30[%add3A_1562, %dma_start3A_1637] : memref<10240x128xf32, #tpu.memory_space<vmem_shared>> -> memref<128x128xf32, #tpu.memory_space<vmem_shared>>
      %dma_start3A_1639 = arith.constant 0 : i32
      %dma_start3A_1640 = tpu.memref_slice %arg30[%add3A_1562, %dma_start3A_1639] : memref<10240x128xf32, #tpu.memory_space<vmem_shared>> -> memref<128x128xf32, #tpu.memory_space<vmem_shared>>
      %dma_start3A_1641 = arith.constant 0 : i32
      %dma_start3A_1642 = arith.constant 0 : i32
      %dma_start3A_1643 = tpu.memref_slice %arg21[%dma_start3A_1641, %dma_start3A_1642] : memref<128x128xf32, #tpu.memory_space<vmem>> -> memref<128x128xf32, #tpu.memory_space<vmem>>
      tpu.enqueue_dma source(%dma_start3A_1643 : memref<128x128xf32, #tpu.memory_space<vmem>>) target(%dma_start3A_1640 : memref<128x128xf32, #tpu.memory_space<vmem_shared>>) target_semaphore(%run_scoped3A : memref<!tpu.dma_semaphore, #tpu.memory_space<semaphore_mem>>)
      %dma_wait3A_1644 = arith.constant 0 : i32
      %dma_wait3A_1645 = arith.constant 0 : i32
      %dma_wait3A_1646 = tpu.memref_slice %arg21[%dma_wait3A_1644, %dma_wait3A_1645] : memref<128x128xf32, #tpu.memory_space<vmem>> -> memref<128x128xf32, #tpu.memory_space<vmem>>
      %dma_wait3A_1647 = arith.constant 0 : i32
      %dma_wait3A_1648 = tpu.memref_slice %arg30[%add3A_1562, %dma_wait3A_1647] : memref<10240x128xf32, #tpu.memory_space<vmem_shared>> -> memref<128x128xf32, #tpu.memory_space<vmem_shared>>
      %dma_wait3A_1649 = arith.constant 0 : i32
      %dma_wait3A_1650 = tpu.memref_slice %arg30[%add3A_1562, %dma_wait3A_1649] : memref<10240x128xf32, #tpu.memory_space<vmem_shared>> -> memref<128x128xf32, #tpu.memory_space<vmem_shared>>
      %dma_wait3A_1651 = arith.constant 0 : i32
      %dma_wait3A_1652 = arith.constant 0 : i32
      %dma_wait3A_1653 = tpu.memref_slice %arg21[%dma_wait3A_1651, %dma_wait3A_1652] : memref<128x128xf32, #tpu.memory_space<vmem>> -> memref<128x128xf32, #tpu.memory_space<vmem>>
      tpu.wait_dma2 semaphore(%run_scoped3A : memref<!tpu.dma_semaphore, #tpu.memory_space<semaphore_mem>>) src(%dma_wait3A_1653 : memref<128x128xf32, #tpu.memory_space<vmem>>) dst(%dma_wait3A_1650 : memref<128x128xf32, #tpu.memory_space<vmem_shared>>)
      tpu.yield
    }) : () -> ()
    %mul3A_1563 = arith.constant 640 : i32
    %mul3A_1564 = arith.muli %arg1, %mul3A_1563 : i32
    %add3A_1565 = arith.constant 128 : i32
    %add3A_1566 = arith.addi %mul3A_1564, %add3A_1565 : i32
    "tpu.region"() ({
      %run_scoped3A = tpu.sem_alloc : memref<!tpu.dma_semaphore, #tpu.memory_space<semaphore_mem>>
      %dma_start3A_1634 = arith.constant 0 : i32
      %dma_start3A_1635 = arith.constant 0 : i32
      %dma_start3A_1636 = tpu.memref_slice %arg21[%dma_start3A_1634, %dma_start3A_1635] : memref<128x128xf32, #tpu.memory_space<vmem>> -> memref<128x128xf32, #tpu.memory_space<vmem>>
      %dma_start3A_1637 = arith.constant 0 : i32
      %dma_start3A_1638 = tpu.memref_slice %arg30[%add3A_1566, %dma_start3A_1637] : memref<10240x128xf32, #tpu.memory_space<vmem_shared>> -> memref<128x128xf32, #tpu.memory_space<vmem_shared>>
      %dma_start3A_1639 = arith.constant 0 : i32
      %dma_start3A_1640 = tpu.memref_slice %arg30[%add3A_1566, %dma_start3A_1639] : memref<10240x128xf32, #tpu.memory_space<vmem_shared>> -> memref<128x128xf32, #tpu.memory_space<vmem_shared>>
      %dma_start3A_1641 = arith.constant 0 : i32
      %dma_start3A_1642 = arith.constant 0 : i32
      %dma_start3A_1643 = tpu.memref_slice %arg21[%dma_start3A_1641, %dma_start3A_1642] : memref<128x128xf32, #tpu.memory_space<vmem>> -> memref<128x128xf32, #tpu.memory_space<vmem>>
      tpu.enqueue_dma source(%dma_start3A_1643 : memref<128x128xf32, #tpu.memory_space<vmem>>) target(%dma_start3A_1640 : memref<128x128xf32, #tpu.memory_space<vmem_shared>>) target_semaphore(%run_scoped3A : memref<!tpu.dma_semaphore, #tpu.memory_space<semaphore_mem>>)
      %dma_wait3A_1644 = arith.constant 0 : i32
      %dma_wait3A_1645 = arith.constant 0 : i32
      %dma_wait3A_1646 = tpu.memref_slice %arg21[%dma_wait3A_1644, %dma_wait3A_1645] : memref<128x128xf32, #tpu.memory_space<vmem>> -> memref<128x128xf32, #tpu.memory_space<vmem>>
      %dma_wait3A_1647 = arith.constant 0 : i32
      %dma_wait3A_1648 = tpu.memref_slice %arg30[%add3A_1566, %dma_wait3A_1647] : memref<10240x128xf32, #tpu.memory_space<vmem_shared>> -> memref<128x128xf32, #tpu.memory_space<vmem_shared>>
      %dma_wait3A_1649 = arith.constant 0 : i32
      %dma_wait3A_1650 = tpu.memref_slice %arg30[%add3A_1566, %dma_wait3A_1649] : memref<10240x128xf32, #tpu.memory_space<vmem_shared>> -> memref<128x128xf32, #tpu.memory_space<vmem_shared>>
      %dma_wait3A_1651 = arith.constant 0 : i32
      %dma_wait3A_1652 = arith.constant 0 : i32
      %dma_wait3A_1653 = tpu.memref_slice %arg21[%dma_wait3A_1651, %dma_wait3A_1652] : memref<128x128xf32, #tpu.memory_space<vmem>> -> memref<128x128xf32, #tpu.memory_space<vmem>>
      tpu.wait_dma2 semaphore(%run_scoped3A : memref<!tpu.dma_semaphore, #tpu.memory_space<semaphore_mem>>) src(%dma_wait3A_1653 : memref<128x128xf32, #tpu.memory_space<vmem>>) dst(%dma_wait3A_1650 : memref<128x128xf32, #tpu.memory_space<vmem_shared>>)
      tpu.yield
    }) : () -> ()
    %mul3A_1567 = arith.constant 640 : i32
    %mul3A_1568 = arith.muli %arg1, %mul3A_1567 : i32
    %add3A_1569 = arith.constant 256 : i32
    %add3A_1570 = arith.addi %mul3A_1568, %add3A_1569 : i32
    "tpu.region"() ({
      %run_scoped3A = tpu.sem_alloc : memref<!tpu.dma_semaphore, #tpu.memory_space<semaphore_mem>>
      %dma_start3A_1634 = arith.constant 0 : i32
      %dma_start3A_1635 = arith.constant 0 : i32
      %dma_start3A_1636 = tpu.memref_slice %arg21[%dma_start3A_1634, %dma_start3A_1635] : memref<128x128xf32, #tpu.memory_space<vmem>> -> memref<128x128xf32, #tpu.memory_space<vmem>>
      %dma_start3A_1637 = arith.constant 0 : i32
      %dma_start3A_1638 = tpu.memref_slice %arg30[%add3A_1570, %dma_start3A_1637] : memref<10240x128xf32, #tpu.memory_space<vmem_shared>> -> memref<128x128xf32, #tpu.memory_space<vmem_shared>>
      %dma_start3A_1639 = arith.constant 0 : i32
      %dma_start3A_1640 = tpu.memref_slice %arg30[%add3A_1570, %dma_start3A_1639] : memref<10240x128xf32, #tpu.memory_space<vmem_shared>> -> memref<128x128xf32, #tpu.memory_space<vmem_shared>>
      %dma_start3A_1641 = arith.constant 0 : i32
      %dma_start3A_1642 = arith.constant 0 : i32
      %dma_start3A_1643 = tpu.memref_slice %arg21[%dma_start3A_1641, %dma_start3A_1642] : memref<128x128xf32, #tpu.memory_space<vmem>> -> memref<128x128xf32, #tpu.memory_space<vmem>>
      tpu.enqueue_dma source(%dma_start3A_1643 : memref<128x128xf32, #tpu.memory_space<vmem>>) target(%dma_start3A_1640 : memref<128x128xf32, #tpu.memory_space<vmem_shared>>) target_semaphore(%run_scoped3A : memref<!tpu.dma_semaphore, #tpu.memory_space<semaphore_mem>>)
      %dma_wait3A_1644 = arith.constant 0 : i32
      %dma_wait3A_1645 = arith.constant 0 : i32
      %dma_wait3A_1646 = tpu.memref_slice %arg21[%dma_wait3A_1644, %dma_wait3A_1645] : memref<128x128xf32, #tpu.memory_space<vmem>> -> memref<128x128xf32, #tpu.memory_space<vmem>>
      %dma_wait3A_1647 = arith.constant 0 : i32
      %dma_wait3A_1648 = tpu.memref_slice %arg30[%add3A_1570, %dma_wait3A_1647] : memref<10240x128xf32, #tpu.memory_space<vmem_shared>> -> memref<128x128xf32, #tpu.memory_space<vmem_shared>>
      %dma_wait3A_1649 = arith.constant 0 : i32
      %dma_wait3A_1650 = tpu.memref_slice %arg30[%add3A_1570, %dma_wait3A_1649] : memref<10240x128xf32, #tpu.memory_space<vmem_shared>> -> memref<128x128xf32, #tpu.memory_space<vmem_shared>>
      %dma_wait3A_1651 = arith.constant 0 : i32
      %dma_wait3A_1652 = arith.constant 0 : i32
      %dma_wait3A_1653 = tpu.memref_slice %arg21[%dma_wait3A_1651, %dma_wait3A_1652] : memref<128x128xf32, #tpu.memory_space<vmem>> -> memref<128x128xf32, #tpu.memory_space<vmem>>
      tpu.wait_dma2 semaphore(%run_scoped3A : memref<!tpu.dma_semaphore, #tpu.memory_space<semaphore_mem>>) src(%dma_wait3A_1653 : memref<128x128xf32, #tpu.memory_space<vmem>>) dst(%dma_wait3A_1650 : memref<128x128xf32, #tpu.memory_space<vmem_shared>>)
      tpu.yield
    }) : () -> ()
    %mul3A_1571 = arith.constant 640 : i32
    %mul3A_1572 = arith.muli %arg1, %mul3A_1571 : i32
    %add3A_1573 = arith.constant 384 : i32
    %add3A_1574 = arith.addi %mul3A_1572, %add3A_1573 : i32
    "tpu.region"() ({
      %run_scoped3A = tpu.sem_alloc : memref<!tpu.dma_semaphore, #tpu.memory_space<semaphore_mem>>
      %dma_start3A_1634 = arith.constant 0 : i32
      %dma_start3A_1635 = arith.constant 0 : i32
      %dma_start3A_1636 = tpu.memref_slice %arg21[%dma_start3A_1634, %dma_start3A_1635] : memref<128x128xf32, #tpu.memory_space<vmem>> -> memref<128x128xf32, #tpu.memory_space<vmem>>
      %dma_start3A_1637 = arith.constant 0 : i32
      %dma_start3A_1638 = tpu.memref_slice %arg30[%add3A_1574, %dma_start3A_1637] : memref<10240x128xf32, #tpu.memory_space<vmem_shared>> -> memref<128x128xf32, #tpu.memory_space<vmem_shared>>
      %dma_start3A_1639 = arith.constant 0 : i32
      %dma_start3A_1640 = tpu.memref_slice %arg30[%add3A_1574, %dma_start3A_1639] : memref<10240x128xf32, #tpu.memory_space<vmem_shared>> -> memref<128x128xf32, #tpu.memory_space<vmem_shared>>
      %dma_start3A_1641 = arith.constant 0 : i32
      %dma_start3A_1642 = arith.constant 0 : i32
      %dma_start3A_1643 = tpu.memref_slice %arg21[%dma_start3A_1641, %dma_start3A_1642] : memref<128x128xf32, #tpu.memory_space<vmem>> -> memref<128x128xf32, #tpu.memory_space<vmem>>
      tpu.enqueue_dma source(%dma_start3A_1643 : memref<128x128xf32, #tpu.memory_space<vmem>>) target(%dma_start3A_1640 : memref<128x128xf32, #tpu.memory_space<vmem_shared>>) target_semaphore(%run_scoped3A : memref<!tpu.dma_semaphore, #tpu.memory_space<semaphore_mem>>)
      %dma_wait3A_1644 = arith.constant 0 : i32
      %dma_wait3A_1645 = arith.constant 0 : i32
      %dma_wait3A_1646 = tpu.memref_slice %arg21[%dma_wait3A_1644, %dma_wait3A_1645] : memref<128x128xf32, #tpu.memory_space<vmem>> -> memref<128x128xf32, #tpu.memory_space<vmem>>
      %dma_wait3A_1647 = arith.constant 0 : i32
      %dma_wait3A_1648 = tpu.memref_slice %arg30[%add3A_1574, %dma_wait3A_1647] : memref<10240x128xf32, #tpu.memory_space<vmem_shared>> -> memref<128x128xf32, #tpu.memory_space<vmem_shared>>
      %dma_wait3A_1649 = arith.constant 0 : i32
      %dma_wait3A_1650 = tpu.memref_slice %arg30[%add3A_1574, %dma_wait3A_1649] : memref<10240x128xf32, #tpu.memory_space<vmem_shared>> -> memref<128x128xf32, #tpu.memory_space<vmem_shared>>
      %dma_wait3A_1651 = arith.constant 0 : i32
      %dma_wait3A_1652 = arith.constant 0 : i32
      %dma_wait3A_1653 = tpu.memref_slice %arg21[%dma_wait3A_1651, %dma_wait3A_1652] : memref<128x128xf32, #tpu.memory_space<vmem>> -> memref<128x128xf32, #tpu.memory_space<vmem>>
      tpu.wait_dma2 semaphore(%run_scoped3A : memref<!tpu.dma_semaphore, #tpu.memory_space<semaphore_mem>>) src(%dma_wait3A_1653 : memref<128x128xf32, #tpu.memory_space<vmem>>) dst(%dma_wait3A_1650 : memref<128x128xf32, #tpu.memory_space<vmem_shared>>)
      tpu.yield
    }) : () -> ()
    %mul3A_1575 = arith.constant 640 : i32
    %mul3A_1576 = arith.muli %arg1, %mul3A_1575 : i32
    %add3A_1577 = arith.constant 512 : i32
    %add3A_1578 = arith.addi %mul3A_1576, %add3A_1577 : i32
    "tpu.region"() ({
      %run_scoped3A = tpu.sem_alloc : memref<!tpu.dma_semaphore, #tpu.memory_space<semaphore_mem>>
      %dma_start3A_1634 = arith.constant 0 : i32
      %dma_start3A_1635 = arith.constant 0 : i32
      %dma_start3A_1636 = tpu.memref_slice %arg21[%dma_start3A_1634, %dma_start3A_1635] : memref<128x128xf32, #tpu.memory_space<vmem>> -> memref<128x128xf32, #tpu.memory_space<vmem>>
      %dma_start3A_1637 = arith.constant 0 : i32
      %dma_start3A_1638 = tpu.memref_slice %arg30[%add3A_1578, %dma_start3A_1637] : memref<10240x128xf32, #tpu.memory_space<vmem_shared>> -> memref<128x128xf32, #tpu.memory_space<vmem_shared>>
      %dma_start3A_1639 = arith.constant 0 : i32
      %dma_start3A_1640 = tpu.memref_slice %arg30[%add3A_1578, %dma_start3A_1639] : memref<10240x128xf32, #tpu.memory_space<vmem_shared>> -> memref<128x128xf32, #tpu.memory_space<vmem_shared>>
      %dma_start3A_1641 = arith.constant 0 : i32
      %dma_start3A_1642 = arith.constant 0 : i32
      %dma_start3A_1643 = tpu.memref_slice %arg21[%dma_start3A_1641, %dma_start3A_1642] : memref<128x128xf32, #tpu.memory_space<vmem>> -> memref<128x128xf32, #tpu.memory_space<vmem>>
      tpu.enqueue_dma source(%dma_start3A_1643 : memref<128x128xf32, #tpu.memory_space<vmem>>) target(%dma_start3A_1640 : memref<128x128xf32, #tpu.memory_space<vmem_shared>>) target_semaphore(%run_scoped3A : memref<!tpu.dma_semaphore, #tpu.memory_space<semaphore_mem>>)
      %dma_wait3A_1644 = arith.constant 0 : i32
      %dma_wait3A_1645 = arith.constant 0 : i32
      %dma_wait3A_1646 = tpu.memref_slice %arg21[%dma_wait3A_1644, %dma_wait3A_1645] : memref<128x128xf32, #tpu.memory_space<vmem>> -> memref<128x128xf32, #tpu.memory_space<vmem>>
      %dma_wait3A_1647 = arith.constant 0 : i32
      %dma_wait3A_1648 = tpu.memref_slice %arg30[%add3A_1578, %dma_wait3A_1647] : memref<10240x128xf32, #tpu.memory_space<vmem_shared>> -> memref<128x128xf32, #tpu.memory_space<vmem_shared>>
      %dma_wait3A_1649 = arith.constant 0 : i32
      %dma_wait3A_1650 = tpu.memref_slice %arg30[%add3A_1578, %dma_wait3A_1649] : memref<10240x128xf32, #tpu.memory_space<vmem_shared>> -> memref<128x128xf32, #tpu.memory_space<vmem_shared>>
      %dma_wait3A_1651 = arith.constant 0 : i32
      %dma_wait3A_1652 = arith.constant 0 : i32
      %dma_wait3A_1653 = tpu.memref_slice %arg21[%dma_wait3A_1651, %dma_wait3A_1652] : memref<128x128xf32, #tpu.memory_space<vmem>> -> memref<128x128xf32, #tpu.memory_space<vmem>>
      tpu.wait_dma2 semaphore(%run_scoped3A : memref<!tpu.dma_semaphore, #tpu.memory_space<semaphore_mem>>) src(%dma_wait3A_1653 : memref<128x128xf32, #tpu.memory_space<vmem>>) dst(%dma_wait3A_1650 : memref<128x128xf32, #tpu.memory_space<vmem_shared>>)
      tpu.yield
    }) : () -> ()
    %barrier3A = arith.constant 0 : index
    tpu.barrier barrier_id(%barrier3A)
    "tpu.region"() ({
      %run_scoped3A = tpu.sem_alloc : memref<!tpu.dma_semaphore, #tpu.memory_space<semaphore_mem>>
      tpu.enqueue_dma source(%arg29 : memref<10240xf32, #tpu.memory_space<vmem_shared>>) target(%arg20 : memref<10240xf32, #tpu.memory_space<vmem>>) target_semaphore(%run_scoped3A : memref<!tpu.dma_semaphore, #tpu.memory_space<semaphore_mem>>)
      tpu.wait_dma2 semaphore(%run_scoped3A : memref<!tpu.dma_semaphore, #tpu.memory_space<semaphore_mem>>) src(%arg29 : memref<10240xf32, #tpu.memory_space<vmem_shared>>) dst(%arg20 : memref<10240xf32, #tpu.memory_space<vmem>>)
      tpu.yield
    }) : () -> ()
    %mul3A_1579 = arith.constant 128 : i32
    %mul3A_1580 = arith.muli %add3A, %mul3A_1579 : i32
    "tpu.region"() ({
      %run_scoped3A = tpu.sem_alloc : memref<!tpu.dma_semaphore, #tpu.memory_space<semaphore_mem>>
      %dma_start3A_1634 = tpu.memref_slice %arg2[%mul3A_1580] : memref<320000xi32, #tpu.memory_space<hbm>> -> memref<128xi32, #tpu.memory_space<hbm>>
      %dma_start3A_1635 = tpu.memref_slice %arg2[%mul3A_1580] : memref<320000xi32, #tpu.memory_space<hbm>> -> memref<128xi32, #tpu.memory_space<hbm>>
      tpu.enqueue_dma source(%dma_start3A_1635 : memref<128xi32, #tpu.memory_space<hbm>>) target(%arg9 : memref<128xi32, #tpu.memory_space<vmem>>) target_semaphore(%run_scoped3A : memref<!tpu.dma_semaphore, #tpu.memory_space<semaphore_mem>>)
      %dma_wait3A_1636 = tpu.memref_slice %arg2[%mul3A_1580] : memref<320000xi32, #tpu.memory_space<hbm>> -> memref<128xi32, #tpu.memory_space<hbm>>
      %dma_wait3A_1637 = tpu.memref_slice %arg2[%mul3A_1580] : memref<320000xi32, #tpu.memory_space<hbm>> -> memref<128xi32, #tpu.memory_space<hbm>>
      tpu.wait_dma2 semaphore(%run_scoped3A : memref<!tpu.dma_semaphore, #tpu.memory_space<semaphore_mem>>) src(%dma_wait3A_1637 : memref<128xi32, #tpu.memory_space<hbm>>) dst(%arg9 : memref<128xi32, #tpu.memory_space<vmem>>)
      tpu.yield
    }) : () -> ()
    %mul3A_1581 = arith.constant 128 : i32
    %mul3A_1582 = arith.muli %add3A, %mul3A_1581 : i32
    "tpu.region"() ({
      %run_scoped3A = tpu.sem_alloc : memref<!tpu.dma_semaphore, #tpu.memory_space<semaphore_mem>>
      %dma_start3A_1634 = tpu.memref_slice %arg3[%mul3A_1582] : memref<320000xi32, #tpu.memory_space<hbm>> -> memref<128xi32, #tpu.memory_space<hbm>>
      %dma_start3A_1635 = tpu.memref_slice %arg3[%mul3A_1582] : memref<320000xi32, #tpu.memory_space<hbm>> -> memref<128xi32, #tpu.memory_space<hbm>>
      tpu.enqueue_dma source(%dma_start3A_1635 : memref<128xi32, #tpu.memory_space<hbm>>) target(%arg11 : memref<128xi32, #tpu.memory_space<vmem>>) target_semaphore(%run_scoped3A : memref<!tpu.dma_semaphore, #tpu.memory_space<semaphore_mem>>)
      %dma_wait3A_1636 = tpu.memref_slice %arg3[%mul3A_1582] : memref<320000xi32, #tpu.memory_space<hbm>> -> memref<128xi32, #tpu.memory_space<hbm>>
      %dma_wait3A_1637 = tpu.memref_slice %arg3[%mul3A_1582] : memref<320000xi32, #tpu.memory_space<hbm>> -> memref<128xi32, #tpu.memory_space<hbm>>
      tpu.wait_dma2 semaphore(%run_scoped3A : memref<!tpu.dma_semaphore, #tpu.memory_space<semaphore_mem>>) src(%dma_wait3A_1637 : memref<128xi32, #tpu.memory_space<hbm>>) dst(%arg11 : memref<128xi32, #tpu.memory_space<vmem>>)
      tpu.yield
    }) : () -> ()
    %mul3A_1583 = arith.constant 128 : i32
    %mul3A_1584 = arith.muli %add3A, %mul3A_1583 : i32
    "tpu.region"() ({
      %run_scoped3A = tpu.sem_alloc : memref<!tpu.dma_semaphore, #tpu.memory_space<semaphore_mem>>
      %dma_start3A_1634 = tpu.memref_slice %arg4[%mul3A_1584] : memref<320000xf32, #tpu.memory_space<hbm>> -> memref<128xf32, #tpu.memory_space<hbm>>
      %dma_start3A_1635 = tpu.memref_slice %arg4[%mul3A_1584] : memref<320000xf32, #tpu.memory_space<hbm>> -> memref<128xf32, #tpu.memory_space<hbm>>
      tpu.enqueue_dma source(%dma_start3A_1635 : memref<128xf32, #tpu.memory_space<hbm>>) target(%arg13 : memref<128xf32, #tpu.memory_space<vmem>>) target_semaphore(%run_scoped3A : memref<!tpu.dma_semaphore, #tpu.memory_space<semaphore_mem>>)
      %dma_wait3A_1636 = tpu.memref_slice %arg4[%mul3A_1584] : memref<320000xf32, #tpu.memory_space<hbm>> -> memref<128xf32, #tpu.memory_space<hbm>>
      %dma_wait3A_1637 = tpu.memref_slice %arg4[%mul3A_1584] : memref<320000xf32, #tpu.memory_space<hbm>> -> memref<128xf32, #tpu.memory_space<hbm>>
      tpu.wait_dma2 semaphore(%run_scoped3A : memref<!tpu.dma_semaphore, #tpu.memory_space<semaphore_mem>>) src(%dma_wait3A_1637 : memref<128xf32, #tpu.memory_space<hbm>>) dst(%arg13 : memref<128xf32, #tpu.memory_space<vmem>>)
      tpu.yield
    }) : () -> ()
    %dma_start3A = arith.constant 0 : i32
    %dma_start3A_1585 = arith.constant 0 : i32
    %dma_start3A_1586 = tpu.memref_slice %arg6[%dma_start3A, %dma_start3A_1585] : memref<10000x128xf32, #tpu.memory_space<hbm>> -> memref<10000x128xf32, #tpu.memory_space<hbm>>
    tpu.enqueue_indirect_dma source(%dma_start3A_1586 : memref<10000x128xf32, #tpu.memory_space<hbm>>) target(%arg21 : memref<128x128xf32, #tpu.memory_space<vmem>>) offsets(%arg9 : memref<128xi32, #tpu.memory_space<vmem>>) semaphore(%arg25 : memref<!tpu.dma_semaphore, #tpu.memory_space<semaphore_mem>>)
    %add3A_1587 = arith.constant 32 : i32
    %add3A_1588 = arith.addi %add3A_1587, %add3A : i32
    %mul3A_1589 = arith.constant 128 : i32
    %mul3A_1590 = arith.muli %add3A_1588, %mul3A_1589 : i32
    %dma_start3A_1591 = tpu.memref_slice %arg2[%mul3A_1590] : memref<320000xi32, #tpu.memory_space<hbm>> -> memref<128xi32, #tpu.memory_space<hbm>>
    %dma_start3A_1592 = tpu.memref_slice %arg2[%mul3A_1590] : memref<320000xi32, #tpu.memory_space<hbm>> -> memref<128xi32, #tpu.memory_space<hbm>>
    tpu.enqueue_dma source(%dma_start3A_1592 : memref<128xi32, #tpu.memory_space<hbm>>) target(%arg10 : memref<128xi32, #tpu.memory_space<vmem>>) target_semaphore(%arg24 : memref<!tpu.dma_semaphore, #tpu.memory_space<semaphore_mem>>)
    %dma_start3A_1593 = tpu.memref_slice %arg3[%mul3A_1590] : memref<320000xi32, #tpu.memory_space<hbm>> -> memref<128xi32, #tpu.memory_space<hbm>>
    %dma_start3A_1594 = tpu.memref_slice %arg3[%mul3A_1590] : memref<320000xi32, #tpu.memory_space<hbm>> -> memref<128xi32, #tpu.memory_space<hbm>>
    tpu.enqueue_dma source(%dma_start3A_1594 : memref<128xi32, #tpu.memory_space<hbm>>) target(%arg12 : memref<128xi32, #tpu.memory_space<vmem>>) target_semaphore(%arg24 : memref<!tpu.dma_semaphore, #tpu.memory_space<semaphore_mem>>)
    %dma_start3A_1595 = tpu.memref_slice %arg4[%mul3A_1590] : memref<320000xf32, #tpu.memory_space<hbm>> -> memref<128xf32, #tpu.memory_space<hbm>>
    %dma_start3A_1596 = tpu.memref_slice %arg4[%mul3A_1590] : memref<320000xf32, #tpu.memory_space<hbm>> -> memref<128xf32, #tpu.memory_space<hbm>>
    tpu.enqueue_dma source(%dma_start3A_1596 : memref<128xf32, #tpu.memory_space<hbm>>) target(%arg14 : memref<128xf32, #tpu.memory_space<vmem>>) target_semaphore(%arg24 : memref<!tpu.dma_semaphore, #tpu.memory_space<semaphore_mem>>)
    %scan3A = arith.constant 0 : i32
    %scan3A_1597 = arith.constant 0 : i32
    %scan3A_1598 = arith.constant 40 : i32
    %scan3A_1599 = arith.addi %scan3A_1597, %scan3A_1598 : i32
    %scan3A_1600 = arith.constant 1 : i32
    scf.for %scan3A_1634 = %scan3A_1597 to %scan3A_1599 step %scan3A_1600  : i32 {
      %mul3A_1635 = arith.constant 2 : i32
      %mul3A_1636 = arith.muli %mul3A_1635, %scan3A_1634 : i32
      %add3A_1637 = arith.constant 1 : i32
      %add3A_1638 = arith.addi %mul3A_1636, %add3A_1637 : i32
      %mul3A_1639 = arith.constant 32 : i32
      %mul3A_1640 = arith.muli %add3A_1638, %mul3A_1639 : i32
      %add3A_1641 = arith.addi %mul3A_1640, %add3A : i32
      %lt3A = arith.constant 2500 : i32
      %lt3A_1642 = arith.cmpi slt, %add3A_1641, %lt3A : i32
      %convert_element_type3A = arith.extui %lt3A_1642 : i1 to i32
      %cond3A = arith.constant 0 : i32
      %cond3A_1643 = arith.cmpi ne, %convert_element_type3A, %cond3A : i32
      scf.if %cond3A_1643 {
        %add3A_1674 = arith.constant 1 : i32
        %add3A_1675 = arith.addi %mul3A_1636, %add3A_1674 : i32
        %mul3A_1676 = arith.constant 32 : i32
        %mul3A_1677 = arith.muli %add3A_1675, %mul3A_1676 : i32
        %add3A_1678 = arith.addi %mul3A_1677, %add3A : i32
        %mul3A_1679 = arith.constant 128 : i32
        %mul3A_1680 = arith.muli %add3A_1678, %mul3A_1679 : i32
        %dma_wait3A_1681 = tpu.memref_slice %arg2[%mul3A_1680] : memref<320000xi32, #tpu.memory_space<hbm>> -> memref<128xi32, #tpu.memory_space<hbm>>
        %dma_wait3A_1682 = tpu.memref_slice %arg2[%mul3A_1680] : memref<320000xi32, #tpu.memory_space<hbm>> -> memref<128xi32, #tpu.memory_space<hbm>>
        tpu.wait_dma2 semaphore(%arg24 : memref<!tpu.dma_semaphore, #tpu.memory_space<semaphore_mem>>) src(%dma_wait3A_1682 : memref<128xi32, #tpu.memory_space<hbm>>) dst(%arg10 : memref<128xi32, #tpu.memory_space<vmem>>)
        %dma_wait3A_1683 = tpu.memref_slice %arg3[%mul3A_1680] : memref<320000xi32, #tpu.memory_space<hbm>> -> memref<128xi32, #tpu.memory_space<hbm>>
        %dma_wait3A_1684 = tpu.memref_slice %arg3[%mul3A_1680] : memref<320000xi32, #tpu.memory_space<hbm>> -> memref<128xi32, #tpu.memory_space<hbm>>
        tpu.wait_dma2 semaphore(%arg24 : memref<!tpu.dma_semaphore, #tpu.memory_space<semaphore_mem>>) src(%dma_wait3A_1684 : memref<128xi32, #tpu.memory_space<hbm>>) dst(%arg12 : memref<128xi32, #tpu.memory_space<vmem>>)
        %dma_wait3A_1685 = tpu.memref_slice %arg4[%mul3A_1680] : memref<320000xf32, #tpu.memory_space<hbm>> -> memref<128xf32, #tpu.memory_space<hbm>>
        %dma_wait3A_1686 = tpu.memref_slice %arg4[%mul3A_1680] : memref<320000xf32, #tpu.memory_space<hbm>> -> memref<128xf32, #tpu.memory_space<hbm>>
        tpu.wait_dma2 semaphore(%arg24 : memref<!tpu.dma_semaphore, #tpu.memory_space<semaphore_mem>>) src(%dma_wait3A_1686 : memref<128xf32, #tpu.memory_space<hbm>>) dst(%arg14 : memref<128xf32, #tpu.memory_space<vmem>>)
        %ge3A = arith.constant 1 : i32
        %ge3A_1687 = arith.cmpi sge, %mul3A_1636, %ge3A : i32
        %convert_element_type3A_1688 = arith.extui %ge3A_1687 : i1 to i32
        %cond3A_1689 = arith.constant 0 : i32
        %cond3A_1690 = arith.cmpi ne, %convert_element_type3A_1688, %cond3A_1689 : i32
        scf.if %cond3A_1690 {
          %dma_wait3A_1694 = arith.constant 0 : i32
          %dma_wait3A_1695 = arith.constant 0 : i32
          %dma_wait3A_1696 = tpu.memref_slice %arg30[%dma_wait3A_1694, %dma_wait3A_1695] : memref<10240x128xf32, #tpu.memory_space<vmem_shared>> -> memref<10240x128xf32, #tpu.memory_space<vmem_shared>>
          tpu.wait_indirect_dma semaphore(%arg28 : memref<!tpu.dma_semaphore, #tpu.memory_space<semaphore_mem>>) src(%arg22 : memref<128x128xf32, #tpu.memory_space<vmem>>) dst(%dma_wait3A_1696 : memref<10240x128xf32, #tpu.memory_space<vmem_shared>>)
        } else {
        }
        %dma_start3A_1691 = arith.constant 0 : i32
        %dma_start3A_1692 = arith.constant 0 : i32
        %dma_start3A_1693 = tpu.memref_slice %arg6[%dma_start3A_1691, %dma_start3A_1692] : memref<10000x128xf32, #tpu.memory_space<hbm>> -> memref<10000x128xf32, #tpu.memory_space<hbm>>
        tpu.enqueue_indirect_dma source(%dma_start3A_1693 : memref<10000x128xf32, #tpu.memory_space<hbm>>) target(%arg22 : memref<128x128xf32, #tpu.memory_space<vmem>>) offsets(%arg10 : memref<128xi32, #tpu.memory_space<vmem>>) semaphore(%arg26 : memref<!tpu.dma_semaphore, #tpu.memory_space<semaphore_mem>>)
      } else {
      }
      %mul3A_1644 = arith.constant 32 : i32
      %mul3A_1645 = arith.muli %mul3A_1636, %mul3A_1644 : i32
      %add3A_1646 = arith.addi %mul3A_1645, %add3A : i32
      %lt3A_1647 = arith.constant 2500 : i32
      %lt3A_1648 = arith.cmpi slt, %add3A_1646, %lt3A_1647 : i32
      %convert_element_type3A_1649 = arith.extui %lt3A_1648 : i1 to i32
      %cond3A_1650 = arith.constant 0 : i32
      %cond3A_1651 = arith.cmpi ne, %convert_element_type3A_1649, %cond3A_1650 : i32
      scf.if %cond3A_1651 {
        %dma_wait3A_1674 = arith.constant 0 : i32
        %dma_wait3A_1675 = arith.constant 0 : i32
        %dma_wait3A_1676 = tpu.memref_slice %arg6[%dma_wait3A_1674, %dma_wait3A_1675] : memref<10000x128xf32, #tpu.memory_space<hbm>> -> memref<10000x128xf32, #tpu.memory_space<hbm>>
        tpu.wait_indirect_dma semaphore(%arg25 : memref<!tpu.dma_semaphore, #tpu.memory_space<semaphore_mem>>) src(%dma_wait3A_1676 : memref<10000x128xf32, #tpu.memory_space<hbm>>) dst(%arg21 : memref<128x128xf32, #tpu.memory_space<vmem>>)
        %get3A_1677 = arith.constant 0 : index
        %get3A_1678 = tpu.vector_load %arg9[%get3A_1677] {strides = array<i32>} : memref<128xi32, #tpu.memory_space<vmem>>, vector<16xi32>,
        %get3A_1679 = arith.constant 0 : index
        %get3A_1680 = tpu.vector_load %arg11[%get3A_1679] {strides = array<i32>} : memref<128xi32, #tpu.memory_space<vmem>>, vector<16xi32>,
        %get3A_1681 = arith.constant 0 : index
        %get3A_1682 = tpu.vector_load %arg13[%get3A_1681] {strides = array<i32>} : memref<128xf32, #tpu.memory_space<vmem>>, vector<16xf32>,
        %gather3A = tpu.vector_load_idx %arg20[%get3A_1678] : memref<10240xf32, #tpu.memory_space<vmem>>[vector<16xi32>], vector<16xf32>,
        %mul3A_1683 = arith.mulf %gather3A, %get3A_1682 : vector<16xf32>
        %gather3A_1684 = tpu.vector_load_idx %arg20[%get3A_1680] : memref<10240xf32, #tpu.memory_space<vmem>>[vector<16xi32>], vector<16xf32>,
        %mul3A_1685 = arith.mulf %mul3A_1683, %gather3A_1684 : vector<16xf32>
        %swap3A_1686 = arith.constant 0 : index
        %swap3A_1687 = tpu.vector_load %arg15[%swap3A_1686] {strides = array<i32>} : memref<128xf32, #tpu.memory_space<vmem>>, vector<16xf32>,
        tpu.vector_store %arg15[%swap3A_1686], %mul3A_1685 {strides = array<i32>} : memref<128xf32, #tpu.memory_space<vmem>>, vector<16xf32>,
        %swap3A_1688 = arith.constant 0 : index
        %swap3A_1689 = tpu.vector_load %arg16[%swap3A_1688] {strides = array<i32>} : memref<128xi32, #tpu.memory_space<vmem>>, vector<16xi32>,
        tpu.vector_store %arg16[%swap3A_1688], %get3A_1680 {strides = array<i32>} : memref<128xi32, #tpu.memory_space<vmem>>, vector<16xi32>,
        %get3A_1690 = arith.constant 16 : index
        %get3A_1691 = tpu.vector_load %arg9[%get3A_1690] {strides = array<i32>} : memref<128xi32, #tpu.memory_space<vmem>>, vector<16xi32>,
        %get3A_1692 = arith.constant 16 : index
        %get3A_1693 = tpu.vector_load %arg11[%get3A_1692] {strides = array<i32>} : memref<128xi32, #tpu.memory_space<vmem>>, vector<16xi32>,
        %get3A_1694 = arith.constant 16 : index
        %get3A_1695 = tpu.vector_load %arg13[%get3A_1694] {strides = array<i32>} : memref<128xf32, #tpu.memory_space<vmem>>, vector<16xf32>,
        %gather3A_1696 = tpu.vector_load_idx %arg20[%get3A_1691] : memref<10240xf32, #tpu.memory_space<vmem>>[vector<16xi32>], vector<16xf32>,
        %mul3A_1697 = arith.mulf %gather3A_1696, %get3A_1695 : vector<16xf32>
        %gather3A_1698 = tpu.vector_load_idx %arg20[%get3A_1693] : memref<10240xf32, #tpu.memory_space<vmem>>[vector<16xi32>], vector<16xf32>,
        %mul3A_1699 = arith.mulf %mul3A_1697, %gather3A_1698 : vector<16xf32>
        %swap3A_1700 = arith.constant 16 : index
        %swap3A_1701 = tpu.vector_load %arg15[%swap3A_1700] {strides = array<i32>} : memref<128xf32, #tpu.memory_space<vmem>>, vector<16xf32>,
        tpu.vector_store %arg15[%swap3A_1700], %mul3A_1699 {strides = array<i32>} : memref<128xf32, #tpu.memory_space<vmem>>, vector<16xf32>,
        %swap3A_1702 = arith.constant 16 : index
        %swap3A_1703 = tpu.vector_load %arg16[%swap3A_1702] {strides = array<i32>} : memref<128xi32, #tpu.memory_space<vmem>>, vector<16xi32>,
        tpu.vector_store %arg16[%swap3A_1702], %get3A_1693 {strides = array<i32>} : memref<128xi32, #tpu.memory_space<vmem>>, vector<16xi32>,
        %get3A_1704 = arith.constant 32 : index
        %get3A_1705 = tpu.vector_load %arg9[%get3A_1704] {strides = array<i32>} : memref<128xi32, #tpu.memory_space<vmem>>, vector<16xi32>,
        %get3A_1706 = arith.constant 32 : index
        %get3A_1707 = tpu.vector_load %arg11[%get3A_1706] {strides = array<i32>} : memref<128xi32, #tpu.memory_space<vmem>>, vector<16xi32>,
        %get3A_1708 = arith.constant 32 : index
        %get3A_1709 = tpu.vector_load %arg13[%get3A_1708] {strides = array<i32>} : memref<128xf32, #tpu.memory_space<vmem>>, vector<16xf32>,
        %gather3A_1710 = tpu.vector_load_idx %arg20[%get3A_1705] : memref<10240xf32, #tpu.memory_space<vmem>>[vector<16xi32>], vector<16xf32>,
        %mul3A_1711 = arith.mulf %gather3A_1710, %get3A_1709 : vector<16xf32>
        %gather3A_1712 = tpu.vector_load_idx %arg20[%get3A_1707] : memref<10240xf32, #tpu.memory_space<vmem>>[vector<16xi32>], vector<16xf32>,
        %mul3A_1713 = arith.mulf %mul3A_1711, %gather3A_1712 : vector<16xf32>
        %swap3A_1714 = arith.constant 32 : index
        %swap3A_1715 = tpu.vector_load %arg15[%swap3A_1714] {strides = array<i32>} : memref<128xf32, #tpu.memory_space<vmem>>, vector<16xf32>,
        tpu.vector_store %arg15[%swap3A_1714], %mul3A_1713 {strides = array<i32>} : memref<128xf32, #tpu.memory_space<vmem>>, vector<16xf32>,
        %swap3A_1716 = arith.constant 32 : index
        %swap3A_1717 = tpu.vector_load %arg16[%swap3A_1716] {strides = array<i32>} : memref<128xi32, #tpu.memory_space<vmem>>, vector<16xi32>,
        tpu.vector_store %arg16[%swap3A_1716], %get3A_1707 {strides = array<i32>} : memref<128xi32, #tpu.memory_space<vmem>>, vector<16xi32>,
        %get3A_1718 = arith.constant 48 : index
        %get3A_1719 = tpu.vector_load %arg9[%get3A_1718] {strides = array<i32>} : memref<128xi32, #tpu.memory_space<vmem>>, vector<16xi32>,
        %get3A_1720 = arith.constant 48 : index
        %get3A_1721 = tpu.vector_load %arg11[%get3A_1720] {strides = array<i32>} : memref<128xi32, #tpu.memory_space<vmem>>, vector<16xi32>,
        %get3A_1722 = arith.constant 48 : index
        %get3A_1723 = tpu.vector_load %arg13[%get3A_1722] {strides = array<i32>} : memref<128xf32, #tpu.memory_space<vmem>>, vector<16xf32>,
        %gather3A_1724 = tpu.vector_load_idx %arg20[%get3A_1719] : memref<10240xf32, #tpu.memory_space<vmem>>[vector<16xi32>], vector<16xf32>,
        %mul3A_1725 = arith.mulf %gather3A_1724, %get3A_1723 : vector<16xf32>
        %gather3A_1726 = tpu.vector_load_idx %arg20[%get3A_1721] : memref<10240xf32, #tpu.memory_space<vmem>>[vector<16xi32>], vector<16xf32>,
        %mul3A_1727 = arith.mulf %mul3A_1725, %gather3A_1726 : vector<16xf32>
        %swap3A_1728 = arith.constant 48 : index
        %swap3A_1729 = tpu.vector_load %arg15[%swap3A_1728] {strides = array<i32>} : memref<128xf32, #tpu.memory_space<vmem>>, vector<16xf32>,
        tpu.vector_store %arg15[%swap3A_1728], %mul3A_1727 {strides = array<i32>} : memref<128xf32, #tpu.memory_space<vmem>>, vector<16xf32>,
        %swap3A_1730 = arith.constant 48 : index
        %swap3A_1731 = tpu.vector_load %arg16[%swap3A_1730] {strides = array<i32>} : memref<128xi32, #tpu.memory_space<vmem>>, vector<16xi32>,
        tpu.vector_store %arg16[%swap3A_1730], %get3A_1721 {strides = array<i32>} : memref<128xi32, #tpu.memory_space<vmem>>, vector<16xi32>,
        %get3A_1732 = arith.constant 64 : index
        %get3A_1733 = tpu.vector_load %arg9[%get3A_1732] {strides = array<i32>} : memref<128xi32, #tpu.memory_space<vmem>>, vector<16xi32>,
        %get3A_1734 = arith.constant 64 : index
        %get3A_1735 = tpu.vector_load %arg11[%get3A_1734] {strides = array<i32>} : memref<128xi32, #tpu.memory_space<vmem>>, vector<16xi32>,
        %get3A_1736 = arith.constant 64 : index
        %get3A_1737 = tpu.vector_load %arg13[%get3A_1736] {strides = array<i32>} : memref<128xf32, #tpu.memory_space<vmem>>, vector<16xf32>,
        %gather3A_1738 = tpu.vector_load_idx %arg20[%get3A_1733] : memref<10240xf32, #tpu.memory_space<vmem>>[vector<16xi32>], vector<16xf32>,
        %mul3A_1739 = arith.mulf %gather3A_1738, %get3A_1737 : vector<16xf32>
        %gather3A_1740 = tpu.vector_load_idx %arg20[%get3A_1735] : memref<10240xf32, #tpu.memory_space<vmem>>[vector<16xi32>], vector<16xf32>,
        %mul3A_1741 = arith.mulf %mul3A_1739, %gather3A_1740 : vector<16xf32>
        %swap3A_1742 = arith.constant 64 : index
        %swap3A_1743 = tpu.vector_load %arg15[%swap3A_1742] {strides = array<i32>} : memref<128xf32, #tpu.memory_space<vmem>>, vector<16xf32>,
        tpu.vector_store %arg15[%swap3A_1742], %mul3A_1741 {strides = array<i32>} : memref<128xf32, #tpu.memory_space<vmem>>, vector<16xf32>,
        %swap3A_1744 = arith.constant 64 : index
        %swap3A_1745 = tpu.vector_load %arg16[%swap3A_1744] {strides = array<i32>} : memref<128xi32, #tpu.memory_space<vmem>>, vector<16xi32>,
        tpu.vector_store %arg16[%swap3A_1744], %get3A_1735 {strides = array<i32>} : memref<128xi32, #tpu.memory_space<vmem>>, vector<16xi32>,
        %get3A_1746 = arith.constant 80 : index
        %get3A_1747 = tpu.vector_load %arg9[%get3A_1746] {strides = array<i32>} : memref<128xi32, #tpu.memory_space<vmem>>, vector<16xi32>,
        %get3A_1748 = arith.constant 80 : index
        %get3A_1749 = tpu.vector_load %arg11[%get3A_1748] {strides = array<i32>} : memref<128xi32, #tpu.memory_space<vmem>>, vector<16xi32>,
        %get3A_1750 = arith.constant 80 : index
        %get3A_1751 = tpu.vector_load %arg13[%get3A_1750] {strides = array<i32>} : memref<128xf32, #tpu.memory_space<vmem>>, vector<16xf32>,
        %gather3A_1752 = tpu.vector_load_idx %arg20[%get3A_1747] : memref<10240xf32, #tpu.memory_space<vmem>>[vector<16xi32>], vector<16xf32>,
        %mul3A_1753 = arith.mulf %gather3A_1752, %get3A_1751 : vector<16xf32>
        %gather3A_1754 = tpu.vector_load_idx %arg20[%get3A_1749] : memref<10240xf32, #tpu.memory_space<vmem>>[vector<16xi32>], vector<16xf32>,
        %mul3A_1755 = arith.mulf %mul3A_1753, %gather3A_1754 : vector<16xf32>
        %swap3A_1756 = arith.constant 80 : index
        %swap3A_1757 = tpu.vector_load %arg15[%swap3A_1756] {strides = array<i32>} : memref<128xf32, #tpu.memory_space<vmem>>, vector<16xf32>,
        tpu.vector_store %arg15[%swap3A_1756], %mul3A_1755 {strides = array<i32>} : memref<128xf32, #tpu.memory_space<vmem>>, vector<16xf32>,
        %swap3A_1758 = arith.constant 80 : index
        %swap3A_1759 = tpu.vector_load %arg16[%swap3A_1758] {strides = array<i32>} : memref<128xi32, #tpu.memory_space<vmem>>, vector<16xi32>,
        tpu.vector_store %arg16[%swap3A_1758], %get3A_1749 {strides = array<i32>} : memref<128xi32, #tpu.memory_space<vmem>>, vector<16xi32>,
        %get3A_1760 = arith.constant 96 : index
        %get3A_1761 = tpu.vector_load %arg9[%get3A_1760] {strides = array<i32>} : memref<128xi32, #tpu.memory_space<vmem>>, vector<16xi32>,
        %get3A_1762 = arith.constant 96 : index
        %get3A_1763 = tpu.vector_load %arg11[%get3A_1762] {strides = array<i32>} : memref<128xi32, #tpu.memory_space<vmem>>, vector<16xi32>,
        %get3A_1764 = arith.constant 96 : index
        %get3A_1765 = tpu.vector_load %arg13[%get3A_1764] {strides = array<i32>} : memref<128xf32, #tpu.memory_space<vmem>>, vector<16xf32>,
        %gather3A_1766 = tpu.vector_load_idx %arg20[%get3A_1761] : memref<10240xf32, #tpu.memory_space<vmem>>[vector<16xi32>], vector<16xf32>,
        %mul3A_1767 = arith.mulf %gather3A_1766, %get3A_1765 : vector<16xf32>
        %gather3A_1768 = tpu.vector_load_idx %arg20[%get3A_1763] : memref<10240xf32, #tpu.memory_space<vmem>>[vector<16xi32>], vector<16xf32>,
        %mul3A_1769 = arith.mulf %mul3A_1767, %gather3A_1768 : vector<16xf32>
        %swap3A_1770 = arith.constant 96 : index
        %swap3A_1771 = tpu.vector_load %arg15[%swap3A_1770] {strides = array<i32>} : memref<128xf32, #tpu.memory_space<vmem>>, vector<16xf32>,
        tpu.vector_store %arg15[%swap3A_1770], %mul3A_1769 {strides = array<i32>} : memref<128xf32, #tpu.memory_space<vmem>>, vector<16xf32>,
        %swap3A_1772 = arith.constant 96 : index
        %swap3A_1773 = tpu.vector_load %arg16[%swap3A_1772] {strides = array<i32>} : memref<128xi32, #tpu.memory_space<vmem>>, vector<16xi32>,
        tpu.vector_store %arg16[%swap3A_1772], %get3A_1763 {strides = array<i32>} : memref<128xi32, #tpu.memory_space<vmem>>, vector<16xi32>,
        %get3A_1774 = arith.constant 112 : index
        %get3A_1775 = tpu.vector_load %arg9[%get3A_1774] {strides = array<i32>} : memref<128xi32, #tpu.memory_space<vmem>>, vector<16xi32>,
        %get3A_1776 = arith.constant 112 : index
        %get3A_1777 = tpu.vector_load %arg11[%get3A_1776] {strides = array<i32>} : memref<128xi32, #tpu.memory_space<vmem>>, vector<16xi32>,
        %get3A_1778 = arith.constant 112 : index
        %get3A_1779 = tpu.vector_load %arg13[%get3A_1778] {strides = array<i32>} : memref<128xf32, #tpu.memory_space<vmem>>, vector<16xf32>,
        %gather3A_1780 = tpu.vector_load_idx %arg20[%get3A_1775] : memref<10240xf32, #tpu.memory_space<vmem>>[vector<16xi32>], vector<16xf32>,
        %mul3A_1781 = arith.mulf %gather3A_1780, %get3A_1779 : vector<16xf32>
        %gather3A_1782 = tpu.vector_load_idx %arg20[%get3A_1777] : memref<10240xf32, #tpu.memory_space<vmem>>[vector<16xi32>], vector<16xf32>,
        %mul3A_1783 = arith.mulf %mul3A_1781, %gather3A_1782 : vector<16xf32>
        %swap3A_1784 = arith.constant 112 : index
        %swap3A_1785 = tpu.vector_load %arg15[%swap3A_1784] {strides = array<i32>} : memref<128xf32, #tpu.memory_space<vmem>>, vector<16xf32>,
        tpu.vector_store %arg15[%swap3A_1784], %mul3A_1783 {strides = array<i32>} : memref<128xf32, #tpu.memory_space<vmem>>, vector<16xf32>,
        %swap3A_1786 = arith.constant 112 : index
        %swap3A_1787 = tpu.vector_load %arg16[%swap3A_1786] {strides = array<i32>} : memref<128xi32, #tpu.memory_space<vmem>>, vector<16xi32>,
        tpu.vector_store %arg16[%swap3A_1786], %get3A_1777 {strides = array<i32>} : memref<128xi32, #tpu.memory_space<vmem>>, vector<16xi32>,
        %add3A_1788 = arith.constant 2 : i32
        %add3A_1789 = arith.addi %mul3A_1636, %add3A_1788 : i32
        %mul3A_1790 = arith.constant 32 : i32
        %mul3A_1791 = arith.muli %add3A_1789, %mul3A_1790 : i32
        %add3A_1792 = arith.addi %mul3A_1791, %add3A : i32
        %lt3A_1793 = arith.constant 2500 : i32
        %lt3A_1794 = arith.cmpi slt, %add3A_1792, %lt3A_1793 : i32
        %convert_element_type3A_1795 = arith.extui %lt3A_1794 : i1 to i32
        %cond3A_1796 = arith.constant 0 : i32
        %cond3A_1797 = arith.cmpi ne, %convert_element_type3A_1795, %cond3A_1796 : i32
        scf.if %cond3A_1797 {
          %add3A_1803 = arith.constant 2 : i32
          %add3A_1804 = arith.addi %mul3A_1636, %add3A_1803 : i32
          %mul3A_1805 = arith.constant 32 : i32
          %mul3A_1806 = arith.muli %add3A_1804, %mul3A_1805 : i32
          %add3A_1807 = arith.addi %mul3A_1806, %add3A : i32
          %mul3A_1808 = arith.constant 128 : i32
          %mul3A_1809 = arith.muli %add3A_1807, %mul3A_1808 : i32
          %dma_start3A_1810 = tpu.memref_slice %arg2[%mul3A_1809] : memref<320000xi32, #tpu.memory_space<hbm>> -> memref<128xi32, #tpu.memory_space<hbm>>
          %dma_start3A_1811 = tpu.memref_slice %arg2[%mul3A_1809] : memref<320000xi32, #tpu.memory_space<hbm>> -> memref<128xi32, #tpu.memory_space<hbm>>
          tpu.enqueue_dma source(%dma_start3A_1811 : memref<128xi32, #tpu.memory_space<hbm>>) target(%arg9 : memref<128xi32, #tpu.memory_space<vmem>>) target_semaphore(%arg23 : memref<!tpu.dma_semaphore, #tpu.memory_space<semaphore_mem>>)
          %dma_start3A_1812 = tpu.memref_slice %arg3[%mul3A_1809] : memref<320000xi32, #tpu.memory_space<hbm>> -> memref<128xi32, #tpu.memory_space<hbm>>
          %dma_start3A_1813 = tpu.memref_slice %arg3[%mul3A_1809] : memref<320000xi32, #tpu.memory_space<hbm>> -> memref<128xi32, #tpu.memory_space<hbm>>
          tpu.enqueue_dma source(%dma_start3A_1813 : memref<128xi32, #tpu.memory_space<hbm>>) target(%arg11 : memref<128xi32, #tpu.memory_space<vmem>>) target_semaphore(%arg23 : memref<!tpu.dma_semaphore, #tpu.memory_space<semaphore_mem>>)
          %dma_start3A_1814 = tpu.memref_slice %arg4[%mul3A_1809] : memref<320000xf32, #tpu.memory_space<hbm>> -> memref<128xf32, #tpu.memory_space<hbm>>
          %dma_start3A_1815 = tpu.memref_slice %arg4[%mul3A_1809] : memref<320000xf32, #tpu.memory_space<hbm>> -> memref<128xf32, #tpu.memory_space<hbm>>
          tpu.enqueue_dma source(%dma_start3A_1815 : memref<128xf32, #tpu.memory_space<hbm>>) target(%arg13 : memref<128xf32, #tpu.memory_space<vmem>>) target_semaphore(%arg23 : memref<!tpu.dma_semaphore, #tpu.memory_space<semaphore_mem>>)
        } else {
        }
        %parallel_loop3A = arith.constant 0 : i32
        %parallel_loop3A_1798 = arith.constant 128 : i32
        %parallel_loop3A_1799 = arith.constant 1 : i32
        scf.for %parallel_loop3A_1803 = %parallel_loop3A to %parallel_loop3A_1798 step %parallel_loop3A_1799  : i32 {
          %parallel_loop3A_1804 = arith.constant 0 : i32
          %parallel_loop3A_1805 = vector.broadcast %parallel_loop3A_1804 : i32 to vector<16xi32>
          %parallel_loop3A_1806 = vector.broadcast %parallel_loop3A_1803 : i32 to vector<16xi32>
          %parallel_loop3A_1807 = arith.addi %parallel_loop3A_1805, %parallel_loop3A_1806 : vector<16xi32>
          %parallel_loop3A_1808 = tpu.vector_load_idx %arg15[%parallel_loop3A_1807] : memref<128xf32, #tpu.memory_space<vmem>>[vector<16xi32>], vector<16xf32>,
          %parallel_loop3A_1809 = arith.index_cast %parallel_loop3A_1803 : i32 to index
          %parallel_loop3A_1810 = arith.constant 0 : index
          %parallel_loop3A_1811 = tpu.vector_load %arg21[%parallel_loop3A_1809, %parallel_loop3A_1810] {strides = array<i32>} : memref<128x128xf32, #tpu.memory_space<vmem>>, vector<16xf32>,
          %parallel_loop3A_1812 = arith.mulf %parallel_loop3A_1811, %parallel_loop3A_1808 : vector<16xf32>
          %parallel_loop3A_1813 = arith.index_cast %parallel_loop3A_1803 : i32 to index
          %parallel_loop3A_1814 = arith.constant 0 : index
          %parallel_loop3A_1815 = tpu.vector_load %arg21[%parallel_loop3A_1813, %parallel_loop3A_1814] {strides = array<i32>} : memref<128x128xf32, #tpu.memory_space<vmem>>, vector<16xf32>,
          tpu.vector_store %arg21[%parallel_loop3A_1813, %parallel_loop3A_1814], %parallel_loop3A_1812 {strides = array<i32>} : memref<128x128xf32, #tpu.memory_space<vmem>>, vector<16xf32>,
          %parallel_loop3A_1816 = arith.index_cast %parallel_loop3A_1803 : i32 to index
          %parallel_loop3A_1817 = arith.constant 16 : index
          %parallel_loop3A_1818 = tpu.vector_load %arg21[%parallel_loop3A_1816, %parallel_loop3A_1817] {strides = array<i32>} : memref<128x128xf32, #tpu.memory_space<vmem>>, vector<16xf32>,
          %parallel_loop3A_1819 = arith.mulf %parallel_loop3A_1818, %parallel_loop3A_1808 : vector<16xf32>
          %parallel_loop3A_1820 = arith.index_cast %parallel_loop3A_1803 : i32 to index
          %parallel_loop3A_1821 = arith.constant 16 : index
          %parallel_loop3A_1822 = tpu.vector_load %arg21[%parallel_loop3A_1820, %parallel_loop3A_1821] {strides = array<i32>} : memref<128x128xf32, #tpu.memory_space<vmem>>, vector<16xf32>,
          tpu.vector_store %arg21[%parallel_loop3A_1820, %parallel_loop3A_1821], %parallel_loop3A_1819 {strides = array<i32>} : memref<128x128xf32, #tpu.memory_space<vmem>>, vector<16xf32>,
          %parallel_loop3A_1823 = arith.index_cast %parallel_loop3A_1803 : i32 to index
          %parallel_loop3A_1824 = arith.constant 32 : index
          %parallel_loop3A_1825 = tpu.vector_load %arg21[%parallel_loop3A_1823, %parallel_loop3A_1824] {strides = array<i32>} : memref<128x128xf32, #tpu.memory_space<vmem>>, vector<16xf32>,
          %parallel_loop3A_1826 = arith.mulf %parallel_loop3A_1825, %parallel_loop3A_1808 : vector<16xf32>
          %parallel_loop3A_1827 = arith.index_cast %parallel_loop3A_1803 : i32 to index
          %parallel_loop3A_1828 = arith.constant 32 : index
          %parallel_loop3A_1829 = tpu.vector_load %arg21[%parallel_loop3A_1827, %parallel_loop3A_1828] {strides = array<i32>} : memref<128x128xf32, #tpu.memory_space<vmem>>, vector<16xf32>,
          tpu.vector_store %arg21[%parallel_loop3A_1827, %parallel_loop3A_1828], %parallel_loop3A_1826 {strides = array<i32>} : memref<128x128xf32, #tpu.memory_space<vmem>>, vector<16xf32>,
          %parallel_loop3A_1830 = arith.index_cast %parallel_loop3A_1803 : i32 to index
          %parallel_loop3A_1831 = arith.constant 48 : index
          %parallel_loop3A_1832 = tpu.vector_load %arg21[%parallel_loop3A_1830, %parallel_loop3A_1831] {strides = array<i32>} : memref<128x128xf32, #tpu.memory_space<vmem>>, vector<16xf32>,
          %parallel_loop3A_1833 = arith.mulf %parallel_loop3A_1832, %parallel_loop3A_1808 : vector<16xf32>
          %parallel_loop3A_1834 = arith.index_cast %parallel_loop3A_1803 : i32 to index
          %parallel_loop3A_1835 = arith.constant 48 : index
          %parallel_loop3A_1836 = tpu.vector_load %arg21[%parallel_loop3A_1834, %parallel_loop3A_1835] {strides = array<i32>} : memref<128x128xf32, #tpu.memory_space<vmem>>, vector<16xf32>,
          tpu.vector_store %arg21[%parallel_loop3A_1834, %parallel_loop3A_1835], %parallel_loop3A_1833 {strides = array<i32>} : memref<128x128xf32, #tpu.memory_space<vmem>>, vector<16xf32>,
          %parallel_loop3A_1837 = arith.index_cast %parallel_loop3A_1803 : i32 to index
          %parallel_loop3A_1838 = arith.constant 64 : index
          %parallel_loop3A_1839 = tpu.vector_load %arg21[%parallel_loop3A_1837, %parallel_loop3A_1838] {strides = array<i32>} : memref<128x128xf32, #tpu.memory_space<vmem>>, vector<16xf32>,
          %parallel_loop3A_1840 = arith.mulf %parallel_loop3A_1839, %parallel_loop3A_1808 : vector<16xf32>
          %parallel_loop3A_1841 = arith.index_cast %parallel_loop3A_1803 : i32 to index
          %parallel_loop3A_1842 = arith.constant 64 : index
          %parallel_loop3A_1843 = tpu.vector_load %arg21[%parallel_loop3A_1841, %parallel_loop3A_1842] {strides = array<i32>} : memref<128x128xf32, #tpu.memory_space<vmem>>, vector<16xf32>,
          tpu.vector_store %arg21[%parallel_loop3A_1841, %parallel_loop3A_1842], %parallel_loop3A_1840 {strides = array<i32>} : memref<128x128xf32, #tpu.memory_space<vmem>>, vector<16xf32>,
          %parallel_loop3A_1844 = arith.index_cast %parallel_loop3A_1803 : i32 to index
          %parallel_loop3A_1845 = arith.constant 80 : index
          %parallel_loop3A_1846 = tpu.vector_load %arg21[%parallel_loop3A_1844, %parallel_loop3A_1845] {strides = array<i32>} : memref<128x128xf32, #tpu.memory_space<vmem>>, vector<16xf32>,
          %parallel_loop3A_1847 = arith.mulf %parallel_loop3A_1846, %parallel_loop3A_1808 : vector<16xf32>
          %parallel_loop3A_1848 = arith.index_cast %parallel_loop3A_1803 : i32 to index
          %parallel_loop3A_1849 = arith.constant 80 : index
          %parallel_loop3A_1850 = tpu.vector_load %arg21[%parallel_loop3A_1848, %parallel_loop3A_1849] {strides = array<i32>} : memref<128x128xf32, #tpu.memory_space<vmem>>, vector<16xf32>,
          tpu.vector_store %arg21[%parallel_loop3A_1848, %parallel_loop3A_1849], %parallel_loop3A_1847 {strides = array<i32>} : memref<128x128xf32, #tpu.memory_space<vmem>>, vector<16xf32>,
          %parallel_loop3A_1851 = arith.index_cast %parallel_loop3A_1803 : i32 to index
          %parallel_loop3A_1852 = arith.constant 96 : index
          %parallel_loop3A_1853 = tpu.vector_load %arg21[%parallel_loop3A_1851, %parallel_loop3A_1852] {strides = array<i32>} : memref<128x128xf32, #tpu.memory_space<vmem>>, vector<16xf32>,
          %parallel_loop3A_1854 = arith.mulf %parallel_loop3A_1853, %parallel_loop3A_1808 : vector<16xf32>
          %parallel_loop3A_1855 = arith.index_cast %parallel_loop3A_1803 : i32 to index
          %parallel_loop3A_1856 = arith.constant 96 : index
          %parallel_loop3A_1857 = tpu.vector_load %arg21[%parallel_loop3A_1855, %parallel_loop3A_1856] {strides = array<i32>} : memref<128x128xf32, #tpu.memory_space<vmem>>, vector<16xf32>,
          tpu.vector_store %arg21[%parallel_loop3A_1855, %parallel_loop3A_1856], %parallel_loop3A_1854 {strides = array<i32>} : memref<128x128xf32, #tpu.memory_space<vmem>>, vector<16xf32>,
          %parallel_loop3A_1858 = arith.index_cast %parallel_loop3A_1803 : i32 to index
          %parallel_loop3A_1859 = arith.constant 112 : index
          %parallel_loop3A_1860 = tpu.vector_load %arg21[%parallel_loop3A_1858, %parallel_loop3A_1859] {strides = array<i32>} : memref<128x128xf32, #tpu.memory_space<vmem>>, vector<16xf32>,
          %parallel_loop3A_1861 = arith.mulf %parallel_loop3A_1860, %parallel_loop3A_1808 : vector<16xf32>
          %parallel_loop3A_1862 = arith.index_cast %parallel_loop3A_1803 : i32 to index
          %parallel_loop3A_1863 = arith.constant 112 : index
          %parallel_loop3A_1864 = tpu.vector_load %arg21[%parallel_loop3A_1862, %parallel_loop3A_1863] {strides = array<i32>} : memref<128x128xf32, #tpu.memory_space<vmem>>, vector<16xf32>,
          tpu.vector_store %arg21[%parallel_loop3A_1862, %parallel_loop3A_1863], %parallel_loop3A_1861 {strides = array<i32>} : memref<128x128xf32, #tpu.memory_space<vmem>>, vector<16xf32>,
        } {sc.loop_unroll_factor = 8 : i64, sc.parallel_access}
        %dma_start3A_1800 = arith.constant 0 : i32
        %dma_start3A_1801 = arith.constant 0 : i32
        %dma_start3A_1802 = tpu.memref_slice %arg30[%dma_start3A_1800, %dma_start3A_1801] : memref<10240x128xf32, #tpu.memory_space<vmem_shared>> -> memref<10240x128xf32, #tpu.memory_space<vmem_shared>>
        tpu.enqueue_indirect_dma source(%arg21 : memref<128x128xf32, #tpu.memory_space<vmem>>) target(%dma_start3A_1802 : memref<10240x128xf32, #tpu.memory_space<vmem_shared>>) offsets(%arg16 : memref<128xi32, #tpu.memory_space<vmem>>) semaphore(%arg27 : memref<!tpu.dma_semaphore, #tpu.memory_space<semaphore_mem>>) {add = true}
      } else {
      }
      %mul3A_1652 = arith.constant 2 : i32
      %mul3A_1653 = arith.muli %mul3A_1652, %scan3A_1634 : i32
      %add3A_1654 = arith.constant 1 : i32
      %add3A_1655 = arith.addi %mul3A_1653, %add3A_1654 : i32
      %add3A_1656 = arith.constant 1 : i32
      %add3A_1657 = arith.addi %add3A_1655, %add3A_1656 : i32
      %mul3A_1658 = arith.constant 32 : i32
      %mul3A_1659 = arith.muli %add3A_1657, %mul3A_1658 : i32
      %add3A_1660 = arith.addi %mul3A_1659, %add3A : i32
      %lt3A_1661 = arith.constant 2500 : i32
      %lt3A_1662 = arith.cmpi slt, %add3A_1660, %lt3A_1661 : i32
      %convert_element_type3A_1663 = arith.extui %lt3A_1662 : i1 to i32
      %cond3A_1664 = arith.constant 0 : i32
      %cond3A_1665 = arith.cmpi ne, %convert_element_type3A_1663, %cond3A_1664 : i32
      scf.if %cond3A_1665 {
        %add3A_1674 = arith.constant 1 : i32
        %add3A_1675 = arith.addi %add3A_1655, %add3A_1674 : i32
        %mul3A_1676 = arith.constant 32 : i32
        %mul3A_1677 = arith.muli %add3A_1675, %mul3A_1676 : i32
        %add3A_1678 = arith.addi %mul3A_1677, %add3A : i32
        %mul3A_1679 = arith.constant 128 : i32
        %mul3A_1680 = arith.muli %add3A_1678, %mul3A_1679 : i32
        %dma_wait3A_1681 = tpu.memref_slice %arg2[%mul3A_1680] : memref<320000xi32, #tpu.memory_space<hbm>> -> memref<128xi32, #tpu.memory_space<hbm>>
        %dma_wait3A_1682 = tpu.memref_slice %arg2[%mul3A_1680] : memref<320000xi32, #tpu.memory_space<hbm>> -> memref<128xi32, #tpu.memory_space<hbm>>
        tpu.wait_dma2 semaphore(%arg23 : memref<!tpu.dma_semaphore, #tpu.memory_space<semaphore_mem>>) src(%dma_wait3A_1682 : memref<128xi32, #tpu.memory_space<hbm>>) dst(%arg9 : memref<128xi32, #tpu.memory_space<vmem>>)
        %dma_wait3A_1683 = tpu.memref_slice %arg3[%mul3A_1680] : memref<320000xi32, #tpu.memory_space<hbm>> -> memref<128xi32, #tpu.memory_space<hbm>>
        %dma_wait3A_1684 = tpu.memref_slice %arg3[%mul3A_1680] : memref<320000xi32, #tpu.memory_space<hbm>> -> memref<128xi32, #tpu.memory_space<hbm>>
        tpu.wait_dma2 semaphore(%arg23 : memref<!tpu.dma_semaphore, #tpu.memory_space<semaphore_mem>>) src(%dma_wait3A_1684 : memref<128xi32, #tpu.memory_space<hbm>>) dst(%arg11 : memref<128xi32, #tpu.memory_space<vmem>>)
        %dma_wait3A_1685 = tpu.memref_slice %arg4[%mul3A_1680] : memref<320000xf32, #tpu.memory_space<hbm>> -> memref<128xf32, #tpu.memory_space<hbm>>
        %dma_wait3A_1686 = tpu.memref_slice %arg4[%mul3A_1680] : memref<320000xf32, #tpu.memory_space<hbm>> -> memref<128xf32, #tpu.memory_space<hbm>>
        tpu.wait_dma2 semaphore(%arg23 : memref<!tpu.dma_semaphore, #tpu.memory_space<semaphore_mem>>) src(%dma_wait3A_1686 : memref<128xf32, #tpu.memory_space<hbm>>) dst(%arg13 : memref<128xf32, #tpu.memory_space<vmem>>)
        %ge3A = arith.constant 1 : i32
        %ge3A_1687 = arith.cmpi sge, %add3A_1655, %ge3A : i32
        %convert_element_type3A_1688 = arith.extui %ge3A_1687 : i1 to i32
        %cond3A_1689 = arith.constant 0 : i32
        %cond3A_1690 = arith.cmpi ne, %convert_element_type3A_1688, %cond3A_1689 : i32
        scf.if %cond3A_1690 {
          %dma_wait3A_1694 = arith.constant 0 : i32
          %dma_wait3A_1695 = arith.constant 0 : i32
          %dma_wait3A_1696 = tpu.memref_slice %arg30[%dma_wait3A_1694, %dma_wait3A_1695] : memref<10240x128xf32, #tpu.memory_space<vmem_shared>> -> memref<10240x128xf32, #tpu.memory_space<vmem_shared>>
          tpu.wait_indirect_dma semaphore(%arg27 : memref<!tpu.dma_semaphore, #tpu.memory_space<semaphore_mem>>) src(%arg21 : memref<128x128xf32, #tpu.memory_space<vmem>>) dst(%dma_wait3A_1696 : memref<10240x128xf32, #tpu.memory_space<vmem_shared>>)
        } else {
        }
        %dma_start3A_1691 = arith.constant 0 : i32
        %dma_start3A_1692 = arith.constant 0 : i32
        %dma_start3A_1693 = tpu.memref_slice %arg6[%dma_start3A_1691, %dma_start3A_1692] : memref<10000x128xf32, #tpu.memory_space<hbm>> -> memref<10000x128xf32, #tpu.memory_space<hbm>>
        tpu.enqueue_indirect_dma source(%dma_start3A_1693 : memref<10000x128xf32, #tpu.memory_space<hbm>>) target(%arg21 : memref<128x128xf32, #tpu.memory_space<vmem>>) offsets(%arg9 : memref<128xi32, #tpu.memory_space<vmem>>) semaphore(%arg25 : memref<!tpu.dma_semaphore, #tpu.memory_space<semaphore_mem>>)
      } else {
      }
      %mul3A_1666 = arith.constant 32 : i32
      %mul3A_1667 = arith.muli %add3A_1655, %mul3A_1666 : i32
      %add3A_1668 = arith.addi %mul3A_1667, %add3A : i32
      %lt3A_1669 = arith.constant 2500 : i32
      %lt3A_1670 = arith.cmpi slt, %add3A_1668, %lt3A_1669 : i32
      %convert_element_type3A_1671 = arith.extui %lt3A_1670 : i1 to i32
      %cond3A_1672 = arith.constant 0 : i32
      %cond3A_1673 = arith.cmpi ne, %convert_element_type3A_1671, %cond3A_1672 : i32
      scf.if %cond3A_1673 {
        %dma_wait3A_1674 = arith.constant 0 : i32
        %dma_wait3A_1675 = arith.constant 0 : i32
        %dma_wait3A_1676 = tpu.memref_slice %arg6[%dma_wait3A_1674, %dma_wait3A_1675] : memref<10000x128xf32, #tpu.memory_space<hbm>> -> memref<10000x128xf32, #tpu.memory_space<hbm>>
        tpu.wait_indirect_dma semaphore(%arg26 : memref<!tpu.dma_semaphore, #tpu.memory_space<semaphore_mem>>) src(%dma_wait3A_1676 : memref<10000x128xf32, #tpu.memory_space<hbm>>) dst(%arg22 : memref<128x128xf32, #tpu.memory_space<vmem>>)
        %get3A_1677 = arith.constant 0 : index
        %get3A_1678 = tpu.vector_load %arg10[%get3A_1677] {strides = array<i32>} : memref<128xi32, #tpu.memory_space<vmem>>, vector<16xi32>,
        %get3A_1679 = arith.constant 0 : index
        %get3A_1680 = tpu.vector_load %arg12[%get3A_1679] {strides = array<i32>} : memref<128xi32, #tpu.memory_space<vmem>>, vector<16xi32>,
        %get3A_1681 = arith.constant 0 : index
        %get3A_1682 = tpu.vector_load %arg14[%get3A_1681] {strides = array<i32>} : memref<128xf32, #tpu.memory_space<vmem>>, vector<16xf32>,
        %gather3A = tpu.vector_load_idx %arg20[%get3A_1678] : memref<10240xf32, #tpu.memory_space<vmem>>[vector<16xi32>], vector<16xf32>,
        %mul3A_1683 = arith.mulf %gather3A, %get3A_1682 : vector<16xf32>
        %gather3A_1684 = tpu.vector_load_idx %arg20[%get3A_1680] : memref<10240xf32, #tpu.memory_space<vmem>>[vector<16xi32>], vector<16xf32>,
        %mul3A_1685 = arith.mulf %mul3A_1683, %gather3A_1684 : vector<16xf32>
        %swap3A_1686 = arith.constant 0 : index
        %swap3A_1687 = tpu.vector_load %arg15[%swap3A_1686] {strides = array<i32>} : memref<128xf32, #tpu.memory_space<vmem>>, vector<16xf32>,
        tpu.vector_store %arg15[%swap3A_1686], %mul3A_1685 {strides = array<i32>} : memref<128xf32, #tpu.memory_space<vmem>>, vector<16xf32>,
        %swap3A_1688 = arith.constant 0 : index
        %swap3A_1689 = tpu.vector_load %arg17[%swap3A_1688] {strides = array<i32>} : memref<128xi32, #tpu.memory_space<vmem>>, vector<16xi32>,
        tpu.vector_store %arg17[%swap3A_1688], %get3A_1680 {strides = array<i32>} : memref<128xi32, #tpu.memory_space<vmem>>, vector<16xi32>,
        %get3A_1690 = arith.constant 16 : index
        %get3A_1691 = tpu.vector_load %arg10[%get3A_1690] {strides = array<i32>} : memref<128xi32, #tpu.memory_space<vmem>>, vector<16xi32>,
        %get3A_1692 = arith.constant 16 : index
        %get3A_1693 = tpu.vector_load %arg12[%get3A_1692] {strides = array<i32>} : memref<128xi32, #tpu.memory_space<vmem>>, vector<16xi32>,
        %get3A_1694 = arith.constant 16 : index
        %get3A_1695 = tpu.vector_load %arg14[%get3A_1694] {strides = array<i32>} : memref<128xf32, #tpu.memory_space<vmem>>, vector<16xf32>,
        %gather3A_1696 = tpu.vector_load_idx %arg20[%get3A_1691] : memref<10240xf32, #tpu.memory_space<vmem>>[vector<16xi32>], vector<16xf32>,
        %mul3A_1697 = arith.mulf %gather3A_1696, %get3A_1695 : vector<16xf32>
        %gather3A_1698 = tpu.vector_load_idx %arg20[%get3A_1693] : memref<10240xf32, #tpu.memory_space<vmem>>[vector<16xi32>], vector<16xf32>,
        %mul3A_1699 = arith.mulf %mul3A_1697, %gather3A_1698 : vector<16xf32>
        %swap3A_1700 = arith.constant 16 : index
        %swap3A_1701 = tpu.vector_load %arg15[%swap3A_1700] {strides = array<i32>} : memref<128xf32, #tpu.memory_space<vmem>>, vector<16xf32>,
        tpu.vector_store %arg15[%swap3A_1700], %mul3A_1699 {strides = array<i32>} : memref<128xf32, #tpu.memory_space<vmem>>, vector<16xf32>,
        %swap3A_1702 = arith.constant 16 : index
        %swap3A_1703 = tpu.vector_load %arg17[%swap3A_1702] {strides = array<i32>} : memref<128xi32, #tpu.memory_space<vmem>>, vector<16xi32>,
        tpu.vector_store %arg17[%swap3A_1702], %get3A_1693 {strides = array<i32>} : memref<128xi32, #tpu.memory_space<vmem>>, vector<16xi32>,
        %get3A_1704 = arith.constant 32 : index
        %get3A_1705 = tpu.vector_load %arg10[%get3A_1704] {strides = array<i32>} : memref<128xi32, #tpu.memory_space<vmem>>, vector<16xi32>,
        %get3A_1706 = arith.constant 32 : index
        %get3A_1707 = tpu.vector_load %arg12[%get3A_1706] {strides = array<i32>} : memref<128xi32, #tpu.memory_space<vmem>>, vector<16xi32>,
        %get3A_1708 = arith.constant 32 : index
        %get3A_1709 = tpu.vector_load %arg14[%get3A_1708] {strides = array<i32>} : memref<128xf32, #tpu.memory_space<vmem>>, vector<16xf32>,
        %gather3A_1710 = tpu.vector_load_idx %arg20[%get3A_1705] : memref<10240xf32, #tpu.memory_space<vmem>>[vector<16xi32>], vector<16xf32>,
        %mul3A_1711 = arith.mulf %gather3A_1710, %get3A_1709 : vector<16xf32>
        %gather3A_1712 = tpu.vector_load_idx %arg20[%get3A_1707] : memref<10240xf32, #tpu.memory_space<vmem>>[vector<16xi32>], vector<16xf32>,
        %mul3A_1713 = arith.mulf %mul3A_1711, %gather3A_1712 : vector<16xf32>
        %swap3A_1714 = arith.constant 32 : index
        %swap3A_1715 = tpu.vector_load %arg15[%swap3A_1714] {strides = array<i32>} : memref<128xf32, #tpu.memory_space<vmem>>, vector<16xf32>,
        tpu.vector_store %arg15[%swap3A_1714], %mul3A_1713 {strides = array<i32>} : memref<128xf32, #tpu.memory_space<vmem>>, vector<16xf32>,
        %swap3A_1716 = arith.constant 32 : index
        %swap3A_1717 = tpu.vector_load %arg17[%swap3A_1716] {strides = array<i32>} : memref<128xi32, #tpu.memory_space<vmem>>, vector<16xi32>,
        tpu.vector_store %arg17[%swap3A_1716], %get3A_1707 {strides = array<i32>} : memref<128xi32, #tpu.memory_space<vmem>>, vector<16xi32>,
        %get3A_1718 = arith.constant 48 : index
        %get3A_1719 = tpu.vector_load %arg10[%get3A_1718] {strides = array<i32>} : memref<128xi32, #tpu.memory_space<vmem>>, vector<16xi32>,
        %get3A_1720 = arith.constant 48 : index
        %get3A_1721 = tpu.vector_load %arg12[%get3A_1720] {strides = array<i32>} : memref<128xi32, #tpu.memory_space<vmem>>, vector<16xi32>,
        %get3A_1722 = arith.constant 48 : index
        %get3A_1723 = tpu.vector_load %arg14[%get3A_1722] {strides = array<i32>} : memref<128xf32, #tpu.memory_space<vmem>>, vector<16xf32>,
        %gather3A_1724 = tpu.vector_load_idx %arg20[%get3A_1719] : memref<10240xf32, #tpu.memory_space<vmem>>[vector<16xi32>], vector<16xf32>,
        %mul3A_1725 = arith.mulf %gather3A_1724, %get3A_1723 : vector<16xf32>
        %gather3A_1726 = tpu.vector_load_idx %arg20[%get3A_1721] : memref<10240xf32, #tpu.memory_space<vmem>>[vector<16xi32>], vector<16xf32>,
        %mul3A_1727 = arith.mulf %mul3A_1725, %gather3A_1726 : vector<16xf32>
        %swap3A_1728 = arith.constant 48 : index
        %swap3A_1729 = tpu.vector_load %arg15[%swap3A_1728] {strides = array<i32>} : memref<128xf32, #tpu.memory_space<vmem>>, vector<16xf32>,
        tpu.vector_store %arg15[%swap3A_1728], %mul3A_1727 {strides = array<i32>} : memref<128xf32, #tpu.memory_space<vmem>>, vector<16xf32>,
        %swap3A_1730 = arith.constant 48 : index
        %swap3A_1731 = tpu.vector_load %arg17[%swap3A_1730] {strides = array<i32>} : memref<128xi32, #tpu.memory_space<vmem>>, vector<16xi32>,
        tpu.vector_store %arg17[%swap3A_1730], %get3A_1721 {strides = array<i32>} : memref<128xi32, #tpu.memory_space<vmem>>, vector<16xi32>,
        %get3A_1732 = arith.constant 64 : index
        %get3A_1733 = tpu.vector_load %arg10[%get3A_1732] {strides = array<i32>} : memref<128xi32, #tpu.memory_space<vmem>>, vector<16xi32>,
        %get3A_1734 = arith.constant 64 : index
        %get3A_1735 = tpu.vector_load %arg12[%get3A_1734] {strides = array<i32>} : memref<128xi32, #tpu.memory_space<vmem>>, vector<16xi32>,
        %get3A_1736 = arith.constant 64 : index
        %get3A_1737 = tpu.vector_load %arg14[%get3A_1736] {strides = array<i32>} : memref<128xf32, #tpu.memory_space<vmem>>, vector<16xf32>,
        %gather3A_1738 = tpu.vector_load_idx %arg20[%get3A_1733] : memref<10240xf32, #tpu.memory_space<vmem>>[vector<16xi32>], vector<16xf32>,
        %mul3A_1739 = arith.mulf %gather3A_1738, %get3A_1737 : vector<16xf32>
        %gather3A_1740 = tpu.vector_load_idx %arg20[%get3A_1735] : memref<10240xf32, #tpu.memory_space<vmem>>[vector<16xi32>], vector<16xf32>,
        %mul3A_1741 = arith.mulf %mul3A_1739, %gather3A_1740 : vector<16xf32>
        %swap3A_1742 = arith.constant 64 : index
        %swap3A_1743 = tpu.vector_load %arg15[%swap3A_1742] {strides = array<i32>} : memref<128xf32, #tpu.memory_space<vmem>>, vector<16xf32>,
        tpu.vector_store %arg15[%swap3A_1742], %mul3A_1741 {strides = array<i32>} : memref<128xf32, #tpu.memory_space<vmem>>, vector<16xf32>,
        %swap3A_1744 = arith.constant 64 : index
        %swap3A_1745 = tpu.vector_load %arg17[%swap3A_1744] {strides = array<i32>} : memref<128xi32, #tpu.memory_space<vmem>>, vector<16xi32>,
        tpu.vector_store %arg17[%swap3A_1744], %get3A_1735 {strides = array<i32>} : memref<128xi32, #tpu.memory_space<vmem>>, vector<16xi32>,
        %get3A_1746 = arith.constant 80 : index
        %get3A_1747 = tpu.vector_load %arg10[%get3A_1746] {strides = array<i32>} : memref<128xi32, #tpu.memory_space<vmem>>, vector<16xi32>,
        %get3A_1748 = arith.constant 80 : index
        %get3A_1749 = tpu.vector_load %arg12[%get3A_1748] {strides = array<i32>} : memref<128xi32, #tpu.memory_space<vmem>>, vector<16xi32>,
        %get3A_1750 = arith.constant 80 : index
        %get3A_1751 = tpu.vector_load %arg14[%get3A_1750] {strides = array<i32>} : memref<128xf32, #tpu.memory_space<vmem>>, vector<16xf32>,
        %gather3A_1752 = tpu.vector_load_idx %arg20[%get3A_1747] : memref<10240xf32, #tpu.memory_space<vmem>>[vector<16xi32>], vector<16xf32>,
        %mul3A_1753 = arith.mulf %gather3A_1752, %get3A_1751 : vector<16xf32>
        %gather3A_1754 = tpu.vector_load_idx %arg20[%get3A_1749] : memref<10240xf32, #tpu.memory_space<vmem>>[vector<16xi32>], vector<16xf32>,
        %mul3A_1755 = arith.mulf %mul3A_1753, %gather3A_1754 : vector<16xf32>
        %swap3A_1756 = arith.constant 80 : index
        %swap3A_1757 = tpu.vector_load %arg15[%swap3A_1756] {strides = array<i32>} : memref<128xf32, #tpu.memory_space<vmem>>, vector<16xf32>,
        tpu.vector_store %arg15[%swap3A_1756], %mul3A_1755 {strides = array<i32>} : memref<128xf32, #tpu.memory_space<vmem>>, vector<16xf32>,
        %swap3A_1758 = arith.constant 80 : index
        %swap3A_1759 = tpu.vector_load %arg17[%swap3A_1758] {strides = array<i32>} : memref<128xi32, #tpu.memory_space<vmem>>, vector<16xi32>,
        tpu.vector_store %arg17[%swap3A_1758], %get3A_1749 {strides = array<i32>} : memref<128xi32, #tpu.memory_space<vmem>>, vector<16xi32>,
        %get3A_1760 = arith.constant 96 : index
        %get3A_1761 = tpu.vector_load %arg10[%get3A_1760] {strides = array<i32>} : memref<128xi32, #tpu.memory_space<vmem>>, vector<16xi32>,
        %get3A_1762 = arith.constant 96 : index
        %get3A_1763 = tpu.vector_load %arg12[%get3A_1762] {strides = array<i32>} : memref<128xi32, #tpu.memory_space<vmem>>, vector<16xi32>,
        %get3A_1764 = arith.constant 96 : index
        %get3A_1765 = tpu.vector_load %arg14[%get3A_1764] {strides = array<i32>} : memref<128xf32, #tpu.memory_space<vmem>>, vector<16xf32>,
        %gather3A_1766 = tpu.vector_load_idx %arg20[%get3A_1761] : memref<10240xf32, #tpu.memory_space<vmem>>[vector<16xi32>], vector<16xf32>,
        %mul3A_1767 = arith.mulf %gather3A_1766, %get3A_1765 : vector<16xf32>
        %gather3A_1768 = tpu.vector_load_idx %arg20[%get3A_1763] : memref<10240xf32, #tpu.memory_space<vmem>>[vector<16xi32>], vector<16xf32>,
        %mul3A_1769 = arith.mulf %mul3A_1767, %gather3A_1768 : vector<16xf32>
        %swap3A_1770 = arith.constant 96 : index
        %swap3A_1771 = tpu.vector_load %arg15[%swap3A_1770] {strides = array<i32>} : memref<128xf32, #tpu.memory_space<vmem>>, vector<16xf32>,
        tpu.vector_store %arg15[%swap3A_1770], %mul3A_1769 {strides = array<i32>} : memref<128xf32, #tpu.memory_space<vmem>>, vector<16xf32>,
        %swap3A_1772 = arith.constant 96 : index
        %swap3A_1773 = tpu.vector_load %arg17[%swap3A_1772] {strides = array<i32>} : memref<128xi32, #tpu.memory_space<vmem>>, vector<16xi32>,
        tpu.vector_store %arg17[%swap3A_1772], %get3A_1763 {strides = array<i32>} : memref<128xi32, #tpu.memory_space<vmem>>, vector<16xi32>,
        %get3A_1774 = arith.constant 112 : index
        %get3A_1775 = tpu.vector_load %arg10[%get3A_1774] {strides = array<i32>} : memref<128xi32, #tpu.memory_space<vmem>>, vector<16xi32>,
        %get3A_1776 = arith.constant 112 : index
        %get3A_1777 = tpu.vector_load %arg12[%get3A_1776] {strides = array<i32>} : memref<128xi32, #tpu.memory_space<vmem>>, vector<16xi32>,
        %get3A_1778 = arith.constant 112 : index
        %get3A_1779 = tpu.vector_load %arg14[%get3A_1778] {strides = array<i32>} : memref<128xf32, #tpu.memory_space<vmem>>, vector<16xf32>,
        %gather3A_1780 = tpu.vector_load_idx %arg20[%get3A_1775] : memref<10240xf32, #tpu.memory_space<vmem>>[vector<16xi32>], vector<16xf32>,
        %mul3A_1781 = arith.mulf %gather3A_1780, %get3A_1779 : vector<16xf32>
        %gather3A_1782 = tpu.vector_load_idx %arg20[%get3A_1777] : memref<10240xf32, #tpu.memory_space<vmem>>[vector<16xi32>], vector<16xf32>,
        %mul3A_1783 = arith.mulf %mul3A_1781, %gather3A_1782 : vector<16xf32>
        %swap3A_1784 = arith.constant 112 : index
        %swap3A_1785 = tpu.vector_load %arg15[%swap3A_1784] {strides = array<i32>} : memref<128xf32, #tpu.memory_space<vmem>>, vector<16xf32>,
        tpu.vector_store %arg15[%swap3A_1784], %mul3A_1783 {strides = array<i32>} : memref<128xf32, #tpu.memory_space<vmem>>, vector<16xf32>,
        %swap3A_1786 = arith.constant 112 : index
        %swap3A_1787 = tpu.vector_load %arg17[%swap3A_1786] {strides = array<i32>} : memref<128xi32, #tpu.memory_space<vmem>>, vector<16xi32>,
        tpu.vector_store %arg17[%swap3A_1786], %get3A_1777 {strides = array<i32>} : memref<128xi32, #tpu.memory_space<vmem>>, vector<16xi32>,
        %add3A_1788 = arith.constant 2 : i32
        %add3A_1789 = arith.addi %add3A_1655, %add3A_1788 : i32
        %mul3A_1790 = arith.constant 32 : i32
        %mul3A_1791 = arith.muli %add3A_1789, %mul3A_1790 : i32
        %add3A_1792 = arith.addi %mul3A_1791, %add3A : i32
        %lt3A_1793 = arith.constant 2500 : i32
        %lt3A_1794 = arith.cmpi slt, %add3A_1792, %lt3A_1793 : i32
        %convert_element_type3A_1795 = arith.extui %lt3A_1794 : i1 to i32
        %cond3A_1796 = arith.constant 0 : i32
        %cond3A_1797 = arith.cmpi ne, %convert_element_type3A_1795, %cond3A_1796 : i32
        scf.if %cond3A_1797 {
          %add3A_1803 = arith.constant 2 : i32
          %add3A_1804 = arith.addi %add3A_1655, %add3A_1803 : i32
          %mul3A_1805 = arith.constant 32 : i32
          %mul3A_1806 = arith.muli %add3A_1804, %mul3A_1805 : i32
          %add3A_1807 = arith.addi %mul3A_1806, %add3A : i32
          %mul3A_1808 = arith.constant 128 : i32
          %mul3A_1809 = arith.muli %add3A_1807, %mul3A_1808 : i32
          %dma_start3A_1810 = tpu.memref_slice %arg2[%mul3A_1809] : memref<320000xi32, #tpu.memory_space<hbm>> -> memref<128xi32, #tpu.memory_space<hbm>>
          %dma_start3A_1811 = tpu.memref_slice %arg2[%mul3A_1809] : memref<320000xi32, #tpu.memory_space<hbm>> -> memref<128xi32, #tpu.memory_space<hbm>>
          tpu.enqueue_dma source(%dma_start3A_1811 : memref<128xi32, #tpu.memory_space<hbm>>) target(%arg10 : memref<128xi32, #tpu.memory_space<vmem>>) target_semaphore(%arg24 : memref<!tpu.dma_semaphore, #tpu.memory_space<semaphore_mem>>)
          %dma_start3A_1812 = tpu.memref_slice %arg3[%mul3A_1809] : memref<320000xi32, #tpu.memory_space<hbm>> -> memref<128xi32, #tpu.memory_space<hbm>>
          %dma_start3A_1813 = tpu.memref_slice %arg3[%mul3A_1809] : memref<320000xi32, #tpu.memory_space<hbm>> -> memref<128xi32, #tpu.memory_space<hbm>>
          tpu.enqueue_dma source(%dma_start3A_1813 : memref<128xi32, #tpu.memory_space<hbm>>) target(%arg12 : memref<128xi32, #tpu.memory_space<vmem>>) target_semaphore(%arg24 : memref<!tpu.dma_semaphore, #tpu.memory_space<semaphore_mem>>)
          %dma_start3A_1814 = tpu.memref_slice %arg4[%mul3A_1809] : memref<320000xf32, #tpu.memory_space<hbm>> -> memref<128xf32, #tpu.memory_space<hbm>>
          %dma_start3A_1815 = tpu.memref_slice %arg4[%mul3A_1809] : memref<320000xf32, #tpu.memory_space<hbm>> -> memref<128xf32, #tpu.memory_space<hbm>>
          tpu.enqueue_dma source(%dma_start3A_1815 : memref<128xf32, #tpu.memory_space<hbm>>) target(%arg14 : memref<128xf32, #tpu.memory_space<vmem>>) target_semaphore(%arg24 : memref<!tpu.dma_semaphore, #tpu.memory_space<semaphore_mem>>)
        } else {
        }
        %parallel_loop3A = arith.constant 0 : i32
        %parallel_loop3A_1798 = arith.constant 128 : i32
        %parallel_loop3A_1799 = arith.constant 1 : i32
        scf.for %parallel_loop3A_1803 = %parallel_loop3A to %parallel_loop3A_1798 step %parallel_loop3A_1799  : i32 {
          %parallel_loop3A_1804 = arith.constant 0 : i32
          %parallel_loop3A_1805 = vector.broadcast %parallel_loop3A_1804 : i32 to vector<16xi32>
          %parallel_loop3A_1806 = vector.broadcast %parallel_loop3A_1803 : i32 to vector<16xi32>
          %parallel_loop3A_1807 = arith.addi %parallel_loop3A_1805, %parallel_loop3A_1806 : vector<16xi32>
          %parallel_loop3A_1808 = tpu.vector_load_idx %arg15[%parallel_loop3A_1807] : memref<128xf32, #tpu.memory_space<vmem>>[vector<16xi32>], vector<16xf32>,
          %parallel_loop3A_1809 = arith.index_cast %parallel_loop3A_1803 : i32 to index
          %parallel_loop3A_1810 = arith.constant 0 : index
          %parallel_loop3A_1811 = tpu.vector_load %arg22[%parallel_loop3A_1809, %parallel_loop3A_1810] {strides = array<i32>} : memref<128x128xf32, #tpu.memory_space<vmem>>, vector<16xf32>,
          %parallel_loop3A_1812 = arith.mulf %parallel_loop3A_1811, %parallel_loop3A_1808 : vector<16xf32>
          %parallel_loop3A_1813 = arith.index_cast %parallel_loop3A_1803 : i32 to index
          %parallel_loop3A_1814 = arith.constant 0 : index
          %parallel_loop3A_1815 = tpu.vector_load %arg22[%parallel_loop3A_1813, %parallel_loop3A_1814] {strides = array<i32>} : memref<128x128xf32, #tpu.memory_space<vmem>>, vector<16xf32>,
          tpu.vector_store %arg22[%parallel_loop3A_1813, %parallel_loop3A_1814], %parallel_loop3A_1812 {strides = array<i32>} : memref<128x128xf32, #tpu.memory_space<vmem>>, vector<16xf32>,
          %parallel_loop3A_1816 = arith.index_cast %parallel_loop3A_1803 : i32 to index
          %parallel_loop3A_1817 = arith.constant 16 : index
          %parallel_loop3A_1818 = tpu.vector_load %arg22[%parallel_loop3A_1816, %parallel_loop3A_1817] {strides = array<i32>} : memref<128x128xf32, #tpu.memory_space<vmem>>, vector<16xf32>,
          %parallel_loop3A_1819 = arith.mulf %parallel_loop3A_1818, %parallel_loop3A_1808 : vector<16xf32>
          %parallel_loop3A_1820 = arith.index_cast %parallel_loop3A_1803 : i32 to index
          %parallel_loop3A_1821 = arith.constant 16 : index
          %parallel_loop3A_1822 = tpu.vector_load %arg22[%parallel_loop3A_1820, %parallel_loop3A_1821] {strides = array<i32>} : memref<128x128xf32, #tpu.memory_space<vmem>>, vector<16xf32>,
          tpu.vector_store %arg22[%parallel_loop3A_1820, %parallel_loop3A_1821], %parallel_loop3A_1819 {strides = array<i32>} : memref<128x128xf32, #tpu.memory_space<vmem>>, vector<16xf32>,
          %parallel_loop3A_1823 = arith.index_cast %parallel_loop3A_1803 : i32 to index
          %parallel_loop3A_1824 = arith.constant 32 : index
          %parallel_loop3A_1825 = tpu.vector_load %arg22[%parallel_loop3A_1823, %parallel_loop3A_1824] {strides = array<i32>} : memref<128x128xf32, #tpu.memory_space<vmem>>, vector<16xf32>,
          %parallel_loop3A_1826 = arith.mulf %parallel_loop3A_1825, %parallel_loop3A_1808 : vector<16xf32>
          %parallel_loop3A_1827 = arith.index_cast %parallel_loop3A_1803 : i32 to index
          %parallel_loop3A_1828 = arith.constant 32 : index
          %parallel_loop3A_1829 = tpu.vector_load %arg22[%parallel_loop3A_1827, %parallel_loop3A_1828] {strides = array<i32>} : memref<128x128xf32, #tpu.memory_space<vmem>>, vector<16xf32>,
          tpu.vector_store %arg22[%parallel_loop3A_1827, %parallel_loop3A_1828], %parallel_loop3A_1826 {strides = array<i32>} : memref<128x128xf32, #tpu.memory_space<vmem>>, vector<16xf32>,
          %parallel_loop3A_1830 = arith.index_cast %parallel_loop3A_1803 : i32 to index
          %parallel_loop3A_1831 = arith.constant 48 : index
          %parallel_loop3A_1832 = tpu.vector_load %arg22[%parallel_loop3A_1830, %parallel_loop3A_1831] {strides = array<i32>} : memref<128x128xf32, #tpu.memory_space<vmem>>, vector<16xf32>,
          %parallel_loop3A_1833 = arith.mulf %parallel_loop3A_1832, %parallel_loop3A_1808 : vector<16xf32>
          %parallel_loop3A_1834 = arith.index_cast %parallel_loop3A_1803 : i32 to index
          %parallel_loop3A_1835 = arith.constant 48 : index
          %parallel_loop3A_1836 = tpu.vector_load %arg22[%parallel_loop3A_1834, %parallel_loop3A_1835] {strides = array<i32>} : memref<128x128xf32, #tpu.memory_space<vmem>>, vector<16xf32>,
          tpu.vector_store %arg22[%parallel_loop3A_1834, %parallel_loop3A_1835], %parallel_loop3A_1833 {strides = array<i32>} : memref<128x128xf32, #tpu.memory_space<vmem>>, vector<16xf32>,
          %parallel_loop3A_1837 = arith.index_cast %parallel_loop3A_1803 : i32 to index
          %parallel_loop3A_1838 = arith.constant 64 : index
          %parallel_loop3A_1839 = tpu.vector_load %arg22[%parallel_loop3A_1837, %parallel_loop3A_1838] {strides = array<i32>} : memref<128x128xf32, #tpu.memory_space<vmem>>, vector<16xf32>,
          %parallel_loop3A_1840 = arith.mulf %parallel_loop3A_1839, %parallel_loop3A_1808 : vector<16xf32>
          %parallel_loop3A_1841 = arith.index_cast %parallel_loop3A_1803 : i32 to index
          %parallel_loop3A_1842 = arith.constant 64 : index
          %parallel_loop3A_1843 = tpu.vector_load %arg22[%parallel_loop3A_1841, %parallel_loop3A_1842] {strides = array<i32>} : memref<128x128xf32, #tpu.memory_space<vmem>>, vector<16xf32>,
          tpu.vector_store %arg22[%parallel_loop3A_1841, %parallel_loop3A_1842], %parallel_loop3A_1840 {strides = array<i32>} : memref<128x128xf32, #tpu.memory_space<vmem>>, vector<16xf32>,
          %parallel_loop3A_1844 = arith.index_cast %parallel_loop3A_1803 : i32 to index
          %parallel_loop3A_1845 = arith.constant 80 : index
          %parallel_loop3A_1846 = tpu.vector_load %arg22[%parallel_loop3A_1844, %parallel_loop3A_1845] {strides = array<i32>} : memref<128x128xf32, #tpu.memory_space<vmem>>, vector<16xf32>,
          %parallel_loop3A_1847 = arith.mulf %parallel_loop3A_1846, %parallel_loop3A_1808 : vector<16xf32>
          %parallel_loop3A_1848 = arith.index_cast %parallel_loop3A_1803 : i32 to index
          %parallel_loop3A_1849 = arith.constant 80 : index
          %parallel_loop3A_1850 = tpu.vector_load %arg22[%parallel_loop3A_1848, %parallel_loop3A_1849] {strides = array<i32>} : memref<128x128xf32, #tpu.memory_space<vmem>>, vector<16xf32>,
          tpu.vector_store %arg22[%parallel_loop3A_1848, %parallel_loop3A_1849], %parallel_loop3A_1847 {strides = array<i32>} : memref<128x128xf32, #tpu.memory_space<vmem>>, vector<16xf32>,
          %parallel_loop3A_1851 = arith.index_cast %parallel_loop3A_1803 : i32 to index
          %parallel_loop3A_1852 = arith.constant 96 : index
          %parallel_loop3A_1853 = tpu.vector_load %arg22[%parallel_loop3A_1851, %parallel_loop3A_1852] {strides = array<i32>} : memref<128x128xf32, #tpu.memory_space<vmem>>, vector<16xf32>,
          %parallel_loop3A_1854 = arith.mulf %parallel_loop3A_1853, %parallel_loop3A_1808 : vector<16xf32>
          %parallel_loop3A_1855 = arith.index_cast %parallel_loop3A_1803 : i32 to index
          %parallel_loop3A_1856 = arith.constant 96 : index
          %parallel_loop3A_1857 = tpu.vector_load %arg22[%parallel_loop3A_1855, %parallel_loop3A_1856] {strides = array<i32>} : memref<128x128xf32, #tpu.memory_space<vmem>>, vector<16xf32>,
          tpu.vector_store %arg22[%parallel_loop3A_1855, %parallel_loop3A_1856], %parallel_loop3A_1854 {strides = array<i32>} : memref<128x128xf32, #tpu.memory_space<vmem>>, vector<16xf32>,
          %parallel_loop3A_1858 = arith.index_cast %parallel_loop3A_1803 : i32 to index
          %parallel_loop3A_1859 = arith.constant 112 : index
          %parallel_loop3A_1860 = tpu.vector_load %arg22[%parallel_loop3A_1858, %parallel_loop3A_1859] {strides = array<i32>} : memref<128x128xf32, #tpu.memory_space<vmem>>, vector<16xf32>,
          %parallel_loop3A_1861 = arith.mulf %parallel_loop3A_1860, %parallel_loop3A_1808 : vector<16xf32>
          %parallel_loop3A_1862 = arith.index_cast %parallel_loop3A_1803 : i32 to index
          %parallel_loop3A_1863 = arith.constant 112 : index
          %parallel_loop3A_1864 = tpu.vector_load %arg22[%parallel_loop3A_1862, %parallel_loop3A_1863] {strides = array<i32>} : memref<128x128xf32, #tpu.memory_space<vmem>>, vector<16xf32>,
          tpu.vector_store %arg22[%parallel_loop3A_1862, %parallel_loop3A_1863], %parallel_loop3A_1861 {strides = array<i32>} : memref<128x128xf32, #tpu.memory_space<vmem>>, vector<16xf32>,
        } {sc.loop_unroll_factor = 8 : i64, sc.parallel_access}
        %dma_start3A_1800 = arith.constant 0 : i32
        %dma_start3A_1801 = arith.constant 0 : i32
        %dma_start3A_1802 = tpu.memref_slice %arg30[%dma_start3A_1800, %dma_start3A_1801] : memref<10240x128xf32, #tpu.memory_space<vmem_shared>> -> memref<10240x128xf32, #tpu.memory_space<vmem_shared>>
        tpu.enqueue_indirect_dma source(%arg22 : memref<128x128xf32, #tpu.memory_space<vmem>>) target(%dma_start3A_1802 : memref<10240x128xf32, #tpu.memory_space<vmem_shared>>) offsets(%arg17 : memref<128xi32, #tpu.memory_space<vmem>>) semaphore(%arg28 : memref<!tpu.dma_semaphore, #tpu.memory_space<semaphore_mem>>) {add = true}
      } else {
      }
    }
    %scan3A_1601 = arith.constant 40 : i32
    %dma_wait3A = arith.constant 0 : i32
    %dma_wait3A_1602 = arith.constant 0 : i32
    %dma_wait3A_1603 = tpu.memref_slice %arg30[%dma_wait3A, %dma_wait3A_1602] : memref<10240x128xf32, #tpu.memory_space<vmem_shared>> -> memref<10240x128xf32, #tpu.memory_space<vmem_shared>>
    tpu.wait_indirect_dma semaphore(%arg27 : memref<!tpu.dma_semaphore, #tpu.memory_space<semaphore_mem>>) src(%arg21 : memref<128x128xf32, #tpu.memory_space<vmem>>) dst(%dma_wait3A_1603 : memref<10240x128xf32, #tpu.memory_space<vmem_shared>>)
    %dma_wait3A_1604 = arith.constant 0 : i32
    %dma_wait3A_1605 = arith.constant 0 : i32
    %dma_wait3A_1606 = tpu.memref_slice %arg30[%dma_wait3A_1604, %dma_wait3A_1605] : memref<10240x128xf32, #tpu.memory_space<vmem_shared>> -> memref<10240x128xf32, #tpu.memory_space<vmem_shared>>
    tpu.wait_indirect_dma semaphore(%arg28 : memref<!tpu.dma_semaphore, #tpu.memory_space<semaphore_mem>>) src(%arg22 : memref<128x128xf32, #tpu.memory_space<vmem>>) dst(%dma_wait3A_1606 : memref<10240x128xf32, #tpu.memory_space<vmem_shared>>)
    %scan3A_1607 = arith.constant 0 : i32
    %scan3A_1608 = arith.constant 0 : i32
    %scan3A_1609 = arith.constant 3 : i32
    %scan3A_1610 = arith.addi %scan3A_1608, %scan3A_1609 : i32
    %scan3A_1611 = arith.constant 1 : i32
    scf.for %scan3A_1634 = %scan3A_1608 to %scan3A_1610 step %scan3A_1611  : i32 {
      %mul3A_1635 = arith.constant 32 : i32
      %mul3A_1636 = arith.muli %scan3A_1634, %mul3A_1635 : i32
      %add3A_1637 = arith.addi %mul3A_1636, %add3A : i32
      %lt3A = arith.constant 79 : i32
      %lt3A_1638 = arith.cmpi slt, %add3A_1637, %lt3A : i32
      %convert_element_type3A = arith.extui %lt3A_1638 : i1 to i32
      %cond3A = arith.constant 0 : i32
      %cond3A_1639 = arith.cmpi ne, %convert_element_type3A, %cond3A : i32
      scf.if %cond3A_1639 {
        %mul3A_1640 = arith.constant 32 : i32
        %mul3A_1641 = arith.muli %scan3A_1634, %mul3A_1640 : i32
        %add3A_1642 = arith.addi %mul3A_1641, %add3A : i32
        %mul3A_1643 = arith.constant 128 : i32
        %mul3A_1644 = arith.muli %add3A_1642, %mul3A_1643 : i32
        %min3A = arith.constant 9872 : i32
        %min3A_1645 = arith.minsi %mul3A_1644, %min3A : i32
        %eq3A = arith.constant 78 : i32
        %eq3A_1646 = arith.cmpi eq, %add3A_1642, %eq3A : i32
        %jit3A = arith.constant 9984 : i32
        %jit3A_1647 = arith.constant 0 : i32
        %select_n3A = arith.select %eq3A_1646, %jit3A, %jit3A_1647 : i32
        "tpu.region"() ({
          %run_scoped3A = tpu.sem_alloc : memref<!tpu.dma_semaphore, #tpu.memory_space<semaphore_mem>>
          %dma_start3A_1768 = arith.constant 0 : i32
          %dma_start3A_1769 = tpu.memref_slice %arg6[%min3A_1645, %dma_start3A_1768] : memref<10000x128xf32, #tpu.memory_space<hbm>> -> memref<128x128xf32, #tpu.memory_space<hbm>>
          %dma_start3A_1770 = arith.constant 0 : i32
          %dma_start3A_1771 = tpu.memref_slice %arg6[%min3A_1645, %dma_start3A_1770] : memref<10000x128xf32, #tpu.memory_space<hbm>> -> memref<128x128xf32, #tpu.memory_space<hbm>>
          tpu.enqueue_dma source(%dma_start3A_1771 : memref<128x128xf32, #tpu.memory_space<hbm>>) target(%arg21 : memref<128x128xf32, #tpu.memory_space<vmem>>) target_semaphore(%run_scoped3A : memref<!tpu.dma_semaphore, #tpu.memory_space<semaphore_mem>>)
          %dma_wait3A_1772 = arith.constant 0 : i32
          %dma_wait3A_1773 = tpu.memref_slice %arg6[%min3A_1645, %dma_wait3A_1772] : memref<10000x128xf32, #tpu.memory_space<hbm>> -> memref<128x128xf32, #tpu.memory_space<hbm>>
          %dma_wait3A_1774 = arith.constant 0 : i32
          %dma_wait3A_1775 = tpu.memref_slice %arg6[%min3A_1645, %dma_wait3A_1774] : memref<10000x128xf32, #tpu.memory_space<hbm>> -> memref<128x128xf32, #tpu.memory_space<hbm>>
          tpu.wait_dma2 semaphore(%run_scoped3A : memref<!tpu.dma_semaphore, #tpu.memory_space<semaphore_mem>>) src(%dma_wait3A_1775 : memref<128x128xf32, #tpu.memory_space<hbm>>) dst(%arg21 : memref<128x128xf32, #tpu.memory_space<vmem>>)
          tpu.yield
        }) : () -> ()
        %add3A_1648 = arith.constant 0 : i32
        %add3A_1649 = arith.addi %min3A_1645, %add3A_1648 : i32
        %add3A_1650 = vector.broadcast %add3A_1649 : i32 to vector<16xi32>
        %add3A_1651 = arith.addi %iota3A, %add3A_1650 : vector<16xi32>
        %gather3A = tpu.vector_load_idx %arg20[%add3A_1651] : memref<10240xf32, #tpu.memory_space<vmem>>[vector<16xi32>], vector<16xf32>,
        %ge3A = vector.broadcast %select_n3A : i32 to vector<16xi32>
        %ge3A_1652 = arith.cmpi sge, %add3A_1651, %ge3A : vector<16xi32>
        %mul3A_1653 = arith.mulf %gather3A, %gather3A : vector<16xf32>
        %jit3A_1654 = arith.constant 0.000000e+00 : f32
        %broadcast_in_dim3A_1655 = vector.broadcast %jit3A_1654 : f32 to vector<16xf32>
        %select_n3A_1656 = arith.select %ge3A_1652, %mul3A_1653, %broadcast_in_dim3A_1655 : vector<16xi1>, vector<16xf32>
        %swap3A_1657 = arith.constant 0 : index
        %swap3A_1658 = tpu.vector_load %arg15[%swap3A_1657] {strides = array<i32>} : memref<128xf32, #tpu.memory_space<vmem>>, vector<16xf32>,
        tpu.vector_store %arg15[%swap3A_1657], %select_n3A_1656 {strides = array<i32>} : memref<128xf32, #tpu.memory_space<vmem>>, vector<16xf32>,
        %swap3A_1659 = arith.constant 0 : index
        %swap3A_1660 = tpu.vector_load %arg16[%swap3A_1659] {strides = array<i32>} : memref<128xi32, #tpu.memory_space<vmem>>, vector<16xi32>,
        tpu.vector_store %arg16[%swap3A_1659], %add3A_1651 {strides = array<i32>} : memref<128xi32, #tpu.memory_space<vmem>>, vector<16xi32>,
        %add3A_1661 = arith.constant 16 : i32
        %add3A_1662 = arith.addi %min3A_1645, %add3A_1661 : i32
        %add3A_1663 = vector.broadcast %add3A_1662 : i32 to vector<16xi32>
        %add3A_1664 = arith.addi %iota3A, %add3A_1663 : vector<16xi32>
        %gather3A_1665 = tpu.vector_load_idx %arg20[%add3A_1664] : memref<10240xf32, #tpu.memory_space<vmem>>[vector<16xi32>], vector<16xf32>,
        %ge3A_1666 = vector.broadcast %select_n3A : i32 to vector<16xi32>
        %ge3A_1667 = arith.cmpi sge, %add3A_1664, %ge3A_1666 : vector<16xi32>
        %mul3A_1668 = arith.mulf %gather3A_1665, %gather3A_1665 : vector<16xf32>
        %jit3A_1669 = arith.constant 0.000000e+00 : f32
        %broadcast_in_dim3A_1670 = vector.broadcast %jit3A_1669 : f32 to vector<16xf32>
        %select_n3A_1671 = arith.select %ge3A_1667, %mul3A_1668, %broadcast_in_dim3A_1670 : vector<16xi1>, vector<16xf32>
        %swap3A_1672 = arith.constant 16 : index
        %swap3A_1673 = tpu.vector_load %arg15[%swap3A_1672] {strides = array<i32>} : memref<128xf32, #tpu.memory_space<vmem>>, vector<16xf32>,
        tpu.vector_store %arg15[%swap3A_1672], %select_n3A_1671 {strides = array<i32>} : memref<128xf32, #tpu.memory_space<vmem>>, vector<16xf32>,
        %swap3A_1674 = arith.constant 16 : index
        %swap3A_1675 = tpu.vector_load %arg16[%swap3A_1674] {strides = array<i32>} : memref<128xi32, #tpu.memory_space<vmem>>, vector<16xi32>,
        tpu.vector_store %arg16[%swap3A_1674], %add3A_1664 {strides = array<i32>} : memref<128xi32, #tpu.memory_space<vmem>>, vector<16xi32>,
        %add3A_1676 = arith.constant 32 : i32
        %add3A_1677 = arith.addi %min3A_1645, %add3A_1676 : i32
        %add3A_1678 = vector.broadcast %add3A_1677 : i32 to vector<16xi32>
        %add3A_1679 = arith.addi %iota3A, %add3A_1678 : vector<16xi32>
        %gather3A_1680 = tpu.vector_load_idx %arg20[%add3A_1679] : memref<10240xf32, #tpu.memory_space<vmem>>[vector<16xi32>], vector<16xf32>,
        %ge3A_1681 = vector.broadcast %select_n3A : i32 to vector<16xi32>
        %ge3A_1682 = arith.cmpi sge, %add3A_1679, %ge3A_1681 : vector<16xi32>
        %mul3A_1683 = arith.mulf %gather3A_1680, %gather3A_1680 : vector<16xf32>
        %jit3A_1684 = arith.constant 0.000000e+00 : f32
        %broadcast_in_dim3A_1685 = vector.broadcast %jit3A_1684 : f32 to vector<16xf32>
        %select_n3A_1686 = arith.select %ge3A_1682, %mul3A_1683, %broadcast_in_dim3A_1685 : vector<16xi1>, vector<16xf32>
        %swap3A_1687 = arith.constant 32 : index
        %swap3A_1688 = tpu.vector_load %arg15[%swap3A_1687] {strides = array<i32>} : memref<128xf32, #tpu.memory_space<vmem>>, vector<16xf32>,
        tpu.vector_store %arg15[%swap3A_1687], %select_n3A_1686 {strides = array<i32>} : memref<128xf32, #tpu.memory_space<vmem>>, vector<16xf32>,
        %swap3A_1689 = arith.constant 32 : index
        %swap3A_1690 = tpu.vector_load %arg16[%swap3A_1689] {strides = array<i32>} : memref<128xi32, #tpu.memory_space<vmem>>, vector<16xi32>,
        tpu.vector_store %arg16[%swap3A_1689], %add3A_1679 {strides = array<i32>} : memref<128xi32, #tpu.memory_space<vmem>>, vector<16xi32>,
        %add3A_1691 = arith.constant 48 : i32
        %add3A_1692 = arith.addi %min3A_1645, %add3A_1691 : i32
        %add3A_1693 = vector.broadcast %add3A_1692 : i32 to vector<16xi32>
        %add3A_1694 = arith.addi %iota3A, %add3A_1693 : vector<16xi32>
        %gather3A_1695 = tpu.vector_load_idx %arg20[%add3A_1694] : memref<10240xf32, #tpu.memory_space<vmem>>[vector<16xi32>], vector<16xf32>,
        %ge3A_1696 = vector.broadcast %select_n3A : i32 to vector<16xi32>
        %ge3A_1697 = arith.cmpi sge, %add3A_1694, %ge3A_1696 : vector<16xi32>
        %mul3A_1698 = arith.mulf %gather3A_1695, %gather3A_1695 : vector<16xf32>
        %jit3A_1699 = arith.constant 0.000000e+00 : f32
        %broadcast_in_dim3A_1700 = vector.broadcast %jit3A_1699 : f32 to vector<16xf32>
        %select_n3A_1701 = arith.select %ge3A_1697, %mul3A_1698, %broadcast_in_dim3A_1700 : vector<16xi1>, vector<16xf32>
        %swap3A_1702 = arith.constant 48 : index
        %swap3A_1703 = tpu.vector_load %arg15[%swap3A_1702] {strides = array<i32>} : memref<128xf32, #tpu.memory_space<vmem>>, vector<16xf32>,
        tpu.vector_store %arg15[%swap3A_1702], %select_n3A_1701 {strides = array<i32>} : memref<128xf32, #tpu.memory_space<vmem>>, vector<16xf32>,
        %swap3A_1704 = arith.constant 48 : index
        %swap3A_1705 = tpu.vector_load %arg16[%swap3A_1704] {strides = array<i32>} : memref<128xi32, #tpu.memory_space<vmem>>, vector<16xi32>,
        tpu.vector_store %arg16[%swap3A_1704], %add3A_1694 {strides = array<i32>} : memref<128xi32, #tpu.memory_space<vmem>>, vector<16xi32>,
        %add3A_1706 = arith.constant 64 : i32
        %add3A_1707 = arith.addi %min3A_1645, %add3A_1706 : i32
        %add3A_1708 = vector.broadcast %add3A_1707 : i32 to vector<16xi32>
        %add3A_1709 = arith.addi %iota3A, %add3A_1708 : vector<16xi32>
        %gather3A_1710 = tpu.vector_load_idx %arg20[%add3A_1709] : memref<10240xf32, #tpu.memory_space<vmem>>[vector<16xi32>], vector<16xf32>,
        %ge3A_1711 = vector.broadcast %select_n3A : i32 to vector<16xi32>
        %ge3A_1712 = arith.cmpi sge, %add3A_1709, %ge3A_1711 : vector<16xi32>
        %mul3A_1713 = arith.mulf %gather3A_1710, %gather3A_1710 : vector<16xf32>
        %jit3A_1714 = arith.constant 0.000000e+00 : f32
        %broadcast_in_dim3A_1715 = vector.broadcast %jit3A_1714 : f32 to vector<16xf32>
        %select_n3A_1716 = arith.select %ge3A_1712, %mul3A_1713, %broadcast_in_dim3A_1715 : vector<16xi1>, vector<16xf32>
        %swap3A_1717 = arith.constant 64 : index
        %swap3A_1718 = tpu.vector_load %arg15[%swap3A_1717] {strides = array<i32>} : memref<128xf32, #tpu.memory_space<vmem>>, vector<16xf32>,
        tpu.vector_store %arg15[%swap3A_1717], %select_n3A_1716 {strides = array<i32>} : memref<128xf32, #tpu.memory_space<vmem>>, vector<16xf32>,
        %swap3A_1719 = arith.constant 64 : index
        %swap3A_1720 = tpu.vector_load %arg16[%swap3A_1719] {strides = array<i32>} : memref<128xi32, #tpu.memory_space<vmem>>, vector<16xi32>,
        tpu.vector_store %arg16[%swap3A_1719], %add3A_1709 {strides = array<i32>} : memref<128xi32, #tpu.memory_space<vmem>>, vector<16xi32>,
        %add3A_1721 = arith.constant 80 : i32
        %add3A_1722 = arith.addi %min3A_1645, %add3A_1721 : i32
        %add3A_1723 = vector.broadcast %add3A_1722 : i32 to vector<16xi32>
        %add3A_1724 = arith.addi %iota3A, %add3A_1723 : vector<16xi32>
        %gather3A_1725 = tpu.vector_load_idx %arg20[%add3A_1724] : memref<10240xf32, #tpu.memory_space<vmem>>[vector<16xi32>], vector<16xf32>,
        %ge3A_1726 = vector.broadcast %select_n3A : i32 to vector<16xi32>
        %ge3A_1727 = arith.cmpi sge, %add3A_1724, %ge3A_1726 : vector<16xi32>
        %mul3A_1728 = arith.mulf %gather3A_1725, %gather3A_1725 : vector<16xf32>
        %jit3A_1729 = arith.constant 0.000000e+00 : f32
        %broadcast_in_dim3A_1730 = vector.broadcast %jit3A_1729 : f32 to vector<16xf32>
        %select_n3A_1731 = arith.select %ge3A_1727, %mul3A_1728, %broadcast_in_dim3A_1730 : vector<16xi1>, vector<16xf32>
        %swap3A_1732 = arith.constant 80 : index
        %swap3A_1733 = tpu.vector_load %arg15[%swap3A_1732] {strides = array<i32>} : memref<128xf32, #tpu.memory_space<vmem>>, vector<16xf32>,
        tpu.vector_store %arg15[%swap3A_1732], %select_n3A_1731 {strides = array<i32>} : memref<128xf32, #tpu.memory_space<vmem>>, vector<16xf32>,
        %swap3A_1734 = arith.constant 80 : index
        %swap3A_1735 = tpu.vector_load %arg16[%swap3A_1734] {strides = array<i32>} : memref<128xi32, #tpu.memory_space<vmem>>, vector<16xi32>,
        tpu.vector_store %arg16[%swap3A_1734], %add3A_1724 {strides = array<i32>} : memref<128xi32, #tpu.memory_space<vmem>>, vector<16xi32>,
        %add3A_1736 = arith.constant 96 : i32
        %add3A_1737 = arith.addi %min3A_1645, %add3A_1736 : i32
        %add3A_1738 = vector.broadcast %add3A_1737 : i32 to vector<16xi32>
        %add3A_1739 = arith.addi %iota3A, %add3A_1738 : vector<16xi32>
        %gather3A_1740 = tpu.vector_load_idx %arg20[%add3A_1739] : memref<10240xf32, #tpu.memory_space<vmem>>[vector<16xi32>], vector<16xf32>,
        %ge3A_1741 = vector.broadcast %select_n3A : i32 to vector<16xi32>
        %ge3A_1742 = arith.cmpi sge, %add3A_1739, %ge3A_1741 : vector<16xi32>
        %mul3A_1743 = arith.mulf %gather3A_1740, %gather3A_1740 : vector<16xf32>
        %jit3A_1744 = arith.constant 0.000000e+00 : f32
        %broadcast_in_dim3A_1745 = vector.broadcast %jit3A_1744 : f32 to vector<16xf32>
        %select_n3A_1746 = arith.select %ge3A_1742, %mul3A_1743, %broadcast_in_dim3A_1745 : vector<16xi1>, vector<16xf32>
        %swap3A_1747 = arith.constant 96 : index
        %swap3A_1748 = tpu.vector_load %arg15[%swap3A_1747] {strides = array<i32>} : memref<128xf32, #tpu.memory_space<vmem>>, vector<16xf32>,
        tpu.vector_store %arg15[%swap3A_1747], %select_n3A_1746 {strides = array<i32>} : memref<128xf32, #tpu.memory_space<vmem>>, vector<16xf32>,
        %swap3A_1749 = arith.constant 96 : index
        %swap3A_1750 = tpu.vector_load %arg16[%swap3A_1749] {strides = array<i32>} : memref<128xi32, #tpu.memory_space<vmem>>, vector<16xi32>,
        tpu.vector_store %arg16[%swap3A_1749], %add3A_1739 {strides = array<i32>} : memref<128xi32, #tpu.memory_space<vmem>>, vector<16xi32>,
        %add3A_1751 = arith.constant 112 : i32
        %add3A_1752 = arith.addi %min3A_1645, %add3A_1751 : i32
        %add3A_1753 = vector.broadcast %add3A_1752 : i32 to vector<16xi32>
        %add3A_1754 = arith.addi %iota3A, %add3A_1753 : vector<16xi32>
        %gather3A_1755 = tpu.vector_load_idx %arg20[%add3A_1754] : memref<10240xf32, #tpu.memory_space<vmem>>[vector<16xi32>], vector<16xf32>,
        %ge3A_1756 = vector.broadcast %select_n3A : i32 to vector<16xi32>
        %ge3A_1757 = arith.cmpi sge, %add3A_1754, %ge3A_1756 : vector<16xi32>
        %mul3A_1758 = arith.mulf %gather3A_1755, %gather3A_1755 : vector<16xf32>
        %jit3A_1759 = arith.constant 0.000000e+00 : f32
        %broadcast_in_dim3A_1760 = vector.broadcast %jit3A_1759 : f32 to vector<16xf32>
        %select_n3A_1761 = arith.select %ge3A_1757, %mul3A_1758, %broadcast_in_dim3A_1760 : vector<16xi1>, vector<16xf32>
        %swap3A_1762 = arith.constant 112 : index
        %swap3A_1763 = tpu.vector_load %arg15[%swap3A_1762] {strides = array<i32>} : memref<128xf32, #tpu.memory_space<vmem>>, vector<16xf32>,
        tpu.vector_store %arg15[%swap3A_1762], %select_n3A_1761 {strides = array<i32>} : memref<128xf32, #tpu.memory_space<vmem>>, vector<16xf32>,
        %swap3A_1764 = arith.constant 112 : index
        %swap3A_1765 = tpu.vector_load %arg16[%swap3A_1764] {strides = array<i32>} : memref<128xi32, #tpu.memory_space<vmem>>, vector<16xi32>,
        tpu.vector_store %arg16[%swap3A_1764], %add3A_1754 {strides = array<i32>} : memref<128xi32, #tpu.memory_space<vmem>>, vector<16xi32>,
        %parallel_loop3A = arith.constant 0 : i32
        %parallel_loop3A_1766 = arith.constant 128 : i32
        %parallel_loop3A_1767 = arith.constant 1 : i32
        scf.for %parallel_loop3A_1768 = %parallel_loop3A to %parallel_loop3A_1766 step %parallel_loop3A_1767  : i32 {
          %parallel_loop3A_1769 = arith.constant 0 : i32
          %parallel_loop3A_1770 = vector.broadcast %parallel_loop3A_1769 : i32 to vector<16xi32>
          %parallel_loop3A_1771 = vector.broadcast %parallel_loop3A_1768 : i32 to vector<16xi32>
          %parallel_loop3A_1772 = arith.addi %parallel_loop3A_1770, %parallel_loop3A_1771 : vector<16xi32>
          %parallel_loop3A_1773 = tpu.vector_load_idx %arg15[%parallel_loop3A_1772] : memref<128xf32, #tpu.memory_space<vmem>>[vector<16xi32>], vector<16xf32>,
          %parallel_loop3A_1774 = arith.index_cast %parallel_loop3A_1768 : i32 to index
          %parallel_loop3A_1775 = arith.constant 0 : index
          %parallel_loop3A_1776 = tpu.vector_load %arg21[%parallel_loop3A_1774, %parallel_loop3A_1775] {strides = array<i32>} : memref<128x128xf32, #tpu.memory_space<vmem>>, vector<16xf32>,
          %parallel_loop3A_1777 = arith.mulf %parallel_loop3A_1776, %parallel_loop3A_1773 : vector<16xf32>
          %parallel_loop3A_1778 = arith.index_cast %parallel_loop3A_1768 : i32 to index
          %parallel_loop3A_1779 = arith.constant 0 : index
          %parallel_loop3A_1780 = tpu.vector_load %arg21[%parallel_loop3A_1778, %parallel_loop3A_1779] {strides = array<i32>} : memref<128x128xf32, #tpu.memory_space<vmem>>, vector<16xf32>,
          tpu.vector_store %arg21[%parallel_loop3A_1778, %parallel_loop3A_1779], %parallel_loop3A_1777 {strides = array<i32>} : memref<128x128xf32, #tpu.memory_space<vmem>>, vector<16xf32>,
          %parallel_loop3A_1781 = arith.index_cast %parallel_loop3A_1768 : i32 to index
          %parallel_loop3A_1782 = arith.constant 16 : index
          %parallel_loop3A_1783 = tpu.vector_load %arg21[%parallel_loop3A_1781, %parallel_loop3A_1782] {strides = array<i32>} : memref<128x128xf32, #tpu.memory_space<vmem>>, vector<16xf32>,
          %parallel_loop3A_1784 = arith.mulf %parallel_loop3A_1783, %parallel_loop3A_1773 : vector<16xf32>
          %parallel_loop3A_1785 = arith.index_cast %parallel_loop3A_1768 : i32 to index
          %parallel_loop3A_1786 = arith.constant 16 : index
          %parallel_loop3A_1787 = tpu.vector_load %arg21[%parallel_loop3A_1785, %parallel_loop3A_1786] {strides = array<i32>} : memref<128x128xf32, #tpu.memory_space<vmem>>, vector<16xf32>,
          tpu.vector_store %arg21[%parallel_loop3A_1785, %parallel_loop3A_1786], %parallel_loop3A_1784 {strides = array<i32>} : memref<128x128xf32, #tpu.memory_space<vmem>>, vector<16xf32>,
          %parallel_loop3A_1788 = arith.index_cast %parallel_loop3A_1768 : i32 to index
          %parallel_loop3A_1789 = arith.constant 32 : index
          %parallel_loop3A_1790 = tpu.vector_load %arg21[%parallel_loop3A_1788, %parallel_loop3A_1789] {strides = array<i32>} : memref<128x128xf32, #tpu.memory_space<vmem>>, vector<16xf32>,
          %parallel_loop3A_1791 = arith.mulf %parallel_loop3A_1790, %parallel_loop3A_1773 : vector<16xf32>
          %parallel_loop3A_1792 = arith.index_cast %parallel_loop3A_1768 : i32 to index
          %parallel_loop3A_1793 = arith.constant 32 : index
          %parallel_loop3A_1794 = tpu.vector_load %arg21[%parallel_loop3A_1792, %parallel_loop3A_1793] {strides = array<i32>} : memref<128x128xf32, #tpu.memory_space<vmem>>, vector<16xf32>,
          tpu.vector_store %arg21[%parallel_loop3A_1792, %parallel_loop3A_1793], %parallel_loop3A_1791 {strides = array<i32>} : memref<128x128xf32, #tpu.memory_space<vmem>>, vector<16xf32>,
          %parallel_loop3A_1795 = arith.index_cast %parallel_loop3A_1768 : i32 to index
          %parallel_loop3A_1796 = arith.constant 48 : index
          %parallel_loop3A_1797 = tpu.vector_load %arg21[%parallel_loop3A_1795, %parallel_loop3A_1796] {strides = array<i32>} : memref<128x128xf32, #tpu.memory_space<vmem>>, vector<16xf32>,
          %parallel_loop3A_1798 = arith.mulf %parallel_loop3A_1797, %parallel_loop3A_1773 : vector<16xf32>
          %parallel_loop3A_1799 = arith.index_cast %parallel_loop3A_1768 : i32 to index
          %parallel_loop3A_1800 = arith.constant 48 : index
          %parallel_loop3A_1801 = tpu.vector_load %arg21[%parallel_loop3A_1799, %parallel_loop3A_1800] {strides = array<i32>} : memref<128x128xf32, #tpu.memory_space<vmem>>, vector<16xf32>,
          tpu.vector_store %arg21[%parallel_loop3A_1799, %parallel_loop3A_1800], %parallel_loop3A_1798 {strides = array<i32>} : memref<128x128xf32, #tpu.memory_space<vmem>>, vector<16xf32>,
          %parallel_loop3A_1802 = arith.index_cast %parallel_loop3A_1768 : i32 to index
          %parallel_loop3A_1803 = arith.constant 64 : index
          %parallel_loop3A_1804 = tpu.vector_load %arg21[%parallel_loop3A_1802, %parallel_loop3A_1803] {strides = array<i32>} : memref<128x128xf32, #tpu.memory_space<vmem>>, vector<16xf32>,
          %parallel_loop3A_1805 = arith.mulf %parallel_loop3A_1804, %parallel_loop3A_1773 : vector<16xf32>
          %parallel_loop3A_1806 = arith.index_cast %parallel_loop3A_1768 : i32 to index
          %parallel_loop3A_1807 = arith.constant 64 : index
          %parallel_loop3A_1808 = tpu.vector_load %arg21[%parallel_loop3A_1806, %parallel_loop3A_1807] {strides = array<i32>} : memref<128x128xf32, #tpu.memory_space<vmem>>, vector<16xf32>,
          tpu.vector_store %arg21[%parallel_loop3A_1806, %parallel_loop3A_1807], %parallel_loop3A_1805 {strides = array<i32>} : memref<128x128xf32, #tpu.memory_space<vmem>>, vector<16xf32>,
          %parallel_loop3A_1809 = arith.index_cast %parallel_loop3A_1768 : i32 to index
          %parallel_loop3A_1810 = arith.constant 80 : index
          %parallel_loop3A_1811 = tpu.vector_load %arg21[%parallel_loop3A_1809, %parallel_loop3A_1810] {strides = array<i32>} : memref<128x128xf32, #tpu.memory_space<vmem>>, vector<16xf32>,
          %parallel_loop3A_1812 = arith.mulf %parallel_loop3A_1811, %parallel_loop3A_1773 : vector<16xf32>
          %parallel_loop3A_1813 = arith.index_cast %parallel_loop3A_1768 : i32 to index
          %parallel_loop3A_1814 = arith.constant 80 : index
          %parallel_loop3A_1815 = tpu.vector_load %arg21[%parallel_loop3A_1813, %parallel_loop3A_1814] {strides = array<i32>} : memref<128x128xf32, #tpu.memory_space<vmem>>, vector<16xf32>,
          tpu.vector_store %arg21[%parallel_loop3A_1813, %parallel_loop3A_1814], %parallel_loop3A_1812 {strides = array<i32>} : memref<128x128xf32, #tpu.memory_space<vmem>>, vector<16xf32>,
          %parallel_loop3A_1816 = arith.index_cast %parallel_loop3A_1768 : i32 to index
          %parallel_loop3A_1817 = arith.constant 96 : index
          %parallel_loop3A_1818 = tpu.vector_load %arg21[%parallel_loop3A_1816, %parallel_loop3A_1817] {strides = array<i32>} : memref<128x128xf32, #tpu.memory_space<vmem>>, vector<16xf32>,
          %parallel_loop3A_1819 = arith.mulf %parallel_loop3A_1818, %parallel_loop3A_1773 : vector<16xf32>
          %parallel_loop3A_1820 = arith.index_cast %parallel_loop3A_1768 : i32 to index
          %parallel_loop3A_1821 = arith.constant 96 : index
          %parallel_loop3A_1822 = tpu.vector_load %arg21[%parallel_loop3A_1820, %parallel_loop3A_1821] {strides = array<i32>} : memref<128x128xf32, #tpu.memory_space<vmem>>, vector<16xf32>,
          tpu.vector_store %arg21[%parallel_loop3A_1820, %parallel_loop3A_1821], %parallel_loop3A_1819 {strides = array<i32>} : memref<128x128xf32, #tpu.memory_space<vmem>>, vector<16xf32>,
          %parallel_loop3A_1823 = arith.index_cast %parallel_loop3A_1768 : i32 to index
          %parallel_loop3A_1824 = arith.constant 112 : index
          %parallel_loop3A_1825 = tpu.vector_load %arg21[%parallel_loop3A_1823, %parallel_loop3A_1824] {strides = array<i32>} : memref<128x128xf32, #tpu.memory_space<vmem>>, vector<16xf32>,
          %parallel_loop3A_1826 = arith.mulf %parallel_loop3A_1825, %parallel_loop3A_1773 : vector<16xf32>
          %parallel_loop3A_1827 = arith.index_cast %parallel_loop3A_1768 : i32 to index
          %parallel_loop3A_1828 = arith.constant 112 : index
          %parallel_loop3A_1829 = tpu.vector_load %arg21[%parallel_loop3A_1827, %parallel_loop3A_1828] {strides = array<i32>} : memref<128x128xf32, #tpu.memory_space<vmem>>, vector<16xf32>,
          tpu.vector_store %arg21[%parallel_loop3A_1827, %parallel_loop3A_1828], %parallel_loop3A_1826 {strides = array<i32>} : memref<128x128xf32, #tpu.memory_space<vmem>>, vector<16xf32>,
        } {sc.loop_unroll_factor = 8 : i64, sc.parallel_access}
        "tpu.region"() ({
          %run_scoped3A = tpu.sem_alloc : memref<!tpu.dma_semaphore, #tpu.memory_space<semaphore_mem>>
          %dma_start3A_1768 = arith.constant 0 : i32
          %dma_start3A_1769 = arith.constant 0 : i32
          %dma_start3A_1770 = tpu.memref_slice %arg30[%dma_start3A_1768, %dma_start3A_1769] : memref<10240x128xf32, #tpu.memory_space<vmem_shared>> -> memref<10240x128xf32, #tpu.memory_space<vmem_shared>>
          tpu.enqueue_indirect_dma source(%arg21 : memref<128x128xf32, #tpu.memory_space<vmem>>) target(%dma_start3A_1770 : memref<10240x128xf32, #tpu.memory_space<vmem_shared>>) offsets(%arg16 : memref<128xi32, #tpu.memory_space<vmem>>) semaphore(%run_scoped3A : memref<!tpu.dma_semaphore, #tpu.memory_space<semaphore_mem>>) {add = true}
          %dma_wait3A_1771 = arith.constant 0 : i32
          %dma_wait3A_1772 = arith.constant 0 : i32
          %dma_wait3A_1773 = tpu.memref_slice %arg30[%dma_wait3A_1771, %dma_wait3A_1772] : memref<10240x128xf32, #tpu.memory_space<vmem_shared>> -> memref<10240x128xf32, #tpu.memory_space<vmem_shared>>
          tpu.wait_indirect_dma semaphore(%run_scoped3A : memref<!tpu.dma_semaphore, #tpu.memory_space<semaphore_mem>>) src(%arg21 : memref<128x128xf32, #tpu.memory_space<vmem>>) dst(%dma_wait3A_1773 : memref<10240x128xf32, #tpu.memory_space<vmem_shared>>)
          tpu.yield
        }) : () -> ()
      } else {
      }
    }
    %scan3A_1612 = arith.constant 3 : i32
    %barrier3A_1613 = arith.constant 0 : index
    tpu.barrier barrier_id(%barrier3A_1613)
    %mul3A_1614 = arith.constant 640 : i32
    %mul3A_1615 = arith.muli %arg1, %mul3A_1614 : i32
    %add3A_1616 = arith.constant 0 : i32
    %add3A_1617 = arith.addi %mul3A_1615, %add3A_1616 : i32
    "tpu.region"() ({
      %run_scoped3A = tpu.sem_alloc : memref<!tpu.dma_semaphore, #tpu.memory_space<semaphore_mem>>
      %dma_start3A_1634 = arith.constant 0 : i32
      %dma_start3A_1635 = arith.constant 0 : i32
      %dma_start3A_1636 = tpu.memref_slice %arg21[%dma_start3A_1634, %dma_start3A_1635] : memref<128x128xf32, #tpu.memory_space<vmem>> -> memref<128x128xf32, #tpu.memory_space<vmem>>
      %dma_start3A_1637 = arith.constant 0 : i32
      %dma_start3A_1638 = tpu.memref_slice %arg30[%add3A_1617, %dma_start3A_1637] : memref<10240x128xf32, #tpu.memory_space<vmem_shared>> -> memref<128x128xf32, #tpu.memory_space<vmem_shared>>
      %dma_start3A_1639 = arith.constant 0 : i32
      %dma_start3A_1640 = arith.constant 0 : i32
      %dma_start3A_1641 = tpu.memref_slice %arg21[%dma_start3A_1639, %dma_start3A_1640] : memref<128x128xf32, #tpu.memory_space<vmem>> -> memref<128x128xf32, #tpu.memory_space<vmem>>
      %dma_start3A_1642 = arith.constant 0 : i32
      %dma_start3A_1643 = tpu.memref_slice %arg30[%add3A_1617, %dma_start3A_1642] : memref<10240x128xf32, #tpu.memory_space<vmem_shared>> -> memref<128x128xf32, #tpu.memory_space<vmem_shared>>
      tpu.enqueue_dma source(%dma_start3A_1643 : memref<128x128xf32, #tpu.memory_space<vmem_shared>>) target(%dma_start3A_1641 : memref<128x128xf32, #tpu.memory_space<vmem>>) target_semaphore(%run_scoped3A : memref<!tpu.dma_semaphore, #tpu.memory_space<semaphore_mem>>)
      %dma_wait3A_1644 = arith.constant 0 : i32
      %dma_wait3A_1645 = arith.constant 0 : i32
      %dma_wait3A_1646 = tpu.memref_slice %arg21[%dma_wait3A_1644, %dma_wait3A_1645] : memref<128x128xf32, #tpu.memory_space<vmem>> -> memref<128x128xf32, #tpu.memory_space<vmem>>
      %dma_wait3A_1647 = arith.constant 0 : i32
      %dma_wait3A_1648 = tpu.memref_slice %arg30[%add3A_1617, %dma_wait3A_1647] : memref<10240x128xf32, #tpu.memory_space<vmem_shared>> -> memref<128x128xf32, #tpu.memory_space<vmem_shared>>
      %dma_wait3A_1649 = arith.constant 0 : i32
      %dma_wait3A_1650 = arith.constant 0 : i32
      %dma_wait3A_1651 = tpu.memref_slice %arg21[%dma_wait3A_1649, %dma_wait3A_1650] : memref<128x128xf32, #tpu.memory_space<vmem>> -> memref<128x128xf32, #tpu.memory_space<vmem>>
      %dma_wait3A_1652 = arith.constant 0 : i32
      %dma_wait3A_1653 = tpu.memref_slice %arg30[%add3A_1617, %dma_wait3A_1652] : memref<10240x128xf32, #tpu.memory_space<vmem_shared>> -> memref<128x128xf32, #tpu.memory_space<vmem_shared>>
      tpu.wait_dma2 semaphore(%run_scoped3A : memref<!tpu.dma_semaphore, #tpu.memory_space<semaphore_mem>>) src(%dma_wait3A_1653 : memref<128x128xf32, #tpu.memory_space<vmem_shared>>) dst(%dma_wait3A_1651 : memref<128x128xf32, #tpu.memory_space<vmem>>)
      tpu.yield
    }) : () -> ()
    "tpu.region"() ({
      %run_scoped3A = tpu.sem_alloc : memref<!tpu.dma_semaphore, #tpu.memory_space<semaphore_mem>>
      %dma_start3A_1634 = arith.constant 0 : i32
      %dma_start3A_1635 = arith.constant 0 : i32
      %dma_start3A_1636 = tpu.memref_slice %arg21[%dma_start3A_1634, %dma_start3A_1635] : memref<128x128xf32, #tpu.memory_space<vmem>> -> memref<128x128xf32, #tpu.memory_space<vmem>>
      %dma_start3A_1637 = arith.constant 0 : i32
      %dma_start3A_1638 = tpu.memref_slice %arg8[%arg0, %add3A_1617, %dma_start3A_1637] : memref<2x10240x128xf32, #tpu.memory_space<hbm>> -> memref<1x128x128xf32, #tpu.memory_space<hbm>>
      %dma_start3A_1639 = tpu.memref_squeeze %dma_start3A_1638 : memref<1x128x128xf32, #tpu.memory_space<hbm>> -> memref<128x128xf32, #tpu.memory_space<hbm>>
      %dma_start3A_1640 = arith.constant 0 : i32
      %dma_start3A_1641 = tpu.memref_slice %arg8[%arg0, %add3A_1617, %dma_start3A_1640] : memref<2x10240x128xf32, #tpu.memory_space<hbm>> -> memref<1x128x128xf32, #tpu.memory_space<hbm>>
      %dma_start3A_1642 = tpu.memref_squeeze %dma_start3A_1641 : memref<1x128x128xf32, #tpu.memory_space<hbm>> -> memref<128x128xf32, #tpu.memory_space<hbm>>
      %dma_start3A_1643 = arith.constant 0 : i32
      %dma_start3A_1644 = arith.constant 0 : i32
      %dma_start3A_1645 = tpu.memref_slice %arg21[%dma_start3A_1643, %dma_start3A_1644] : memref<128x128xf32, #tpu.memory_space<vmem>> -> memref<128x128xf32, #tpu.memory_space<vmem>>
      tpu.enqueue_dma source(%dma_start3A_1645 : memref<128x128xf32, #tpu.memory_space<vmem>>) target(%dma_start3A_1642 : memref<128x128xf32, #tpu.memory_space<hbm>>) target_semaphore(%run_scoped3A : memref<!tpu.dma_semaphore, #tpu.memory_space<semaphore_mem>>)
      %dma_wait3A_1646 = arith.constant 0 : i32
      %dma_wait3A_1647 = arith.constant 0 : i32
      %dma_wait3A_1648 = tpu.memref_slice %arg21[%dma_wait3A_1646, %dma_wait3A_1647] : memref<128x128xf32, #tpu.memory_space<vmem>> -> memref<128x128xf32, #tpu.memory_space<vmem>>
      %dma_wait3A_1649 = arith.constant 0 : i32
      %dma_wait3A_1650 = tpu.memref_slice %arg8[%arg0, %add3A_1617, %dma_wait3A_1649] : memref<2x10240x128xf32, #tpu.memory_space<hbm>> -> memref<1x128x128xf32, #tpu.memory_space<hbm>>
      %dma_wait3A_1651 = tpu.memref_squeeze %dma_wait3A_1650 : memref<1x128x128xf32, #tpu.memory_space<hbm>> -> memref<128x128xf32, #tpu.memory_space<hbm>>
      %dma_wait3A_1652 = arith.constant 0 : i32
      %dma_wait3A_1653 = tpu.memref_slice %arg8[%arg0, %add3A_1617, %dma_wait3A_1652] : memref<2x10240x128xf32, #tpu.memory_space<hbm>> -> memref<1x128x128xf32, #tpu.memory_space<hbm>>
      %dma_wait3A_1654 = tpu.memref_squeeze %dma_wait3A_1653 : memref<1x128x128xf32, #tpu.memory_space<hbm>> -> memref<128x128xf32, #tpu.memory_space<hbm>>
      %dma_wait3A_1655 = arith.constant 0 : i32
      %dma_wait3A_1656 = arith.constant 0 : i32
      %dma_wait3A_1657 = tpu.memref_slice %arg21[%dma_wait3A_1655, %dma_wait3A_1656] : memref<128x128xf32, #tpu.memory_space<vmem>> -> memref<128x128xf32, #tpu.memory_space<vmem>>
      tpu.wait_dma2 semaphore(%run_scoped3A : memref<!tpu.dma_semaphore, #tpu.memory_space<semaphore_mem>>) src(%dma_wait3A_1657 : memref<128x128xf32, #tpu.memory_space<vmem>>) dst(%dma_wait3A_1654 : memref<128x128xf32, #tpu.memory_space<hbm>>)
      tpu.yield
    }) : () -> ()
    %mul3A_1618 = arith.constant 640 : i32
    %mul3A_1619 = arith.muli %arg1, %mul3A_1618 : i32
    %add3A_1620 = arith.constant 128 : i32
    %add3A_1621 = arith.addi %mul3A_1619, %add3A_1620 : i32
    "tpu.region"() ({
      %run_scoped3A = tpu.sem_alloc : memref<!tpu.dma_semaphore, #tpu.memory_space<semaphore_mem>>
      %dma_start3A_1634 = arith.constant 0 : i32
      %dma_start3A_1635 = arith.constant 0 : i32
      %dma_start3A_1636 = tpu.memref_slice %arg21[%dma_start3A_1634, %dma_start3A_1635] : memref<128x128xf32, #tpu.memory_space<vmem>> -> memref<128x128xf32, #tpu.memory_space<vmem>>
      %dma_start3A_1637 = arith.constant 0 : i32
      %dma_start3A_1638 = tpu.memref_slice %arg30[%add3A_1621, %dma_start3A_1637] : memref<10240x128xf32, #tpu.memory_space<vmem_shared>> -> memref<128x128xf32, #tpu.memory_space<vmem_shared>>
      %dma_start3A_1639 = arith.constant 0 : i32
      %dma_start3A_1640 = arith.constant 0 : i32
      %dma_start3A_1641 = tpu.memref_slice %arg21[%dma_start3A_1639, %dma_start3A_1640] : memref<128x128xf32, #tpu.memory_space<vmem>> -> memref<128x128xf32, #tpu.memory_space<vmem>>
      %dma_start3A_1642 = arith.constant 0 : i32
      %dma_start3A_1643 = tpu.memref_slice %arg30[%add3A_1621, %dma_start3A_1642] : memref<10240x128xf32, #tpu.memory_space<vmem_shared>> -> memref<128x128xf32, #tpu.memory_space<vmem_shared>>
      tpu.enqueue_dma source(%dma_start3A_1643 : memref<128x128xf32, #tpu.memory_space<vmem_shared>>) target(%dma_start3A_1641 : memref<128x128xf32, #tpu.memory_space<vmem>>) target_semaphore(%run_scoped3A : memref<!tpu.dma_semaphore, #tpu.memory_space<semaphore_mem>>)
      %dma_wait3A_1644 = arith.constant 0 : i32
      %dma_wait3A_1645 = arith.constant 0 : i32
      %dma_wait3A_1646 = tpu.memref_slice %arg21[%dma_wait3A_1644, %dma_wait3A_1645] : memref<128x128xf32, #tpu.memory_space<vmem>> -> memref<128x128xf32, #tpu.memory_space<vmem>>
      %dma_wait3A_1647 = arith.constant 0 : i32
      %dma_wait3A_1648 = tpu.memref_slice %arg30[%add3A_1621, %dma_wait3A_1647] : memref<10240x128xf32, #tpu.memory_space<vmem_shared>> -> memref<128x128xf32, #tpu.memory_space<vmem_shared>>
      %dma_wait3A_1649 = arith.constant 0 : i32
      %dma_wait3A_1650 = arith.constant 0 : i32
      %dma_wait3A_1651 = tpu.memref_slice %arg21[%dma_wait3A_1649, %dma_wait3A_1650] : memref<128x128xf32, #tpu.memory_space<vmem>> -> memref<128x128xf32, #tpu.memory_space<vmem>>
      %dma_wait3A_1652 = arith.constant 0 : i32
      %dma_wait3A_1653 = tpu.memref_slice %arg30[%add3A_1621, %dma_wait3A_1652] : memref<10240x128xf32, #tpu.memory_space<vmem_shared>> -> memref<128x128xf32, #tpu.memory_space<vmem_shared>>
      tpu.wait_dma2 semaphore(%run_scoped3A : memref<!tpu.dma_semaphore, #tpu.memory_space<semaphore_mem>>) src(%dma_wait3A_1653 : memref<128x128xf32, #tpu.memory_space<vmem_shared>>) dst(%dma_wait3A_1651 : memref<128x128xf32, #tpu.memory_space<vmem>>)
      tpu.yield
    }) : () -> ()
    "tpu.region"() ({
      %run_scoped3A = tpu.sem_alloc : memref<!tpu.dma_semaphore, #tpu.memory_space<semaphore_mem>>
      %dma_start3A_1634 = arith.constant 0 : i32
      %dma_start3A_1635 = arith.constant 0 : i32
      %dma_start3A_1636 = tpu.memref_slice %arg21[%dma_start3A_1634, %dma_start3A_1635] : memref<128x128xf32, #tpu.memory_space<vmem>> -> memref<128x128xf32, #tpu.memory_space<vmem>>
      %dma_start3A_1637 = arith.constant 0 : i32
      %dma_start3A_1638 = tpu.memref_slice %arg8[%arg0, %add3A_1621, %dma_start3A_1637] : memref<2x10240x128xf32, #tpu.memory_space<hbm>> -> memref<1x128x128xf32, #tpu.memory_space<hbm>>
      %dma_start3A_1639 = tpu.memref_squeeze %dma_start3A_1638 : memref<1x128x128xf32, #tpu.memory_space<hbm>> -> memref<128x128xf32, #tpu.memory_space<hbm>>
      %dma_start3A_1640 = arith.constant 0 : i32
      %dma_start3A_1641 = tpu.memref_slice %arg8[%arg0, %add3A_1621, %dma_start3A_1640] : memref<2x10240x128xf32, #tpu.memory_space<hbm>> -> memref<1x128x128xf32, #tpu.memory_space<hbm>>
      %dma_start3A_1642 = tpu.memref_squeeze %dma_start3A_1641 : memref<1x128x128xf32, #tpu.memory_space<hbm>> -> memref<128x128xf32, #tpu.memory_space<hbm>>
      %dma_start3A_1643 = arith.constant 0 : i32
      %dma_start3A_1644 = arith.constant 0 : i32
      %dma_start3A_1645 = tpu.memref_slice %arg21[%dma_start3A_1643, %dma_start3A_1644] : memref<128x128xf32, #tpu.memory_space<vmem>> -> memref<128x128xf32, #tpu.memory_space<vmem>>
      tpu.enqueue_dma source(%dma_start3A_1645 : memref<128x128xf32, #tpu.memory_space<vmem>>) target(%dma_start3A_1642 : memref<128x128xf32, #tpu.memory_space<hbm>>) target_semaphore(%run_scoped3A : memref<!tpu.dma_semaphore, #tpu.memory_space<semaphore_mem>>)
      %dma_wait3A_1646 = arith.constant 0 : i32
      %dma_wait3A_1647 = arith.constant 0 : i32
      %dma_wait3A_1648 = tpu.memref_slice %arg21[%dma_wait3A_1646, %dma_wait3A_1647] : memref<128x128xf32, #tpu.memory_space<vmem>> -> memref<128x128xf32, #tpu.memory_space<vmem>>
      %dma_wait3A_1649 = arith.constant 0 : i32
      %dma_wait3A_1650 = tpu.memref_slice %arg8[%arg0, %add3A_1621, %dma_wait3A_1649] : memref<2x10240x128xf32, #tpu.memory_space<hbm>> -> memref<1x128x128xf32, #tpu.memory_space<hbm>>
      %dma_wait3A_1651 = tpu.memref_squeeze %dma_wait3A_1650 : memref<1x128x128xf32, #tpu.memory_space<hbm>> -> memref<128x128xf32, #tpu.memory_space<hbm>>
      %dma_wait3A_1652 = arith.constant 0 : i32
      %dma_wait3A_1653 = tpu.memref_slice %arg8[%arg0, %add3A_1621, %dma_wait3A_1652] : memref<2x10240x128xf32, #tpu.memory_space<hbm>> -> memref<1x128x128xf32, #tpu.memory_space<hbm>>
      %dma_wait3A_1654 = tpu.memref_squeeze %dma_wait3A_1653 : memref<1x128x128xf32, #tpu.memory_space<hbm>> -> memref<128x128xf32, #tpu.memory_space<hbm>>
      %dma_wait3A_1655 = arith.constant 0 : i32
      %dma_wait3A_1656 = arith.constant 0 : i32
      %dma_wait3A_1657 = tpu.memref_slice %arg21[%dma_wait3A_1655, %dma_wait3A_1656] : memref<128x128xf32, #tpu.memory_space<vmem>> -> memref<128x128xf32, #tpu.memory_space<vmem>>
      tpu.wait_dma2 semaphore(%run_scoped3A : memref<!tpu.dma_semaphore, #tpu.memory_space<semaphore_mem>>) src(%dma_wait3A_1657 : memref<128x128xf32, #tpu.memory_space<vmem>>) dst(%dma_wait3A_1654 : memref<128x128xf32, #tpu.memory_space<hbm>>)
      tpu.yield
    }) : () -> ()
    %mul3A_1622 = arith.constant 640 : i32
    %mul3A_1623 = arith.muli %arg1, %mul3A_1622 : i32
    %add3A_1624 = arith.constant 256 : i32
    %add3A_1625 = arith.addi %mul3A_1623, %add3A_1624 : i32
    "tpu.region"() ({
      %run_scoped3A = tpu.sem_alloc : memref<!tpu.dma_semaphore, #tpu.memory_space<semaphore_mem>>
      %dma_start3A_1634 = arith.constant 0 : i32
      %dma_start3A_1635 = arith.constant 0 : i32
      %dma_start3A_1636 = tpu.memref_slice %arg21[%dma_start3A_1634, %dma_start3A_1635] : memref<128x128xf32, #tpu.memory_space<vmem>> -> memref<128x128xf32, #tpu.memory_space<vmem>>
      %dma_start3A_1637 = arith.constant 0 : i32
      %dma_start3A_1638 = tpu.memref_slice %arg30[%add3A_1625, %dma_start3A_1637] : memref<10240x128xf32, #tpu.memory_space<vmem_shared>> -> memref<128x128xf32, #tpu.memory_space<vmem_shared>>
      %dma_start3A_1639 = arith.constant 0 : i32
      %dma_start3A_1640 = arith.constant 0 : i32
      %dma_start3A_1641 = tpu.memref_slice %arg21[%dma_start3A_1639, %dma_start3A_1640] : memref<128x128xf32, #tpu.memory_space<vmem>> -> memref<128x128xf32, #tpu.memory_space<vmem>>
      %dma_start3A_1642 = arith.constant 0 : i32
      %dma_start3A_1643 = tpu.memref_slice %arg30[%add3A_1625, %dma_start3A_1642] : memref<10240x128xf32, #tpu.memory_space<vmem_shared>> -> memref<128x128xf32, #tpu.memory_space<vmem_shared>>
      tpu.enqueue_dma source(%dma_start3A_1643 : memref<128x128xf32, #tpu.memory_space<vmem_shared>>) target(%dma_start3A_1641 : memref<128x128xf32, #tpu.memory_space<vmem>>) target_semaphore(%run_scoped3A : memref<!tpu.dma_semaphore, #tpu.memory_space<semaphore_mem>>)
      %dma_wait3A_1644 = arith.constant 0 : i32
      %dma_wait3A_1645 = arith.constant 0 : i32
      %dma_wait3A_1646 = tpu.memref_slice %arg21[%dma_wait3A_1644, %dma_wait3A_1645] : memref<128x128xf32, #tpu.memory_space<vmem>> -> memref<128x128xf32, #tpu.memory_space<vmem>>
      %dma_wait3A_1647 = arith.constant 0 : i32
      %dma_wait3A_1648 = tpu.memref_slice %arg30[%add3A_1625, %dma_wait3A_1647] : memref<10240x128xf32, #tpu.memory_space<vmem_shared>> -> memref<128x128xf32, #tpu.memory_space<vmem_shared>>
      %dma_wait3A_1649 = arith.constant 0 : i32
      %dma_wait3A_1650 = arith.constant 0 : i32
      %dma_wait3A_1651 = tpu.memref_slice %arg21[%dma_wait3A_1649, %dma_wait3A_1650] : memref<128x128xf32, #tpu.memory_space<vmem>> -> memref<128x128xf32, #tpu.memory_space<vmem>>
      %dma_wait3A_1652 = arith.constant 0 : i32
      %dma_wait3A_1653 = tpu.memref_slice %arg30[%add3A_1625, %dma_wait3A_1652] : memref<10240x128xf32, #tpu.memory_space<vmem_shared>> -> memref<128x128xf32, #tpu.memory_space<vmem_shared>>
      tpu.wait_dma2 semaphore(%run_scoped3A : memref<!tpu.dma_semaphore, #tpu.memory_space<semaphore_mem>>) src(%dma_wait3A_1653 : memref<128x128xf32, #tpu.memory_space<vmem_shared>>) dst(%dma_wait3A_1651 : memref<128x128xf32, #tpu.memory_space<vmem>>)
      tpu.yield
    }) : () -> ()
    "tpu.region"() ({
      %run_scoped3A = tpu.sem_alloc : memref<!tpu.dma_semaphore, #tpu.memory_space<semaphore_mem>>
      %dma_start3A_1634 = arith.constant 0 : i32
      %dma_start3A_1635 = arith.constant 0 : i32
      %dma_start3A_1636 = tpu.memref_slice %arg21[%dma_start3A_1634, %dma_start3A_1635] : memref<128x128xf32, #tpu.memory_space<vmem>> -> memref<128x128xf32, #tpu.memory_space<vmem>>
      %dma_start3A_1637 = arith.constant 0 : i32
      %dma_start3A_1638 = tpu.memref_slice %arg8[%arg0, %add3A_1625, %dma_start3A_1637] : memref<2x10240x128xf32, #tpu.memory_space<hbm>> -> memref<1x128x128xf32, #tpu.memory_space<hbm>>
      %dma_start3A_1639 = tpu.memref_squeeze %dma_start3A_1638 : memref<1x128x128xf32, #tpu.memory_space<hbm>> -> memref<128x128xf32, #tpu.memory_space<hbm>>
      %dma_start3A_1640 = arith.constant 0 : i32
      %dma_start3A_1641 = tpu.memref_slice %arg8[%arg0, %add3A_1625, %dma_start3A_1640] : memref<2x10240x128xf32, #tpu.memory_space<hbm>> -> memref<1x128x128xf32, #tpu.memory_space<hbm>>
      %dma_start3A_1642 = tpu.memref_squeeze %dma_start3A_1641 : memref<1x128x128xf32, #tpu.memory_space<hbm>> -> memref<128x128xf32, #tpu.memory_space<hbm>>
      %dma_start3A_1643 = arith.constant 0 : i32
      %dma_start3A_1644 = arith.constant 0 : i32
      %dma_start3A_1645 = tpu.memref_slice %arg21[%dma_start3A_1643, %dma_start3A_1644] : memref<128x128xf32, #tpu.memory_space<vmem>> -> memref<128x128xf32, #tpu.memory_space<vmem>>
      tpu.enqueue_dma source(%dma_start3A_1645 : memref<128x128xf32, #tpu.memory_space<vmem>>) target(%dma_start3A_1642 : memref<128x128xf32, #tpu.memory_space<hbm>>) target_semaphore(%run_scoped3A : memref<!tpu.dma_semaphore, #tpu.memory_space<semaphore_mem>>)
      %dma_wait3A_1646 = arith.constant 0 : i32
      %dma_wait3A_1647 = arith.constant 0 : i32
      %dma_wait3A_1648 = tpu.memref_slice %arg21[%dma_wait3A_1646, %dma_wait3A_1647] : memref<128x128xf32, #tpu.memory_space<vmem>> -> memref<128x128xf32, #tpu.memory_space<vmem>>
      %dma_wait3A_1649 = arith.constant 0 : i32
      %dma_wait3A_1650 = tpu.memref_slice %arg8[%arg0, %add3A_1625, %dma_wait3A_1649] : memref<2x10240x128xf32, #tpu.memory_space<hbm>> -> memref<1x128x128xf32, #tpu.memory_space<hbm>>
      %dma_wait3A_1651 = tpu.memref_squeeze %dma_wait3A_1650 : memref<1x128x128xf32, #tpu.memory_space<hbm>> -> memref<128x128xf32, #tpu.memory_space<hbm>>
      %dma_wait3A_1652 = arith.constant 0 : i32
      %dma_wait3A_1653 = tpu.memref_slice %arg8[%arg0, %add3A_1625, %dma_wait3A_1652] : memref<2x10240x128xf32, #tpu.memory_space<hbm>> -> memref<1x128x128xf32, #tpu.memory_space<hbm>>
      %dma_wait3A_1654 = tpu.memref_squeeze %dma_wait3A_1653 : memref<1x128x128xf32, #tpu.memory_space<hbm>> -> memref<128x128xf32, #tpu.memory_space<hbm>>
      %dma_wait3A_1655 = arith.constant 0 : i32
      %dma_wait3A_1656 = arith.constant 0 : i32
      %dma_wait3A_1657 = tpu.memref_slice %arg21[%dma_wait3A_1655, %dma_wait3A_1656] : memref<128x128xf32, #tpu.memory_space<vmem>> -> memref<128x128xf32, #tpu.memory_space<vmem>>
      tpu.wait_dma2 semaphore(%run_scoped3A : memref<!tpu.dma_semaphore, #tpu.memory_space<semaphore_mem>>) src(%dma_wait3A_1657 : memref<128x128xf32, #tpu.memory_space<vmem>>) dst(%dma_wait3A_1654 : memref<128x128xf32, #tpu.memory_space<hbm>>)
      tpu.yield
    }) : () -> ()
    %mul3A_1626 = arith.constant 640 : i32
    %mul3A_1627 = arith.muli %arg1, %mul3A_1626 : i32
    %add3A_1628 = arith.constant 384 : i32
    %add3A_1629 = arith.addi %mul3A_1627, %add3A_1628 : i32
    "tpu.region"() ({
      %run_scoped3A = tpu.sem_alloc : memref<!tpu.dma_semaphore, #tpu.memory_space<semaphore_mem>>
      %dma_start3A_1634 = arith.constant 0 : i32
      %dma_start3A_1635 = arith.constant 0 : i32
      %dma_start3A_1636 = tpu.memref_slice %arg21[%dma_start3A_1634, %dma_start3A_1635] : memref<128x128xf32, #tpu.memory_space<vmem>> -> memref<128x128xf32, #tpu.memory_space<vmem>>
      %dma_start3A_1637 = arith.constant 0 : i32
      %dma_start3A_1638 = tpu.memref_slice %arg30[%add3A_1629, %dma_start3A_1637] : memref<10240x128xf32, #tpu.memory_space<vmem_shared>> -> memref<128x128xf32, #tpu.memory_space<vmem_shared>>
      %dma_start3A_1639 = arith.constant 0 : i32
      %dma_start3A_1640 = arith.constant 0 : i32
      %dma_start3A_1641 = tpu.memref_slice %arg21[%dma_start3A_1639, %dma_start3A_1640] : memref<128x128xf32, #tpu.memory_space<vmem>> -> memref<128x128xf32, #tpu.memory_space<vmem>>
      %dma_start3A_1642 = arith.constant 0 : i32
      %dma_start3A_1643 = tpu.memref_slice %arg30[%add3A_1629, %dma_start3A_1642] : memref<10240x128xf32, #tpu.memory_space<vmem_shared>> -> memref<128x128xf32, #tpu.memory_space<vmem_shared>>
      tpu.enqueue_dma source(%dma_start3A_1643 : memref<128x128xf32, #tpu.memory_space<vmem_shared>>) target(%dma_start3A_1641 : memref<128x128xf32, #tpu.memory_space<vmem>>) target_semaphore(%run_scoped3A : memref<!tpu.dma_semaphore, #tpu.memory_space<semaphore_mem>>)
      %dma_wait3A_1644 = arith.constant 0 : i32
      %dma_wait3A_1645 = arith.constant 0 : i32
      %dma_wait3A_1646 = tpu.memref_slice %arg21[%dma_wait3A_1644, %dma_wait3A_1645] : memref<128x128xf32, #tpu.memory_space<vmem>> -> memref<128x128xf32, #tpu.memory_space<vmem>>
      %dma_wait3A_1647 = arith.constant 0 : i32
      %dma_wait3A_1648 = tpu.memref_slice %arg30[%add3A_1629, %dma_wait3A_1647] : memref<10240x128xf32, #tpu.memory_space<vmem_shared>> -> memref<128x128xf32, #tpu.memory_space<vmem_shared>>
      %dma_wait3A_1649 = arith.constant 0 : i32
      %dma_wait3A_1650 = arith.constant 0 : i32
      %dma_wait3A_1651 = tpu.memref_slice %arg21[%dma_wait3A_1649, %dma_wait3A_1650] : memref<128x128xf32, #tpu.memory_space<vmem>> -> memref<128x128xf32, #tpu.memory_space<vmem>>
      %dma_wait3A_1652 = arith.constant 0 : i32
      %dma_wait3A_1653 = tpu.memref_slice %arg30[%add3A_1629, %dma_wait3A_1652] : memref<10240x128xf32, #tpu.memory_space<vmem_shared>> -> memref<128x128xf32, #tpu.memory_space<vmem_shared>>
      tpu.wait_dma2 semaphore(%run_scoped3A : memref<!tpu.dma_semaphore, #tpu.memory_space<semaphore_mem>>) src(%dma_wait3A_1653 : memref<128x128xf32, #tpu.memory_space<vmem_shared>>) dst(%dma_wait3A_1651 : memref<128x128xf32, #tpu.memory_space<vmem>>)
      tpu.yield
    }) : () -> ()
    "tpu.region"() ({
      %run_scoped3A = tpu.sem_alloc : memref<!tpu.dma_semaphore, #tpu.memory_space<semaphore_mem>>
      %dma_start3A_1634 = arith.constant 0 : i32
      %dma_start3A_1635 = arith.constant 0 : i32
      %dma_start3A_1636 = tpu.memref_slice %arg21[%dma_start3A_1634, %dma_start3A_1635] : memref<128x128xf32, #tpu.memory_space<vmem>> -> memref<128x128xf32, #tpu.memory_space<vmem>>
      %dma_start3A_1637 = arith.constant 0 : i32
      %dma_start3A_1638 = tpu.memref_slice %arg8[%arg0, %add3A_1629, %dma_start3A_1637] : memref<2x10240x128xf32, #tpu.memory_space<hbm>> -> memref<1x128x128xf32, #tpu.memory_space<hbm>>
      %dma_start3A_1639 = tpu.memref_squeeze %dma_start3A_1638 : memref<1x128x128xf32, #tpu.memory_space<hbm>> -> memref<128x128xf32, #tpu.memory_space<hbm>>
      %dma_start3A_1640 = arith.constant 0 : i32
      %dma_start3A_1641 = tpu.memref_slice %arg8[%arg0, %add3A_1629, %dma_start3A_1640] : memref<2x10240x128xf32, #tpu.memory_space<hbm>> -> memref<1x128x128xf32, #tpu.memory_space<hbm>>
      %dma_start3A_1642 = tpu.memref_squeeze %dma_start3A_1641 : memref<1x128x128xf32, #tpu.memory_space<hbm>> -> memref<128x128xf32, #tpu.memory_space<hbm>>
      %dma_start3A_1643 = arith.constant 0 : i32
      %dma_start3A_1644 = arith.constant 0 : i32
      %dma_start3A_1645 = tpu.memref_slice %arg21[%dma_start3A_1643, %dma_start3A_1644] : memref<128x128xf32, #tpu.memory_space<vmem>> -> memref<128x128xf32, #tpu.memory_space<vmem>>
      tpu.enqueue_dma source(%dma_start3A_1645 : memref<128x128xf32, #tpu.memory_space<vmem>>) target(%dma_start3A_1642 : memref<128x128xf32, #tpu.memory_space<hbm>>) target_semaphore(%run_scoped3A : memref<!tpu.dma_semaphore, #tpu.memory_space<semaphore_mem>>)
      %dma_wait3A_1646 = arith.constant 0 : i32
      %dma_wait3A_1647 = arith.constant 0 : i32
      %dma_wait3A_1648 = tpu.memref_slice %arg21[%dma_wait3A_1646, %dma_wait3A_1647] : memref<128x128xf32, #tpu.memory_space<vmem>> -> memref<128x128xf32, #tpu.memory_space<vmem>>
      %dma_wait3A_1649 = arith.constant 0 : i32
      %dma_wait3A_1650 = tpu.memref_slice %arg8[%arg0, %add3A_1629, %dma_wait3A_1649] : memref<2x10240x128xf32, #tpu.memory_space<hbm>> -> memref<1x128x128xf32, #tpu.memory_space<hbm>>
      %dma_wait3A_1651 = tpu.memref_squeeze %dma_wait3A_1650 : memref<1x128x128xf32, #tpu.memory_space<hbm>> -> memref<128x128xf32, #tpu.memory_space<hbm>>
      %dma_wait3A_1652 = arith.constant 0 : i32
      %dma_wait3A_1653 = tpu.memref_slice %arg8[%arg0, %add3A_1629, %dma_wait3A_1652] : memref<2x10240x128xf32, #tpu.memory_space<hbm>> -> memref<1x128x128xf32, #tpu.memory_space<hbm>>
      %dma_wait3A_1654 = tpu.memref_squeeze %dma_wait3A_1653 : memref<1x128x128xf32, #tpu.memory_space<hbm>> -> memref<128x128xf32, #tpu.memory_space<hbm>>
      %dma_wait3A_1655 = arith.constant 0 : i32
      %dma_wait3A_1656 = arith.constant 0 : i32
      %dma_wait3A_1657 = tpu.memref_slice %arg21[%dma_wait3A_1655, %dma_wait3A_1656] : memref<128x128xf32, #tpu.memory_space<vmem>> -> memref<128x128xf32, #tpu.memory_space<vmem>>
      tpu.wait_dma2 semaphore(%run_scoped3A : memref<!tpu.dma_semaphore, #tpu.memory_space<semaphore_mem>>) src(%dma_wait3A_1657 : memref<128x128xf32, #tpu.memory_space<vmem>>) dst(%dma_wait3A_1654 : memref<128x128xf32, #tpu.memory_space<hbm>>)
      tpu.yield
    }) : () -> ()
    %mul3A_1630 = arith.constant 640 : i32
    %mul3A_1631 = arith.muli %arg1, %mul3A_1630 : i32
    %add3A_1632 = arith.constant 512 : i32
    %add3A_1633 = arith.addi %mul3A_1631, %add3A_1632 : i32
    "tpu.region"() ({
      %run_scoped3A = tpu.sem_alloc : memref<!tpu.dma_semaphore, #tpu.memory_space<semaphore_mem>>
      %dma_start3A_1634 = arith.constant 0 : i32
      %dma_start3A_1635 = arith.constant 0 : i32
      %dma_start3A_1636 = tpu.memref_slice %arg21[%dma_start3A_1634, %dma_start3A_1635] : memref<128x128xf32, #tpu.memory_space<vmem>> -> memref<128x128xf32, #tpu.memory_space<vmem>>
      %dma_start3A_1637 = arith.constant 0 : i32
      %dma_start3A_1638 = tpu.memref_slice %arg30[%add3A_1633, %dma_start3A_1637] : memref<10240x128xf32, #tpu.memory_space<vmem_shared>> -> memref<128x128xf32, #tpu.memory_space<vmem_shared>>
      %dma_start3A_1639 = arith.constant 0 : i32
      %dma_start3A_1640 = arith.constant 0 : i32
      %dma_start3A_1641 = tpu.memref_slice %arg21[%dma_start3A_1639, %dma_start3A_1640] : memref<128x128xf32, #tpu.memory_space<vmem>> -> memref<128x128xf32, #tpu.memory_space<vmem>>
      %dma_start3A_1642 = arith.constant 0 : i32
      %dma_start3A_1643 = tpu.memref_slice %arg30[%add3A_1633, %dma_start3A_1642] : memref<10240x128xf32, #tpu.memory_space<vmem_shared>> -> memref<128x128xf32, #tpu.memory_space<vmem_shared>>
      tpu.enqueue_dma source(%dma_start3A_1643 : memref<128x128xf32, #tpu.memory_space<vmem_shared>>) target(%dma_start3A_1641 : memref<128x128xf32, #tpu.memory_space<vmem>>) target_semaphore(%run_scoped3A : memref<!tpu.dma_semaphore, #tpu.memory_space<semaphore_mem>>)
      %dma_wait3A_1644 = arith.constant 0 : i32
      %dma_wait3A_1645 = arith.constant 0 : i32
      %dma_wait3A_1646 = tpu.memref_slice %arg21[%dma_wait3A_1644, %dma_wait3A_1645] : memref<128x128xf32, #tpu.memory_space<vmem>> -> memref<128x128xf32, #tpu.memory_space<vmem>>
      %dma_wait3A_1647 = arith.constant 0 : i32
      %dma_wait3A_1648 = tpu.memref_slice %arg30[%add3A_1633, %dma_wait3A_1647] : memref<10240x128xf32, #tpu.memory_space<vmem_shared>> -> memref<128x128xf32, #tpu.memory_space<vmem_shared>>
      %dma_wait3A_1649 = arith.constant 0 : i32
      %dma_wait3A_1650 = arith.constant 0 : i32
      %dma_wait3A_1651 = tpu.memref_slice %arg21[%dma_wait3A_1649, %dma_wait3A_1650] : memref<128x128xf32, #tpu.memory_space<vmem>> -> memref<128x128xf32, #tpu.memory_space<vmem>>
      %dma_wait3A_1652 = arith.constant 0 : i32
      %dma_wait3A_1653 = tpu.memref_slice %arg30[%add3A_1633, %dma_wait3A_1652] : memref<10240x128xf32, #tpu.memory_space<vmem_shared>> -> memref<128x128xf32, #tpu.memory_space<vmem_shared>>
      tpu.wait_dma2 semaphore(%run_scoped3A : memref<!tpu.dma_semaphore, #tpu.memory_space<semaphore_mem>>) src(%dma_wait3A_1653 : memref<128x128xf32, #tpu.memory_space<vmem_shared>>) dst(%dma_wait3A_1651 : memref<128x128xf32, #tpu.memory_space<vmem>>)
      tpu.yield
    }) : () -> ()
    "tpu.region"() ({
      %run_scoped3A = tpu.sem_alloc : memref<!tpu.dma_semaphore, #tpu.memory_space<semaphore_mem>>
      %dma_start3A_1634 = arith.constant 0 : i32
      %dma_start3A_1635 = arith.constant 0 : i32
      %dma_start3A_1636 = tpu.memref_slice %arg21[%dma_start3A_1634, %dma_start3A_1635] : memref<128x128xf32, #tpu.memory_space<vmem>> -> memref<128x128xf32, #tpu.memory_space<vmem>>
      %dma_start3A_1637 = arith.constant 0 : i32
      %dma_start3A_1638 = tpu.memref_slice %arg8[%arg0, %add3A_1633, %dma_start3A_1637] : memref<2x10240x128xf32, #tpu.memory_space<hbm>> -> memref<1x128x128xf32, #tpu.memory_space<hbm>>
      %dma_start3A_1639 = tpu.memref_squeeze %dma_start3A_1638 : memref<1x128x128xf32, #tpu.memory_space<hbm>> -> memref<128x128xf32, #tpu.memory_space<hbm>>
      %dma_start3A_1640 = arith.constant 0 : i32
      %dma_start3A_1641 = tpu.memref_slice %arg8[%arg0, %add3A_1633, %dma_start3A_1640] : memref<2x10240x128xf32, #tpu.memory_space<hbm>> -> memref<1x128x128xf32, #tpu.memory_space<hbm>>
      %dma_start3A_1642 = tpu.memref_squeeze %dma_start3A_1641 : memref<1x128x128xf32, #tpu.memory_space<hbm>> -> memref<128x128xf32, #tpu.memory_space<hbm>>
      %dma_start3A_1643 = arith.constant 0 : i32
      %dma_start3A_1644 = arith.constant 0 : i32
      %dma_start3A_1645 = tpu.memref_slice %arg21[%dma_start3A_1643, %dma_start3A_1644] : memref<128x128xf32, #tpu.memory_space<vmem>> -> memref<128x128xf32, #tpu.memory_space<vmem>>
      tpu.enqueue_dma source(%dma_start3A_1645 : memref<128x128xf32, #tpu.memory_space<vmem>>) target(%dma_start3A_1642 : memref<128x128xf32, #tpu.memory_space<hbm>>) target_semaphore(%run_scoped3A : memref<!tpu.dma_semaphore, #tpu.memory_space<semaphore_mem>>)
      %dma_wait3A_1646 = arith.constant 0 : i32
      %dma_wait3A_1647 = arith.constant 0 : i32
      %dma_wait3A_1648 = tpu.memref_slice %arg21[%dma_wait3A_1646, %dma_wait3A_1647] : memref<128x128xf32, #tpu.memory_space<vmem>> -> memref<128x128xf32, #tpu.memory_space<vmem>>
      %dma_wait3A_1649 = arith.constant 0 : i32
      %dma_wait3A_1650 = tpu.memref_slice %arg8[%arg0, %add3A_1633, %dma_wait3A_1649] : memref<2x10240x128xf32, #tpu.memory_space<hbm>> -> memref<1x128x128xf32, #tpu.memory_space<hbm>>
      %dma_wait3A_1651 = tpu.memref_squeeze %dma_wait3A_1650 : memref<1x128x128xf32, #tpu.memory_space<hbm>> -> memref<128x128xf32, #tpu.memory_space<hbm>>
      %dma_wait3A_1652 = arith.constant 0 : i32
      %dma_wait3A_1653 = tpu.memref_slice %arg8[%arg0, %add3A_1633, %dma_wait3A_1652] : memref<2x10240x128xf32, #tpu.memory_space<hbm>> -> memref<1x128x128xf32, #tpu.memory_space<hbm>>
      %dma_wait3A_1654 = tpu.memref_squeeze %dma_wait3A_1653 : memref<1x128x128xf32, #tpu.memory_space<hbm>> -> memref<128x128xf32, #tpu.memory_space<hbm>>
      %dma_wait3A_1655 = arith.constant 0 : i32
      %dma_wait3A_1656 = arith.constant 0 : i32
      %dma_wait3A_1657 = tpu.memref_slice %arg21[%dma_wait3A_1655, %dma_wait3A_1656] : memref<128x128xf32, #tpu.memory_space<vmem>> -> memref<128x128xf32, #tpu.memory_space<vmem>>
      tpu.wait_dma2 semaphore(%run_scoped3A : memref<!tpu.dma_semaphore, #tpu.memory_space<semaphore_mem>>) src(%dma_wait3A_1657 : memref<128x128xf32, #tpu.memory_space<vmem>>) dst(%dma_wait3A_1654 : memref<128x128xf32, #tpu.memory_space<hbm>>)
      tpu.yield
    }) : () -> ()
    return
  }
}

module attributes {stable_mosaic.version = 14 : i64} {
  func.func @_tc_mlp_kernel(%arg0: i32, %arg1: memref<2x1000x128xf32, #tpu.memory_space<vmem>>, %arg2: memref<128x512xf32, #tpu.memory_space<vmem>>, %arg3: memref<1x512xf32, #tpu.memory_space<vmem>>, %arg4: memref<512x64xf32, #tpu.memory_space<vmem>>, %arg5: memref<1x64xf32, #tpu.memory_space<vmem>>, %arg6: memref<64x32xf32, #tpu.memory_space<vmem>>, %arg7: memref<1x32xf32, #tpu.memory_space<vmem>>, %arg8: memref<32x32xf32, #tpu.memory_space<vmem>>, %arg9: memref<1x32xf32, #tpu.memory_space<vmem>>, %arg10: memref<1000x32xf32, #tpu.memory_space<vmem>>) attributes {dimension_semantics = [#tpu.dimension_semantics<arbitrary>], iteration_bounds = array<i64: 10>, scalar_prefetch = 0 : i64, scratch_operands = 0 : i64, tpu.core_type = #tpu.core_type<tc>, window_params = [{transform_indices = @transform_0, window_bounds = array<i64: 2, 1000, 128>}, {pipeline_mode = #tpu.pipeline_mode<synchronous>, transform_indices = @transform_1, window_bounds = array<i64: 128, 512>}, {pipeline_mode = #tpu.pipeline_mode<synchronous>, transform_indices = @transform_2, window_bounds = array<i64: 1, 512>}, {pipeline_mode = #tpu.pipeline_mode<synchronous>, transform_indices = @transform_3, window_bounds = array<i64: 512, 64>}, {pipeline_mode = #tpu.pipeline_mode<synchronous>, transform_indices = @transform_4, window_bounds = array<i64: 1, 64>}, {pipeline_mode = #tpu.pipeline_mode<synchronous>, transform_indices = @transform_5, window_bounds = array<i64: 64, 32>}, {pipeline_mode = #tpu.pipeline_mode<synchronous>, transform_indices = @transform_6, window_bounds = array<i64: 1, 32>}, {pipeline_mode = #tpu.pipeline_mode<synchronous>, transform_indices = @transform_7, window_bounds = array<i64: 32, 32>}, {pipeline_mode = #tpu.pipeline_mode<synchronous>, transform_indices = @transform_8, window_bounds = array<i64: 1, 32>}, {transform_indices = @transform_9, window_bounds = array<i64: 1000, 32>}]} {
    %get3A = arith.constant 0 : index
    %get3A_0 = arith.constant 0 : index
    %get3A_1 = arith.constant 0 : index
    %get3A_2 = vector.load %arg1[%get3A, %get3A_0, %get3A_1] : memref<2x1000x128xf32, #tpu.memory_space<vmem>>, vector<1x1000x128xf32>
    %get3A_3 = vector.shape_cast %get3A_2 : vector<1x1000x128xf32> to vector<1000x128xf32>
    %get3A_4 = arith.constant 1 : index
    %get3A_5 = arith.constant 0 : index
    %get3A_6 = arith.constant 0 : index
    %get3A_7 = vector.load %arg1[%get3A_4, %get3A_5, %get3A_6] : memref<2x1000x128xf32, #tpu.memory_space<vmem>>, vector<1x1000x128xf32>
    %get3A_8 = vector.shape_cast %get3A_7 : vector<1x1000x128xf32> to vector<1000x128xf32>
    %add3A = arith.addf %get3A_3, %get3A_8 : vector<1000x128xf32>
    %get3A_9 = arith.constant 0 : index
    %get3A_10 = arith.constant 0 : index
    %get3A_11 = vector.load %arg2[%get3A_9, %get3A_10] : memref<128x512xf32, #tpu.memory_space<vmem>>, vector<128x512xf32>
    %dot_general3A = arith.constant dense<0.000000e+00> : vector<1000x512xf32>
    %dot_general3A_12 = tpu.matmul %add3A, %get3A_11, %dot_general3A {dimension_numbers = #tpu.dot_dimension_numbers<[1], [0], [0], [1], [0, 0, 1, 1], [], []>, transpose_lhs_hint = false} : vector<1000x128xf32>, vector<128x512xf32>, vector<1000x512xf32> -> vector<1000x512xf32>
    %get3A_13 = arith.constant 0 : index
    %get3A_14 = arith.constant 0 : index
    %get3A_15 = vector.load %arg3[%get3A_13, %get3A_14] : memref<1x512xf32, #tpu.memory_space<vmem>>, vector<1x512xf32>
    %add3A_16 = vector.broadcast %get3A_15 : vector<1x512xf32> to vector<1000x512xf32>
    %add3A_17 = arith.addf %dot_general3A_12, %add3A_16 : vector<1000x512xf32>
    %max3A = arith.constant 0.000000e+00 : f32
    %max3A_18 = vector.broadcast %max3A : f32 to vector<1000x512xf32>
    %max3A_19 = arith.maximumf %add3A_17, %max3A_18 : vector<1000x512xf32>
    %get3A_20 = arith.constant 0 : index
    %get3A_21 = arith.constant 0 : index
    %get3A_22 = vector.load %arg4[%get3A_20, %get3A_21] : memref<512x64xf32, #tpu.memory_space<vmem>>, vector<512x64xf32>
    %dot_general3A_23 = arith.constant dense<0.000000e+00> : vector<1000x64xf32>
    %dot_general3A_24 = tpu.matmul %max3A_19, %get3A_22, %dot_general3A_23 {dimension_numbers = #tpu.dot_dimension_numbers<[1], [0], [0], [1], [0, 0, 1, 1], [], []>, transpose_lhs_hint = false} : vector<1000x512xf32>, vector<512x64xf32>, vector<1000x64xf32> -> vector<1000x64xf32>
    %get3A_25 = arith.constant 0 : index
    %get3A_26 = arith.constant 0 : index
    %get3A_27 = vector.load %arg5[%get3A_25, %get3A_26] : memref<1x64xf32, #tpu.memory_space<vmem>>, vector<1x64xf32>
    %add3A_28 = vector.broadcast %get3A_27 : vector<1x64xf32> to vector<1000x64xf32>
    %add3A_29 = arith.addf %dot_general3A_24, %add3A_28 : vector<1000x64xf32>
    %max3A_30 = arith.constant 0.000000e+00 : f32
    %max3A_31 = vector.broadcast %max3A_30 : f32 to vector<1000x64xf32>
    %max3A_32 = arith.maximumf %add3A_29, %max3A_31 : vector<1000x64xf32>
    %get3A_33 = arith.constant 0 : index
    %get3A_34 = arith.constant 0 : index
    %get3A_35 = vector.load %arg6[%get3A_33, %get3A_34] : memref<64x32xf32, #tpu.memory_space<vmem>>, vector<64x32xf32>
    %dot_general3A_36 = arith.constant dense<0.000000e+00> : vector<1000x32xf32>
    %dot_general3A_37 = tpu.matmul %max3A_32, %get3A_35, %dot_general3A_36 {dimension_numbers = #tpu.dot_dimension_numbers<[1], [0], [0], [1], [0, 0, 1, 1], [], []>, transpose_lhs_hint = false} : vector<1000x64xf32>, vector<64x32xf32>, vector<1000x32xf32> -> vector<1000x32xf32>
    %get3A_38 = arith.constant 0 : index
    %get3A_39 = arith.constant 0 : index
    %get3A_40 = vector.load %arg7[%get3A_38, %get3A_39] : memref<1x32xf32, #tpu.memory_space<vmem>>, vector<1x32xf32>
    %add3A_41 = vector.broadcast %get3A_40 : vector<1x32xf32> to vector<1000x32xf32>
    %add3A_42 = arith.addf %dot_general3A_37, %add3A_41 : vector<1000x32xf32>
    %max3A_43 = arith.constant 0.000000e+00 : f32
    %max3A_44 = vector.broadcast %max3A_43 : f32 to vector<1000x32xf32>
    %max3A_45 = arith.maximumf %add3A_42, %max3A_44 : vector<1000x32xf32>
    %get3A_46 = arith.constant 0 : index
    %get3A_47 = arith.constant 0 : index
    %get3A_48 = vector.load %arg8[%get3A_46, %get3A_47] : memref<32x32xf32, #tpu.memory_space<vmem>>, vector<32x32xf32>
    %dot_general3A_49 = arith.constant dense<0.000000e+00> : vector<1000x32xf32>
    %dot_general3A_50 = tpu.matmul %max3A_45, %get3A_48, %dot_general3A_49 {dimension_numbers = #tpu.dot_dimension_numbers<[1], [0], [0], [1], [0, 0, 1, 1], [], []>, transpose_lhs_hint = false} : vector<1000x32xf32>, vector<32x32xf32>, vector<1000x32xf32> -> vector<1000x32xf32>
    %get3A_51 = arith.constant 0 : index
    %get3A_52 = arith.constant 0 : index
    %get3A_53 = vector.load %arg9[%get3A_51, %get3A_52] : memref<1x32xf32, #tpu.memory_space<vmem>>, vector<1x32xf32>
    %add3A_54 = vector.broadcast %get3A_53 : vector<1x32xf32> to vector<1000x32xf32>
    %add3A_55 = arith.addf %dot_general3A_50, %add3A_54 : vector<1000x32xf32>
    %reduce_max3A = arith.constant dense<0xFF800000> : vector<1000xf32>
    %reduce_max3A_56 = vector.multi_reduction <maximumf>, %add3A_55, %reduce_max3A [1] : vector<1000x32xf32> to vector<1000xf32>
    %broadcast_in_dim3A = vector.shape_cast %reduce_max3A_56 : vector<1000xf32> to vector<1000x1xf32>
    %sub3A = vector.broadcast %broadcast_in_dim3A : vector<1000x1xf32> to vector<1000x32xf32>
    %sub3A_57 = arith.subf %add3A_55, %sub3A : vector<1000x32xf32>
    %exp3A = math.exp %sub3A_57 : vector<1000x32xf32>
    %reduce_sum3A = arith.constant dense<0.000000e+00> : vector<1000xf32>
    %reduce_sum3A_58 = vector.multi_reduction <add>, %exp3A, %reduce_sum3A [1] : vector<1000x32xf32> to vector<1000xf32>
    %broadcast_in_dim3A_59 = vector.shape_cast %reduce_sum3A_58 : vector<1000xf32> to vector<1000x1xf32>
    %div3A = vector.broadcast %broadcast_in_dim3A_59 : vector<1000x1xf32> to vector<1000x32xf32>
    %div3A_60 = arith.divf %exp3A, %div3A : vector<1000x32xf32>
    %swap3A = arith.constant 0 : index
    %swap3A_61 = arith.constant 0 : index
    %swap3A_62 = vector.load %arg10[%swap3A, %swap3A_61] : memref<1000x32xf32, #tpu.memory_space<vmem>>, vector<1000x32xf32>
    tpu.vector_store %arg10[%swap3A, %swap3A_61], %div3A_60 {strides = array<i32>} : memref<1000x32xf32, #tpu.memory_space<vmem>>, vector<1000x32xf32>,
    return
  }
  func.func @transform_0(%arg0: i32) -> (i32, i32, i32) {
    %c0_i32 = arith.constant 0 : i32
    %c0_i32_0 = arith.constant 0 : i32
    %c0_i32_1 = arith.constant 0 : i32
    return %c0_i32, %arg0, %c0_i32_0 : i32, i32, i32
  }
  func.func @transform_1(%arg0: i32) -> (i32, i32) {
    %c0_i32 = arith.constant 0 : i32
    %c0_i32_0 = arith.constant 0 : i32
    %c0_i32_1 = arith.constant 0 : i32
    return %c0_i32, %c0_i32_0 : i32, i32
  }
  func.func @transform_2(%arg0: i32) -> (i32, i32) {
    %c0_i32 = arith.constant 0 : i32
    %c0_i32_0 = arith.constant 0 : i32
    %c0_i32_1 = arith.constant 0 : i32
    return %c0_i32, %c0_i32_0 : i32, i32
  }
  func.func @transform_3(%arg0: i32) -> (i32, i32) {
    %c0_i32 = arith.constant 0 : i32
    %c0_i32_0 = arith.constant 0 : i32
    %c0_i32_1 = arith.constant 0 : i32
    return %c0_i32, %c0_i32_0 : i32, i32
  }
  func.func @transform_4(%arg0: i32) -> (i32, i32) {
    %c0_i32 = arith.constant 0 : i32
    %c0_i32_0 = arith.constant 0 : i32
    %c0_i32_1 = arith.constant 0 : i32
    return %c0_i32, %c0_i32_0 : i32, i32
  }
  func.func @transform_5(%arg0: i32) -> (i32, i32) {
    %c0_i32 = arith.constant 0 : i32
    %c0_i32_0 = arith.constant 0 : i32
    %c0_i32_1 = arith.constant 0 : i32
    return %c0_i32, %c0_i32_0 : i32, i32
  }
  func.func @transform_6(%arg0: i32) -> (i32, i32) {
    %c0_i32 = arith.constant 0 : i32
    %c0_i32_0 = arith.constant 0 : i32
    %c0_i32_1 = arith.constant 0 : i32
    return %c0_i32, %c0_i32_0 : i32, i32
  }
  func.func @transform_7(%arg0: i32) -> (i32, i32) {
    %c0_i32 = arith.constant 0 : i32
    %c0_i32_0 = arith.constant 0 : i32
    %c0_i32_1 = arith.constant 0 : i32
    return %c0_i32, %c0_i32_0 : i32, i32
  }
  func.func @transform_8(%arg0: i32) -> (i32, i32) {
    %c0_i32 = arith.constant 0 : i32
    %c0_i32_0 = arith.constant 0 : i32
    %c0_i32_1 = arith.constant 0 : i32
    return %c0_i32, %c0_i32_0 : i32, i32
  }
  func.func @transform_9(%arg0: i32) -> (i32, i32) {
    %c0_i32 = arith.constant 0 : i32
    %c0_i32_0 = arith.constant 0 : i32
    return %arg0, %c0_i32 : i32, i32
  }
}

</mosaic_0001>

<sc_bundles>
// kernel: kernel.5.cloned.1.call-start
scs
__scs_entry_jumppad:
0x0: {  	(pc) =	sbr.rel $0x88, $3  }
0x1: {  	(tag) =	ssettag $0x0;
	lr =	simm.s32 $0x1  }
0x2: {  	[smem:$0x3F96] =	sst lr;
	_ =	strace $0xD0000000  }
0x3: {  	_ = 	snop  }
0x4: {  	_ = 	snop  }
0x5: {  	_ = 	snop  }
0x6: {  	_ = 	snop  }
0x7: {  	_ = 	snop  }
__scs_overlays_trampoline_lowered:
0x8: {  	[smem:$0x3FA5] =	sst s0  }
0x9: {  	[smem:$0x3FA6] =	sst s1  }
0xa: {  	[smem:$0x3FA7] =	sst s2  }
0xb: {  	[smem:$0x3FA8] =	sst s3  }
0xc: {  	[smem:$0x3FA9] =	sst s4  }
0xd: {  	[smem:$0x3FAA] =	sst s5  }
0xe: {  	[smem:$0x3FAB] =	sst s6  }
0xf: {  	[smem:$0x3FAC] =	sst s7  }
0x10: {  	[smem:$0x3FAD] =	sst s8  }
0x11: {  	[smem:$0x3FAE] =	sst s9;
	s0 =	simm.s32 @!p0 $0x0  }
0x12: {  	s1 =	sld [smem:$0x3F94];
	s0 =	simm.s32 @p0 $0x1  }
0x13: {  	[smem:$0x3FAF] =	sst s0;
	s0 =	simm.s32 @!p1 $0x0  }
0x14: {  	s2 =	sld [smem:$0x3F93];
	s0 =	simm.s32 @p1 $0x1  }
0x15: {  	[smem:$0x3FB0] =	sst s0;
	s0 =	simm.s32 @!p2 $0x0  }
0x16: {  	s3 =	sld [smem:$0x3FDB];
	s0 =	simm.s32 @p2 $0x1  }
0x17: {  	s4 =	simm.s32 $0x1BF5;
	[smem:$0x3FB2] =	sst s0  }
0x18: {  	s0 =	sld [smem:$0x3F95];
	_ =	swait.ge [sflag:s4], $0x0  }
0x19: {  	s7 =	sld [smem:$0x3F96]  }
0x1a: {  	s8 =	sadd.s32 $0xFFFFE003, lr  }
0x1b: {  	s9 =	sadd.s32 $0xFFFFFEF7, lr;
	s5 =	simm.s32 $0xFFFFFFFF;
	p2 =	slt.u32 s8, $0xFFFFF086  }
0x1c: {  	p1 =	slt.u32 s9, $0xF7A;
	s5 =	simm.s32 @!p2 $0x0  }
0x1d: {  	s5 =	simm.s32 @p1 $0x1;
	p0 =	seq.s32 s7, s2  }
0x1e: {  	s7 =	smul.u32 @!p0 $0xF7A, s2;
	p2 =	seq.s32 @!p0 s5, $0x0  }
0x1f: {  	s9 =	smul.u32 $0xF7A, s1;
	s8 =	simm.s32 @!p0 $0x1BF5;
	p2 =	por !p2, p0  }
0x20: {  	[sflag:s8] =	ssyncset.s32 @!p0 $0xFFFFF086;
	s6 =	sadd.s32 @!p0 s3, s7;
	s7 =	simm.s32 @!p0 $0x108  }
0x21: {  	s3 =	sadd.s32 s3, s9;
	s6 =	sadd.s32 @!p0 $0x88, s6;
	s7 =	simm.s32 @p2 $0x1082  }
0x22: {  	[simem:s7], [sflag:s8] =	dma.local @!p0 [hbm:s6], $0xF7A  }
0x23: {  	s9 =	sor.u32 $0xD0000000, s2;
	s6 =	simm.s32 $0x108;
	_ =	swait.ge @!p0 [sflag:s8], $0x0  }
0x24: {  	s3 =	sadd.s32 $0x88, s3;
	s6 =	simm.s32 @!p1 $0x1082;
	[sflag:s4] =	ssyncset.s32 $0xFFFFF086  }
0x25: {  	[simem:s6], [sflag:s4] =	dma.local [hbm:s3], $0xF7A  }
0x26: {  	[smem:$0x3F96] =	sst s1;
	(tag) =	ssettag s2;
	_ =	strace s9  }
0x27: {  	s1 =	sld [smem:$0x3FA6]  }
0x28: {  	s2 =	sld [smem:$0x3FA7]  }
0x29: {  	s4 =	sld [smem:$0x3FA9]  }
0x2a: {  	p0 =	seq.s32 s5, $0x0;
	s5 =	sld [smem:$0x3FAA]  }
0x2b: {  	s6 =	sld [smem:$0x3FAB]  }
0x2c: {  	s7 =	sld [smem:$0x3FAC]  }
0x2d: {  	s3 =	simm.s32 $0x108;
	s8 =	sld [smem:$0x3FAD]  }
0x2e: {  	s3 =	simm.s32 @!p0 $0x1082;
	s9 =	sld [smem:$0x3FAE]  }
0x2f: {  	lr =	sadd.s32 s0, s3;
	s0 =	sld [smem:$0x3FA5]  }
0x30: {  	s3 =	sld [smem:$0x3FA8]  }
0x31: {  	[smem:$0x3FB1] =	sst s10  }
0x32: {  	s10 =	sld [smem:$0x3FAF];
	_ =	sdelay $0x3  }
0x33: {  	p0 =	seq.s32 s10, $0x1;
	s10 =	sld [smem:$0x3FB1];
	_ =	sdelay $0x3  }
0x34: {  	[smem:$0x3FB1] =	sst s10  }
0x35: {  	s10 =	sld [smem:$0x3FB0];
	_ =	sdelay $0x3  }
0x36: {  	p1 =	seq.s32 s10, $0x1;
	s10 =	sld [smem:$0x3FB1];
	_ =	sdelay $0x3  }
0x37: {  	[smem:$0x3FB1] =	sst s10  }
0x38: {  	s10 =	sld [smem:$0x3FB2]  }
0x39: {  	_ = 	snop;
	(pc) =	sbr.ind lr, $3  }
0x3a: {  	_ = 	snop  }
0x3b: {  	_ = 	snop  }
0x3c: {  	p2 =	seq.s32 s10, $0x1;
	s10 =	sld [smem:$0x3FB1]  }
0x3d: {  	_ =	shalt  }
0x3e: {  	_ =	shalt  }
0x3f: {  	_ =	shalt  }
0x40: {  	_ =	shalt  }
0x41: {  	_ =	shalt  }
0x42: {  	_ =	shalt  }
0x43: {  	_ =	shalt  }
0x44: {  	_ =	shalt  }
0x45: {  	_ =	shalt  }
0x46: {  	_ =	shalt  }
0x47: {  	_ =	shalt  }
0x48: {  	_ =	shalt  }
0x49: {  	_ =	shalt  }
0x4a: {  	_ =	shalt  }
0x4b: {  	_ =	shalt  }
0x4c: {  	_ =	shalt  }
0x4d: {  	_ =	shalt  }
0x4e: {  	_ =	shalt  }
0x4f: {  	_ =	shalt  }
0x50: {  	_ =	shalt  }
0x51: {  	_ =	shalt  }
0x52: {  	_ =	shalt  }
0x53: {  	_ =	shalt  }
0x54: {  	_ =	shalt  }
0x55: {  	_ =	shalt  }
0x56: {  	_ =	shalt  }
0x57: {  	_ =	shalt  }
0x58: {  	_ =	shalt  }
0x59: {  	_ =	shalt  }
0x5a: {  	_ =	shalt  }
0x5b: {  	_ =	shalt  }
0x5c: {  	_ =	shalt  }
0x5d: {  	_ =	shalt  }
0x5e: {  	_ =	shalt  }
0x5f: {  	_ =	shalt  }
0x60: {  	_ =	shalt  }
0x61: {  	_ =	shalt  }
0x62: {  	_ =	shalt  }
0x63: {  	_ =	shalt  }
0x64: {  	_ =	shalt  }
0x65: {  	_ =	shalt  }
0x66: {  	_ =	shalt  }
0x67: {  	_ =	shalt  }
0x68: {  	_ =	shalt  }
0x69: {  	_ =	shalt  }
0x6a: {  	_ =	shalt  }
0x6b: {  	_ =	shalt  }
0x6c: {  	_ =	shalt  }
0x6d: {  	_ =	shalt  }
0x6e: {  	_ =	shalt  }
0x6f: {  	_ =	shalt  }
0x70: {  	_ =	shalt  }
0x71: {  	_ =	shalt  }
0x72: {  	_ =	shalt  }
0x73: {  	_ =	shalt  }
0x74: {  	_ =	shalt  }
0x75: {  	_ =	shalt  }
0x76: {  	_ =	shalt  }
0x77: {  	_ =	shalt  }
0x78: {  	_ =	shalt  }
0x79: {  	_ =	shalt  }
0x7a: {  	_ =	shalt  }
0x7b: {  	_ =	shalt  }
0x7c: {  	_ =	shalt  }
0x7d: {  	_ =	shalt  }
0x7e: {  	_ =	shalt  }
0x7f: {  	_ =	shalt  }
0x80: {  	_ =	shalt  }
0x81: {  	_ =	shalt  }
0x82: {  	_ =	shalt  }
0x83: {  	_ =	shalt  }
0x84: {  	_ =	shalt  }
0x85: {  	_ =	shalt  }
0x86: {  	_ =	shalt  }
0x87: {  	_ =	shalt  }
.Lfunc_end0:
.L_simem_size_0:
called_computation_lowered:
.L_overlay_start_0:
0x88: {  	s2 =	sld [smem:$0x3FD9]  }
0x89: {  	s3 =	sld [smem:$0x3FFE];
	_ =	sdelay $0x1  }
0x8a: {  	s1 =	srdreg.scid  }
0x8b: {  	s0 =	sand.u32 $0x1, s1  }
0x8c: {  	s17 =	sshll.u32 s0, $0xA;
	s2 =	sadd.s32 s3, s2  }
0x8d: {  	s2 =	sadd.s32 s2, s17  }
0x8e: {  	[smem:$0x3FBD] =	sst s2  }
0x8f: {  	_ = 	snop  }
0x90: {  	s2 =	sld [smem:$0x3FC7];
	(tm) =	ssettm $0x1  }
0x91: {  	s18 =	sld [smem:$0x3FFB];
	_ =	sdelay $0x3  }
0x92: {  	_ =	strace s18  }
0x93: {  	s3 =	sld [smem:$0x3FFC];
	_ =	sdelay $0x3  }
0x94: {  	_ =	strace s3  }
0x95: {  	s3 =	sld [smem:$0x3FFD];
	_ =	sdelay $0x3  }
0x96: {  	_ =	strace s3  }
0x97: {  	_ =	strace $0x8FFFFFFF  }
0x98: {  	s19 =	sld [smem:$0x3FDB];
	_ =	sdelay $0x1  }
0x99: {  	s4 =	simm.s32 $_scs_section_size  }
0x9a: {  	s5 =	simm.s32 $_size__tile_overlayer_lowered;
	s6 =	simm.s32 $_tile_overlayer_lowered  }
0x9b: {  	s22 =	simm.s32 $0x1BFF;
	s21 =	sshll.u32 s6, $0x1;
	s3 =	sadd.s32 s4, s19  }
0x9c: {  	s7 =	simm.s32 $0x0;
	s20 =	sshll.u32 s5, $0x1;
	s5 =	sadd.s32 s21, s3  }
0x9d: {  	[timem:s7], [sflag:s22] =	dma.local [hbm:s5], s20  }
0x9e: {  	_ =	swait.ge [sflag:s22], s20  }
0x9f: {  	s4 =	ssub.s32 $0x0, s20;
	[sflag:s22] =	ssyncset.done $0x0  }
0xa0: {  	[sflag:s22] =	ssyncadd.s32 s4;
	_ =	sdelay $0x1  }
0xa1: {  	s23 =	simm.s32 $0x1B8B  }
0xa2: {  	_ =	swait.ge [sflag:s23], $0x1  }
0xa3: {  	[sflag:s23] =	ssyncset.done $0x0  }
0xa4: {  	s25 =	simm.s32 $0x1B8E;
	s24 =	sld [smem:$0x3FFE];
	[sflag:s23] =	ssyncadd.s32 $0xFFFFFFFF  }
0xa5: {  	s26 =	simm.s32 $execute0_lowered;
	[smem:$0x3FD2] =	sst s25  }
0xa6: {  	s5 =	sshll.u32 s26, $0x1;
	_ =	strace $0x80000046;
	[dreg:$0x1] =	wrdreg $0xFFFFFFFF  }
0xa7: {  	s28 =	simm.s32 $_size_execute0_lowered;
	s3 =	sadd.s32 s3, s5;
	[dreg:$0x0] =	wrdreg $0x0  }
0xa8: {  	s5 =	sshll.u32 s28, $0x1;
	[dreg:$0x2] =	wrdreg s3  }
0xa9: {  	[dreg:$0x3] =	wrdreg s5  }
0xaa: {  	[dreg:$0x4] =	wrdreg $0xC0  }
0xab: {  	_ =	task [dreg:s7], $0x5FFFF  }
0xac: {  	[dreg:$0x1] =	wrdreg $0xFFFFFFFF  }
0xad: {  	[dreg:$0x0] =	wrdreg $0x60  }
0xae: {  	[dreg:$0x2] =	wrdreg s24  }
0xaf: {  	[dreg:$0x3] =	wrdreg s2  }
0xb0: {  	[dreg:$0x4] =	wrdreg $0x2C000  }
0xb1: {  	[dreg:$0x5] =	wrdreg $0x9  }
0xb2: {  	_ =	task.clear_ibuf [dreg:s7], $0x6FFFF;
	_ =	strace $0x90000046  }
0xb3: {  	s29 =	simm.s32 $0x9;
	_ =	strace $0x80000048  }
0xb4: {  	_ =	swait.ge [sflag:s29], $0x1  }
0xb5: {  	[sflag:s29] =	ssyncadd.s32 $0xFFFFFFFF  }
0xb6: {  	_ =	strace $0x90000048  }
0xb7: {  	_ =	sfence  }
0xb8: {  	s30 =	sld [smem:$0x0];
	_ =	sdelay $0x2  }
0xb9: {  	s31 =	sshll.u32 s1, $0xD;
	s1 =	sshrl.u32 s1, $0x2  }
0xba: {  	s3 =	sand.u32 $0x4000, s31;
	s1 =	sadd.s32 s1, s30  }
0xbb: {  	s0 =	sor.u32 s3, s0;
	s1 =	sshll.u32 s1, $0x11  }
0xbc: {  	s0 =	sor.u32 s1, s0  }
0xbd: {  	s0 =	sadd.s32 $0x8F2B, s0  }
0xbe: {  	[sflag:s0] =	ssyncadd.remote.s32 $0x1  }
0xbf: {  	_ =	sfence.sel $0xFFFF  }
0xc0: {  	[dreg:$0x0] =	wrdreg $0xFFFFFFFF;
	(pc) =	sbr.abs _section_cstart, $3  }
0xc1: {  	[dreg:$0x1] =	wrdreg $0xFFFFFFFF  }
0xc2: {  	_ =	task.clear_ibuf [dreg:s7], $0x2FFFF;
	_ =	strace $0x9FFFFFFF  }
0xc3: {  	(tm) =	ssettm $0x7FFFFFFF  }
tec
execute0_lowered:
.L_overlay_start_1:
0x0: {  	(tag) =	ssettag $0x1  }
0x1: {  	s4 =	rddreg [dreg:$0x0]  }
0x2: {  	s9 =	rddreg [dreg:$0x1]  }
0x3: {  	s1 =	rddreg [dreg:$0x2]  }
0x4: {  	s0 =	rddreg [dreg:$0x3]  }
0x5: {  	s2 =	simm.s32 $0x0;
	s3 =	srdreg.scid;
	s13 =	stileid.u32  }
0x6: {  	s17 =	simm.s32 $0x2;
	s18 =	simm.s32 $0x200;
	s19 =	simm.s32 $0x300  }
0x7: {  	s20 =	simm.s32 $0x3;
	s21 =	simm.s32 $0x4;
	s22 =	simm.s32 $0x0  }
0x8: {  	[smem:$0x7FF] =	sst s2;
	s10 =	sand.u32 $0x1, s3;
	s11 =	sadd.s32 $0x1800, s4  }
0x9: {  	s16 =	sshll.u32 s13, $0x4;
	p0 =	sne.s32 s13, $0x0;
	_ =	strace $0x80000047  }
0xa: {  	s3 =	sshll.u32 s10, $0x4;
	s5 =	smul.u32 $0x500, s10;
	s6 =	ssub.s32 $0x2, s10  }
0xb: {  	s10 =	sshll.u32 s10, $0x8;
	s12 =	sor.u32 s13, s3;
	s3 =	sadd.s32 $0xB600, s4  }
0xc: {  	s7 =	sshrl.u32 s6, $0x1;
	s31 =	sadd.s32 s10, s9;
	s13 =	simm.s32 $0x5  }
0xd: {  	s8 =	sshll.u32 s12, $0x4;
	s14 =	sadd.s32 s5, s4;
	s15 =	ssub.s32 s6, s7  }
.Ltmp0:
0xe: {  	s12 =	sor.u32 $0x60, s12;
	s30 =	sor.u32 $0x200, s8;
	(pc) =	sbr.rel .LBB2_1-.Ltmp0, $4  }
0xf: {  	s4 =	sadd.s32 s11, s8;
	s5 =	sadd.s32 s9, s8;
	s8 =	sadd.s32 $0xBC00, s14  }
0x10: {  	s14 =	simm.s32 $0x100;
	s6 =	sadd.s32 s11, s30;
	s7 =	sadd.s32 s9, s30  }
0x11: {  	s11 =	sadd.s32 s10, s11;
	s9 =	smax.u32 s15, $0x1;
	s10 =	sadd.s32 s16, s31  }
0x12: {  	s15 =	simm.s32 $0x80;
	s11 =	sadd.s32 s16, s11;
	s16 =	simm.s32 $0x180  }
.LBB2_7:
0x13: {  	_ =	swait.ge [sflag:s20], $0x80  }
0x14: {  	[sflag:s20] =	ssyncset.done $0x0  }
0x15: {  	[sflag:s20] =	ssyncadd.s32 $0xFFFFFF80  }
0x16: {  	_ =	swait.ge [sflag:s21], $0x80  }
0x17: {  	[sflag:s21] =	ssyncset.done $0x0  }
0x18: {  	[sflag:s21] =	ssyncadd.s32 $0xFFFFFF80  }
0x19: {  	s23 =	simm.s32 @!p0 $0x400;
	s24 =	simm.s32 @!p0 $0x5;
	[bflag:$0x0] =	sbarrier.arrive $0xFFFF  }
0x1a: {  	[tilespmem:s23], [sflag:$0x5] =	stream.linear.gather @!p0 [spmem:s1], $0x2800, $0x38;
	[tilespmem:$0x2E80] =	vst v63  }
0x1b: {  	s22 =	sadd.s32 $0x1, s22;
	_ =	swait.ge @!p0 [sflag:s24], $0x2800  }
0x1c: {  	p1 =	sne.s32 s22, s9;
	[sflag:s24] =	ssyncset.done @!p0 $0x0  }
.Ltmp1:
0x1d: {  	s25 =	simm.s32 @!p0 $0x0;
	[sflag:s24] =	ssyncadd.s32 @!p0 $0xFFFFD800;
	(pc) =	sbr.rel @!p1 .LBB2_8-.Ltmp1, $4  }
0x1e: {  	[hbm4b:s8+s25] =	stream.linear.scatter @!p0 [tilespmem:s23], [sflag:$0x5], $0x2800, $0x38;
	[tilespmem:$0x2E80] =	vst v63  }
0x1f: {  	_ =	swait.ge @!p0 [sflag:s24], $0x2800  }
0x20: {  	[sflag:s24] =	ssyncset.done @!p0 $0x0  }
0x21: {  	[sflag:s24] =	ssyncadd.s32 @!p0 $0xFFFFD800  }
.LBB2_1:
0x22: {  	s23 =	simm.s32 @!p0 $0x0;
	s24 =	simm.s32 @!p0 $0x400  }
0x23: {  	[tilespmem:s24], [sflag:$0x5] =	stream.linear.gather @!p0 [hbm4b:s3+s23], $0x2800, $0x38;
	[tilespmem:$0x2E80] =	vst v63  }
0x24: {  	s23 =	simm.s32 @!p0 $0x5  }
0x25: {  	_ =	swait.ge @!p0 [sflag:s23], $0x2800  }
0x26: {  	[sflag:s23] =	ssyncset.done @!p0 $0x0  }
0x27: {  	[sflag:s23] =	ssyncadd.s32 @!p0 $0xFFFFD800  }
0x28: {  	[spmem:s1] =	stream.linear.scatter @!p0 [tilespmem:s24], [sflag:$0x5], $0x2800, $0x38;
	[tilespmem:$0x2E80] =	vst v63  }
0x29: {  	_ =	swait.ge @!p0 [sflag:s23], $0x2800  }
0x2a: {  	[sflag:s23] =	ssyncset.done @!p0 $0x0  }
0x2b: {  	[sflag:s23] =	ssyncadd.s32 @!p0 $0xFFFFD800  }
0x2c: {  	[bflag:$0x0] =	sbarrier.arrive $0xFFFF  }
0x2d: {  	[tilespmem:s2], [sflag:$0x5] =	stream.linear.gather [hbm4b:s4+s2], $0x80, $0x38;
	[tilespmem:$0x2E80] =	vst v63  }
0x2e: {  	_ =	swait.ge [sflag:s13], $0x80  }
0x2f: {  	[sflag:s13] =	ssyncset.done $0x0  }
0x30: {  	[sflag:s13] =	ssyncadd.s32 $0xFFFFFF80  }
0x31: {  	[tilespmem:s14], [sflag:$0x5] =	stream.linear.gather [hbm4b:s5+s2], $0x80, $0x38;
	[tilespmem:$0x2E80] =	vst v63  }
0x32: {  	_ =	swait.ge [sflag:s13], $0x80  }
.Ltmp2:
0x33: {  	[sflag:s13] =	ssyncset.done $0x0;
	(pc) =	sbr.rel .LBB2_2-.Ltmp2, $4  }
0x34: {  	[sflag:s13] =	ssyncadd.s32 $0xFFFFFF80  }
0x35: {  	[tilespmem:s15], [sflag:$0x2] =	stream.linear.gather [hbm4b:s6+s2], $0x80, $0x38;
	[tilespmem:$0x2E80] =	vst v63  }
0x36: {  	s24 =	simm.s32 $0x0;
	s23 =	smov.u32 s12  }
0x37: {  	[tilespmem:s16], [sflag:$0x2] =	stream.linear.gather [hbm4b:s7+s2], $0x80, $0x38;
	[tilespmem:$0x2E80] =	vst v63  }
.LBB2_3:
0x38: {  	_ =	swait.ge [sflag:s17], $0x80  }
0x39: {  	[sflag:s17] =	ssyncset.done $0x0  }
0x3a: {  	[sflag:s17] =	ssyncadd.s32 $0xFFFFFF80  }
0x3b: {  	_ =	swait.ge [sflag:s17], $0x80  }
0x3c: {  	[sflag:s17] =	ssyncset.done $0x0  }
0x3d: {  	[sflag:s17] =	ssyncadd.s32 $0xFFFFFF80  }
.LBB2_5:
0x3e: {  	v0 =	vld [tilespmem:$0x0]  }
0x3f: {  	v1 =	vld [tilespmem:$0x100]  }
0x40: {  	v2 =	vld [tilespmem:$0x10]  }
0x41: {  	v3 =	vld [tilespmem:$0x110]  }
0x42: {  	v4 =	vld [tilespmem:$0x20]  }
0x43: {  	v53 =	vld [tilespmem:$0x120];
	[tilespmem:$0x200] =	vst v0  }
0x44: {  	v54 =	vld [tilespmem:$0x30];
	[tilespmem:$0x300] =	vst v1  }
0x45: {  	v55 =	vld [tilespmem:$0x130];
	[tilespmem:$0x210] =	vst v2  }
0x46: {  	v56 =	vld [tilespmem:$0x40];
	[tilespmem:$0x310] =	vst v3  }
0x47: {  	v57 =	vld [tilespmem:$0x140];
	[tilespmem:$0x220] =	vst v4  }
0x48: {  	v58 =	vld [tilespmem:$0x50];
	[tilespmem:$0x320] =	vst v53  }
0x49: {  	v59 =	vld [tilespmem:$0x150];
	[tilespmem:$0x230] =	vst v54  }
0x4a: {  	v60 =	vld [tilespmem:$0x60];
	[tilespmem:$0x330] =	vst v55  }
0x4b: {  	v61 =	vld [tilespmem:$0x160];
	[tilespmem:$0x240] =	vst v56  }
0x4c: {  	v62 =	vld [tilespmem:$0x70];
	[tilespmem:$0x340] =	vst v57  }
0x4d: {  	v63 =	vld [tilespmem:$0x170];
	[tilespmem:$0x250] =	vst v58  }
0x4e: {  	[tilespmem:$0x350] =	vst v59  }
0x4f: {  	[tilespmem:$0x260] =	vst v60  }
0x50: {  	[tilespmem:$0x360] =	vst v61  }
0x51: {  	[tilespmem:$0x270] =	vst v62  }
0x52: {  	[tilespmem:$0x370] =	vst v63  }
0x53: {  	[spmem:s1] =	stream.indirect.scatter.add.f32 [tilespmem:s19], [sflag:$0x3], $0x1, s18, s15, $0xb8;
	[tilespmem:$0x2E80] =	vst v63  }
.LBB2_6:
0x54: {  	s26 =	sadd.s32 $0xFFFFFFE0, s23  }
0x55: {  	p3 =	sgt.u32 s26, $0x9C3  }
0x56: {  	s26 =	sadd.s32 @!p3 s24, s11  }
0x57: {  	p4 =	sgt.u32 @!p2 s25, $0x9A3;
	s28 =	simm.s32 @!p3 $0x0;
	s26 =	sadd.s32 @!p3 $0x400, s26  }
0x58: {  	[tilespmem:s28], [sflag:$0x1] =	stream.linear.gather @!p3 [hbm4b:s26+s28], $0x80, $0x38;
	[tilespmem:$0x2E80] =	vst v63  }
0x59: {  	p2 =	por p4, p2;
	s26 =	sadd.s32 @!p3 s24, s10  }
0x5a: {  	s29 =	simm.s32 @!p3 $0x100;
	s25 =	simm.s32 @!p2 $0x4;
	s26 =	sadd.s32 @!p3 $0x400, s26  }
0x5b: {  	[tilespmem:s29], [sflag:$0x1] =	stream.linear.gather @!p3 [hbm4b:s26+s28], $0x80, $0x38;
	[tilespmem:$0x2E80] =	vst v63  }
0x5c: {  	_ =	swait.ge @!p2 [sflag:s25], $0x80  }
0x5d: {  	[sflag:s25] =	ssyncset.done @!p2 $0x0  }
0x5e: {  	[sflag:s25] =	ssyncadd.s32 @!p2 $0xFFFFFF80;
	s25 =	simm.s32 @!p3 $0x1  }
0x5f: {  	_ =	swait.ge @!p3 [sflag:s25], $0x80  }
0x60: {  	[sflag:s25] =	ssyncset.done @!p3 $0x0  }
0x61: {  	[sflag:s25] =	ssyncadd.s32 @!p3 $0xFFFFFF80  }
0x62: {  	_ =	swait.ge @!p3 [sflag:s25], $0x80  }
0x63: {  	[sflag:s25] =	ssyncset.done @!p3 $0x0  }
0x64: {  	[sflag:s25] =	ssyncadd.s32 @!p3 $0xFFFFFF80  }
0x65: {  	v0 =	vld @!p1 [tilespmem:$0x80]  }
0x66: {  	v1 =	vld @!p1 [tilespmem:$0x180]  }
0x67: {  	v2 =	vld @!p1 [tilespmem:$0x90]  }
0x68: {  	v3 =	vld @!p1 [tilespmem:$0x190]  }
0x69: {  	v4 =	vld @!p1 [tilespmem:$0xA0]  }
0x6a: {  	[tilespmem:$0x280] =	vst @!p1 v0;
	v0 =	vld @!p1 [tilespmem:$0x1A0]  }
0x6b: {  	[tilespmem:$0x380] =	vst @!p1 v1;
	v1 =	vld @!p1 [tilespmem:$0xB0]  }
0x6c: {  	[tilespmem:$0x290] =	vst @!p1 v2;
	v2 =	vld @!p1 [tilespmem:$0x1B0]  }
0x6d: {  	[tilespmem:$0x390] =	vst @!p1 v3;
	v3 =	vld @!p1 [tilespmem:$0xC0]  }
0x6e: {  	[tilespmem:$0x2A0] =	vst @!p1 v4;
	v4 =	vld @!p1 [tilespmem:$0x1C0]  }
0x6f: {  	[tilespmem:$0x3A0] =	vst @!p1 v0;
	v0 =	vld @!p1 [tilespmem:$0xD0]  }
0x70: {  	[tilespmem:$0x2B0] =	vst @!p1 v1;
	v1 =	vld @!p1 [tilespmem:$0x1D0]  }
0x71: {  	[tilespmem:$0x3B0] =	vst @!p1 v2;
	v2 =	vld @!p1 [tilespmem:$0xE0]  }
0x72: {  	[tilespmem:$0x2C0] =	vst @!p1 v3;
	v3 =	vld @!p1 [tilespmem:$0x1E0]  }
0x73: {  	[tilespmem:$0x3C0] =	vst @!p1 v4;
	v4 =	vld @!p1 [tilespmem:$0xF0]  }
0x74: {  	[tilespmem:$0x2D0] =	vst @!p1 v0;
	v0 =	vld @!p1 [tilespmem:$0x1F0]  }
0x75: {  	[tilespmem:$0x3D0] =	vst @!p1 v1  }
0x76: {  	[tilespmem:$0x2E0] =	vst @!p1 v2  }
0x77: {  	[tilespmem:$0x3E0] =	vst @!p1 v3  }
0x78: {  	[tilespmem:$0x2F0] =	vst @!p1 v4  }
0x79: {  	s26 =	simm.s32 @!p1 $0x280;
	s28 =	simm.s32 @!p1 $0x380;
	s25 =	simm.s32 @!p1 $0x80;
	[tilespmem:$0x3F0] =	vst @!p1 v0  }
0x7a: {  	[spmem:s1] =	stream.indirect.scatter.add.f32 @!p1 [tilespmem:s28], [sflag:$0x4], $0x1, s26, s25, $0xb8;
	[tilespmem:$0x2E80] =	vst v63  }
0x7b: {  	p1 =	sgt.u32 s23, $0x9C3  }
0x7c: {  	s25 =	sadd.s32 @!p1 s24, s11  }
0x7d: {  	s26 =	simm.s32 @!p1 $0x0;
	s28 =	simm.s32 @!p1 $0x80;
	s25 =	sadd.s32 @!p1 $0x600, s25  }
0x7e: {  	[tilespmem:s28], [sflag:$0x2] =	stream.linear.gather @!p1 [hbm4b:s25+s26], $0x80, $0x38;
	[tilespmem:$0x2E80] =	vst v63  }
0x7f: {  	s25 =	sadd.s32 @!p1 s24, s10  }
0x80: {  	s28 =	simm.s32 @!p1 $0x180;
	s24 =	sadd.s32 $0x400, s24;
	s25 =	sadd.s32 @!p1 $0x600, s25  }
0x81: {  	[tilespmem:s28], [sflag:$0x2] =	stream.linear.gather @!p1 [hbm4b:s25+s26], $0x80, $0x38;
	[tilespmem:$0x2E80] =	vst v63  }
0x82: {  	p1 =	sne.s32 s24, $0xA000  }
.Ltmp3:
0x83: {  	_ = 	snop;
	(pc) =	sbr.rel @!p1 .LBB2_7-.Ltmp3, $2  }
0x84: {  	_ =	sdelay $0x2  }
0x85: {  	s23 =	sadd.s32 $0x40, s23  }
.LBB2_2:
0x86: {  	p2 =	seq.s32 s24, $0x0;
	s25 =	sadd.s32 $0xFFFFFFA0, s23  }
0x87: {  	p1 =	sgt.u32 @!p2 s25, $0x9C3  }
0x88: {  	p3 =	por p1, p2;
	p1 =	sgt.u32 s25, $0x9A3  }
.Ltmp4:
0x89: {  	_ = 	snop;
	(pc) =	sbr.rel @!p1 .LBB2_3-.Ltmp4, $4  }
0x8a: {  	s26 =	simm.s32 @!p3 $0x3  }
0x8b: {  	_ =	swait.ge @!p3 [sflag:s26], $0x80  }
0x8c: {  	[sflag:s26] =	ssyncset.done @!p3 $0x0  }
0x8d: {  	[sflag:s26] =	ssyncadd.s32 @!p3 $0xFFFFFF80  }
0x8e: {  	p3 =	sgt.u32 s25, $0x9C3  }
.Ltmp5:
0x8f: {  	_ = 	snop;
	(pc) =	sbr.rel @p3 .LBB2_6-.Ltmp5, $4  }
.Ltmp6:
0x90: {  	_ = 	snop;
	(pc) =	sbr.rel @!p3 .LBB2_5-.Ltmp6, $4  }
0x91: {  	_ = 	snop  }
0x92: {  	_ = 	snop  }
0x93: {  	_ = 	snop  }
0x94: {  	_ = 	snop  }
.LBB2_8:
0x95: {  	_ =	sfence.sel $0x180000  }
0x96: {  	[bflag:$0x0] =	sbarrier.arrive $0xFFFF  }
0x97: {  	_ =	strace $0x90000047  }
0x98: {  	s0 =	sadd.s32 @!p0 $0x100000, s0;
	[bflag:$0x2] =	sbarrier.arrive $0xFFFF  }
0x99: {  	[sflag:s0] =	ssyncadd.tile.s32 @!p0 $0x1;
	_ =	shalt  }
.Lfunc_end2:
_tile_overlayer_lowered:
.L_overlay_start_2:
0x9a: {  	(tag) =	ssettag $0x2  }
0x9b: {  	s0 =	rddreg [dreg:$0x0];
	s2 =	stileid.u32  }
0x9c: {  	s1 =	rddreg [dreg:$0x1];
	p0 =	sne.s32 s2, $0x0  }
0x9d: {  	s3 =	rddreg [dreg:$0x2];
	[bflag:$0x3] =	sbarrier.arrive $0xFFFF;
	s2 =	simm.s32 @!p0 $0x1C05  }
0x9e: {  	[timem:s3], [sflag:s2] =	dma.local @!p0 [hbm:s0], s1  }
0x9f: {  	s0 =	simm.s32 @!p0 $0x5  }
0xa0: {  	_ =	swait.ge @!p0 [sflag:s0], s1  }
0xa1: {  	s1 =	ssub.s32 @!p0 $0x0, s1;
	[sflag:s0] =	ssyncset.done @!p0 $0x0  }
0xa2: {  	[sflag:s0] =	ssyncadd.s32 @!p0 s1  }
0xa3: {  	[bflag:$0x3] =	sbarrier.arrive $0xFFFF  }
0xa4: {  	_ =	shalt  }

// kernel: kernel.8.cloned.1.call-start
scs
__scs_entry_jumppad:
0x0: {  	(pc) =	sbr.rel $0x88, $3  }
0x1: {  	(tag) =	ssettag $0x0;
	lr =	simm.s32 $0x1  }
0x2: {  	[smem:$0x3F96] =	sst lr;
	_ =	strace $0xD0000000  }
0x3: {  	_ = 	snop  }
0x4: {  	_ = 	snop  }
0x5: {  	_ = 	snop  }
0x6: {  	_ = 	snop  }
0x7: {  	_ = 	snop  }
__scs_overlays_trampoline_lowered:
0x8: {  	[smem:$0x3FA5] =	sst s0  }
0x9: {  	[smem:$0x3FA6] =	sst s1  }
0xa: {  	[smem:$0x3FA7] =	sst s2  }
0xb: {  	[smem:$0x3FA8] =	sst s3  }
0xc: {  	[smem:$0x3FA9] =	sst s4  }
0xd: {  	[smem:$0x3FAA] =	sst s5  }
0xe: {  	[smem:$0x3FAB] =	sst s6  }
0xf: {  	[smem:$0x3FAC] =	sst s7  }
0x10: {  	[smem:$0x3FAD] =	sst s8  }
0x11: {  	[smem:$0x3FAE] =	sst s9;
	s0 =	simm.s32 @!p0 $0x0  }
0x12: {  	s1 =	sld [smem:$0x3F94];
	s0 =	simm.s32 @p0 $0x1  }
0x13: {  	[smem:$0x3FAF] =	sst s0;
	s0 =	simm.s32 @!p1 $0x0  }
0x14: {  	s2 =	sld [smem:$0x3F93];
	s0 =	simm.s32 @p1 $0x1  }
0x15: {  	[smem:$0x3FB0] =	sst s0;
	s0 =	simm.s32 @!p2 $0x0  }
0x16: {  	s3 =	sld [smem:$0x3FDB];
	s0 =	simm.s32 @p2 $0x1  }
0x17: {  	s4 =	simm.s32 $0x1BF5;
	[smem:$0x3FB2] =	sst s0  }
0x18: {  	s0 =	sld [smem:$0x3F95];
	_ =	swait.ge [sflag:s4], $0x0  }
0x19: {  	s7 =	sld [smem:$0x3F96]  }
0x1a: {  	s8 =	sadd.s32 $0xFFFFE003, lr  }
0x1b: {  	s9 =	sadd.s32 $0xFFFFFEF7, lr;
	s5 =	simm.s32 $0xFFFFFFFF;
	p2 =	slt.u32 s8, $0xFFFFF086  }
0x1c: {  	p1 =	slt.u32 s9, $0xF7A;
	s5 =	simm.s32 @!p2 $0x0  }
0x1d: {  	s5 =	simm.s32 @p1 $0x1;
	p0 =	seq.s32 s7, s2  }
0x1e: {  	s7 =	smul.u32 @!p0 $0xF7A, s2;
	p2 =	seq.s32 @!p0 s5, $0x0  }
0x1f: {  	s9 =	smul.u32 $0xF7A, s1;
	s8 =	simm.s32 @!p0 $0x1BF5;
	p2 =	por !p2, p0  }
0x20: {  	[sflag:s8] =	ssyncset.s32 @!p0 $0xFFFFF086;
	s6 =	sadd.s32 @!p0 s3, s7;
	s7 =	simm.s32 @!p0 $0x108  }
0x21: {  	s3 =	sadd.s32 s3, s9;
	s6 =	sadd.s32 @!p0 $0x88, s6;
	s7 =	simm.s32 @p2 $0x1082  }
0x22: {  	[simem:s7], [sflag:s8] =	dma.local @!p0 [hbm:s6], $0xF7A  }
0x23: {  	s9 =	sor.u32 $0xD0000000, s2;
	s6 =	simm.s32 $0x108;
	_ =	swait.ge @!p0 [sflag:s8], $0x0  }
0x24: {  	s3 =	sadd.s32 $0x88, s3;
	s6 =	simm.s32 @!p1 $0x1082;
	[sflag:s4] =	ssyncset.s32 $0xFFFFF086  }
0x25: {  	[simem:s6], [sflag:s4] =	dma.local [hbm:s3], $0xF7A  }
0x26: {  	[smem:$0x3F96] =	sst s1;
	(tag) =	ssettag s2;
	_ =	strace s9  }
0x27: {  	s1 =	sld [smem:$0x3FA6]  }
0x28: {  	s2 =	sld [smem:$0x3FA7]  }
0x29: {  	s4 =	sld [smem:$0x3FA9]  }
0x2a: {  	p0 =	seq.s32 s5, $0x0;
	s5 =	sld [smem:$0x3FAA]  }
0x2b: {  	s6 =	sld [smem:$0x3FAB]  }
0x2c: {  	s7 =	sld [smem:$0x3FAC]  }
0x2d: {  	s3 =	simm.s32 $0x108;
	s8 =	sld [smem:$0x3FAD]  }
0x2e: {  	s3 =	simm.s32 @!p0 $0x1082;
	s9 =	sld [smem:$0x3FAE]  }
0x2f: {  	lr =	sadd.s32 s0, s3;
	s0 =	sld [smem:$0x3FA5]  }
0x30: {  	s3 =	sld [smem:$0x3FA8]  }
0x31: {  	[smem:$0x3FB1] =	sst s10  }
0x32: {  	s10 =	sld [smem:$0x3FAF];
	_ =	sdelay $0x3  }
0x33: {  	p0 =	seq.s32 s10, $0x1;
	s10 =	sld [smem:$0x3FB1];
	_ =	sdelay $0x3  }
0x34: {  	[smem:$0x3FB1] =	sst s10  }
0x35: {  	s10 =	sld [smem:$0x3FB0];
	_ =	sdelay $0x3  }
0x36: {  	p1 =	seq.s32 s10, $0x1;
	s10 =	sld [smem:$0x3FB1];
	_ =	sdelay $0x3  }
0x37: {  	[smem:$0x3FB1] =	sst s10  }
0x38: {  	s10 =	sld [smem:$0x3FB2]  }
0x39: {  	_ = 	snop;
	(pc) =	sbr.ind lr, $3  }
0x3a: {  	_ = 	snop  }
0x3b: {  	_ = 	snop  }
0x3c: {  	p2 =	seq.s32 s10, $0x1;
	s10 =	sld [smem:$0x3FB1]  }
0x3d: {  	_ =	shalt  }
0x3e: {  	_ =	shalt  }
0x3f: {  	_ =	shalt  }
0x40: {  	_ =	shalt  }
0x41: {  	_ =	shalt  }
0x42: {  	_ =	shalt  }
0x43: {  	_ =	shalt  }
0x44: {  	_ =	shalt  }
0x45: {  	_ =	shalt  }
0x46: {  	_ =	shalt  }
0x47: {  	_ =	shalt  }
0x48: {  	_ =	shalt  }
0x49: {  	_ =	shalt  }
0x4a: {  	_ =	shalt  }
0x4b: {  	_ =	shalt  }
0x4c: {  	_ =	shalt  }
0x4d: {  	_ =	shalt  }
0x4e: {  	_ =	shalt  }
0x4f: {  	_ =	shalt  }
0x50: {  	_ =	shalt  }
0x51: {  	_ =	shalt  }
0x52: {  	_ =	shalt  }
0x53: {  	_ =	shalt  }
0x54: {  	_ =	shalt  }
0x55: {  	_ =	shalt  }
0x56: {  	_ =	shalt  }
0x57: {  	_ =	shalt  }
0x58: {  	_ =	shalt  }
0x59: {  	_ =	shalt  }
0x5a: {  	_ =	shalt  }
0x5b: {  	_ =	shalt  }
0x5c: {  	_ =	shalt  }
0x5d: {  	_ =	shalt  }
0x5e: {  	_ =	shalt  }
0x5f: {  	_ =	shalt  }
0x60: {  	_ =	shalt  }
0x61: {  	_ =	shalt  }
0x62: {  	_ =	shalt  }
0x63: {  	_ =	shalt  }
0x64: {  	_ =	shalt  }
0x65: {  	_ =	shalt  }
0x66: {  	_ =	shalt  }
0x67: {  	_ =	shalt  }
0x68: {  	_ =	shalt  }
0x69: {  	_ =	shalt  }
0x6a: {  	_ =	shalt  }
0x6b: {  	_ =	shalt  }
0x6c: {  	_ =	shalt  }
0x6d: {  	_ =	shalt  }
0x6e: {  	_ =	shalt  }
0x6f: {  	_ =	shalt  }
0x70: {  	_ =	shalt  }
0x71: {  	_ =	shalt  }
0x72: {  	_ =	shalt  }
0x73: {  	_ =	shalt  }
0x74: {  	_ =	shalt  }
0x75: {  	_ =	shalt  }
0x76: {  	_ =	shalt  }
0x77: {  	_ =	shalt  }
0x78: {  	_ =	shalt  }
0x79: {  	_ =	shalt  }
0x7a: {  	_ =	shalt  }
0x7b: {  	_ =	shalt  }
0x7c: {  	_ =	shalt  }
0x7d: {  	_ =	shalt  }
0x7e: {  	_ =	shalt  }
0x7f: {  	_ =	shalt  }
0x80: {  	_ =	shalt  }
0x81: {  	_ =	shalt  }
0x82: {  	_ =	shalt  }
0x83: {  	_ =	shalt  }
0x84: {  	_ =	shalt  }
0x85: {  	_ =	shalt  }
0x86: {  	_ =	shalt  }
0x87: {  	_ =	shalt  }
.Lfunc_end0:
.L_simem_size_0:
called_computation.1_lowered:
.L_overlay_start_0:
0x88: {  	s2 =	sld [smem:$0x3FD9]  }
0x89: {  	s3 =	sld [smem:$0x3FFE];
	_ =	sdelay $0x1  }
0x8a: {  	s1 =	srdreg.scid  }
0x8b: {  	s0 =	sand.u32 $0x1, s1  }
0x8c: {  	s17 =	sshll.u32 s0, $0xA;
	s2 =	sadd.s32 s3, s2  }
0x8d: {  	s2 =	sadd.s32 s2, s17  }
0x8e: {  	[smem:$0x3FBD] =	sst s2  }
0x8f: {  	_ = 	snop  }
0x90: {  	s2 =	sld [smem:$0x3FC9]  }
0x91: {  	s18 =	sld [smem:$0x3FC7]  }
0x92: {  	s4 =	sld [smem:$0x3FD0];
	(tm) =	ssettm $0x1  }
0x93: {  	s5 =	sld [smem:$0x3FFB];
	_ =	sdelay $0x3  }
0x94: {  	_ =	strace s5  }
0x95: {  	s5 =	sld [smem:$0x3FFC];
	_ =	sdelay $0x3  }
0x96: {  	_ =	strace s5  }
0x97: {  	s5 =	sld [smem:$0x3FFD];
	_ =	sdelay $0x3  }
0x98: {  	_ =	strace s5  }
0x99: {  	_ =	strace $0x8FFFFFFF  }
0x9a: {  	s19 =	sld [smem:$0x3FDB];
	_ =	sdelay $0x1  }
0x9b: {  	s6 =	simm.s32 $_scs_section_size  }
0x9c: {  	s7 =	simm.s32 $_size__tile_overlayer_lowered;
	s8 =	simm.s32 $_tile_overlayer_lowered  }
0x9d: {  	s22 =	simm.s32 $0x1BFF;
	s21 =	sshll.u32 s8, $0x1;
	s5 =	sadd.s32 s6, s19  }
0x9e: {  	s9 =	simm.s32 $0x0;
	s20 =	sshll.u32 s7, $0x1;
	s7 =	sadd.s32 s21, s5  }
0x9f: {  	[timem:s9], [sflag:s22] =	dma.local [hbm:s7], s20  }
0xa0: {  	_ =	swait.ge [sflag:s22], s20  }
0xa1: {  	s6 =	ssub.s32 $0x0, s20;
	[sflag:s22] =	ssyncset.done $0x0  }
0xa2: {  	[sflag:s22] =	ssyncadd.s32 s6;
	_ =	sdelay $0x1  }
0xa3: {  	s23 =	simm.s32 $0x1B8B  }
0xa4: {  	_ =	swait.ge [sflag:s23], $0x1  }
0xa5: {  	[sflag:s23] =	ssyncset.done $0x0  }
0xa6: {  	s25 =	simm.s32 $0x1B8E;
	s24 =	sld [smem:$0x3FFE];
	[sflag:s23] =	ssyncadd.s32 $0xFFFFFFFF  }
0xa7: {  	s26 =	simm.s32 $execute0_lowered;
	[smem:$0x3FD2] =	sst s25  }
0xa8: {  	s7 =	sshll.u32 s26, $0x1;
	_ =	strace $0x80000049;
	[dreg:$0x1] =	wrdreg $0xFFFFFFFF  }
0xa9: {  	s28 =	simm.s32 $_size_execute0_lowered;
	s5 =	sadd.s32 s5, s7;
	[dreg:$0x0] =	wrdreg $0x0  }
0xaa: {  	s7 =	sshll.u32 s28, $0x1;
	[dreg:$0x2] =	wrdreg s5  }
0xab: {  	[dreg:$0x3] =	wrdreg s7  }
0xac: {  	[dreg:$0x4] =	wrdreg $0xC0  }
0xad: {  	_ =	task [dreg:s9], $0x5FFFF  }
0xae: {  	[dreg:$0x1] =	wrdreg $0xFFFFFFFF  }
0xaf: {  	[dreg:$0x0] =	wrdreg $0x60  }
0xb0: {  	[dreg:$0x2] =	wrdreg s4  }
0xb1: {  	[dreg:$0x3] =	wrdreg s24  }
0xb2: {  	[dreg:$0x4] =	wrdreg s18  }
0xb3: {  	[dreg:$0x5] =	wrdreg s2  }
0xb4: {  	[dreg:$0x6] =	wrdreg $0xB4000  }
0xb5: {  	[dreg:$0x7] =	wrdreg $0xB1800  }
0xb6: {  	[dreg:$0x8] =	wrdreg $0x9  }
0xb7: {  	_ =	task.clear_ibuf [dreg:s9], $0x9FFFF;
	_ =	strace $0x90000049  }
0xb8: {  	s29 =	simm.s32 $0x9;
	_ =	strace $0x8000004B  }
0xb9: {  	_ =	swait.ge [sflag:s29], $0x1  }
0xba: {  	[sflag:s29] =	ssyncadd.s32 $0xFFFFFFFF  }
0xbb: {  	_ =	strace $0x9000004B  }
0xbc: {  	_ =	sfence  }
0xbd: {  	s30 =	sld [smem:$0x0];
	_ =	sdelay $0x2  }
0xbe: {  	s31 =	sshll.u32 s1, $0xD;
	s1 =	sshrl.u32 s1, $0x2  }
0xbf: {  	s3 =	sand.u32 $0x4000, s31;
	s1 =	sadd.s32 s1, s30  }
0xc0: {  	s0 =	sor.u32 s3, s0;
	s1 =	sshll.u32 s1, $0x11  }
0xc1: {  	s0 =	sor.u32 s1, s0  }
0xc2: {  	s0 =	sadd.s32 $0x8F2B, s0  }
0xc3: {  	[sflag:s0] =	ssyncadd.remote.s32 $0x1  }
0xc4: {  	_ =	sfence.sel $0xFFFF  }
0xc5: {  	[dreg:$0x0] =	wrdreg $0xFFFFFFFF;
	(pc) =	sbr.abs _section_cstart, $3  }
0xc6: {  	[dreg:$0x1] =	wrdreg $0xFFFFFFFF  }
0xc7: {  	_ =	task.clear_ibuf [dreg:s9], $0x2FFFF;
	_ =	strace $0x9FFFFFFF  }
0xc8: {  	(tm) =	ssettm $0x7FFFFFFF  }
0xc9: {  	_ =	shalt  }
tec
execute0_lowered:
.L_overlay_start_1:
0x0: {  	(tag) =	ssettag $0x1  }
0x1: {  	s0 =	rddreg [dreg:$0x0]  }
0x2: {  	s1 =	rddreg [dreg:$0x1]  }
0x3: {  	s3 =	rddreg [dreg:$0x2]  }
0x4: {  	s4 =	rddreg [dreg:$0x3]  }
0x5: {  	s5 =	rddreg [dreg:$0x4]  }
0x6: {  	s15 =	rddreg [dreg:$0x5];
	s14 =	stileid.u32;
	s7 =	simm.s32 $0x0  }
0x7: {  	s9 =	srdreg.scid;
	s29 =	simm.s32 $0x8;
	s30 =	simm.s32 $0x0  }
0x8: {  	s2 =	smul.u32 $0x280, s14;
	[smem:$0x7FF] =	sst s7;
	s8 =	sadd.s32 $0x1800, s1  }
0x9: {  	s9 =	sand.u32 $0x1, s9;
	s10 =	sadd.s32 $0xC600, s1;
	s13 =	smul.u32 $0x50000, s14  }
0xa: {  	s25 =	smul.u32 $0x14000, s14;
	_ =	strace $0x8000004A;
	[dreg:$0x7] =	wrdreg s10  }
0xb: {  	s18 =	ssub.s32 $0x2, s9;
	s12 =	sshll.u32 s9, $0x4;
	s22 =	smul.u32 $0x140000, s9  }
0xc: {  	s6 =	sshrl.u32 s2, $0x3;
	s11 =	sshrl.u32 s18, $0x1;
	s10 =	sor.u32 s14, s12  }
0xd: {  	s20 =	sadd.s32 s2, s15;
	s21 =	sshrl.u32 s13, $0x2;
	s2 =	sshll.u32 s2, $0x7  }
0xe: {  	s12 =	simm.s32 $0x980;
	s6 =	sadd.s32 s6, s1;
	s1 =	sadd.s32 $0xCE00, s1  }
0xf: {  	s11 =	ssub.s32 s18, s11;
	[dreg:$0xa] =	wrdreg s20;
	s15 =	sadd.s32 s21, s5  }
0x10: {  	s23 =	sadd.s32 $0x4000, s2;
	s24 =	sadd.s32 $0x8000, s2;
	s28 =	sadd.s32 $0xC000, s2  }
0x11: {  	s13 =	sadd.s32 s25, s22;
	s2 =	sadd.s32 $0x10000, s2;
	s19 =	sadd.s32 $0xBC00, s6  }
0x12: {  	s6 =	sadd.s32 $0xC100, s6;
	s16 =	sadd.s32 s23, s5;
	[dreg:$0x13] =	wrdreg s15  }
0x13: {  	s17 =	sadd.s32 s24, s5;
	s26 =	sadd.s32 s28, s5;
	[dreg:$0x8] =	wrdreg s19  }
0x14: {  	s14 =	sadd.s32 s22, s28;
	s28 =	smax.u32 s11, $0x1;
	[dreg:$0x9] =	wrdreg s6  }
0x15: {  	s9 =	sadd.s32 s22, s23;
	s13 =	sshrl.u32 s13, $0x3;
	[dreg:$0x1a] =	wrdreg s28  }
0x16: {  	s31 =	sadd.s32 s2, s5;
	s11 =	simm.s32 $0x3180;
	[dreg:$0xb] =	wrdreg s16  }
0x17: {  	s9 =	sshrl.u32 s9, $0x3;
	s13 =	sadd.s32 s1, s13;
	[dreg:$0xc] =	wrdreg s17  }
0x18: {  	s6 =	sadd.s32 s22, s2;
	s18 =	sshrl.u32 s14, $0x3;
	[dreg:$0xd] =	wrdreg s26  }
0x19: {  	s19 =	sshll.u32 s10, $0x4;
	s2 =	ssub.s32 $0x984, s10;
	[dreg:$0xe] =	wrdreg s13  }
0x1a: {  	s9 =	sadd.s32 s1, s9;
	s13 =	sadd.s32 s22, s24;
	s6 =	sshrl.u32 s6, $0x3  }
0x1b: {  	s20 =	sadd.s32 s0, s19;
	s21 =	sor.u32 $0x200, s19;
	[dreg:$0xf] =	wrdreg s9  }
0x1c: {  	s22 =	sadd.s32 s8, s19;
	s9 =	sshrl.u32 s13, $0x3;
	[dreg:$0x14] =	wrdreg s20  }
0x1d: {  	[dreg:$0x15] =	wrdreg s22;
	s23 =	sadd.s32 s0, s21;
	s24 =	sadd.s32 s8, s21  }
0x1e: {  	s25 =	sadd.s32 s3, s21;
	s13 =	simm.s32 $0x80;
	[dreg:$0x17] =	wrdreg s23  }
0x1f: {  	s20 =	simm.s32 $0x3;
	s21 =	simm.s32 $0x300;
	[dreg:$0x18] =	wrdreg s24  }
0x20: {  	s22 =	simm.s32 $0x380;
	s9 =	sadd.s32 s1, s9;
	[dreg:$0x19] =	wrdreg s25  }
.Ltmp0:
0x21: {  	s24 =	simm.s32 $0x4;
	s25 =	simm.s32 $0x400;
	(pc) =	sbr.rel .LBB2_1-.Ltmp0, $4  }
0x22: {  	[dreg:$0x10] =	wrdreg s9;
	s9 =	sadd.s32 s1, s18;
	s1 =	sadd.s32 s1, s6  }
0x23: {  	s6 =	sor.u32 $0x60, s10;
	s18 =	simm.s32 $0x2;
	[dreg:$0x11] =	wrdreg s9  }
0x24: {  	[dreg:$0x12] =	wrdreg s1;
	s1 =	sadd.s32 s3, s19;
	s9 =	simm.s32 $0x7  }
0x25: {  	v0 =	vlaneseq.u32;
	s19 =	simm.s32 $0x7180;
	[dreg:$0x16] =	wrdreg s1;
	s1 =	sor.u32 $0x40, s10  }
.LBB2_19:
0x26: {  	[bflag:$0x0] =	sbarrier.arrive $0xFFFF  }
0x27: {  	s15 =	rddreg [dreg:$0x13]  }
0x28: {  	[tilespmem:s11], [sflag:$0x7] =	stream.linear.gather [spmem:s15], $0x4000, $0x38;
	[tilespmem:$0x1F400] =	vst v63  }
0x29: {  	_ =	swait.ge [sflag:s9], $0x4000  }
0x2a: {  	[sflag:s9] =	ssyncset.done $0x0  }
0x2b: {  	s14 =	rddreg [dreg:$0xe];
	[sflag:s9] =	ssyncadd.s32 $0xFFFFC000  }
0x2c: {  	[hbm4b:s14+s7] =	stream.linear.scatter [tilespmem:s11], [sflag:$0x7], $0x4000, $0x38;
	[tilespmem:$0x1F400] =	vst v63  }
0x2d: {  	_ =	swait.ge [sflag:s9], $0x4000  }
0x2e: {  	[sflag:s9] =	ssyncset.done $0x0  }
0x2f: {  	s16 =	rddreg [dreg:$0xb];
	[sflag:s9] =	ssyncadd.s32 $0xFFFFC000  }
0x30: {  	[tilespmem:s11], [sflag:$0x7] =	stream.linear.gather [spmem:s16], $0x4000, $0x38;
	[tilespmem:$0x1F400] =	vst v63  }
0x31: {  	_ =	swait.ge [sflag:s9], $0x4000  }
0x32: {  	[sflag:s9] =	ssyncset.done $0x0  }
0x33: {  	s23 =	rddreg [dreg:$0xf];
	[sflag:s9] =	ssyncadd.s32 $0xFFFFC000  }
0x34: {  	[hbm4b:s23+s7] =	stream.linear.scatter [tilespmem:s11], [sflag:$0x7], $0x4000, $0x38;
	[tilespmem:$0x1F400] =	vst v63  }
0x35: {  	_ =	swait.ge [sflag:s9], $0x4000  }
0x36: {  	[sflag:s9] =	ssyncset.done $0x0  }
0x37: {  	s17 =	rddreg [dreg:$0xc];
	[sflag:s9] =	ssyncadd.s32 $0xFFFFC000  }
0x38: {  	[tilespmem:s11], [sflag:$0x7] =	stream.linear.gather [spmem:s17], $0x4000, $0x38;
	[tilespmem:$0x1F400] =	vst v63  }
0x39: {  	_ =	swait.ge [sflag:s9], $0x4000  }
0x3a: {  	[sflag:s9] =	ssyncset.done $0x0  }
0x3b: {  	s26 =	rddreg [dreg:$0x10];
	[sflag:s9] =	ssyncadd.s32 $0xFFFFC000  }
0x3c: {  	[hbm4b:s26+s7] =	stream.linear.scatter [tilespmem:s11], [sflag:$0x7], $0x4000, $0x38;
	[tilespmem:$0x1F400] =	vst v63  }
0x3d: {  	_ =	swait.ge [sflag:s9], $0x4000  }
0x3e: {  	[sflag:s9] =	ssyncset.done $0x0  }
0x3f: {  	s26 =	rddreg [dreg:$0xd];
	[sflag:s9] =	ssyncadd.s32 $0xFFFFC000  }
0x40: {  	[tilespmem:s11], [sflag:$0x7] =	stream.linear.gather [spmem:s26], $0x4000, $0x38;
	[tilespmem:$0x1F400] =	vst v63  }
0x41: {  	_ =	swait.ge [sflag:s9], $0x4000  }
0x42: {  	[sflag:s9] =	ssyncset.done $0x0  }
0x43: {  	s28 =	rddreg [dreg:$0x11];
	[sflag:s9] =	ssyncadd.s32 $0xFFFFC000  }
0x44: {  	[hbm4b:s28+s7] =	stream.linear.scatter [tilespmem:s11], [sflag:$0x7], $0x4000, $0x38;
	[tilespmem:$0x1F400] =	vst v63  }
0x45: {  	_ =	swait.ge [sflag:s9], $0x4000  }
0x46: {  	[sflag:s9] =	ssyncset.done $0x0  }
0x47: {  	[sflag:s9] =	ssyncadd.s32 $0xFFFFC000  }
0x48: {  	[tilespmem:s11], [sflag:$0x7] =	stream.linear.gather [spmem:s31], $0x4000, $0x38;
	[tilespmem:$0x1F400] =	vst v63  }
0x49: {  	_ =	swait.ge [sflag:s9], $0x4000  }
0x4a: {  	[sflag:s9] =	ssyncset.done $0x0  }
0x4b: {  	s23 =	rddreg [dreg:$0x12];
	[sflag:s9] =	ssyncadd.s32 $0xFFFFC000  }
0x4c: {  	[hbm4b:s23+s7] =	stream.linear.scatter [tilespmem:s11], [sflag:$0x7], $0x4000, $0x38;
	[tilespmem:$0x1F400] =	vst v63  }
0x4d: {  	_ =	swait.ge [sflag:s9], $0x4000  }
0x4e: {  	s30 =	sadd.s32 $0x1, s30;
	s28 =	rddreg [dreg:$0x1a]  }
0x4f: {  	p0 =	sne.s32 s30, s28  }
.Ltmp1:
0x50: {  	_ = 	snop;
	(pc) =	sbr.rel @!p0 .LBB2_20-.Ltmp1, $3  }
0x51: {  	_ =	sdelay $0x1  }
0x52: {  	[sflag:s9] =	ssyncset.done $0x0  }
0x53: {  	[sflag:s9] =	ssyncadd.s32 $0xFFFFC000  }
.LBB2_1:
0x54: {  	s14 =	rddreg [dreg:$0x8];
	s23 =	simm.s32 $0x480  }
0x55: {  	[tilespmem:s23], [sflag:$0x7] =	stream.linear.gather [hbm4b:s14+s7], $0x280, $0x38;
	[tilespmem:$0x1F400] =	vst v63  }
0x56: {  	_ =	swait.ge [sflag:s9], $0x280  }
0x57: {  	[sflag:s9] =	ssyncset.done $0x0  }
0x58: {  	s28 =	simm.s32 $0x700;
	s14 =	rddreg [dreg:$0x9];
	[sflag:s9] =	ssyncadd.s32 $0xFFFFFD80  }
0x59: {  	[tilespmem:s28], [sflag:$0x7] =	stream.linear.gather [hbm4b:s14+s7], $0x280, $0x38;
	[tilespmem:$0x1F400] =	vst v63  }
0x5a: {  	_ =	swait.ge [sflag:s9], $0x280  }
0x5b: {  	[sflag:s9] =	ssyncset.done $0x0  }
0x5c: {  	[sflag:s9] =	ssyncadd.s32 $0xFFFFFD80  }
0x5d: {  	v1 =	vld [tilespmem:$0x480]  }
0x5e: {  	v2 =	vld [tilespmem:$0x700]  }
0x5f: {  	v3 =	vld [tilespmem:$0x490]  }
0x60: {  	v4 =	vld [tilespmem:$0x710];
	_ =	sdelay $0x1  }
0x61: {  	v5 =	vld [tilespmem:$0x4A0]  }
0x62: {  	v1 =	vadd.f32 v2, v1;
	v2 =	vld [tilespmem:$0x720]  }
0x63: {  	v36 =	vld [tilespmem:$0x4B0]  }
0x64: {  	v7 =	vld [tilespmem:$0x730];
	v3 =	vadd.f32 v4, v3;
	v1 =	vadd.f32 $1.000000000e+00, v1;
	_ =	sdelay $0x1  }
0x65: {  	v3 =	vadd.f32 $1.000000000e+00, v3;
	v6 =	vshrl.u32 v1, $0x1;
	v1 =	vmul.f32 $5.000000000e-01, v1  }
0x66: {  	v35 =	vsub.s32 $0x5F3759DF, v6;
	v2 =	vadd.f32 v2, v5  }
0x67: {  	v42 =	vld [tilespmem:$0x4C0];
	v8 =	vshrl.u32 v3, $0x1;
	v3 =	vmul.f32 $5.000000000e-01, v3;
	v6 =	vmul.f32 v35, v1  }
0x68: {  	v12 =	vld [tilespmem:$0x740];
	v8 =	vsub.s32 $0x5F3759DF, v8;
	v5 =	vadd.f32 v7, v36;
	v2 =	vadd.f32 $1.000000000e+00, v2  }
0x69: {  	v52 =	vld [tilespmem:$0x4E0];
	v10 =	vmul.f32 v8, v3;
	v6 =	vmul.f32 v35, v6  }
0x6a: {  	v16 =	vld [tilespmem:$0x760];
	v5 =	vadd.f32 $1.000000000e+00, v5;
	v9 =	vshrl.u32 v2, $0x1;
	v2 =	vmul.f32 $5.000000000e-01, v2  }
0x6b: {  	v17 =	vld [tilespmem:$0x4F0];
	v37 =	vmul.f32 v8, v10;
	v6 =	vsub.f32 $1.500000000e+00, v6;
	v9 =	vsub.s32 $0x5F3759DF, v9  }
0x6c: {  	v53 =	vld [tilespmem:$0x770];
	v11 =	vmul.f32 v9, v2  }
0x6d: {  	v28 =	vld [tilespmem:$0x510];
	v40 =	vshrl.u32 v5, $0x1;
	v4 =	vmul.f32 v35, v6;
	v6 =	vsub.f32 $1.500000000e+00, v37  }
0x6e: {  	v30 =	vld [tilespmem:$0x790];
	v5 =	vmul.f32 $5.000000000e-01, v5;
	v41 =	vsub.s32 $0x5F3759DF, v40;
	v38 =	vmul.f32 v9, v11  }
0x6f: {  	v11 =	vadd.f32 v12, v42;
	v39 =	vmul.f32 v4, v1;
	v6 =	vmul.f32 v8, v6  }
0x70: {  	v57 =	vadd.f32 v16, v52;
	v43 =	vmul.f32 v41, v5;
	v7 =	vsub.f32 $1.500000000e+00, v38  }
0x71: {  	v47 =	vadd.f32 $1.000000000e+00, v11;
	v10 =	vmul.f32 v39, v4;
	v13 =	vmul.f32 v6, v3  }
0x72: {  	v48 =	vld [tilespmem:$0x4D0];
	v58 =	vadd.f32 v53, v17;
	v7 =	vmul.f32 v9, v7;
	v9 =	vmul.f32 v41, v43  }
0x73: {  	v50 =	vld [tilespmem:$0x750];
	v16 =	vadd.f32 v30, v28;
	v51 =	vshrl.u32 v47, $0x1;
	v10 =	vsub.f32 $1.500000000e+00, v10  }
0x74: {  	v61 =	vld [tilespmem:$0x500];
	v44 =	vmul.f32 v13, v6;
	v14 =	vmul.f32 v7, v2;
	v9 =	vsub.f32 $1.500000000e+00, v9  }
0x75: {  	v63 =	vld [tilespmem:$0x780];
	v16 =	vadd.f32 $1.000000000e+00, v16;
	v13 =	vsub.s32 $0x5F3759DF, v51;
	v4 =	vmul.f32 v10, v4  }
0x76: {  	v42 =	vld [tilespmem:$0x7B0];
	v10 =	vsub.f32 $1.500000000e+00, v44;
	v45 =	vmul.f32 v14, v7;
	v8 =	vmul.f32 v41, v9  }
0x77: {  	v39 =	vld [tilespmem:$0x530];
	v9 =	vmul.f32 $5.000000000e-01, v47;
	v41 =	vshrl.u32 v16, $0x1;
	v16 =	vmul.f32 $5.000000000e-01, v16  }
0x78: {  	v1 =	vmul.f32 v4, v1;
	v6 =	vmul.f32 v10, v6;
	v10 =	vadd.f32 v50, v48  }
0x79: {  	v46 =	vsub.f32 $1.500000000e+00, v45;
	v49 =	vmul.f32 v8, v5;
	v15 =	vmul.f32 v13, v9  }
0x7a: {  	v23 =	vadd.f32 v63, v61;
	v1 =	vmul.f32 v1, v4;
	v3 =	vmul.f32 v6, v3  }
0x7b: {  	v56 =	vadd.f32 $1.000000000e+00, v10;
	v7 =	vmul.f32 v46, v7;
	v11 =	vmul.f32 v49, v8  }
0x7c: {  	v45 =	vadd.f32 v42, v39;
	v15 =	vmul.f32 v13, v15;
	v3 =	vmul.f32 v3, v6  }
0x7d: {  	v10 =	vshrl.u32 v56, $0x1;
	v2 =	vmul.f32 v7, v2;
	v11 =	vsub.f32 $1.500000000e+00, v11  }
0x7e: {  	v1 =	vsub.f32 $1.500000000e+00, v1;
	v55 =	vsub.f32 $1.500000000e+00, v15;
	v10 =	vsub.s32 $0x5F3759DF, v10  }
0x7f: {  	v18 =	vsub.f32 $1.500000000e+00, v3;
	v2 =	vmul.f32 v2, v7;
	v54 =	vmul.f32 v11, v8  }
0x80: {  	v3 =	vmul.f32 v1, v4;
	v8 =	vmul.f32 $5.000000000e-01, v56;
	v11 =	vadd.f32 $1.000000000e+00, v58  }
0x81: {  	v1 =	vsub.f32 $1.500000000e+00, v2;
	v2 =	vmul.f32 v18, v6;
	v5 =	vmul.f32 v54, v5  }
0x82: {  	v6 =	vmul.f32 v13, v55;
	v60 =	vmul.f32 v10, v8;
	v22 =	vshrl.u32 v11, $0x1  }
0x83: {  	v11 =	vmul.f32 $5.000000000e-01, v11;
	v1 =	vmul.f32 v1, v7;
	v7 =	vadd.f32 $1.000000000e+00, v57  }
0x84: {  	v18 =	vsub.s32 $0x5F3759DF, v22;
	v59 =	vmul.f32 v6, v9;
	v13 =	vmul.f32 v10, v60  }
0x85: {  	v5 =	vmul.f32 v5, v54;
	v19 =	vmul.f32 v18, v11;
	v62 =	vshrl.u32 v7, $0x1  }
0x86: {  	v7 =	vmul.f32 $5.000000000e-01, v7;
	v12 =	vmul.f32 v59, v6;
	v13 =	vsub.f32 $1.500000000e+00, v13  }
0x87: {  	v5 =	vsub.f32 $1.500000000e+00, v5;
	v25 =	vmul.f32 v18, v19;
	v15 =	vsub.s32 $0x5F3759DF, v62  }
0x88: {  	v19 =	vsub.s32 $0x5F3759DF, v41;
	v21 =	vmul.f32 v15, v7;
	v12 =	vsub.f32 $1.500000000e+00, v12  }
0x89: {  	v53 =	vld [tilespmem:$0x550];
	v10 =	vmul.f32 v10, v13;
	v4 =	vmul.f32 v5, v54;
	v13 =	vadd.f32 $1.000000000e+00, v23  }
0x8a: {  	v56 =	vld [tilespmem:$0x7D0];
	v14 =	vsub.f32 $1.500000000e+00, v25;
	v17 =	vmul.f32 v15, v21;
	v6 =	vmul.f32 v12, v6  }
0x8b: {  	v26 =	vmul.f32 v10, v8;
	v27 =	vshrl.u32 v13, $0x1;
	v13 =	vmul.f32 $5.000000000e-01, v13  }
0x8c: {  	v14 =	vmul.f32 v18, v14;
	v21 =	vmul.f32 v19, v16;
	v24 =	vsub.f32 $1.500000000e+00, v17  }
0x8d: {  	v48 =	vadd.f32 $1.000000000e+00, v45;
	v9 =	vmul.f32 v6, v9;
	v5 =	vmul.f32 v26, v10  }
0x8e: {  	v20 =	vmul.f32 v14, v11;
	v12 =	vmul.f32 v15, v24;
	v15 =	vsub.s32 $0x5F3759DF, v27  }
0x8f: {  	v18 =	vadd.f32 v56, v53;
	v21 =	vmul.f32 v19, v21;
	v31 =	vmul.f32 v15, v13  }
0x90: {  	v9 =	vmul.f32 v9, v6;
	v5 =	vsub.f32 $1.500000000e+00, v5;
	v29 =	vmul.f32 v12, v7  }
0x91: {  	v33 =	vmul.f32 v20, v14;
	v47 =	vsub.f32 $1.500000000e+00, v21;
	v32 =	vmul.f32 v15, v31  }
0x92: {  	v37 =	vld [tilespmem:$0x520];
	v10 =	vmul.f32 v5, v10;
	v9 =	vsub.f32 $1.500000000e+00, v9;
	v17 =	vmul.f32 v29, v12  }
0x93: {  	v38 =	vld [tilespmem:$0x7A0];
	v36 =	vsub.f32 $1.500000000e+00, v33;
	v50 =	vmul.f32 v19, v47;
	v34 =	vsub.f32 $1.500000000e+00, v32  }
0x94: {  	v43 =	vld [tilespmem:$0x540];
	v8 =	vmul.f32 v10, v8;
	v5 =	vmul.f32 v9, v6;
	v17 =	vsub.f32 $1.500000000e+00, v17  }
0x95: {  	v46 =	vld [tilespmem:$0x7C0];
	v18 =	vadd.f32 $1.000000000e+00, v18;
	v14 =	vmul.f32 v36, v14;
	v15 =	vmul.f32 v15, v34  }
0x96: {  	v52 =	vshrl.u32 v48, $0x1;
	v8 =	vmul.f32 v8, v10;
	v35 =	vmul.f32 v17, v12  }
0x97: {  	v28 =	vld [tilespmem:$0x560];
	v61 =	vshrl.u32 v18, $0x1;
	v11 =	vmul.f32 v14, v11;
	v40 =	vmul.f32 v15, v13  }
0x98: {  	v30 =	vld [tilespmem:$0x7E0];
	v9 =	vmul.f32 $5.000000000e-01, v48;
	v12 =	vadd.f32 v38, v37;
	v7 =	vmul.f32 v35, v7  }
0x99: {  	v8 =	vsub.f32 $1.500000000e+00, v8;
	v11 =	vmul.f32 v11, v14;
	v6 =	vmul.f32 v40, v15  }
0x9a: {  	v17 =	vadd.f32 v46, v43;
	v12 =	vadd.f32 $1.000000000e+00, v12;
	v7 =	vmul.f32 v7, v35  }
0x9b: {  	v57 =	vmul.f32 v50, v16;
	v44 =	vsub.f32 $1.500000000e+00, v11;
	v22 =	vsub.f32 $1.500000000e+00, v6  }
0x9c: {  	v51 =	vshrl.u32 v12, $0x1;
	v12 =	vmul.f32 $5.000000000e-01, v12;
	v7 =	vsub.f32 $1.500000000e+00, v7  }
0x9d: {  	v36 =	vadd.f32 v30, v28;
	v6 =	vmul.f32 v8, v10;
	v15 =	vmul.f32 v22, v15  }
0x9e: {  	v17 =	vadd.f32 $1.000000000e+00, v17;
	v8 =	vmul.f32 v7, v35;
	v7 =	vmul.f32 v44, v14  }
0x9f: {  	v14 =	vsub.s32 $0x5F3759DF, v52;
	v49 =	vmul.f32 v15, v13;
	v13 =	vsub.s32 $0x5F3759DF, v51  }
0xa0: {  	v40 =	vadd.f32 $1.000000000e+00, v36;
	v55 =	vmul.f32 v14, v9;
	v54 =	vmul.f32 v13, v12  }
0xa1: {  	v23 =	vshrl.u32 v17, $0x1;
	v17 =	vmul.f32 $5.000000000e-01, v17;
	v22 =	vmul.f32 v57, v50  }
0xa2: {  	v23 =	vsub.s32 $0x5F3759DF, v23;
	v20 =	vmul.f32 v14, v55;
	v19 =	vmul.f32 v13, v54  }
0xa3: {  	v18 =	vmul.f32 $5.000000000e-01, v18;
	v24 =	vmul.f32 v23, v17;
	v22 =	vsub.f32 $1.500000000e+00, v22  }
0xa4: {  	v46 =	vmul.f32 $5.000000000e-01, v40;
	v20 =	vsub.f32 $1.500000000e+00, v20;
	v19 =	vsub.f32 $1.500000000e+00, v19  }
0xa5: {  	v58 =	vmul.f32 v23, v24;
	v11 =	vmul.f32 v22, v50  }
0xa6: {  	v22 =	vsub.s32 $0x5F3759DF, v61;
	v14 =	vmul.f32 v14, v20;
	v13 =	vmul.f32 v13, v19  }
0xa7: {  	v10 =	vmul.f32 v49, v15;
	v62 =	vmul.f32 v22, v18;
	v19 =	vsub.f32 $1.500000000e+00, v58  }
0xa8: {  	v60 =	vmul.f32 v14, v9;
	v59 =	vmul.f32 v13, v12  }
0xa9: {  	v39 =	vld [tilespmem:$0x580];
	v19 =	vmul.f32 v23, v19;
	v23 =	vmul.f32 v22, v62  }
0xaa: {  	v41 =	vld [tilespmem:$0x800];
	v45 =	vshrl.u32 v40, $0x1;
	v16 =	vmul.f32 v11, v16;
	v21 =	vmul.f32 v60, v14  }
0xab: {  	v26 =	vld [tilespmem:$0x570];
	v49 =	vsub.s32 $0x5F3759DF, v45;
	v20 =	vmul.f32 v59, v13;
	v23 =	vsub.f32 $1.500000000e+00, v23  }
0xac: {  	v33 =	vld [tilespmem:$0x7F0];
	v16 =	vmul.f32 v16, v11;
	v63 =	vmul.f32 v19, v17;
	v21 =	vsub.f32 $1.500000000e+00, v21  }
0xad: {  	v10 =	vsub.f32 $1.500000000e+00, v10;
	v20 =	vsub.f32 $1.500000000e+00, v20;
	v32 =	vmul.f32 v22, v23  }
0xae: {  	v16 =	vsub.f32 $1.500000000e+00, v16;
	v29 =	vmul.f32 v63, v19;
	v14 =	vmul.f32 v21, v14  }
0xaf: {  	v22 =	vadd.f32 v41, v39;
	v13 =	vmul.f32 v20, v13;
	v23 =	vmul.f32 v32, v18  }
0xb0: {  	v31 =	vsub.f32 $1.500000000e+00, v29;
	v20 =	vmul.f32 v49, v46;
	v25 =	vmul.f32 v14, v9  }
0xb1: {  	v21 =	vadd.f32 v33, v26;
	v9 =	vmul.f32 v10, v15;
	v10 =	vmul.f32 v16, v11  }
0xb2: {  	v62 =	vld [tilespmem:$0x820];
	v53 =	vadd.f32 $1.000000000e+00, v22;
	v12 =	vmul.f32 v13, v12;
	v19 =	vmul.f32 v31, v19  }
0xb3: {  	v60 =	vld [tilespmem:$0x5A0];
	v47 =	vadd.f32 $1.000000000e+00, v21;
	v38 =	vmul.f32 v23, v32;
	v20 =	vmul.f32 v49, v20  }
0xb4: {  	v48 =	vld [tilespmem:$0x810];
	v56 =	vshrl.u32 v53, $0x1;
	v22 =	vmul.f32 $5.000000000e-01, v53;
	v34 =	vmul.f32 v25, v14  }
0xb5: {  	v44 =	vld [tilespmem:$0x590];
	v50 =	vshrl.u32 v47, $0x1;
	v51 =	vmul.f32 $5.000000000e-01, v47;
	v59 =	vsub.s32 $0x5F3759DF, v56  }
0xb6: {  	v12 =	vmul.f32 v12, v13;
	v17 =	vmul.f32 v19, v17;
	v43 =	vsub.f32 $1.500000000e+00, v38  }
0xb7: {  	v25 =	vsub.s32 $0x5F3759DF, v50;
	v54 =	vsub.f32 $1.500000000e+00, v20;
	v21 =	vmul.f32 v59, v22  }
0xb8: {  	v20 =	vadd.f32 v62, v60;
	v37 =	vsub.f32 $1.500000000e+00, v34;
	v52 =	vmul.f32 v25, v51  }
0xb9: {  	v35 =	vsub.f32 $1.500000000e+00, v12;
	v42 =	vmul.f32 v17, v19;
	v15 =	vmul.f32 v43, v32  }
0xba: {  	v17 =	vadd.f32 v48, v44;
	v16 =	vmul.f32 v49, v54;
	v21 =	vmul.f32 v59, v21  }
0xbb: {  	v20 =	vadd.f32 $1.000000000e+00, v20;
	v12 =	vmul.f32 v37, v14;
	v55 =	vmul.f32 v25, v52  }
0xbc: {  	v30 =	vld [tilespmem:$0x5B0];
	v11 =	vmul.f32 v35, v13;
	v14 =	vsub.f32 $1.500000000e+00, v42;
	v18 =	vmul.f32 v15, v18  }
0xbd: {  	v34 =	vld [tilespmem:$0x830];
	v57 =	vadd.f32 $1.000000000e+00, v17;
	v28 =	vmul.f32 v16, v46;
	v21 =	vsub.f32 $1.500000000e+00, v21  }
0xbe: {  	v37 =	vshrl.u32 v20, $0x1;
	v20 =	vmul.f32 $5.000000000e-01, v20;
	v13 =	vmul.f32 v14, v19  }
0xbf: {  	v58 =	vsub.f32 $1.500000000e+00, v55;
	v18 =	vmul.f32 v18, v15;
	v27 =	vmul.f32 $5.000000000e-01, v57  }
0xc0: {  	v61 =	vshrl.u32 v57, $0x1;
	v28 =	vmul.f32 v28, v16;
	v32 =	vmul.f32 v59, v21  }
0xc1: {  	v21 =	vsub.s32 $0x5F3759DF, v37;
	v17 =	vmul.f32 v25, v58;
	v23 =	vsub.s32 $0x5F3759DF, v61  }
0xc2: {  	v19 =	vadd.f32 v34, v30;
	v40 =	vmul.f32 v21, v20;
	v63 =	vmul.f32 v23, v27  }
0xc3: {  	v18 =	vsub.f32 $1.500000000e+00, v18;
	v28 =	vsub.f32 $1.500000000e+00, v28;
	v36 =	vmul.f32 v32, v22  }
0xc4: {  	v19 =	vadd.f32 $1.000000000e+00, v19;
	v29 =	vmul.f32 v17, v51;
	v25 =	vmul.f32 v23, v63  }
0xc5: {  	v14 =	vmul.f32 v18, v15;
	v16 =	vmul.f32 v28, v16  }
0xc6: {  	v38 =	vmul.f32 v36, v32;
	v28 =	vmul.f32 v21, v40;
	v43 =	vshrl.u32 v19, $0x1  }
0xc7: {  	v19 =	vmul.f32 $5.000000000e-01, v19;
	v29 =	vmul.f32 v29, v17;
	v33 =	vsub.f32 $1.500000000e+00, v25  }
0xc8: {  	v45 =	vld [tilespmem:$0x5C0];
	v24 =	vmul.f32 v16, v46;
	v42 =	vsub.f32 $1.500000000e+00, v28;
	v28 =	vsub.s32 $0x5F3759DF, v43  }
0xc9: {  	v47 =	vld [tilespmem:$0x840];
	v35 =	vsub.f32 $1.500000000e+00, v29;
	v46 =	vmul.f32 v28, v19;
	v18 =	vmul.f32 v23, v33  }
0xca: {  	v48 =	vld [tilespmem:$0x5D0];
	v23 =	vsub.f32 $1.500000000e+00, v38;
	v24 =	vmul.f32 v24, v16;
	v21 =	vmul.f32 v21, v42  }
0xcb: {  	v33 =	vld [tilespmem:$0x850];
	v17 =	vmul.f32 v35, v17;
	v39 =	vmul.f32 v18, v27  }
0xcc: {  	v53 =	vld [tilespmem:$0x5E0];
	v23 =	vmul.f32 v23, v32;
	v31 =	vmul.f32 v21, v20  }
0xcd: {  	v56 =	vld [tilespmem:$0x860];
	v24 =	vsub.f32 $1.500000000e+00, v24;
	v32 =	vmul.f32 v28, v46;
	v26 =	vmul.f32 v17, v51  }
0xce: {  	v55 =	vadd.f32 v47, v45;
	v25 =	vmul.f32 v39, v18;
	v22 =	vmul.f32 v23, v22  }
0xcf: {  	v15 =	vmul.f32 v24, v16;
	v51 =	vmul.f32 v31, v21;
	v52 =	vsub.f32 $1.500000000e+00, v32  }
0xd0: {  	v24 =	vadd.f32 $1.000000000e+00, v55;
	v26 =	vmul.f32 v26, v17;
	v59 =	vadd.f32 v33, v48  }
0xd1: {  	v41 =	vsub.f32 $1.500000000e+00, v25;
	v22 =	vmul.f32 v22, v23;
	v57 =	vsub.f32 $1.500000000e+00, v51  }
0xd2: {  	v58 =	vmul.f32 v28, v52;
	v62 =	vshrl.u32 v24, $0x1;
	v25 =	vadd.f32 v56, v53  }
0xd3: {  	v24 =	vmul.f32 $5.000000000e-01, v24;
	v49 =	vsub.f32 $1.500000000e+00, v26;
	v26 =	vadd.f32 $1.000000000e+00, v59  }
0xd4: {  	v28 =	vsub.s32 $0x5F3759DF, v62;
	v44 =	vmul.f32 v41, v18;
	v21 =	vmul.f32 v57, v21  }
0xd5: {  	v61 =	vld [tilespmem:$0x5F0];
	v22 =	vsub.f32 $1.500000000e+00, v22;
	v60 =	vmul.f32 v58, v19;
	v35 =	vmul.f32 v28, v24  }
0xd6: {  	v63 =	vld [tilespmem:$0x870];
	v16 =	vmul.f32 v49, v17;
	v36 =	vshrl.u32 v26, $0x1;
	v26 =	vmul.f32 $5.000000000e-01, v26  }
0xd7: {  	v25 =	vadd.f32 $1.000000000e+00, v25;
	v27 =	vmul.f32 v44, v27;
	v18 =	vmul.f32 v22, v23  }
0xd8: {  	v22 =	vmul.f32 v60, v58;
	v20 =	vmul.f32 v21, v20  }
0xd9: {  	v31 =	vsub.s32 $0x5F3759DF, v36;
	v30 =	vmul.f32 v28, v35;
	v38 =	vshrl.u32 v25, $0x1  }
0xda: {  	v25 =	vmul.f32 $5.000000000e-01, v25;
	v37 =	vmul.f32 v31, v26;
	v41 =	vsub.s32 $0x5F3759DF, v38  }
0xdb: {  	v50 =	vmul.f32 v27, v44;
	v22 =	vsub.f32 $1.500000000e+00, v22;
	v27 =	vadd.f32 v63, v61  }
0xdc: {  	v39 =	vsub.f32 $1.500000000e+00, v30;
	v20 =	vmul.f32 v20, v21;
	v33 =	vmul.f32 v41, v25  }
0xdd: {  	v48 =	vld [tilespmem:$0x880];
	v40 =	vmul.f32 v31, v37;
	v54 =	vsub.f32 $1.500000000e+00, v50;
	v27 =	vadd.f32 $1.000000000e+00, v27  }
0xde: {  	v35 =	vld [tilespmem:$0x600];
	v22 =	vmul.f32 v22, v58;
	v42 =	vmul.f32 v28, v39;
	v20 =	vsub.f32 $1.500000000e+00, v20  }
0xdf: {  	v61 =	vld [tilespmem:$0x620];
	v43 =	vsub.f32 $1.500000000e+00, v40;
	v17 =	vmul.f32 v54, v44;
	v44 =	vmul.f32 v41, v33  }
0xe0: {  	v63 =	vld [tilespmem:$0x8A0];
	v45 =	vshrl.u32 v27, $0x1;
	v27 =	vmul.f32 $5.000000000e-01, v27;
	v46 =	vmul.f32 v42, v24  }
0xe1: {  	v57 =	vld [tilespmem:$0x890];
	v19 =	vmul.f32 v22, v19;
	v28 =	vmul.f32 v31, v43;
	v30 =	vsub.s32 $0x5F3759DF, v45  }
0xe2: {  	v54 =	vld [tilespmem:$0x610];
	v29 =	vsub.f32 $1.500000000e+00, v44;
	v47 =	vmul.f32 v30, v27;
	v33 =	vmul.f32 v46, v42  }
0xe3: {  	v36 =	vmul.f32 v19, v22;
	v19 =	vmul.f32 v20, v21  }
0xe4: {  	v39 =	vld [tilespmem:$0x650];
	v53 =	vadd.f32 v48, v35;
	v34 =	vmul.f32 v28, v26;
	v29 =	vmul.f32 v41, v29  }
0xe5: {  	v46 =	vadd.f32 v63, v61;
	v63 =	vld [tilespmem:$0x8D0];
	v31 =	vmul.f32 v30, v47;
	v33 =	vsub.f32 $1.500000000e+00, v33  }
0xe6: {  	v40 =	vld [tilespmem:$0x630];
	v51 =	vsub.f32 $1.500000000e+00, v36;
	v34 =	vmul.f32 v34, v28;
	v37 =	vmul.f32 v29, v25  }
0xe7: {  	v48 =	vld [tilespmem:$0x640];
	v32 =	vadd.f32 v57, v54;
	v31 =	vsub.f32 $1.500000000e+00, v31;
	v49 =	vmul.f32 v33, v42  }
0xe8: {  	v20 =	vmul.f32 v51, v22;
	v42 =	vld [tilespmem:$0x8B0];
	v50 =	vsub.f32 $1.500000000e+00, v34;
	v52 =	vmul.f32 v37, v29  }
0xe9: {  	v51 =	vld [tilespmem:$0x8C0];
	v32 =	vadd.f32 $1.000000000e+00, v32;
	v30 =	vmul.f32 v30, v31;
	v24 =	vmul.f32 v49, v24  }
0xea: {  	v31 =	vadd.f32 $1.000000000e+00, v53;
	v37 =	vadd.f32 v63, v39;
	v28 =	vmul.f32 v50, v28  }
0xeb: {  	v45 =	vshrl.u32 v32, $0x1;
	v55 =	vsub.f32 $1.500000000e+00, v52;
	v56 =	vmul.f32 v30, v27  }
0xec: {  	v24 =	vmul.f32 v24, v49;
	v60 =	vshrl.u32 v31, $0x1;
	v31 =	vmul.f32 $5.000000000e-01, v31  }
0xed: {  	v26 =	vmul.f32 v28, v26;
	v50 =	vadd.f32 v42, v40;
	v29 =	vmul.f32 v55, v29  }
0xee: {  	v33 =	vadd.f32 v51, v48;
	v58 =	vmul.f32 v56, v30;
	v24 =	vsub.f32 $1.500000000e+00, v24  }
0xef: {  	v59 =	vmul.f32 v26, v28;
	v26 =	vsub.s32 $0x5F3759DF, v60;
	v25 =	vmul.f32 v29, v25  }
0xf0: {  	v22 =	vsub.f32 $1.500000000e+00, v58;
	v62 =	vmul.f32 v26, v31;
	v21 =	vmul.f32 v24, v49  }
0xf1: {  	v49 =	vadd.f32 $1.000000000e+00, v46;
	v23 =	vsub.f32 $1.500000000e+00, v59;
	v25 =	vmul.f32 v25, v29  }
0xf2: {  	v58 =	vadd.f32 $1.000000000e+00, v33;
	v30 =	vmul.f32 v22, v30;
	v41 =	vmul.f32 v26, v62  }
0xf3: {  	v53 =	vshrl.u32 v49, $0x1;
	v22 =	vmul.f32 v23, v28;
	v28 =	vmul.f32 $5.000000000e-01, v32  }
0xf4: {  	v32 =	vadd.f32 $1.000000000e+00, v50;
	v44 =	vmul.f32 v30, v27;
	v27 =	vsub.s32 $0x5F3759DF, v45  }
0xf5: {  	v43 =	vsub.f32 $1.500000000e+00, v25;
	v24 =	vsub.f32 $1.500000000e+00, v41;
	v47 =	vmul.f32 v27, v28  }
0xf6: {  	v38 =	vshrl.u32 v32, $0x1;
	v32 =	vmul.f32 $5.000000000e-01, v32;
	v25 =	vmul.f32 v44, v30  }
0xf7: {  	v61 =	vshrl.u32 v58, $0x1;
	v26 =	vmul.f32 v26, v24;
	v23 =	vmul.f32 v43, v29  }
0xf8: {  	v29 =	vmul.f32 $5.000000000e-01, v49;
	v38 =	vsub.s32 $0x5F3759DF, v38;
	v24 =	vmul.f32 v27, v47  }
0xf9: {  	v36 =	vsub.s32 $0x5F3759DF, v53;
	v56 =	vmul.f32 v38, v32;
	v52 =	vmul.f32 v26, v31  }
0xfa: {  	v62 =	vsub.s32 $0x5F3759DF, v61;
	v54 =	vmul.f32 v36, v29;
	v24 =	vsub.f32 $1.500000000e+00, v24  }
0xfb: {  	v25 =	vsub.f32 $1.500000000e+00, v25;
	v60 =	vmul.f32 v38, v56;
	v35 =	vmul.f32 v52, v26  }
0xfc: {  	v47 =	vadd.f32 $1.000000000e+00, v37;
	v55 =	vmul.f32 v36, v54;
	v27 =	vmul.f32 v27, v24  }
0xfd: {  	v24 =	vmul.f32 v25, v30;
	v30 =	vmul.f32 $5.000000000e-01, v58;
	v59 =	vsub.f32 $1.500000000e+00, v35  }
0xfe: {  	v42 =	vld [tilespmem:$0x670];
	v39 =	vmul.f32 $5.000000000e-01, v47;
	v34 =	vsub.f32 $1.500000000e+00, v55;
	v35 =	vsub.f32 $1.500000000e+00, v60  }
0xff: {  	v43 =	vld [tilespmem:$0x8F0];
	v57 =	vmul.f32 v27, v28;
	v44 =	vmul.f32 v62, v30  }
0x100: {  	v34 =	vmul.f32 v36, v34;
	v35 =	vmul.f32 v38, v35  }
0x101: {  	v50 =	vshrl.u32 v47, $0x1;
	v26 =	vmul.f32 v59, v26;
	v25 =	vmul.f32 v57, v27  }
0x102: {  	v53 =	vsub.s32 $0x5F3759DF, v50;
	v54 =	vld [tilespmem:$0x660];
	v40 =	vmul.f32 v34, v29;
	v38 =	vmul.f32 v35, v32  }
0x103: {  	v55 =	vld [tilespmem:$0x8E0];
	v45 =	vmul.f32 v62, v44;
	v31 =	vmul.f32 v26, v31;
	v25 =	vsub.f32 $1.500000000e+00, v25  }
0x104: {  	v61 =	vld [tilespmem:$0x900];
	v44 =	vadd.f32 v43, v42;
	v46 =	vmul.f32 v40, v34;
	v38 =	vmul.f32 v38, v35  }
0x105: {  	v59 =	vld [tilespmem:$0x680];
	v31 =	vmul.f32 v31, v26;
	v25 =	vmul.f32 v25, v27;
	v27 =	vsub.f32 $1.500000000e+00, v45  }
0x106: {  	v33 =	vsub.f32 $1.500000000e+00, v46;
	v48 =	vsub.f32 $1.500000000e+00, v38;
	v38 =	vmul.f32 v53, v39  }
0x107: {  	v31 =	vsub.f32 $1.500000000e+00, v31;
	v28 =	vmul.f32 v25, v28;
	v36 =	vmul.f32 v62, v27  }
0x108: {  	v60 =	vadd.f32 v55, v54;
	v33 =	vmul.f32 v33, v34;
	v52 =	vmul.f32 v48, v35  }
0x109: {  	v38 =	vmul.f32 v53, v38;
	v27 =	vmul.f32 v31, v26;
	v48 =	vadd.f32 $1.000000000e+00, v44  }
0x10a: {  	v35 =	vadd.f32 v61, v59;
	v28 =	vmul.f32 v28, v25;
	v49 =	vmul.f32 v36, v30  }
0x10b: {  	v63 =	vadd.f32 $1.000000000e+00, v60;
	v51 =	vmul.f32 v33, v29;
	v32 =	vmul.f32 v52, v32  }
0x10c: {  	v58 =	vsub.f32 $1.500000000e+00, v38;
	v42 =	vmul.f32 $5.000000000e-01, v48;
	v35 =	vadd.f32 $1.000000000e+00, v35  }
0x10d: {  	v37 =	vmul.f32 v49, v36;
	v28 =	vsub.f32 $1.500000000e+00, v28;
	v41 =	vmul.f32 v51, v33  }
0x10e: {  	v45 =	vld [tilespmem:$0x910];
	v57 =	vmul.f32 v32, v52;
	v34 =	vmul.f32 v53, v58;
	v55 =	vshrl.u32 v35, $0x1  }
0x10f: {  	v62 =	vld [tilespmem:$0x690];
	v35 =	vmul.f32 $5.000000000e-01, v35;
	v37 =	vsub.f32 $1.500000000e+00, v37;
	v25 =	vmul.f32 v28, v25  }
0x110: {  	v56 =	vsub.f32 $1.500000000e+00, v41;
	v31 =	vsub.f32 $1.500000000e+00, v57;
	v46 =	vmul.f32 v34, v39  }
0x111: {  	v47 =	vshrl.u32 v63, $0x1;
	v41 =	vmul.f32 $5.000000000e-01, v63;
	v32 =	vmul.f32 v37, v36  }
0x112: {  	v50 =	vsub.s32 $0x5F3759DF, v47;
	v26 =	vmul.f32 v56, v33;
	v28 =	vmul.f32 v31, v52  }
0x113: {  	v40 =	vsub.s32 $0x5F3759DF, v55;
	v49 =	vmul.f32 v46, v34;
	v51 =	vmul.f32 v50, v41  }
0x114: {  	v52 =	vshrl.u32 v48, $0x1;
	v33 =	vadd.f32 v45, v62;
	v56 =	vmul.f32 v40, v35  }
0x115: {  	v30 =	vmul.f32 v32, v30;
	v53 =	vsub.s32 $0x5F3759DF, v52;
	v36 =	vmul.f32 v50, v51  }
0x116: {  	v54 =	vmul.f32 v53, v42;
	v33 =	vadd.f32 $1.000000000e+00, v33;
	v43 =	vmul.f32 v40, v56  }
0x117: {  	v31 =	vsub.f32 $1.500000000e+00, v49;
	v30 =	vmul.f32 v30, v32;
	v36 =	vsub.f32 $1.500000000e+00, v36  }
0x118: {  	v37 =	vmul.f32 v53, v54;
	v44 =	vshrl.u32 v33, $0x1;
	v33 =	vmul.f32 $5.000000000e-01, v33  }
0x119: {  	v59 =	vsub.f32 $1.500000000e+00, v43;
	v31 =	vmul.f32 v31, v34;
	v57 =	vsub.s32 $0x5F3759DF, v44  }
0x11a: {  	v52 =	vld [tilespmem:$0x920];
	v58 =	vsub.f32 $1.500000000e+00, v30;
	v36 =	vmul.f32 v50, v36;
	v44 =	vmul.f32 v57, v33  }
0x11b: {  	v37 =	vsub.f32 $1.500000000e+00, v37;
	v30 =	vmul.f32 v40, v59;
	v50 =	vld [tilespmem:$0x6A0];
	v39 =	vmul.f32 v31, v39  }
0x11c: {  	v29 =	vmul.f32 v58, v32;
	v60 =	vmul.f32 v57, v44  }
0x11d: {  	v45 =	vmul.f32 v36, v41;
	v37 =	vmul.f32 v53, v37  }
0x11e: {  	v51 =	vmul.f32 v30, v35;
	v39 =	vmul.f32 v39, v31;
	v63 =	vsub.f32 $1.500000000e+00, v60  }
0x11f: {  	v56 =	vld [tilespmem:$0x6B0];
	v61 =	vmul.f32 v45, v36;
	v62 =	vmul.f32 v37, v42  }
0x120: {  	v54 =	vmul.f32 v51, v30;
	v38 =	vadd.f32 v52, v50;
	v32 =	vmul.f32 v57, v63;
	v57 =	vld [tilespmem:$0x930]  }
0x121: {  	v39 =	vsub.f32 $1.500000000e+00, v39;
	v48 =	vsub.f32 $1.500000000e+00, v61;
	v49 =	vmul.f32 v62, v37;
	v61 =	vld [tilespmem:$0x6C0]  }
0x122: {  	v40 =	vsub.f32 $1.500000000e+00, v54;
	v63 =	vld [tilespmem:$0x940];
	v38 =	vadd.f32 $1.000000000e+00, v38  }
0x123: {  	v34 =	vmul.f32 v48, v36;
	v53 =	vsub.f32 $1.500000000e+00, v49;
	v55 =	vmul.f32 v32, v33  }
0x124: {  	v40 =	vmul.f32 v40, v30;
	v30 =	vmul.f32 v39, v31  }
0x125: {  	v50 =	vld [tilespmem:$0x950];
	v62 =	vshrl.u32 v38, $0x1;
	v38 =	vmul.f32 $5.000000000e-01, v38;
	v36 =	vmul.f32 v53, v37  }
0x126: {  	v48 =	vld [tilespmem:$0x6D0];
	v41 =	vmul.f32 v34, v41;
	v44 =	vmul.f32 v55, v32  }
0x127: {  	v35 =	vmul.f32 v40, v35;
	v37 =	vadd.f32 v57, v56;
	v53 =	vadd.f32 v63, v61  }
0x128: {  	v47 =	vld [tilespmem:$0x960];
	v42 =	vmul.f32 v36, v42;
	v41 =	vmul.f32 v41, v34;
	v58 =	vsub.f32 $1.500000000e+00, v44  }
0x129: {  	v46 =	vld [tilespmem:$0x6E0];
	v35 =	vmul.f32 v35, v40;
	v37 =	vadd.f32 $1.000000000e+00, v37;
	v57 =	vadd.f32 $1.000000000e+00, v53  }
0x12a: {  	v54 =	vld [tilespmem:$0x6F0];
	v59 =	vmul.f32 v42, v36;
	v60 =	vsub.f32 $1.500000000e+00, v41;
	v32 =	vmul.f32 v58, v32  }
0x12b: {  	v56 =	vld [tilespmem:$0x970];
	v42 =	vsub.s32 $0x5F3759DF, v62;
	v35 =	vsub.f32 $1.500000000e+00, v35;
	v58 =	vadd.f32 v50, v48  }
0x12c: {  	[tilespmem:$0x480] =	vst v3;
	v49 =	vmul.f32 v42, v38;
	v51 =	vshrl.u32 v37, $0x1;
	v37 =	vmul.f32 $5.000000000e-01, v37  }
0x12d: {  	[tilespmem:$0x490] =	vst v2;
	v33 =	vmul.f32 v32, v33;
	v34 =	vmul.f32 v60, v34;
	v31 =	vsub.f32 $1.500000000e+00, v59  }
0x12e: {  	[tilespmem:$0x4B0] =	vst v4;
	v52 =	vsub.s32 $0x5F3759DF, v51;
	v4 =	vmul.f32 v35, v40;
	v59 =	vadd.f32 v47, v46  }
0x12f: {  	[tilespmem:$0x4C0] =	vst v5;
	v60 =	vshrl.u32 v57, $0x1;
	v5 =	vadd.f32 $1.000000000e+00, v58;
	v3 =	vmul.f32 v42, v49  }
0x130: {  	[tilespmem:$0x4A0] =	vst v1;
	v63 =	vadd.f32 v56, v54;
	v55 =	vmul.f32 v52, v37;
	v33 =	vmul.f32 v33, v32  }
0x131: {  	[tilespmem:$0x4D0] =	vst v6;
	v1 =	vmul.f32 v31, v36;
	v41 =	vshrl.u32 v5, $0x1;
	v5 =	vmul.f32 $5.000000000e-01, v5  }
0x132: {  	[tilespmem:$0x500] =	vst v9;
	v6 =	vadd.f32 $1.000000000e+00, v59;
	v3 =	vsub.f32 $1.500000000e+00, v3;
	v9 =	vsub.s32 $0x5F3759DF, v41  }
0x133: {  	[tilespmem:$0x4E0] =	vst v8;
	v31 =	vmul.f32 v52, v55;
	v2 =	vsub.f32 $1.500000000e+00, v33;
	v43 =	vmul.f32 v9, v5  }
0x134: {  	[tilespmem:$0x4F0] =	vst v7;
	v44 =	vshrl.u32 v6, $0x1;
	v6 =	vmul.f32 $5.000000000e-01, v6;
	v3 =	vmul.f32 v42, v3  }
0x135: {  	[tilespmem:$0x510] =	vst v10;
	v62 =	vsub.f32 $1.500000000e+00, v31;
	v31 =	vadd.f32 $1.000000000e+00, v63;
	v2 =	vmul.f32 v2, v32  }
0x136: {  	[tilespmem:$0x520] =	vst v11;
	v45 =	vsub.s32 $0x5F3759DF, v44;
	v32 =	vmul.f32 $5.000000000e-01, v57;
	v11 =	vmul.f32 v9, v43  }
0x137: {  	[tilespmem:$0x530] =	vst v12;
	v35 =	vsub.s32 $0x5F3759DF, v60;
	v47 =	vmul.f32 v45, v6;
	v61 =	vmul.f32 v3, v38  }
0x138: {  	[tilespmem:$0x540] =	vst v13;
	v46 =	vshrl.u32 v31, $0x1;
	v31 =	vmul.f32 $5.000000000e-01, v31;
	v7 =	vmul.f32 v52, v62  }
0x139: {  	[tilespmem:$0x550] =	vst v14;
	v40 =	vmul.f32 v35, v32;
	v36 =	vsub.s32 $0x5F3759DF, v46;
	v13 =	vmul.f32 v45, v47  }
0x13a: {  	[tilespmem:$0x560] =	vst v15;
	v11 =	vsub.f32 $1.500000000e+00, v11;
	v48 =	vmul.f32 v36, v31;
	v49 =	vmul.f32 v7, v37  }
0x13b: {  	[tilespmem:$0x570] =	vst v16;
	v8 =	vmul.f32 v61, v3;
	v42 =	vmul.f32 v35, v40  }
0x13c: {  	[tilespmem:$0x580] =	vst v18;
	v9 =	vmul.f32 v9, v11;
	v50 =	vsub.f32 $1.500000000e+00, v13;
	v14 =	vmul.f32 v36, v48  }
0x13d: {  	[tilespmem:$0x590] =	vst v17;
	v51 =	vmul.f32 v49, v7;
	v8 =	vsub.f32 $1.500000000e+00, v8;
	v10 =	vsub.f32 $1.500000000e+00, v42  }
0x13e: {  	[tilespmem:$0x5A0] =	vst v19;
	v11 =	vmul.f32 v45, v50;
	v53 =	vmul.f32 v9, v5;
	v14 =	vsub.f32 $1.500000000e+00, v14  }
0x13f: {  	[tilespmem:$0x5B0] =	vst v20;
	v3 =	vmul.f32 v8, v3;
	v10 =	vmul.f32 v35, v10  }
0x140: {  	[tilespmem:$0x5C0] =	vst v21;
	v13 =	vsub.f32 $1.500000000e+00, v51;
	v54 =	vmul.f32 v11, v6;
	v14 =	vmul.f32 v36, v14  }
0x141: {  	[tilespmem:$0x5D0] =	vst v22;
	v15 =	vmul.f32 v53, v9;
	v52 =	vmul.f32 v10, v32  }
0x142: {  	[tilespmem:$0x5E0] =	vst v23;
	v7 =	vmul.f32 v13, v7;
	v55 =	vmul.f32 v14, v31  }
0x143: {  	[tilespmem:$0x5F0] =	vst v24;
	v16 =	vmul.f32 v54, v11;
	v12 =	vmul.f32 v52, v10  }
0x144: {  	[tilespmem:$0x600] =	vst v27;
	v15 =	vsub.f32 $1.500000000e+00, v15;
	v13 =	vmul.f32 v7, v37;
	v17 =	vmul.f32 v55, v14  }
0x145: {  	[tilespmem:$0x610] =	vst v25;
	v58 =	vmul.f32 v3, v38;
	v56 =	vsub.f32 $1.500000000e+00, v16;
	v12 =	vsub.f32 $1.500000000e+00, v12  }
0x146: {  	[tilespmem:$0x620] =	vst v26;
	v9 =	vmul.f32 v15, v9;
	v13 =	vmul.f32 v13, v7;
	v57 =	vsub.f32 $1.500000000e+00, v17  }
0x147: {  	[tilespmem:$0x630] =	vst v28;
	v8 =	vmul.f32 v56, v11;
	v10 =	vmul.f32 v12, v10  }
0x148: {  	[tilespmem:$0x640] =	vst v29;
	v5 =	vmul.f32 v9, v5;
	v12 =	vmul.f32 v57, v14  }
0x149: {  	[tilespmem:$0x650] =	vst v30;
	v11 =	vmul.f32 v58, v3;
	v59 =	vmul.f32 v10, v32  }
0x14a: {  	[tilespmem:$0x670] =	vst v1;
	v1 =	vsub.f32 $1.500000000e+00, v13;
	v5 =	vmul.f32 v5, v9;
	v60 =	vmul.f32 v12, v31  }
0x14b: {  	[tilespmem:$0x660] =	vst v34;
	v11 =	vsub.f32 $1.500000000e+00, v11;
	v6 =	vmul.f32 v8, v6;
	v14 =	vmul.f32 v59, v10  }
0x14c: {  	[tilespmem:$0x690] =	vst v2;
	v1 =	vmul.f32 v1, v7;
	v2 =	vsub.f32 $1.500000000e+00, v5;
	v62 =	vmul.f32 v60, v12  }
0x14d: {  	[tilespmem:$0x680] =	vst v4;
	v3 =	vmul.f32 v11, v3;
	v6 =	vmul.f32 v6, v8;
	v61 =	vsub.f32 $1.500000000e+00, v14  }
0x14e: {  	[tilespmem:$0x6B0] =	vst v1;
	v1 =	vmul.f32 v2, v9;
	v2 =	vsub.f32 $1.500000000e+00, v62  }
0x14f: {  	[tilespmem:$0x6A0] =	vst v3;
	v63 =	vsub.f32 $1.500000000e+00, v6;
	v3 =	vmul.f32 v61, v10  }
0x150: {  	[tilespmem:$0x6D0] =	vst v1;
	v1 =	vmul.f32 v2, v12  }
0x151: {  	[tilespmem:$0x6C0] =	vst v3;
	v3 =	vmul.f32 v63, v8  }
0x152: {  	[tilespmem:$0x6F0] =	vst v1  }
0x153: {  	s28 =	rddreg [dreg:$0xa];
	[tilespmem:$0x6E0] =	vst v3  }
0x154: {  	[spmem:s28] =	stream.linear.scatter [tilespmem:s23], [sflag:$0x7], $0x280, $0x38;
	[tilespmem:$0x1F400] =	vst v63  }
0x155: {  	_ =	swait.ge [sflag:s9], $0x280  }
0x156: {  	[sflag:s9] =	ssyncset.done $0x0  }
0x157: {  	s23 =	rddreg [dreg:$0x7];
	[sflag:s9] =	ssyncadd.s32 $0xFFFFFD80  }
0x158: {  	[tilespmem:s11], [sflag:$0x7] =	stream.linear.gather [hbm4b:s23+s7], $0x4000, $0x38;
	[tilespmem:$0x1F400] =	vst v63  }
0x159: {  	_ =	swait.ge [sflag:s9], $0x4000  }
0x15a: {  	[sflag:s9] =	ssyncset.done $0x0  }
0x15b: {  	[sflag:s9] =	ssyncadd.s32 $0xFFFFC000  }
0x15c: {  	[spmem:s15] =	stream.linear.scatter [tilespmem:s11], [sflag:$0x7], $0x4000, $0x38;
	[tilespmem:$0x1F400] =	vst v63  }
0x15d: {  	_ =	swait.ge [sflag:s9], $0x4000  }
0x15e: {  	[sflag:s9] =	ssyncset.done $0x0  }
0x15f: {  	[sflag:s9] =	ssyncadd.s32 $0xFFFFC000  }
0x160: {  	[spmem:s16] =	stream.linear.scatter [tilespmem:s11], [sflag:$0x7], $0x4000, $0x38;
	[tilespmem:$0x1F400] =	vst v63  }
0x161: {  	_ =	swait.ge [sflag:s9], $0x4000  }
0x162: {  	[sflag:s9] =	ssyncset.done $0x0  }
0x163: {  	[sflag:s9] =	ssyncadd.s32 $0xFFFFC000  }
0x164: {  	[spmem:s17] =	stream.linear.scatter [tilespmem:s11], [sflag:$0x7], $0x4000, $0x38;
	[tilespmem:$0x1F400] =	vst v63  }
0x165: {  	_ =	swait.ge [sflag:s9], $0x4000  }
0x166: {  	[sflag:s9] =	ssyncset.done $0x0  }
0x167: {  	[sflag:s9] =	ssyncadd.s32 $0xFFFFC000  }
0x168: {  	[spmem:s26] =	stream.linear.scatter [tilespmem:s11], [sflag:$0x7], $0x4000, $0x38;
	[tilespmem:$0x1F400] =	vst v63  }
0x169: {  	_ =	swait.ge [sflag:s9], $0x4000  }
0x16a: {  	[sflag:s9] =	ssyncset.done $0x0  }
0x16b: {  	[sflag:s9] =	ssyncadd.s32 $0xFFFFC000  }
0x16c: {  	[spmem:s31] =	stream.linear.scatter [tilespmem:s11], [sflag:$0x7], $0x4000, $0x38;
	[tilespmem:$0x1F400] =	vst v63  }
0x16d: {  	_ =	swait.ge [sflag:s9], $0x4000  }
0x16e: {  	[sflag:s9] =	ssyncset.done $0x0  }
0x16f: {  	[sflag:s9] =	ssyncadd.s32 $0xFFFFC000  }
0x170: {  	[bflag:$0x0] =	sbarrier.arrive $0xFFFF  }
0x171: {  	s28 =	rddreg [dreg:$0x5]  }
0x172: {  	[tilespmem:s12], [sflag:$0x7] =	stream.linear.gather [spmem:s28], $0x2800, $0x38;
	[tilespmem:$0x1F400] =	vst v63  }
0x173: {  	_ =	swait.ge [sflag:s9], $0x2800  }
0x174: {  	[sflag:s9] =	ssyncset.done $0x0  }
0x175: {  	s15 =	rddreg [dreg:$0x14];
	[sflag:s9] =	ssyncadd.s32 $0xFFFFD800  }
0x176: {  	[tilespmem:s7], [sflag:$0x7] =	stream.linear.gather [hbm4b:s15+s7], $0x80, $0x38;
	[tilespmem:$0x1F400] =	vst v63  }
0x177: {  	_ =	swait.ge [sflag:s9], $0x80  }
0x178: {  	[sflag:s9] =	ssyncset.done $0x0  }
0x179: {  	s17 =	simm.s32 $0x100;
	s16 =	rddreg [dreg:$0x15];
	[sflag:s9] =	ssyncadd.s32 $0xFFFFFF80  }
0x17a: {  	[tilespmem:s17], [sflag:$0x7] =	stream.linear.gather [hbm4b:s16+s7], $0x80, $0x38;
	[tilespmem:$0x1F400] =	vst v63  }
0x17b: {  	_ =	swait.ge [sflag:s9], $0x80  }
0x17c: {  	[sflag:s9] =	ssyncset.done $0x0  }
0x17d: {  	s28 =	simm.s32 $0x200;
	s26 =	rddreg [dreg:$0x16];
	[sflag:s9] =	ssyncadd.s32 $0xFFFFFF80  }
0x17e: {  	[tilespmem:s28], [sflag:$0x7] =	stream.linear.gather [hbm4b:s26+s7], $0x80, $0x38;
	[tilespmem:$0x1F400] =	vst v63  }
0x17f: {  	_ =	swait.ge [sflag:s9], $0x80  }
0x180: {  	[sflag:s9] =	ssyncset.done $0x0  }
0x181: {  	[sflag:s9] =	ssyncadd.s32 $0xFFFFFF80  }
0x182: {  	[tilespmem:s11], [sflag:$0x3] =	stream.indirect.gather [hbm4b:s4+s13], $0x80, s7, s13, $0xb8;
	[tilespmem:$0x1F400] =	vst v63  }
0x183: {  	s15 =	rddreg [dreg:$0x17]  }
0x184: {  	[tilespmem:s13], [sflag:$0x2] =	stream.linear.gather [hbm4b:s15+s7], $0x80, $0x38;
	[tilespmem:$0x1F400] =	vst v63  }
.Ltmp2:
0x185: {  	_ = 	snop;
	(pc) =	sbr.rel .LBB2_2-.Ltmp2, $4  }
0x186: {  	s23 =	smov.u32 s31;
	s17 =	simm.s32 $0x180;
	s16 =	rddreg [dreg:$0x18]  }
0x187: {  	[tilespmem:s17], [sflag:$0x2] =	stream.linear.gather [hbm4b:s16+s7], $0x80, $0x38;
	[tilespmem:$0x1F400] =	vst v63  }
0x188: {  	s31 =	simm.s32 $0x0;
	s28 =	simm.s32 $0x280;
	s26 =	rddreg [dreg:$0x19]  }
0x189: {  	[tilespmem:s28], [sflag:$0x2] =	stream.linear.gather [hbm4b:s26+s7], $0x80, $0x38;
	[tilespmem:$0x1F400] =	vst v63  }
.LBB2_11:
0x18a: {  	_ =	sdelay $0x2  }
0x18b: {  	v16 =	vld [tilespmem:s26+$0x1F0]  }
0x18c: {  	v18 =	vld.idx.msk [tilespmem:v4+s21+$0x0], $0xffff  }
0x18d: {  	v23 =	vld.idx.msk [tilespmem:v5+s21+$0x0], $0xffff  }
0x18e: {  	v10 =	vld.idx.msk [tilespmem:v10+s21+$0x0], $0xffff  }
0x18f: {  	v22 =	vbroadcast v2, $0x0;
	v2 =	vmov s15;
	v12 =	vld.idx.msk [tilespmem:v12+s21+$0x0], $0xffff  }
0x190: {  	s14 =	sadd.s32 $0x400, s26;
	v17 =	vand.u32 $0xFFFFFFFE, v2;
	v2 =	vld.idx.msk [tilespmem:v3+s21+$0x0], $0xffff  }
0x191: {  	v24 =	vld [tilespmem:s14+$0x170]  }
0x192: {  	v26 =	vld [tilespmem:s14+$0xFFFFFE00]  }
0x193: {  	v28 =	vld [tilespmem:s14+$0xFFFFFE10]  }
0x194: {  	[tilespmem:s26+$0x180] =	vst v15;
	v6 =	vmul.f32 v6, v1;
	v30 =	vld [tilespmem:s14+$0xFFFFFE20]  }
0x195: {  	[tilespmem:s26+$0x190] =	vst v13;
	v7 =	vmul.f32 v7, v1;
	v31 =	vld [tilespmem:s14+$0xFFFFFE30]  }
0x196: {  	v25 =	vmul.f32 v8, v1;
	v32 =	vld [tilespmem:s14+$0xFFFFFE40];
	[tilespmem:s26+$0x1A0] =	vst v6  }
0x197: {  	v27 =	vmul.f32 v9, v1;
	v33 =	vld [tilespmem:s14+$0xFFFFFE50];
	[tilespmem:s26+$0x1B0] =	vst v7  }
0x198: {  	v29 =	vmul.f32 v11, v1;
	v34 =	vld [tilespmem:s14+$0xFFFFFE60];
	[tilespmem:s26+$0x1C0] =	vst v25  }
0x199: {  	v35 =	vld [tilespmem:s14+$0xFFFFFE70];
	[tilespmem:s26+$0x1D0] =	vst v27;
	v1 =	vmul.f32 v16, v1  }
0x19a: {  	v36 =	vld [tilespmem:s14+$0xFFFFFE80];
	[tilespmem:s26+$0x1E0] =	vst v29;
	v9 =	vmul.f32 v28, v18  }
0x19b: {  	v37 =	vld [tilespmem:s14+$0xFFFFFE90];
	[tilespmem:s26+$0x1F0] =	vst v1;
	v1 =	vmul.f32 v26, v18  }
0x19c: {  	v39 =	vld [tilespmem:s14+$0xFFFFFEA0];
	v7 =	vmul.f32 v31, v18;
	[tilespmem:s14+$0xFFFFFE10] =	vst v9  }
0x19d: {  	v40 =	vld [tilespmem:s14+$0xFFFFFEB0];
	[tilespmem:s14+$0xFFFFFE00] =	vst v1;
	v1 =	vmul.f32 v30, v18  }
0x19e: {  	v42 =	vld [tilespmem:s14+$0xFFFFFEC0];
	v38 =	vmul.f32 v33, v18;
	[tilespmem:s14+$0xFFFFFE30] =	vst v7  }
0x19f: {  	v43 =	vld [tilespmem:s14+$0xFFFFFED0];
	[tilespmem:s14+$0xFFFFFE20] =	vst v1;
	v1 =	vmul.f32 v32, v18  }
0x1a0: {  	v44 =	vld [tilespmem:s14+$0xFFFFFEE0];
	v41 =	vmul.f32 v35, v18;
	[tilespmem:s14+$0xFFFFFE50] =	vst v38  }
0x1a1: {  	v45 =	vld [tilespmem:s14+$0xFFFFFEF0];
	[tilespmem:s14+$0xFFFFFE40] =	vst v1;
	v1 =	vmul.f32 v34, v18  }
0x1a2: {  	v47 =	vld [tilespmem:s14+$0xFFFFFF00];
	v6 =	vmul.f32 v37, v23;
	[tilespmem:s14+$0xFFFFFE70] =	vst v41  }
0x1a3: {  	v48 =	vld [tilespmem:s14+$0xFFFFFF10];
	[tilespmem:s14+$0xFFFFFE60] =	vst v1;
	v1 =	vmul.f32 v36, v23  }
0x1a4: {  	v50 =	vld [tilespmem:s14+$0xFFFFFF20];
	v46 =	vmul.f32 v40, v23;
	[tilespmem:s14+$0xFFFFFE90] =	vst v6  }
0x1a5: {  	v51 =	vld [tilespmem:s14+$0xFFFFFF30];
	[tilespmem:s14+$0xFFFFFE80] =	vst v1;
	v1 =	vmul.f32 v39, v23  }
0x1a6: {  	v53 =	vld [tilespmem:s14+$0xFFFFFF40];
	v49 =	vmul.f32 v43, v23;
	[tilespmem:s14+$0xFFFFFEB0] =	vst v46  }
0x1a7: {  	v54 =	vld [tilespmem:s14+$0xFFFFFF50];
	[tilespmem:s14+$0xFFFFFEA0] =	vst v1;
	v1 =	vmul.f32 v42, v23  }
0x1a8: {  	v56 =	vld [tilespmem:s14+$0xFFFFFF60];
	v52 =	vmul.f32 v45, v23;
	[tilespmem:s14+$0xFFFFFED0] =	vst v49  }
0x1a9: {  	v57 =	vld [tilespmem:s14+$0xFFFFFF70];
	[tilespmem:s14+$0xFFFFFEC0] =	vst v1;
	v1 =	vmul.f32 v44, v23  }
0x1aa: {  	v14 =	vbroadcast v14, $0x0;
	v59 =	vld [tilespmem:s14+$0xFFFFFF80];
	v55 =	vmul.f32 v48, v10;
	[tilespmem:s14+$0xFFFFFEF0] =	vst v52  }
0x1ab: {  	v60 =	vld [tilespmem:s14+$0xFFFFFF90];
	[tilespmem:s14+$0xFFFFFEE0] =	vst v1;
	v1 =	vmul.f32 v47, v10  }
0x1ac: {  	v62 =	vld [tilespmem:s14+$0xFFFFFFA0];
	v58 =	vmul.f32 v51, v10;
	[tilespmem:s14+$0xFFFFFF10] =	vst v55  }
0x1ad: {  	v63 =	vld [tilespmem:s14+$0xFFFFFFB0];
	v3 =	vbroadcast v17, $0x0;
	[tilespmem:s14+$0xFFFFFF00] =	vst v1;
	v1 =	vmul.f32 v50, v10  }
0x1ae: {  	v15 =	vld [tilespmem:s14+$0xFFFFFFC0];
	v61 =	vmul.f32 v54, v10;
	[tilespmem:s14+$0xFFFFFF30] =	vst v58  }
0x1af: {  	v19 =	vld [tilespmem:s14+$0xFFFFFFF0];
	[tilespmem:s14+$0xFFFFFF20] =	vst v1;
	v1 =	vmul.f32 v53, v10  }
0x1b0: {  	v4 =	vld.idx.msk [tilespmem:v14+s21+$0x0], $0xffff;
	v14 =	vmul.f32 v57, v10;
	[tilespmem:s14+$0xFFFFFF50] =	vst v61  }
0x1b1: {  	v5 =	vld.idx.msk [tilespmem:v22+s21+$0x0], $0xffff;
	[tilespmem:s14+$0xFFFFFF40] =	vst v1;
	v1 =	vmul.f32 v56, v10  }
0x1b2: {  	v17 =	vmul.f32 v60, v12;
	v22 =	vld [tilespmem:s14+$0x10];
	[tilespmem:s14+$0xFFFFFF70] =	vst v14  }
0x1b3: {  	v3 =	vld.idx.msk [tilespmem:v3+s21+$0x0], $0xffff;
	[tilespmem:s14+$0xFFFFFF60] =	vst v1;
	v1 =	vmul.f32 v59, v12  }
0x1b4: {  	v20 =	vmul.f32 v63, v12;
	[tilespmem:s14+$0xFFFFFF90] =	vst v17;
	v18 =	vld [tilespmem:s14+$0xFFFFFFE0]  }
0x1b5: {  	v25 =	vld [tilespmem:s14+$0x30];
	[tilespmem:s14+$0xFFFFFF80] =	vst v1;
	v1 =	vmul.f32 v62, v12  }
0x1b6: {  	v21 =	vld [tilespmem:s14+$0x0];
	v26 =	vmul.f32 v19, v12;
	[tilespmem:s14+$0xFFFFFFB0] =	vst v20  }
0x1b7: {  	v28 =	vld [tilespmem:s14+$0x50];
	[tilespmem:s14+$0xFFFFFFA0] =	vst v1;
	v1 =	vmul.f32 v15, v12  }
0x1b8: {  	[tilespmem:s14+$0xFFFFFFF0] =	vst v26;
	v29 =	vmul.f32 v22, v5;
	v13 =	vmul.f32 v24, v3;
	v24 =	vld [tilespmem:s14+$0x20]  }
0x1b9: {  	v37 =	vld [tilespmem:s14+$0xB0];
	[tilespmem:s14+$0xFFFFFFC0] =	vst v1;
	v1 =	vmul.f32 v18, v12  }
0x1ba: {  	v27 =	vld [tilespmem:s14+$0x40];
	v32 =	vmul.f32 v25, v5;
	[tilespmem:s14+$0x10] =	vst v29  }
0x1bb: {  	[tilespmem:s14+$0xFFFFFFE0] =	vst v1;
	v1 =	vmul.f32 v21, v5  }
0x1bc: {  	v30 =	vld [tilespmem:s14+$0x60];
	v35 =	vmul.f32 v28, v5;
	[tilespmem:s14+$0x30] =	vst v32  }
0x1bd: {  	v45 =	vld [tilespmem:s14+$0x110];
	[tilespmem:s14+$0x0] =	vst v1;
	v1 =	vmul.f32 v24, v5  }
0x1be: {  	v33 =	vld [tilespmem:s14+$0x80];
	v43 =	vmul.f32 v37, v4;
	[tilespmem:s14+$0x50] =	vst v35  }
0x1bf: {  	v48 =	vld [tilespmem:s14+$0x130];
	[tilespmem:s14+$0x20] =	vst v1;
	v1 =	vmul.f32 v27, v5  }
0x1c0: {  	[tilespmem:s14+$0xB0] =	vst v43;
	v36 =	vld [tilespmem:s14+$0xA0]  }
0x1c1: {  	v34 =	vld [tilespmem:s14+$0x90];
	[tilespmem:s14+$0x40] =	vst v1;
	v1 =	vmul.f32 v30, v5  }
0x1c2: {  	v38 =	vld [tilespmem:s14+$0xC0];
	v51 =	vmul.f32 v45, v3;
	[tilespmem:s14+$0x170] =	vst v13  }
0x1c3: {  	v16 =	vld [tilespmem:s14+$0xFFFFFFD0];
	[tilespmem:s14+$0x60] =	vst v1;
	v1 =	vmul.f32 v33, v4  }
0x1c4: {  	v41 =	vld [tilespmem:s14+$0xE0];
	v54 =	vmul.f32 v48, v3;
	[tilespmem:s14+$0x110] =	vst v51  }
0x1c5: {  	v39 =	vld [tilespmem:s14+$0xD0];
	[tilespmem:s14+$0x80] =	vst v1;
	v1 =	vmul.f32 v36, v4  }
0x1c6: {  	[tilespmem:s14+$0x130] =	vst v54;
	v40 =	vmul.f32 v34, v4;
	v44 =	vld [tilespmem:s14+$0x100]  }
0x1c7: {  	v50 =	vld [tilespmem:s14+$0x150];
	[tilespmem:s14+$0xA0] =	vst v1;
	v1 =	vmul.f32 v38, v4  }
0x1c8: {  	[tilespmem:s14+$0x90] =	vst v40;
	v23 =	vmul.f32 v16, v12;
	v47 =	vld [tilespmem:s14+$0x120]  }
0x1c9: {  	v53 =	vld [tilespmem:s14+$0x180];
	[tilespmem:s14+$0xC0] =	vst v1;
	v1 =	vmul.f32 v41, v4  }
0x1ca: {  	v49 =	vld [tilespmem:s14+$0x140];
	v46 =	vmul.f32 v39, v4;
	[tilespmem:s14+$0xFFFFFFD0] =	vst v23  }
0x1cb: {  	v56 =	vld [tilespmem:s14+$0x1A0];
	[tilespmem:s14+$0xE0] =	vst v1;
	v1 =	vmul.f32 v44, v3  }
0x1cc: {  	v52 =	vld [tilespmem:s14+$0x160];
	[tilespmem:s14+$0xD0] =	vst v46;
	v57 =	vmul.f32 v50, v3  }
0x1cd: {  	v31 =	vld [tilespmem:s14+$0x70];
	[tilespmem:s14+$0x100] =	vst v1;
	v1 =	vmul.f32 v47, v3  }
0x1ce: {  	v55 =	vld [tilespmem:s14+$0x190];
	[tilespmem:s14+$0x150] =	vst v57;
	v59 =	vmul.f32 v53, v2  }
0x1cf: {  	v42 =	vld [tilespmem:s14+$0xF0];
	[tilespmem:s14+$0x120] =	vst v1;
	v1 =	vmul.f32 v49, v3  }
0x1d0: {  	v58 =	vld [tilespmem:s14+$0x1B0];
	[tilespmem:s14+$0x180] =	vst v59;
	v62 =	vmul.f32 v56, v2  }
0x1d1: {  	[tilespmem:s14+$0x140] =	vst v1;
	v1 =	vmul.f32 v52, v3;
	v3 =	vld [tilespmem:s14+$0x1C0]  }
0x1d2: {  	v60 =	vld [tilespmem:s14+$0x1D0];
	[tilespmem:s14+$0x1A0] =	vst v62;
	v5 =	vmul.f32 v31, v5  }
0x1d3: {  	v61 =	vld [tilespmem:s14+$0x1E0];
	[tilespmem:s14+$0x160] =	vst v1;
	v1 =	vmul.f32 v55, v2  }
0x1d4: {  	v63 =	vld [tilespmem:s14+$0x1F0];
	[tilespmem:s14+$0x70] =	vst v5;
	v4 =	vmul.f32 v42, v4  }
0x1d5: {  	[tilespmem:s14+$0x190] =	vst v1;
	v1 =	vmul.f32 v58, v2  }
0x1d6: {  	[tilespmem:s14+$0xF0] =	vst v4;
	v3 =	vmul.f32 v3, v2  }
0x1d7: {  	[tilespmem:s14+$0x1B0] =	vst v1;
	v1 =	vmul.f32 v60, v2  }
0x1d8: {  	[tilespmem:s14+$0x1C0] =	vst v3;
	v3 =	vmul.f32 v61, v2  }
0x1d9: {  	[tilespmem:s14+$0x1D0] =	vst v1;
	v1 =	vmul.f32 v63, v2  }
0x1da: {  	[tilespmem:s14+$0x1E0] =	vst v3  }
0x1db: {  	[tilespmem:s14+$0x1F0] =	vst v1  }
0x1dc: {  	[spmem:s5] =	stream.indirect.scatter.add.f32 [tilespmem:s19], [sflag:$0x6], $0x80, s25, s13, $0xb8;
	[tilespmem:$0x1F400] =	vst v63  }
.LBB2_12:
0x1dd: {  	s31 =	sadd.s32 $0x1, s31  }
0x1de: {  	p0 =	sne.s32 s31, $0x28  }
.Ltmp3:
0x1df: {  	_ = 	snop;
	(pc) =	sbr.rel @!p0 .LBB2_13-.Ltmp3, $1  }
0x1e0: {  	_ =	sdelay $0x3  }
.LBB2_2:
0x1e1: {  	s26 =	sshll.u32 s31, $0x6  }
0x1e2: {  	s14 =	sor.u32 s10, s26  }
0x1e3: {  	p0 =	sgt.u32 s14, $0x9A3  }
.Ltmp4:
0x1e4: {  	_ = 	snop;
	(pc) =	sbr.rel @p0 .LBB2_4-.Ltmp4, $1  }
0x1e5: {  	_ =	sdelay $0x3  }
0x1e6: {  	_ =	swait.ge [sflag:s18], $0x80  }
0x1e7: {  	[sflag:s18] =	ssyncset.done $0x0  }
0x1e8: {  	[sflag:s18] =	ssyncadd.s32 $0xFFFFFF80  }
0x1e9: {  	_ =	swait.ge [sflag:s18], $0x80  }
0x1ea: {  	[sflag:s18] =	ssyncset.done $0x0  }
0x1eb: {  	[sflag:s18] =	ssyncadd.s32 $0xFFFFFF80  }
0x1ec: {  	_ =	swait.ge [sflag:s18], $0x80  }
0x1ed: {  	p1 =	seq.s32 s31, $0x0;
	[sflag:s18] =	ssyncset.done $0x0  }
.Ltmp5:
0x1ee: {  	s14 =	simm.s32 @!p1 $0x6;
	[sflag:s18] =	ssyncadd.s32 $0xFFFFFF80;
	(pc) =	sbr.rel .LBB2_5-.Ltmp5, $4  }
0x1ef: {  	_ =	swait.ge @!p1 [sflag:s14], $0x4000  }
0x1f0: {  	[sflag:s14] =	ssyncset.done @!p1 $0x0  }
0x1f1: {  	[sflag:s14] =	ssyncadd.s32 @!p1 $0xFFFFC000  }
0x1f2: {  	[tilespmem:s19], [sflag:$0x4] =	stream.indirect.gather [hbm4b:s4+s13], $0x80, s13, s13, $0xb8;
	[tilespmem:$0x1F400] =	vst v63  }
.LBB2_4:
0x1f3: {  	p1 =	sgt.u32 s14, $0x9C3  }
.Ltmp6:
0x1f4: {  	_ = 	snop;
	(pc) =	sbr.rel @p1 .LBB2_8-.Ltmp6, $1  }
0x1f5: {  	_ =	sdelay $0x3  }
.LBB2_5:
0x1f6: {  	_ =	swait.ge [sflag:s20], $0x4000  }
0x1f7: {  	[sflag:s20] =	ssyncset.done $0x0  }
0x1f8: {  	[sflag:s20] =	ssyncadd.s32 $0xFFFFC000  }
0x1f9: {  	v1 =	vld [tilespmem:$0x0];
	_ =	sdelay $0x2  }
0x1fa: {  	v2 =	vld [tilespmem:$0x100];
	_ =	sdelay $0x3  }
0x1fb: {  	v3 =	vld [tilespmem:$0x200]  }
0x1fc: {  	v1 =	vld.idx.msk [tilespmem:v1+s12+$0x0], $0xffff;
	_ =	sdelay $0x1  }
0x1fd: {  	v5 =	vld [tilespmem:$0x10]  }
0x1fe: {  	v4 =	vld.idx.msk [tilespmem:v2+s12+$0x0], $0xffff;
	_ =	sdelay $0x1  }
0x1ff: {  	v1 =	vmul.f32 v1, v3;
	v3 =	vld [tilespmem:$0x110];
	_ =	sdelay $0x2  }
0x200: {  	v1 =	vmul.f32 v4, v1  }
0x201: {  	[tilespmem:$0x380] =	vst v2  }
0x202: {  	[tilespmem:$0x300] =	vst v1;
	v1 =	vld [tilespmem:$0x210]  }
0x203: {  	v2 =	vld.idx.msk [tilespmem:v5+s12+$0x0], $0xffff  }
0x204: {  	v5 =	vld [tilespmem:$0x20]  }
0x205: {  	v4 =	vld.idx.msk [tilespmem:v3+s12+$0x0], $0xffff;
	_ =	sdelay $0x2  }
0x206: {  	v1 =	vmul.f32 v2, v1;
	v2 =	vld [tilespmem:$0x120];
	_ =	sdelay $0x1  }
0x207: {  	v1 =	vmul.f32 v4, v1  }
0x208: {  	[tilespmem:$0x390] =	vst v3  }
0x209: {  	[tilespmem:$0x310] =	vst v1;
	v1 =	vld [tilespmem:$0x220]  }
0x20a: {  	v3 =	vld.idx.msk [tilespmem:v5+s12+$0x0], $0xffff;
	_ =	sdelay $0x1  }
0x20b: {  	v5 =	vld [tilespmem:$0x30]  }
0x20c: {  	v4 =	vld.idx.msk [tilespmem:v2+s12+$0x0], $0xffff;
	_ =	sdelay $0x1  }
0x20d: {  	v1 =	vmul.f32 v3, v1;
	v3 =	vld [tilespmem:$0x130];
	_ =	sdelay $0x2  }
0x20e: {  	v1 =	vmul.f32 v4, v1  }
0x20f: {  	[tilespmem:$0x3A0] =	vst v2  }
0x210: {  	[tilespmem:$0x320] =	vst v1;
	v1 =	vld [tilespmem:$0x230]  }
0x211: {  	v2 =	vld.idx.msk [tilespmem:v5+s12+$0x0], $0xffff  }
0x212: {  	v5 =	vld [tilespmem:$0x40]  }
0x213: {  	v4 =	vld.idx.msk [tilespmem:v3+s12+$0x0], $0xffff;
	_ =	sdelay $0x2  }
0x214: {  	v1 =	vmul.f32 v2, v1;
	v2 =	vld [tilespmem:$0x140];
	_ =	sdelay $0x1  }
0x215: {  	v1 =	vmul.f32 v4, v1  }
0x216: {  	[tilespmem:$0x3B0] =	vst v3  }
0x217: {  	[tilespmem:$0x330] =	vst v1;
	v1 =	vld [tilespmem:$0x240]  }
0x218: {  	v3 =	vld.idx.msk [tilespmem:v5+s12+$0x0], $0xffff;
	_ =	sdelay $0x1  }
0x219: {  	v5 =	vld [tilespmem:$0x50]  }
0x21a: {  	v4 =	vld.idx.msk [tilespmem:v2+s12+$0x0], $0xffff;
	_ =	sdelay $0x1  }
0x21b: {  	v1 =	vmul.f32 v3, v1;
	v3 =	vld [tilespmem:$0x150];
	_ =	sdelay $0x2  }
0x21c: {  	v1 =	vmul.f32 v4, v1  }
0x21d: {  	[tilespmem:$0x3C0] =	vst v2  }
0x21e: {  	[tilespmem:$0x340] =	vst v1;
	v1 =	vld [tilespmem:$0x250]  }
0x21f: {  	v2 =	vld.idx.msk [tilespmem:v5+s12+$0x0], $0xffff  }
0x220: {  	v5 =	vld [tilespmem:$0x60]  }
0x221: {  	v4 =	vld.idx.msk [tilespmem:v3+s12+$0x0], $0xffff;
	_ =	sdelay $0x2  }
0x222: {  	v1 =	vmul.f32 v2, v1;
	v2 =	vld [tilespmem:$0x160];
	_ =	sdelay $0x1  }
0x223: {  	v1 =	vmul.f32 v4, v1  }
0x224: {  	[tilespmem:$0x3D0] =	vst v3  }
0x225: {  	[tilespmem:$0x350] =	vst v1;
	v1 =	vld [tilespmem:$0x260]  }
0x226: {  	v3 =	vld.idx.msk [tilespmem:v5+s12+$0x0], $0xffff;
	_ =	sdelay $0x1  }
0x227: {  	v5 =	vld [tilespmem:$0x70]  }
0x228: {  	v4 =	vld.idx.msk [tilespmem:v2+s12+$0x0], $0xffff;
	_ =	sdelay $0x1  }
0x229: {  	v1 =	vmul.f32 v3, v1;
	v3 =	vld [tilespmem:$0x170];
	_ =	sdelay $0x2  }
0x22a: {  	v1 =	vmul.f32 v4, v1  }
0x22b: {  	[tilespmem:$0x3E0] =	vst v2  }
0x22c: {  	[tilespmem:$0x360] =	vst v1;
	v1 =	vld [tilespmem:$0x270]  }
0x22d: {  	v2 =	vld.idx.msk [tilespmem:v5+s12+$0x0], $0xffff;
	_ =	sdelay $0x1  }
0x22e: {  	v4 =	vld.idx.msk [tilespmem:v3+s12+$0x0], $0xffff;
	_ =	sdelay $0x2  }
0x22f: {  	v1 =	vmul.f32 v2, v1  }
0x230: {  	s14 =	sadd.s32 s1, s26  }
0x231: {  	p1 =	sgt.u32 s14, $0x9C3;
	v1 =	vmul.f32 v4, v1  }
0x232: {  	s15 =	simm.s32 $0x0;
	s14 =	sshll.u32 @!p1 s14, $0x4;
	[tilespmem:$0x3F0] =	vst v3  }
0x233: {  	s16 =	simm.s32 $0x6;
	s28 =	simm.s32 @!p1 $0x0;
	v2 =	vmov s15;
	s15 =	sadd.s32 @!p1 s0, s14;
	[tilespmem:$0x370] =	vst v1  }
0x234: {  	[tilespmem:s28], [sflag:$0x1] =	stream.linear.gather @!p1 [hbm4b:s15+s28], $0x80, $0x38;
	[tilespmem:$0x1F400] =	vst v63  }
0x235: {  	v1 =	vand.u32 $0xFFFFFFF8, v2;
	v2 =	vmov s16;
	s16 =	simm.s32 @!p1 $0x100;
	s15 =	sadd.s32 @!p1 s8, s14  }
0x236: {  	[tilespmem:s16], [sflag:$0x1] =	stream.linear.gather @!p1 [hbm4b:s15+s28], $0x80, $0x38;
	[tilespmem:$0x1F400] =	vst v63  }
0x237: {  	s14 =	sadd.s32 @!p1 s3, s14;
	s15 =	simm.s32 @!p1 $0x200  }
0x238: {  	[tilespmem:s15], [sflag:$0x1] =	stream.linear.gather @!p1 [hbm4b:s14+s28], $0x80, $0x38;
	[tilespmem:$0x1F400] =	vst v63  }
0x239: {  	s28 =	simm.s32 $0x3380  }
0x23a: {  	s17 =	simm.s32 $0x1;
	v4 =	vld [tilespmem:s28+$0x170]  }
0x23b: {  	v3 =	vmov s17;
	v1 =	vbroadcast v1, $0x0;
	v5 =	vld [tilespmem:s28+$0xFFFFFE00]  }
0x23c: {  	v3 =	vand.u32 $0xFFFFFFF9, v3;
	v6 =	vld [tilespmem:s28+$0xFFFFFE10]  }
0x23d: {  	v3 =	vbroadcast v3, $0x0;
	v7 =	vld [tilespmem:s28+$0xFFFFFE20]  }
0x23e: {  	v2 =	vand.u32 $0xFFFFFFFE, v2;
	v8 =	vld [tilespmem:s28+$0xFFFFFE30]  }
0x23f: {  	v2 =	vbroadcast v2, $0x0;
	v9 =	vld [tilespmem:s28+$0xFFFFFE40]  }
0x240: {  	v10 =	vld [tilespmem:s28+$0xFFFFFE50]  }
0x241: {  	v1 =	vld.idx.msk [tilespmem:v1+s21+$0x0], $0xffff  }
0x242: {  	v11 =	vld [tilespmem:s28+$0xFFFFFE60]  }
0x243: {  	v3 =	vld.idx.msk [tilespmem:v3+s21+$0x0], $0xffff  }
0x244: {  	v13 =	vld [tilespmem:s28+$0xFFFFFE80]  }
0x245: {  	v2 =	vld.idx.msk [tilespmem:v2+s21+$0x0], $0xffff  }
0x246: {  	v12 =	vld [tilespmem:s28+$0xFFFFFE70];
	v5 =	vmul.f32 v5, v1  }
0x247: {  	v14 =	vld [tilespmem:s28+$0xFFFFFE90];
	v6 =	vmul.f32 v6, v1  }
0x248: {  	v15 =	vld [tilespmem:s28+$0xFFFFFEA0];
	v8 =	vmul.f32 v8, v1;
	[tilespmem:s28+$0xFFFFFE00] =	vst v5  }
0x249: {  	s15 =	simm.s32 $0x2;
	v16 =	vld [tilespmem:s28+$0xFFFFFEB0];
	v9 =	vmul.f32 v9, v1;
	[tilespmem:s28+$0xFFFFFE10] =	vst v6  }
0x24a: {  	v4 =	vmul.f32 v4, v2;
	v5 =	vmov s15;
	v6 =	vmul.f32 v13, v3;
	v13 =	vld [tilespmem:s28+$0xFFFFFED0];
	[tilespmem:s28+$0xFFFFFE30] =	vst v8  }
0x24b: {  	v8 =	vmul.f32 v10, v1;
	v10 =	vld [tilespmem:s28+$0xFFFFFEF0];
	[tilespmem:s28+$0xFFFFFE40] =	vst v9;
	v5 =	vand.u32 $0xFFFFFFFA, v5  }
0x24c: {  	v9 =	vmul.f32 v11, v1;
	v11 =	vld [tilespmem:s28+$0xFFFFFF00];
	[tilespmem:s28+$0x170] =	vst v4;
	v5 =	vbroadcast v5, $0x0  }
0x24d: {  	v4 =	vmul.f32 v7, v1;
	v7 =	vld [tilespmem:s28+$0xFFFFFEC0];
	[tilespmem:s28+$0xFFFFFE80] =	vst v6  }
0x24e: {  	v1 =	vmul.f32 v12, v1;
	v12 =	vld [tilespmem:s28+$0xFFFFFF20];
	[tilespmem:s28+$0xFFFFFE50] =	vst v8  }
0x24f: {  	s16 =	simm.s32 $0x3;
	v8 =	vld [tilespmem:s28+$0xFFFFFF10];
	[tilespmem:s28+$0xFFFFFE60] =	vst v9  }
0x250: {  	v6 =	vmov s16;
	v9 =	vmul.f32 v14, v3;
	[tilespmem:s28+$0xFFFFFE20] =	vst v4;
	v4 =	vld [tilespmem:s28+$0xFFFFFEE0]  }
0x251: {  	v14 =	vld [tilespmem:s28+$0xFFFFFF30];
	v6 =	vand.u32 $0xFFFFFFFB, v6;
	[tilespmem:s28+$0xFFFFFE70] =	vst v1;
	v1 =	vmul.f32 v15, v3  }
0x252: {  	v6 =	vbroadcast v6, $0x0;
	[tilespmem:s28+$0xFFFFFE90] =	vst v9;
	v9 =	vmul.f32 v16, v3;
	v5 =	vld.idx.msk [tilespmem:v5+s21+$0x0], $0xffff  }
0x253: {  	v15 =	vld [tilespmem:s28+$0xFFFFFF40];
	[tilespmem:s28+$0xFFFFFEA0] =	vst v1;
	v13 =	vmul.f32 v13, v3  }
0x254: {  	v7 =	vmul.f32 v7, v3;
	[tilespmem:s28+$0xFFFFFEB0] =	vst v9;
	v9 =	vld [tilespmem:s28+$0xFFFFFF60]  }
0x255: {  	[tilespmem:s28+$0xFFFFFED0] =	vst v13;
	v13 =	vld [tilespmem:s28+$0xFFFFFFB0];
	v4 =	vmul.f32 v4, v3  }
0x256: {  	[tilespmem:s28+$0xFFFFFEC0] =	vst v7;
	v7 =	vld [tilespmem:s28+$0xFFFFFF70];
	v3 =	vmul.f32 v10, v3  }
0x257: {  	v10 =	vld [tilespmem:s28+$0xFFFFFF80];
	[tilespmem:s28+$0xFFFFFEE0] =	vst v4;
	v1 =	vmul.f32 v11, v5  }
0x258: {  	v6 =	vld.idx.msk [tilespmem:v6+s21+$0x0], $0xffff;
	[tilespmem:s28+$0xFFFFFEF0] =	vst v3;
	v4 =	vmul.f32 v8, v5  }
0x259: {  	s17 =	simm.s32 $0x4;
	v11 =	vld [tilespmem:s28+$0xFFFFFF50];
	v3 =	vmul.f32 v12, v5;
	[tilespmem:s28+$0xFFFFFF00] =	vst v1  }
0x25a: {  	v8 =	vld [tilespmem:s28+$0xFFFFFF90];
	v9 =	vmul.f32 v9, v5;
	v1 =	vmov s17;
	[tilespmem:s28+$0xFFFFFF10] =	vst v4  }
0x25b: {  	v12 =	vld [tilespmem:s28+$0xFFFFFFA0];
	v4 =	vmul.f32 v14, v5;
	[tilespmem:s28+$0xFFFFFF20] =	vst v3;
	v1 =	vand.u32 $0xFFFFFFFC, v1  }
0x25c: {  	v3 =	vmul.f32 v15, v5;
	v14 =	vld [tilespmem:s28+$0xFFFFFFC0];
	[tilespmem:s28+$0xFFFFFF60] =	vst v9;
	v1 =	vbroadcast v1, $0x0  }
0x25d: {  	v9 =	vld [tilespmem:s28+$0x0];
	[tilespmem:s28+$0xFFFFFF30] =	vst v4;
	v4 =	vmul.f32 v10, v6  }
0x25e: {  	s15 =	simm.s32 $0x5;
	v10 =	vld [tilespmem:s28+$0xFFFFFFD0];
	[tilespmem:s28+$0xFFFFFF40] =	vst v3;
	v11 =	vmul.f32 v11, v5  }
0x25f: {  	v3 =	vld [tilespmem:s28+$0xFFFFFFE0];
	v5 =	vmul.f32 v7, v5;
	[tilespmem:s28+$0xFFFFFF80] =	vst v4;
	v4 =	vmov s15  }
0x260: {  	v7 =	vld [tilespmem:s28+$0xFFFFFFF0];
	v8 =	vmul.f32 v8, v6;
	[tilespmem:s28+$0xFFFFFF50] =	vst v11;
	v4 =	vand.u32 $0xFFFFFFFD, v4  }
0x261: {  	[tilespmem:s28+$0xFFFFFF70] =	vst v5;
	v5 =	vmul.f32 v12, v6;
	v11 =	vld [tilespmem:s28+$0x10];
	v4 =	vbroadcast v4, $0x0  }
0x262: {  	[tilespmem:s28+$0xFFFFFF90] =	vst v8;
	v8 =	vmul.f32 v13, v6;
	v1 =	vld.idx.msk [tilespmem:v1+s21+$0x0], $0xffff  }
0x263: {  	v12 =	vld [tilespmem:s28+$0x20];
	[tilespmem:s28+$0xFFFFFFA0] =	vst v5;
	v5 =	vmul.f32 v14, v6  }
0x264: {  	v13 =	vld [tilespmem:s28+$0x30];
	[tilespmem:s28+$0xFFFFFFB0] =	vst v8;
	v8 =	vmul.f32 v10, v6  }
0x265: {  	v10 =	vld [tilespmem:s28+$0x40];
	v3 =	vmul.f32 v3, v6;
	[tilespmem:s28+$0xFFFFFFC0] =	vst v5  }
0x266: {  	v6 =	vmul.f32 v7, v6;
	[tilespmem:s28+$0xFFFFFFD0] =	vst v8;
	v8 =	vld [tilespmem:s28+$0x60]  }
0x267: {  	[tilespmem:s28+$0xFFFFFFE0] =	vst v3;
	v4 =	vld.idx.msk [tilespmem:v4+s21+$0x0], $0xffff;
	v5 =	vmul.f32 v9, v1  }
0x268: {  	[tilespmem:s28+$0xFFFFFFF0] =	vst v6;
	v9 =	vld [tilespmem:s28+$0x50];
	v6 =	vmul.f32 v12, v1  }
0x269: {  	v3 =	vmul.f32 v11, v1;
	v11 =	vld [tilespmem:s28+$0x90];
	[tilespmem:s28+$0x0] =	vst v5  }
0x26a: {  	v7 =	vld [tilespmem:s28+$0x80];
	[tilespmem:s28+$0x20] =	vst v6;
	v6 =	vmul.f32 v10, v1  }
0x26b: {  	v5 =	vld [tilespmem:s28+$0x70];
	[tilespmem:s28+$0x10] =	vst v3;
	v3 =	vmul.f32 v13, v1  }
0x26c: {  	v10 =	vld [tilespmem:s28+$0xA0];
	[tilespmem:s28+$0x40] =	vst v6;
	v6 =	vmul.f32 v8, v1  }
0x26d: {  	[tilespmem:s28+$0x30] =	vst v3;
	v8 =	vld [tilespmem:s28+$0xC0];
	v3 =	vmul.f32 v9, v1  }
0x26e: {  	v9 =	vld [tilespmem:s28+$0xB0];
	v11 =	vmul.f32 v11, v4;
	[tilespmem:s28+$0x60] =	vst v6  }
0x26f: {  	s16 =	simm.s32 $0x7;
	v6 =	vld [tilespmem:s28+$0xE0];
	[tilespmem:s28+$0x50] =	vst v3;
	v3 =	vmul.f32 v7, v4  }
0x270: {  	v12 =	vmov s16;
	v7 =	vld [tilespmem:s28+$0xD0];
	v5 =	vmul.f32 v5, v1;
	[tilespmem:s28+$0x90] =	vst v11  }
0x271: {  	v11 =	vld [tilespmem:s28+$0x150];
	[tilespmem:s28+$0x80] =	vst v3  }
0x272: {  	[tilespmem:s28+$0x70] =	vst v5;
	v3 =	vmul.f32 v10, v4;
	v5 =	vld [tilespmem:s28+$0xF0]  }
0x273: {  	v10 =	vld [tilespmem:s28+$0x100];
	v9 =	vmul.f32 v9, v4  }
0x274: {  	[tilespmem:s28+$0xA0] =	vst v3;
	v3 =	vmul.f32 v8, v4;
	v8 =	vld [tilespmem:s28+$0x110]  }
0x275: {  	v1 =	vld.idx.msk [tilespmem:v12+s21+$0x0], $0xffff;
	[tilespmem:s28+$0xB0] =	vst v9;
	v7 =	vmul.f32 v7, v4  }
0x276: {  	v9 =	vld [tilespmem:s28+$0x120];
	v11 =	vmul.f32 v11, v2;
	[tilespmem:s28+$0xC0] =	vst v3  }
0x277: {  	s16 =	simm.s32 $0x9;
	v3 =	vmul.f32 v6, v4;
	v6 =	vld [tilespmem:s28+$0x130];
	[tilespmem:s28+$0xD0] =	vst v7;
	v4 =	vmul.f32 v5, v4  }
0x278: {  	s17 =	simm.s32 $0x8;
	v12 =	vmov s16;
	v5 =	vld [tilespmem:s28+$0x140];
	[tilespmem:s28+$0x150] =	vst v11  }
0x279: {  	s15 =	simm.s32 $0xF;
	s16 =	simm.s32 $0xC;
	v7 =	vmov s17;
	v10 =	vmul.f32 v10, v2;
	[tilespmem:s28+$0xF0] =	vst v4;
	v4 =	vmul.f32 v8, v2;
	v8 =	vld [tilespmem:s28+$0x160]  }
0x27a: {  	v14 =	vld [tilespmem:s28+$0x180];
	v15 =	vmov s16;
	s17 =	simm.s32 $0xA;
	[tilespmem:s28+$0xE0] =	vst v3;
	v7 =	vand.u32 $0xFFFFFFF8, v7;
	v3 =	vmov s15;
	s15 =	simm.s32 $0xB  }
0x27b: {  	v17 =	vld [tilespmem:s28+$0x190];
	v13 =	vmov s17;
	s17 =	simm.s32 $0xD;
	[tilespmem:s28+$0x100] =	vst v10;
	v10 =	vmov s15;
	v9 =	vmul.f32 v9, v2  }
0x27c: {  	v18 =	vmov s17;
	[tilespmem:s28+$0x110] =	vst v4;
	v16 =	vmul.f32 v6, v2;
	v4 =	vbroadcast v7, $0x0;
	v6 =	vld [tilespmem:s28+$0x1A0]  }
0x27d: {  	v7 =	vld [tilespmem:s28+$0x1B0];
	[tilespmem:s28+$0x120] =	vst v9;
	v9 =	vmul.f32 v5, v2;
	v5 =	vand.u32 $0xFFFFFFF9, v12;
	v12 =	vand.u32 $0xFFFFFFFA, v13  }
0x27e: {  	v13 =	vand.u32 $0xFFFFFFFB, v10;
	[tilespmem:s28+$0x130] =	vst v16;
	v5 =	vbroadcast v5, $0x0;
	v16 =	vmul.f32 v8, v2;
	v8 =	vld [tilespmem:s28+$0x1C0]  }
0x27f: {  	v10 =	vbroadcast v12, $0x0;
	[tilespmem:s28+$0x140] =	vst v9;
	v2 =	vand.u32 $0xFFFFFFFC, v15;
	v15 =	vmul.f32 v14, v1;
	v9 =	vld [tilespmem:s28+$0x1D0]  }
0x280: {  	s14 =	simm.s32 $0x10;
	v11 =	vld [tilespmem:s28+$0x1E0];
	s15 =	simm.s32 $0xE;
	v12 =	vbroadcast v13, $0x0;
	v13 =	vmul.f32 v17, v1;
	v14 =	vand.u32 $0xFFFFFFFD, v18;
	[tilespmem:s28+$0x160] =	vst v16  }
.LBB2_6:
0x281: {  	p1 =	slt.u32 s14, $0x78;
	v2 =	vbroadcast v2, $0x0;
	v16 =	vmov s15;
	[tilespmem:s28+$0x180] =	vst v15;
	v6 =	vmul.f32 v6, v1;
	v15 =	vld [tilespmem:s28+$0x1F0]  }
0x282: {  	v14 =	vbroadcast v14, $0x0;
	v16 =	vand.u32 $0xFFFFFFFE, v16;
	v17 =	vld.idx.msk [tilespmem:v3+s21+$0x0], $0xffff;
	[tilespmem:s28+$0x190] =	vst v13;
	v3 =	vmul.f32 v7, v1  }
0x283: {  	v7 =	vld.idx.msk [tilespmem:v4+s21+$0x0], $0xffff;
	v13 =	vbroadcast v16, $0x0;
	[tilespmem:s28+$0x1A0] =	vst v6;
	v4 =	vmul.f32 v8, v1  }
0x284: {  	v6 =	vld.idx.msk [tilespmem:v5+s21+$0x0], $0xffff;
	[tilespmem:s28+$0x1B0] =	vst v3;
	v3 =	vmul.f32 v9, v1  }
0x285: {  	v8 =	vld.idx.msk [tilespmem:v10+s21+$0x0], $0xffff;
	[tilespmem:s28+$0x1C0] =	vst v4;
	v9 =	vmul.f32 v11, v1  }
0x286: {  	v5 =	vld.idx.msk [tilespmem:v12+s21+$0x0], $0xffff;
	[tilespmem:s28+$0x1D0] =	vst v3;
	v10 =	vmul.f32 v15, v1  }
0x287: {  	v4 =	vld.idx.msk [tilespmem:v2+s21+$0x0], $0xffff;
	[tilespmem:s28+$0x1E0] =	vst v9  }
0x288: {  	v1 =	vmov v17;
	v3 =	vld.idx.msk [tilespmem:v14+s21+$0x0], $0xffff;
	[tilespmem:s28+$0x1F0] =	vst v10  }
0x289: {  	s28 =	sadd.s32 $0x400, s28;
	v2 =	vld.idx.msk [tilespmem:v13+s21+$0x0], $0xffff  }
0x28a: {  	v9 =	vld [tilespmem:s28+$0x170]  }
0x28b: {  	v10 =	vld [tilespmem:s28+$0xFFFFFE00]  }
0x28c: {  	v11 =	vld [tilespmem:s28+$0xFFFFFE10]  }
0x28d: {  	v12 =	vld [tilespmem:s28+$0xFFFFFE20]  }
0x28e: {  	v13 =	vld [tilespmem:s28+$0xFFFFFE30]  }
0x28f: {  	v14 =	vld [tilespmem:s28+$0xFFFFFE40];
	v9 =	vmul.f32 v9, v2  }
0x290: {  	v10 =	vmul.f32 v10, v7;
	v15 =	vld [tilespmem:s28+$0xFFFFFE50]  }
0x291: {  	v11 =	vmul.f32 v11, v7;
	v16 =	vld [tilespmem:s28+$0xFFFFFE60];
	[tilespmem:s28+$0x170] =	vst v9  }
0x292: {  	[tilespmem:s28+$0xFFFFFE00] =	vst v10;
	v9 =	vmul.f32 v12, v7;
	v10 =	vld [tilespmem:s28+$0xFFFFFE70]  }
0x293: {  	[tilespmem:s28+$0xFFFFFE10] =	vst v11;
	v11 =	vmul.f32 v13, v7;
	v12 =	vld [tilespmem:s28+$0xFFFFFE80]  }
0x294: {  	[tilespmem:s28+$0xFFFFFE20] =	vst v9;
	v9 =	vmul.f32 v14, v7;
	v13 =	vld [tilespmem:s28+$0xFFFFFE90]  }
0x295: {  	[tilespmem:s28+$0xFFFFFE30] =	vst v11;
	v11 =	vmul.f32 v15, v7;
	v14 =	vld [tilespmem:s28+$0xFFFFFEA0]  }
0x296: {  	[tilespmem:s28+$0xFFFFFE40] =	vst v9;
	v9 =	vmul.f32 v16, v7;
	v15 =	vld [tilespmem:s28+$0xFFFFFEB0]  }
0x297: {  	[tilespmem:s28+$0xFFFFFE50] =	vst v11;
	v7 =	vmul.f32 v10, v7;
	v10 =	vld [tilespmem:s28+$0xFFFFFEC0]  }
0x298: {  	[tilespmem:s28+$0xFFFFFE60] =	vst v9;
	v9 =	vmul.f32 v12, v6;
	v11 =	vld [tilespmem:s28+$0xFFFFFED0]  }
0x299: {  	[tilespmem:s28+$0xFFFFFE70] =	vst v7;
	v7 =	vmul.f32 v13, v6;
	v12 =	vld [tilespmem:s28+$0xFFFFFEE0]  }
0x29a: {  	[tilespmem:s28+$0xFFFFFE80] =	vst v9;
	v9 =	vmul.f32 v14, v6;
	v13 =	vld [tilespmem:s28+$0xFFFFFEF0]  }
0x29b: {  	[tilespmem:s28+$0xFFFFFE90] =	vst v7;
	v7 =	vmul.f32 v15, v6;
	v14 =	vld [tilespmem:s28+$0xFFFFFF00]  }
0x29c: {  	[tilespmem:s28+$0xFFFFFEA0] =	vst v9;
	v9 =	vmul.f32 v10, v6;
	v10 =	vld [tilespmem:s28+$0xFFFFFF10]  }
0x29d: {  	[tilespmem:s28+$0xFFFFFEB0] =	vst v7;
	v7 =	vmul.f32 v11, v6;
	v11 =	vld [tilespmem:s28+$0xFFFFFF20]  }
0x29e: {  	[tilespmem:s28+$0xFFFFFEC0] =	vst v9;
	v9 =	vmul.f32 v12, v6;
	v12 =	vld [tilespmem:s28+$0xFFFFFF30]  }
0x29f: {  	[tilespmem:s28+$0xFFFFFED0] =	vst v7;
	v6 =	vmul.f32 v13, v6;
	v7 =	vld [tilespmem:s28+$0xFFFFFF40]  }
0x2a0: {  	[tilespmem:s28+$0xFFFFFEE0] =	vst v9;
	v9 =	vmul.f32 v14, v8;
	v13 =	vld [tilespmem:s28+$0xFFFFFF50]  }
0x2a1: {  	[tilespmem:s28+$0xFFFFFEF0] =	vst v6;
	v6 =	vmul.f32 v10, v8;
	v10 =	vld [tilespmem:s28+$0xFFFFFF60]  }
0x2a2: {  	[tilespmem:s28+$0xFFFFFF00] =	vst v9;
	v9 =	vmul.f32 v11, v8;
	v11 =	vld [tilespmem:s28+$0xFFFFFF70]  }
0x2a3: {  	[tilespmem:s28+$0xFFFFFF10] =	vst v6;
	v6 =	vmul.f32 v12, v8;
	v12 =	vld [tilespmem:s28+$0xFFFFFF80]  }
0x2a4: {  	[tilespmem:s28+$0xFFFFFF20] =	vst v9;
	v7 =	vmul.f32 v7, v8;
	v9 =	vld [tilespmem:s28+$0xFFFFFF90]  }
0x2a5: {  	[tilespmem:s28+$0xFFFFFF30] =	vst v6;
	v6 =	vmul.f32 v13, v8;
	v13 =	vld [tilespmem:s28+$0xFFFFFFA0]  }
0x2a6: {  	[tilespmem:s28+$0xFFFFFF40] =	vst v7;
	v7 =	vmul.f32 v10, v8;
	v10 =	vld [tilespmem:s28+$0xFFFFFFB0]  }
0x2a7: {  	[tilespmem:s28+$0xFFFFFF50] =	vst v6;
	v6 =	vmul.f32 v11, v8;
	v8 =	vld [tilespmem:s28+$0xFFFFFFC0]  }
0x2a8: {  	[tilespmem:s28+$0xFFFFFF60] =	vst v7;
	v7 =	vmul.f32 v12, v5;
	v11 =	vld [tilespmem:s28+$0xFFFFFFD0]  }
0x2a9: {  	[tilespmem:s28+$0xFFFFFF70] =	vst v6;
	v6 =	vmul.f32 v9, v5;
	v9 =	vld [tilespmem:s28+$0xFFFFFFE0]  }
0x2aa: {  	[tilespmem:s28+$0xFFFFFF80] =	vst v7;
	v7 =	vmul.f32 v13, v5;
	v12 =	vld [tilespmem:s28+$0xFFFFFFF0]  }
0x2ab: {  	[tilespmem:s28+$0xFFFFFF90] =	vst v6;
	v6 =	vmul.f32 v10, v5;
	v10 =	vld [tilespmem:s28+$0x0]  }
0x2ac: {  	[tilespmem:s28+$0xFFFFFFA0] =	vst v7;
	v7 =	vmul.f32 v8, v5;
	v8 =	vld [tilespmem:s28+$0x10]  }
0x2ad: {  	[tilespmem:s28+$0xFFFFFFB0] =	vst v6;
	v6 =	vmul.f32 v11, v5;
	v11 =	vld [tilespmem:s28+$0x20]  }
0x2ae: {  	[tilespmem:s28+$0xFFFFFFC0] =	vst v7;
	v7 =	vmul.f32 v9, v5;
	v9 =	vld [tilespmem:s28+$0x30]  }
0x2af: {  	[tilespmem:s28+$0xFFFFFFD0] =	vst v6;
	v5 =	vmul.f32 v12, v5;
	v6 =	vld [tilespmem:s28+$0x40]  }
0x2b0: {  	[tilespmem:s28+$0xFFFFFFE0] =	vst v7;
	v7 =	vmul.f32 v10, v4;
	v10 =	vld [tilespmem:s28+$0x50]  }
0x2b1: {  	[tilespmem:s28+$0xFFFFFFF0] =	vst v5;
	v5 =	vmul.f32 v8, v4;
	v8 =	vld [tilespmem:s28+$0x60]  }
0x2b2: {  	[tilespmem:s28+$0x0] =	vst v7;
	v7 =	vmul.f32 v11, v4;
	v11 =	vld [tilespmem:s28+$0x70]  }
0x2b3: {  	[tilespmem:s28+$0x10] =	vst v5;
	v5 =	vmul.f32 v9, v4;
	v9 =	vld [tilespmem:s28+$0x80]  }
0x2b4: {  	[tilespmem:s28+$0x20] =	vst v7;
	v6 =	vmul.f32 v6, v4;
	v7 =	vld [tilespmem:s28+$0x90]  }
0x2b5: {  	[tilespmem:s28+$0x30] =	vst v5;
	v5 =	vmul.f32 v10, v4;
	v10 =	vld [tilespmem:s28+$0xA0]  }
0x2b6: {  	[tilespmem:s28+$0x40] =	vst v6;
	v6 =	vmul.f32 v8, v4;
	v8 =	vld [tilespmem:s28+$0xB0]  }
0x2b7: {  	[tilespmem:s28+$0x50] =	vst v5;
	v4 =	vmul.f32 v11, v4;
	v5 =	vld [tilespmem:s28+$0xC0]  }
0x2b8: {  	[tilespmem:s28+$0x60] =	vst v6;
	v6 =	vmul.f32 v9, v3;
	v9 =	vld [tilespmem:s28+$0xD0]  }
0x2b9: {  	[tilespmem:s28+$0x70] =	vst v4;
	v4 =	vmul.f32 v7, v3;
	v7 =	vld [tilespmem:s28+$0xE0]  }
0x2ba: {  	[tilespmem:s28+$0x80] =	vst v6;
	v6 =	vmul.f32 v10, v3;
	v10 =	vld [tilespmem:s28+$0xF0]  }
0x2bb: {  	[tilespmem:s28+$0x90] =	vst v4;
	v4 =	vmul.f32 v8, v3;
	v8 =	vld [tilespmem:s28+$0x100]  }
0x2bc: {  	[tilespmem:s28+$0xA0] =	vst v6;
	v5 =	vmul.f32 v5, v3;
	v6 =	vld [tilespmem:s28+$0x110]  }
0x2bd: {  	[tilespmem:s28+$0xB0] =	vst v4;
	v4 =	vmul.f32 v9, v3;
	v9 =	vld [tilespmem:s28+$0x120]  }
0x2be: {  	[tilespmem:s28+$0xC0] =	vst v5;
	v5 =	vmul.f32 v7, v3;
	v7 =	vld [tilespmem:s28+$0x130]  }
0x2bf: {  	[tilespmem:s28+$0xD0] =	vst v4;
	v4 =	vmul.f32 v10, v3;
	v10 =	vld [tilespmem:s28+$0x140]  }
0x2c0: {  	s15 =	sadd.s32 $0x7, s14;
	v3 =	vmov s14;
	[tilespmem:s28+$0xE0] =	vst v5;
	v5 =	vmul.f32 v8, v2;
	v8 =	vld [tilespmem:s28+$0x150]  }
0x2c1: {  	s16 =	sadd.s32 $0x1, s14;
	s17 =	sadd.s32 $0x2, s14;
	v11 =	vand.u32 $0xFFFFFFF8, v3;
	v3 =	vmov s15;
	[tilespmem:s28+$0xF0] =	vst v4;
	v4 =	vmul.f32 v6, v2;
	v12 =	vld [tilespmem:s28+$0x160]  }
0x2c2: {  	v14 =	vmov s17;
	v13 =	vmov s16;
	s16 =	sadd.s32 $0x4, s14;
	s15 =	sadd.s32 $0x3, s14;
	[tilespmem:s28+$0x100] =	vst v5;
	v5 =	vmul.f32 v9, v2;
	v9 =	vld [tilespmem:s28+$0x180]  }
0x2c3: {  	v16 =	vmov s16;
	v15 =	vmov s15;
	s15 =	sadd.s32 $0x5, s14;
	[tilespmem:s28+$0x110] =	vst v4;
	v7 =	vmul.f32 v7, v2;
	v17 =	vld [tilespmem:s28+$0x190]  }
.Ltmp7:
0x2c4: {  	v4 =	vbroadcast v11, $0x0;
	v11 =	vmov s15;
	[tilespmem:s28+$0x120] =	vst v5;
	v10 =	vmul.f32 v10, v2;
	v6 =	vld [tilespmem:s28+$0x1A0];
	(pc) =	sbr.rel @p1 .LBB2_6-.Ltmp7, $4  }
0x2c5: {  	v5 =	vand.u32 $0xFFFFFFF9, v13;
	v13 =	vand.u32 $0xFFFFFFFA, v14;
	[tilespmem:s28+$0x130] =	vst v7;
	v14 =	vmul.f32 v8, v2;
	v7 =	vld [tilespmem:s28+$0x1B0]  }
0x2c6: {  	v18 =	vand.u32 $0xFFFFFFFB, v15;
	v5 =	vbroadcast v5, $0x0;
	[tilespmem:s28+$0x140] =	vst v10;
	v19 =	vmul.f32 v12, v2;
	v8 =	vld [tilespmem:s28+$0x1C0]  }
0x2c7: {  	v10 =	vbroadcast v13, $0x0;
	v2 =	vand.u32 $0xFFFFFFFC, v16;
	[tilespmem:s28+$0x150] =	vst v14;
	v15 =	vmul.f32 v9, v1;
	v9 =	vld [tilespmem:s28+$0x1D0]  }
0x2c8: {  	s15 =	sadd.s32 $0x6, s14;
	s14 =	sadd.s32 $0x8, s14;
	v12 =	vbroadcast v18, $0x0;
	v14 =	vand.u32 $0xFFFFFFFD, v11;
	[tilespmem:s28+$0x160] =	vst v19;
	v13 =	vmul.f32 v17, v1;
	v11 =	vld [tilespmem:s28+$0x1E0]  }
0x2c9: {  	_ =	sdelay $0x2  }
0x2ca: {  	v16 =	vld [tilespmem:s28+$0x1F0]  }
0x2cb: {  	v18 =	vld.idx.msk [tilespmem:v4+s21+$0x0], $0xffff  }
0x2cc: {  	v23 =	vld.idx.msk [tilespmem:v5+s21+$0x0], $0xffff  }
0x2cd: {  	v22 =	vbroadcast v2, $0x0;
	v2 =	vmov s15;
	v10 =	vld.idx.msk [tilespmem:v10+s21+$0x0], $0xffff  }
0x2ce: {  	v17 =	vand.u32 $0xFFFFFFFE, v2;
	v2 =	vld.idx.msk [tilespmem:v3+s21+$0x0], $0xffff  }
0x2cf: {  	s14 =	sadd.s32 $0x400, s28;
	v12 =	vld.idx.msk [tilespmem:v12+s21+$0x0], $0xffff  }
0x2d0: {  	v24 =	vld [tilespmem:s14+$0x170]  }
0x2d1: {  	v26 =	vld [tilespmem:s14+$0xFFFFFE00]  }
0x2d2: {  	v28 =	vld [tilespmem:s14+$0xFFFFFE10]  }
0x2d3: {  	[tilespmem:s28+$0x180] =	vst v15;
	v6 =	vmul.f32 v6, v1;
	v30 =	vld [tilespmem:s14+$0xFFFFFE20]  }
0x2d4: {  	[tilespmem:s28+$0x190] =	vst v13;
	v7 =	vmul.f32 v7, v1;
	v31 =	vld [tilespmem:s14+$0xFFFFFE30]  }
0x2d5: {  	v32 =	vld [tilespmem:s14+$0xFFFFFE40];
	[tilespmem:s28+$0x1A0] =	vst v6;
	v25 =	vmul.f32 v8, v1  }
0x2d6: {  	v33 =	vld [tilespmem:s14+$0xFFFFFE50];
	[tilespmem:s28+$0x1B0] =	vst v7;
	v27 =	vmul.f32 v9, v1  }
0x2d7: {  	v34 =	vld [tilespmem:s14+$0xFFFFFE60];
	[tilespmem:s28+$0x1C0] =	vst v25;
	v29 =	vmul.f32 v11, v1  }
0x2d8: {  	v35 =	vld [tilespmem:s14+$0xFFFFFE70];
	[tilespmem:s28+$0x1D0] =	vst v27;
	v1 =	vmul.f32 v16, v1  }
0x2d9: {  	v36 =	vld [tilespmem:s14+$0xFFFFFE80];
	[tilespmem:s28+$0x1E0] =	vst v29;
	v9 =	vmul.f32 v28, v18  }
0x2da: {  	v37 =	vld [tilespmem:s14+$0xFFFFFE90];
	[tilespmem:s28+$0x1F0] =	vst v1;
	v1 =	vmul.f32 v26, v18  }
0x2db: {  	v39 =	vld [tilespmem:s14+$0xFFFFFEA0];
	v7 =	vmul.f32 v31, v18;
	[tilespmem:s14+$0xFFFFFE10] =	vst v9  }
0x2dc: {  	v40 =	vld [tilespmem:s14+$0xFFFFFEB0];
	[tilespmem:s14+$0xFFFFFE00] =	vst v1;
	v1 =	vmul.f32 v30, v18  }
0x2dd: {  	v42 =	vld [tilespmem:s14+$0xFFFFFEC0];
	v38 =	vmul.f32 v33, v18;
	[tilespmem:s14+$0xFFFFFE30] =	vst v7  }
0x2de: {  	v43 =	vld [tilespmem:s14+$0xFFFFFED0];
	[tilespmem:s14+$0xFFFFFE20] =	vst v1;
	v1 =	vmul.f32 v32, v18  }
0x2df: {  	v44 =	vld [tilespmem:s14+$0xFFFFFEE0];
	v41 =	vmul.f32 v35, v18;
	[tilespmem:s14+$0xFFFFFE50] =	vst v38  }
0x2e0: {  	v45 =	vld [tilespmem:s14+$0xFFFFFEF0];
	[tilespmem:s14+$0xFFFFFE40] =	vst v1;
	v1 =	vmul.f32 v34, v18  }
0x2e1: {  	v47 =	vld [tilespmem:s14+$0xFFFFFF00];
	v6 =	vmul.f32 v37, v23;
	[tilespmem:s14+$0xFFFFFE70] =	vst v41  }
0x2e2: {  	v48 =	vld [tilespmem:s14+$0xFFFFFF10];
	[tilespmem:s14+$0xFFFFFE60] =	vst v1;
	v1 =	vmul.f32 v36, v23  }
0x2e3: {  	v50 =	vld [tilespmem:s14+$0xFFFFFF20];
	v46 =	vmul.f32 v40, v23;
	[tilespmem:s14+$0xFFFFFE90] =	vst v6  }
0x2e4: {  	v51 =	vld [tilespmem:s14+$0xFFFFFF30];
	[tilespmem:s14+$0xFFFFFE80] =	vst v1;
	v1 =	vmul.f32 v39, v23  }
0x2e5: {  	v53 =	vld [tilespmem:s14+$0xFFFFFF40];
	v49 =	vmul.f32 v43, v23;
	[tilespmem:s14+$0xFFFFFEB0] =	vst v46  }
0x2e6: {  	v54 =	vld [tilespmem:s14+$0xFFFFFF50];
	[tilespmem:s14+$0xFFFFFEA0] =	vst v1;
	v1 =	vmul.f32 v42, v23  }
0x2e7: {  	v56 =	vld [tilespmem:s14+$0xFFFFFF60];
	v52 =	vmul.f32 v45, v23;
	[tilespmem:s14+$0xFFFFFED0] =	vst v49  }
0x2e8: {  	v57 =	vld [tilespmem:s14+$0xFFFFFF70];
	[tilespmem:s14+$0xFFFFFEC0] =	vst v1;
	v1 =	vmul.f32 v44, v23  }
0x2e9: {  	v14 =	vbroadcast v14, $0x0;
	v59 =	vld [tilespmem:s14+$0xFFFFFF80];
	v55 =	vmul.f32 v48, v10;
	[tilespmem:s14+$0xFFFFFEF0] =	vst v52  }
0x2ea: {  	v60 =	vld [tilespmem:s14+$0xFFFFFF90];
	[tilespmem:s14+$0xFFFFFEE0] =	vst v1;
	v1 =	vmul.f32 v47, v10  }
0x2eb: {  	v62 =	vld [tilespmem:s14+$0xFFFFFFA0];
	v58 =	vmul.f32 v51, v10;
	[tilespmem:s14+$0xFFFFFF10] =	vst v55  }
0x2ec: {  	v63 =	vld [tilespmem:s14+$0xFFFFFFB0];
	v3 =	vbroadcast v17, $0x0;
	[tilespmem:s14+$0xFFFFFF00] =	vst v1;
	v1 =	vmul.f32 v50, v10  }
0x2ed: {  	v15 =	vld [tilespmem:s14+$0xFFFFFFC0];
	v61 =	vmul.f32 v54, v10;
	[tilespmem:s14+$0xFFFFFF30] =	vst v58  }
0x2ee: {  	v19 =	vld [tilespmem:s14+$0xFFFFFFF0];
	[tilespmem:s14+$0xFFFFFF20] =	vst v1;
	v1 =	vmul.f32 v53, v10  }
0x2ef: {  	v4 =	vld.idx.msk [tilespmem:v14+s21+$0x0], $0xffff;
	v14 =	vmul.f32 v57, v10;
	[tilespmem:s14+$0xFFFFFF50] =	vst v61  }
0x2f0: {  	v5 =	vld.idx.msk [tilespmem:v22+s21+$0x0], $0xffff;
	[tilespmem:s14+$0xFFFFFF40] =	vst v1;
	v1 =	vmul.f32 v56, v10  }
0x2f1: {  	v17 =	vmul.f32 v60, v12;
	v22 =	vld [tilespmem:s14+$0x10];
	[tilespmem:s14+$0xFFFFFF70] =	vst v14  }
0x2f2: {  	v3 =	vld.idx.msk [tilespmem:v3+s21+$0x0], $0xffff;
	[tilespmem:s14+$0xFFFFFF60] =	vst v1;
	v1 =	vmul.f32 v59, v12  }
0x2f3: {  	v20 =	vmul.f32 v63, v12;
	[tilespmem:s14+$0xFFFFFF90] =	vst v17;
	v18 =	vld [tilespmem:s14+$0xFFFFFFE0]  }
0x2f4: {  	v25 =	vld [tilespmem:s14+$0x30];
	[tilespmem:s14+$0xFFFFFF80] =	vst v1;
	v1 =	vmul.f32 v62, v12  }
0x2f5: {  	v21 =	vld [tilespmem:s14+$0x0];
	v26 =	vmul.f32 v19, v12;
	[tilespmem:s14+$0xFFFFFFB0] =	vst v20  }
0x2f6: {  	v28 =	vld [tilespmem:s14+$0x50];
	[tilespmem:s14+$0xFFFFFFA0] =	vst v1;
	v1 =	vmul.f32 v15, v12  }
0x2f7: {  	[tilespmem:s14+$0xFFFFFFF0] =	vst v26;
	v29 =	vmul.f32 v22, v5;
	v13 =	vmul.f32 v24, v3;
	v24 =	vld [tilespmem:s14+$0x20]  }
0x2f8: {  	v37 =	vld [tilespmem:s14+$0xB0];
	[tilespmem:s14+$0xFFFFFFC0] =	vst v1;
	v1 =	vmul.f32 v18, v12  }
0x2f9: {  	v27 =	vld [tilespmem:s14+$0x40];
	v32 =	vmul.f32 v25, v5;
	[tilespmem:s14+$0x10] =	vst v29  }
0x2fa: {  	[tilespmem:s14+$0xFFFFFFE0] =	vst v1;
	v1 =	vmul.f32 v21, v5  }
0x2fb: {  	v30 =	vld [tilespmem:s14+$0x60];
	v35 =	vmul.f32 v28, v5;
	[tilespmem:s14+$0x30] =	vst v32  }
0x2fc: {  	v45 =	vld [tilespmem:s14+$0x110];
	[tilespmem:s14+$0x0] =	vst v1;
	v1 =	vmul.f32 v24, v5  }
0x2fd: {  	v33 =	vld [tilespmem:s14+$0x80];
	v43 =	vmul.f32 v37, v4;
	[tilespmem:s14+$0x50] =	vst v35  }
0x2fe: {  	v48 =	vld [tilespmem:s14+$0x130];
	[tilespmem:s14+$0x20] =	vst v1;
	v1 =	vmul.f32 v27, v5  }
0x2ff: {  	[tilespmem:s14+$0xB0] =	vst v43;
	v36 =	vld [tilespmem:s14+$0xA0]  }
0x300: {  	v34 =	vld [tilespmem:s14+$0x90];
	[tilespmem:s14+$0x40] =	vst v1;
	v1 =	vmul.f32 v30, v5  }
0x301: {  	v38 =	vld [tilespmem:s14+$0xC0];
	v51 =	vmul.f32 v45, v3;
	[tilespmem:s14+$0x170] =	vst v13  }
0x302: {  	v16 =	vld [tilespmem:s14+$0xFFFFFFD0];
	[tilespmem:s14+$0x60] =	vst v1;
	v1 =	vmul.f32 v33, v4  }
0x303: {  	v41 =	vld [tilespmem:s14+$0xE0];
	v54 =	vmul.f32 v48, v3;
	[tilespmem:s14+$0x110] =	vst v51  }
0x304: {  	v39 =	vld [tilespmem:s14+$0xD0];
	[tilespmem:s14+$0x80] =	vst v1;
	v1 =	vmul.f32 v36, v4  }
0x305: {  	[tilespmem:s14+$0x130] =	vst v54;
	v40 =	vmul.f32 v34, v4;
	v44 =	vld [tilespmem:s14+$0x100]  }
0x306: {  	v50 =	vld [tilespmem:s14+$0x150];
	[tilespmem:s14+$0xA0] =	vst v1;
	v1 =	vmul.f32 v38, v4  }
0x307: {  	[tilespmem:s14+$0x90] =	vst v40;
	v23 =	vmul.f32 v16, v12;
	v47 =	vld [tilespmem:s14+$0x120]  }
0x308: {  	v53 =	vld [tilespmem:s14+$0x180];
	[tilespmem:s14+$0xC0] =	vst v1;
	v1 =	vmul.f32 v41, v4  }
0x309: {  	v49 =	vld [tilespmem:s14+$0x140];
	v46 =	vmul.f32 v39, v4;
	[tilespmem:s14+$0xFFFFFFD0] =	vst v23  }
0x30a: {  	v56 =	vld [tilespmem:s14+$0x1A0];
	[tilespmem:s14+$0xE0] =	vst v1;
	v1 =	vmul.f32 v44, v3  }
0x30b: {  	v52 =	vld [tilespmem:s14+$0x160];
	[tilespmem:s14+$0xD0] =	vst v46;
	v57 =	vmul.f32 v50, v3  }
0x30c: {  	v31 =	vld [tilespmem:s14+$0x70];
	[tilespmem:s14+$0x100] =	vst v1;
	v1 =	vmul.f32 v47, v3  }
0x30d: {  	v55 =	vld [tilespmem:s14+$0x190];
	[tilespmem:s14+$0x150] =	vst v57;
	v59 =	vmul.f32 v53, v2  }
0x30e: {  	v42 =	vld [tilespmem:s14+$0xF0];
	[tilespmem:s14+$0x120] =	vst v1;
	v1 =	vmul.f32 v49, v3  }
0x30f: {  	v58 =	vld [tilespmem:s14+$0x1B0];
	[tilespmem:s14+$0x180] =	vst v59;
	v62 =	vmul.f32 v56, v2  }
0x310: {  	[tilespmem:s14+$0x140] =	vst v1;
	v1 =	vmul.f32 v52, v3;
	v3 =	vld [tilespmem:s14+$0x1C0]  }
0x311: {  	v60 =	vld [tilespmem:s14+$0x1D0];
	[tilespmem:s14+$0x1A0] =	vst v62;
	v5 =	vmul.f32 v31, v5  }
0x312: {  	v61 =	vld [tilespmem:s14+$0x1E0];
	[tilespmem:s14+$0x160] =	vst v1;
	v1 =	vmul.f32 v55, v2  }
0x313: {  	v63 =	vld [tilespmem:s14+$0x1F0];
	[tilespmem:s14+$0x70] =	vst v5;
	v4 =	vmul.f32 v42, v4  }
0x314: {  	[tilespmem:s14+$0x190] =	vst v1;
	v1 =	vmul.f32 v58, v2  }
0x315: {  	[tilespmem:s14+$0xF0] =	vst v4;
	v3 =	vmul.f32 v3, v2  }
0x316: {  	[tilespmem:s14+$0x1B0] =	vst v1;
	v1 =	vmul.f32 v60, v2  }
0x317: {  	[tilespmem:s14+$0x1C0] =	vst v3;
	v3 =	vmul.f32 v61, v2  }
0x318: {  	[tilespmem:s14+$0x1D0] =	vst v1;
	v1 =	vmul.f32 v63, v2  }
0x319: {  	[tilespmem:s14+$0x1E0] =	vst v3  }
0x31a: {  	[tilespmem:s14+$0x1F0] =	vst v1  }
0x31b: {  	[spmem:s5] =	stream.indirect.scatter.add.f32 [tilespmem:s11], [sflag:$0x5], $0x80, s22, s13, $0xb8;
	[tilespmem:$0x1F400] =	vst v63  }
.LBB2_8:
0x31c: {  	p1 =	sge.u32 s26, s2  }
0x31d: {  	s14 =	simm.s32 @!p1 $0x1  }
0x31e: {  	_ =	swait.ge @!p1 [sflag:s14], $0x80  }
0x31f: {  	[sflag:s14] =	ssyncset.done @!p1 $0x0  }
0x320: {  	[sflag:s14] =	ssyncadd.s32 @!p1 $0xFFFFFF80  }
0x321: {  	_ =	swait.ge @!p1 [sflag:s14], $0x80  }
0x322: {  	[sflag:s14] =	ssyncset.done @!p1 $0x0  }
0x323: {  	[sflag:s14] =	ssyncadd.s32 @!p1 $0xFFFFFF80  }
0x324: {  	_ =	swait.ge @!p1 [sflag:s14], $0x80  }
0x325: {  	[sflag:s14] =	ssyncset.done @!p1 $0x0  }
.Ltmp8:
0x326: {  	[sflag:s14] =	ssyncadd.s32 @!p1 $0xFFFFFF80;
	s14 =	simm.s32 @!p1 $0x5;
	(pc) =	sbr.rel @p0 .LBB2_12-.Ltmp8, $4  }
0x327: {  	_ =	swait.ge @!p1 [sflag:s14], $0x4000  }
0x328: {  	s15 =	simm.s32 @!p1 $0x0;
	[sflag:s14] =	ssyncset.done @!p1 $0x0  }
0x329: {  	s16 =	simm.s32 @!p1 $0x3180;
	[sflag:s14] =	ssyncadd.s32 @!p1 $0xFFFFC000;
	s14 =	simm.s32 @!p1 $0x80  }
0x32a: {  	[tilespmem:s16], [sflag:$0x3] =	stream.indirect.gather @!p1 [hbm4b:s4+s14], $0x80, s15, s14, $0xb8;
	[tilespmem:$0x1F400] =	vst v63  }
0x32b: {  	_ =	swait.ge [sflag:s24], $0x4000  }
0x32c: {  	[sflag:s24] =	ssyncset.done $0x0  }
0x32d: {  	[sflag:s24] =	ssyncadd.s32 $0xFFFFC000  }
0x32e: {  	v1 =	vld [tilespmem:$0x80];
	_ =	sdelay $0x2  }
0x32f: {  	v2 =	vld [tilespmem:$0x180];
	_ =	sdelay $0x3  }
0x330: {  	v3 =	vld [tilespmem:$0x280]  }
0x331: {  	v1 =	vld.idx.msk [tilespmem:v1+s12+$0x0], $0xffff;
	_ =	sdelay $0x1  }
0x332: {  	v5 =	vld [tilespmem:$0x90]  }
0x333: {  	v4 =	vld.idx.msk [tilespmem:v2+s12+$0x0], $0xffff;
	_ =	sdelay $0x1  }
0x334: {  	v1 =	vmul.f32 v1, v3;
	v3 =	vld [tilespmem:$0x190];
	_ =	sdelay $0x2  }
0x335: {  	v1 =	vmul.f32 v4, v1  }
0x336: {  	[tilespmem:$0x400] =	vst v2  }
0x337: {  	[tilespmem:$0x300] =	vst v1;
	v1 =	vld [tilespmem:$0x290]  }
0x338: {  	v2 =	vld.idx.msk [tilespmem:v5+s12+$0x0], $0xffff  }
0x339: {  	v5 =	vld [tilespmem:$0xA0]  }
0x33a: {  	v4 =	vld.idx.msk [tilespmem:v3+s12+$0x0], $0xffff;
	_ =	sdelay $0x2  }
0x33b: {  	v1 =	vmul.f32 v2, v1;
	v2 =	vld [tilespmem:$0x1A0];
	_ =	sdelay $0x1  }
0x33c: {  	v1 =	vmul.f32 v4, v1  }
0x33d: {  	[tilespmem:$0x410] =	vst v3  }
0x33e: {  	[tilespmem:$0x310] =	vst v1;
	v1 =	vld [tilespmem:$0x2A0]  }
0x33f: {  	v3 =	vld.idx.msk [tilespmem:v5+s12+$0x0], $0xffff;
	_ =	sdelay $0x1  }
0x340: {  	v5 =	vld [tilespmem:$0xB0]  }
0x341: {  	v4 =	vld.idx.msk [tilespmem:v2+s12+$0x0], $0xffff;
	_ =	sdelay $0x1  }
0x342: {  	v1 =	vmul.f32 v3, v1;
	v3 =	vld [tilespmem:$0x1B0];
	_ =	sdelay $0x2  }
0x343: {  	v1 =	vmul.f32 v4, v1  }
0x344: {  	[tilespmem:$0x420] =	vst v2  }
0x345: {  	[tilespmem:$0x320] =	vst v1;
	v1 =	vld [tilespmem:$0x2B0]  }
0x346: {  	v2 =	vld.idx.msk [tilespmem:v5+s12+$0x0], $0xffff  }
0x347: {  	v5 =	vld [tilespmem:$0xC0]  }
0x348: {  	v4 =	vld.idx.msk [tilespmem:v3+s12+$0x0], $0xffff;
	_ =	sdelay $0x2  }
0x349: {  	v1 =	vmul.f32 v2, v1;
	v2 =	vld [tilespmem:$0x1C0];
	_ =	sdelay $0x1  }
0x34a: {  	v1 =	vmul.f32 v4, v1  }
0x34b: {  	[tilespmem:$0x430] =	vst v3  }
0x34c: {  	[tilespmem:$0x330] =	vst v1;
	v1 =	vld [tilespmem:$0x2C0]  }
0x34d: {  	v3 =	vld.idx.msk [tilespmem:v5+s12+$0x0], $0xffff;
	_ =	sdelay $0x1  }
0x34e: {  	v5 =	vld [tilespmem:$0xD0]  }
0x34f: {  	v4 =	vld.idx.msk [tilespmem:v2+s12+$0x0], $0xffff;
	_ =	sdelay $0x1  }
0x350: {  	v1 =	vmul.f32 v3, v1;
	v3 =	vld [tilespmem:$0x1D0];
	_ =	sdelay $0x2  }
0x351: {  	v1 =	vmul.f32 v4, v1  }
0x352: {  	[tilespmem:$0x440] =	vst v2  }
0x353: {  	[tilespmem:$0x340] =	vst v1;
	v1 =	vld [tilespmem:$0x2D0]  }
0x354: {  	v2 =	vld.idx.msk [tilespmem:v5+s12+$0x0], $0xffff  }
0x355: {  	v5 =	vld [tilespmem:$0xE0]  }
0x356: {  	v4 =	vld.idx.msk [tilespmem:v3+s12+$0x0], $0xffff;
	_ =	sdelay $0x2  }
0x357: {  	v1 =	vmul.f32 v2, v1;
	v2 =	vld [tilespmem:$0x1E0];
	_ =	sdelay $0x1  }
0x358: {  	v1 =	vmul.f32 v4, v1  }
0x359: {  	[tilespmem:$0x450] =	vst v3  }
0x35a: {  	[tilespmem:$0x350] =	vst v1;
	v1 =	vld [tilespmem:$0x2E0]  }
0x35b: {  	v3 =	vld.idx.msk [tilespmem:v5+s12+$0x0], $0xffff;
	_ =	sdelay $0x1  }
0x35c: {  	v5 =	vld [tilespmem:$0xF0]  }
0x35d: {  	v4 =	vld.idx.msk [tilespmem:v2+s12+$0x0], $0xffff;
	_ =	sdelay $0x1  }
0x35e: {  	v1 =	vmul.f32 v3, v1;
	v3 =	vld [tilespmem:$0x1F0];
	_ =	sdelay $0x2  }
0x35f: {  	v1 =	vmul.f32 v4, v1  }
0x360: {  	[tilespmem:$0x460] =	vst v2  }
0x361: {  	[tilespmem:$0x360] =	vst v1;
	v1 =	vld [tilespmem:$0x2F0]  }
0x362: {  	v2 =	vld.idx.msk [tilespmem:v5+s12+$0x0], $0xffff;
	_ =	sdelay $0x1  }
0x363: {  	v4 =	vld.idx.msk [tilespmem:v3+s12+$0x0], $0xffff;
	_ =	sdelay $0x2  }
0x364: {  	v1 =	vmul.f32 v2, v1  }
0x365: {  	s14 =	sadd.s32 s6, s26  }
0x366: {  	s15 =	simm.s32 $0x0;
	p0 =	sgt.u32 s14, $0x9C3;
	v1 =	vmul.f32 v4, v1  }
0x367: {  	s16 =	simm.s32 $0x6;
	s14 =	sshll.u32 @!p0 s14, $0x4;
	[tilespmem:$0x470] =	vst v3;
	v2 =	vmov s15  }
0x368: {  	s17 =	simm.s32 @!p0 $0x80;
	s15 =	sadd.s32 @!p0 s0, s14;
	[tilespmem:$0x370] =	vst v1;
	v1 =	vand.u32 $0xFFFFFFF8, v2;
	v2 =	vmov s16;
	s16 =	simm.s32 @!p0 $0x0  }
0x369: {  	[tilespmem:s17], [sflag:$0x2] =	stream.linear.gather @!p0 [hbm4b:s15+s16], $0x80, $0x38;
	[tilespmem:$0x1F400] =	vst v63  }
0x36a: {  	s15 =	sadd.s32 @!p0 s8, s14;
	s17 =	simm.s32 @!p0 $0x180  }
0x36b: {  	[tilespmem:s17], [sflag:$0x2] =	stream.linear.gather @!p0 [hbm4b:s15+s16], $0x80, $0x38;
	[tilespmem:$0x1F400] =	vst v63  }
0x36c: {  	s26 =	simm.s32 $0x7380;
	s14 =	sadd.s32 @!p0 s3, s14;
	s15 =	simm.s32 @!p0 $0x280  }
0x36d: {  	[tilespmem:s15], [sflag:$0x2] =	stream.linear.gather @!p0 [hbm4b:s14+s16], $0x80, $0x38;
	[tilespmem:$0x1F400] =	vst v63  }
0x36e: {  	v4 =	vld [tilespmem:s26+$0x170]  }
0x36f: {  	v1 =	vbroadcast v1, $0x0;
	v5 =	vld [tilespmem:s26+$0xFFFFFE00]  }
0x370: {  	v6 =	vld [tilespmem:s26+$0xFFFFFE10]  }
0x371: {  	v7 =	vld [tilespmem:s26+$0xFFFFFE20]  }
0x372: {  	v2 =	vand.u32 $0xFFFFFFFE, v2;
	v8 =	vld [tilespmem:s26+$0xFFFFFE30]  }
0x373: {  	v2 =	vbroadcast v2, $0x0;
	v9 =	vld [tilespmem:s26+$0xFFFFFE40]  }
0x374: {  	s17 =	simm.s32 $0x1;
	v10 =	vld [tilespmem:s26+$0xFFFFFE50]  }
0x375: {  	v3 =	vmov s17;
	v1 =	vld.idx.msk [tilespmem:v1+s21+$0x0], $0xffff  }
0x376: {  	v3 =	vand.u32 $0xFFFFFFF9, v3;
	v11 =	vld [tilespmem:s26+$0xFFFFFE60]  }
0x377: {  	v3 =	vbroadcast v3, $0x0;
	v12 =	vld [tilespmem:s26+$0xFFFFFE70]  }
0x378: {  	v13 =	vld [tilespmem:s26+$0xFFFFFE80]  }
0x379: {  	v2 =	vld.idx.msk [tilespmem:v2+s21+$0x0], $0xffff  }
0x37a: {  	v14 =	vld [tilespmem:s26+$0xFFFFFE90];
	v5 =	vmul.f32 v5, v1  }
0x37b: {  	v15 =	vld [tilespmem:s26+$0xFFFFFEA0];
	v6 =	vmul.f32 v6, v1  }
0x37c: {  	v16 =	vld [tilespmem:s26+$0xFFFFFEB0];
	v8 =	vmul.f32 v8, v1;
	[tilespmem:s26+$0xFFFFFE00] =	vst v5  }
0x37d: {  	s28 =	simm.s32 $0x2;
	v3 =	vld.idx.msk [tilespmem:v3+s21+$0x0], $0xffff;
	v9 =	vmul.f32 v9, v1;
	[tilespmem:s26+$0xFFFFFE10] =	vst v6  }
0x37e: {  	v4 =	vmul.f32 v4, v2;
	v5 =	vmov s28;
	[tilespmem:s26+$0xFFFFFE30] =	vst v8;
	v8 =	vmul.f32 v10, v1;
	v10 =	vld [tilespmem:s26+$0xFFFFFEF0]  }
0x37f: {  	[tilespmem:s26+$0xFFFFFE40] =	vst v9;
	v9 =	vmul.f32 v11, v1;
	v11 =	vld [tilespmem:s26+$0xFFFFFF00];
	v5 =	vand.u32 $0xFFFFFFFA, v5  }
0x380: {  	[tilespmem:s26+$0x170] =	vst v4;
	v4 =	vmul.f32 v7, v1;
	v7 =	vld [tilespmem:s26+$0xFFFFFEC0];
	v5 =	vbroadcast v5, $0x0  }
0x381: {  	v1 =	vmul.f32 v12, v1;
	v12 =	vld [tilespmem:s26+$0xFFFFFF20];
	[tilespmem:s26+$0xFFFFFE50] =	vst v8  }
0x382: {  	v8 =	vld [tilespmem:s26+$0xFFFFFF10];
	[tilespmem:s26+$0xFFFFFE60] =	vst v9;
	v6 =	vmul.f32 v13, v3  }
0x383: {  	s15 =	simm.s32 $0x3;
	v13 =	vld [tilespmem:s26+$0xFFFFFED0];
	[tilespmem:s26+$0xFFFFFE20] =	vst v4  }
0x384: {  	v4 =	vld [tilespmem:s26+$0xFFFFFEE0];
	v9 =	vmul.f32 v14, v3;
	[tilespmem:s26+$0xFFFFFE80] =	vst v6;
	v6 =	vmov s15  }
0x385: {  	[tilespmem:s26+$0xFFFFFE70] =	vst v1;
	v1 =	vmul.f32 v15, v3;
	v14 =	vld [tilespmem:s26+$0xFFFFFF30];
	v6 =	vand.u32 $0xFFFFFFFB, v6  }
0x386: {  	[tilespmem:s26+$0xFFFFFE90] =	vst v9;
	v9 =	vmul.f32 v16, v3;
	v6 =	vbroadcast v6, $0x0;
	v5 =	vld.idx.msk [tilespmem:v5+s21+$0x0], $0xffff  }
0x387: {  	v15 =	vld [tilespmem:s26+$0xFFFFFF40];
	[tilespmem:s26+$0xFFFFFEA0] =	vst v1;
	v7 =	vmul.f32 v7, v3  }
0x388: {  	[tilespmem:s26+$0xFFFFFEB0] =	vst v9;
	v9 =	vld [tilespmem:s26+$0xFFFFFF60];
	v13 =	vmul.f32 v13, v3  }
0x389: {  	[tilespmem:s26+$0xFFFFFEC0] =	vst v7;
	v4 =	vmul.f32 v4, v3;
	v7 =	vld [tilespmem:s26+$0xFFFFFF70]  }
0x38a: {  	v3 =	vmul.f32 v10, v3;
	v10 =	vld [tilespmem:s26+$0xFFFFFF80];
	[tilespmem:s26+$0xFFFFFED0] =	vst v13  }
0x38b: {  	[tilespmem:s26+$0xFFFFFEE0] =	vst v4;
	v13 =	vld [tilespmem:s26+$0xFFFFFFB0];
	v1 =	vmul.f32 v11, v5  }
0x38c: {  	[tilespmem:s26+$0xFFFFFEF0] =	vst v3;
	v6 =	vld.idx.msk [tilespmem:v6+s21+$0x0], $0xffff;
	v4 =	vmul.f32 v8, v5  }
0x38d: {  	s16 =	simm.s32 $0x4;
	v11 =	vld [tilespmem:s26+$0xFFFFFF50];
	v3 =	vmul.f32 v12, v5;
	[tilespmem:s26+$0xFFFFFF00] =	vst v1  }
0x38e: {  	v8 =	vld [tilespmem:s26+$0xFFFFFF90];
	v9 =	vmul.f32 v9, v5;
	v1 =	vmov s16;
	[tilespmem:s26+$0xFFFFFF10] =	vst v4  }
0x38f: {  	v12 =	vld [tilespmem:s26+$0xFFFFFFA0];
	v4 =	vmul.f32 v14, v5;
	[tilespmem:s26+$0xFFFFFF20] =	vst v3;
	v1 =	vand.u32 $0xFFFFFFFC, v1  }
0x390: {  	v3 =	vmul.f32 v15, v5;
	v14 =	vld [tilespmem:s26+$0xFFFFFFC0];
	[tilespmem:s26+$0xFFFFFF60] =	vst v9;
	v1 =	vbroadcast v1, $0x0  }
0x391: {  	v9 =	vld [tilespmem:s26+$0x0];
	[tilespmem:s26+$0xFFFFFF30] =	vst v4;
	v4 =	vmul.f32 v10, v6  }
0x392: {  	[tilespmem:s26+$0xFFFFFF40] =	vst v3;
	v3 =	vld [tilespmem:s26+$0xFFFFFFE0];
	v11 =	vmul.f32 v11, v5  }
0x393: {  	s17 =	simm.s32 $0x5;
	v10 =	vld [tilespmem:s26+$0xFFFFFFD0];
	v5 =	vmul.f32 v7, v5;
	[tilespmem:s26+$0xFFFFFF80] =	vst v4  }
0x394: {  	v7 =	vld [tilespmem:s26+$0xFFFFFFF0];
	v8 =	vmul.f32 v8, v6;
	v4 =	vmov s17;
	[tilespmem:s26+$0xFFFFFF50] =	vst v11  }
0x395: {  	[tilespmem:s26+$0xFFFFFF70] =	vst v5;
	v5 =	vmul.f32 v12, v6;
	v11 =	vld [tilespmem:s26+$0x10];
	v4 =	vand.u32 $0xFFFFFFFD, v4  }
0x396: {  	[tilespmem:s26+$0xFFFFFF90] =	vst v8;
	v8 =	vmul.f32 v13, v6;
	v4 =	vbroadcast v4, $0x0;
	v1 =	vld.idx.msk [tilespmem:v1+s21+$0x0], $0xffff  }
0x397: {  	v12 =	vld [tilespmem:s26+$0x20];
	[tilespmem:s26+$0xFFFFFFA0] =	vst v5;
	v5 =	vmul.f32 v14, v6  }
0x398: {  	v13 =	vld [tilespmem:s26+$0x30];
	[tilespmem:s26+$0xFFFFFFB0] =	vst v8;
	v8 =	vmul.f32 v10, v6  }
0x399: {  	v3 =	vmul.f32 v3, v6;
	v10 =	vld [tilespmem:s26+$0x40];
	[tilespmem:s26+$0xFFFFFFC0] =	vst v5  }
0x39a: {  	v6 =	vmul.f32 v7, v6;
	[tilespmem:s26+$0xFFFFFFD0] =	vst v8;
	v8 =	vld [tilespmem:s26+$0x60]  }
0x39b: {  	[tilespmem:s26+$0xFFFFFFE0] =	vst v3;
	v5 =	vmul.f32 v9, v1;
	v9 =	vld [tilespmem:s26+$0x50]  }
0x39c: {  	[tilespmem:s26+$0xFFFFFFF0] =	vst v6;
	v4 =	vld.idx.msk [tilespmem:v4+s21+$0x0], $0xffff;
	v6 =	vmul.f32 v12, v1  }
0x39d: {  	v3 =	vmul.f32 v11, v1;
	v11 =	vld [tilespmem:s26+$0x90];
	[tilespmem:s26+$0x0] =	vst v5  }
0x39e: {  	v7 =	vld [tilespmem:s26+$0x80];
	[tilespmem:s26+$0x20] =	vst v6;
	v6 =	vmul.f32 v10, v1  }
0x39f: {  	v5 =	vld [tilespmem:s26+$0x70];
	[tilespmem:s26+$0x10] =	vst v3;
	v3 =	vmul.f32 v13, v1  }
0x3a0: {  	v10 =	vld [tilespmem:s26+$0xA0];
	[tilespmem:s26+$0x40] =	vst v6;
	v6 =	vmul.f32 v8, v1  }
0x3a1: {  	[tilespmem:s26+$0x30] =	vst v3;
	v8 =	vld [tilespmem:s26+$0xC0];
	v3 =	vmul.f32 v9, v1  }
0x3a2: {  	v9 =	vld [tilespmem:s26+$0xB0];
	v11 =	vmul.f32 v11, v4;
	[tilespmem:s26+$0x60] =	vst v6  }
0x3a3: {  	s28 =	simm.s32 $0x7;
	v6 =	vld [tilespmem:s26+$0xE0];
	[tilespmem:s26+$0x50] =	vst v3;
	v3 =	vmul.f32 v7, v4  }
0x3a4: {  	v12 =	vmov s28;
	v7 =	vld [tilespmem:s26+$0xD0];
	v5 =	vmul.f32 v5, v1;
	[tilespmem:s26+$0x90] =	vst v11  }
0x3a5: {  	v11 =	vld [tilespmem:s26+$0x150];
	[tilespmem:s26+$0x80] =	vst v3  }
0x3a6: {  	[tilespmem:s26+$0x70] =	vst v5;
	v3 =	vmul.f32 v10, v4;
	v5 =	vld [tilespmem:s26+$0xF0]  }
0x3a7: {  	v10 =	vld [tilespmem:s26+$0x100];
	v9 =	vmul.f32 v9, v4  }
0x3a8: {  	[tilespmem:s26+$0xA0] =	vst v3;
	v3 =	vmul.f32 v8, v4;
	v8 =	vld [tilespmem:s26+$0x110]  }
0x3a9: {  	v1 =	vld.idx.msk [tilespmem:v12+s21+$0x0], $0xffff;
	[tilespmem:s26+$0xB0] =	vst v9;
	v7 =	vmul.f32 v7, v4  }
0x3aa: {  	v9 =	vld [tilespmem:s26+$0x120];
	v11 =	vmul.f32 v11, v2;
	[tilespmem:s26+$0xC0] =	vst v3  }
0x3ab: {  	s28 =	simm.s32 $0xA;
	v3 =	vmul.f32 v6, v4;
	v6 =	vld [tilespmem:s26+$0x130];
	[tilespmem:s26+$0xD0] =	vst v7;
	v4 =	vmul.f32 v5, v4  }
0x3ac: {  	s17 =	simm.s32 $0x9;
	v13 =	vmov s28;
	v5 =	vld [tilespmem:s26+$0x140];
	[tilespmem:s26+$0x150] =	vst v11  }
0x3ad: {  	s15 =	simm.s32 $0x8;
	s28 =	simm.s32 $0xD;
	v12 =	vmov s17;
	s17 =	simm.s32 $0xC;
	v10 =	vmul.f32 v10, v2;
	[tilespmem:s26+$0xF0] =	vst v4;
	v4 =	vmul.f32 v8, v2;
	v8 =	vld [tilespmem:s26+$0x160]  }
0x3ae: {  	s16 =	simm.s32 $0xF;
	v14 =	vld [tilespmem:s26+$0x180];
	v18 =	vmov s28;
	v15 =	vmov s17;
	v7 =	vmov s15;
	[tilespmem:s26+$0xE0] =	vst v3  }
0x3af: {  	v17 =	vld [tilespmem:s26+$0x190];
	v7 =	vand.u32 $0xFFFFFFF8, v7;
	v3 =	vmov s16;
	s16 =	simm.s32 $0xB;
	[tilespmem:s26+$0x100] =	vst v10;
	v9 =	vmul.f32 v9, v2  }
0x3b0: {  	v10 =	vmov s16;
	[tilespmem:s26+$0x110] =	vst v4;
	v16 =	vmul.f32 v6, v2;
	v4 =	vbroadcast v7, $0x0;
	v6 =	vld [tilespmem:s26+$0x1A0]  }
0x3b1: {  	v7 =	vld [tilespmem:s26+$0x1B0];
	[tilespmem:s26+$0x120] =	vst v9;
	v9 =	vmul.f32 v5, v2;
	v5 =	vand.u32 $0xFFFFFFF9, v12;
	v12 =	vand.u32 $0xFFFFFFFA, v13  }
0x3b2: {  	v13 =	vand.u32 $0xFFFFFFFB, v10;
	[tilespmem:s26+$0x130] =	vst v16;
	v5 =	vbroadcast v5, $0x0;
	v16 =	vmul.f32 v8, v2;
	v8 =	vld [tilespmem:s26+$0x1C0]  }
0x3b3: {  	v10 =	vbroadcast v12, $0x0;
	[tilespmem:s26+$0x140] =	vst v9;
	v2 =	vand.u32 $0xFFFFFFFC, v15;
	v15 =	vmul.f32 v14, v1;
	v9 =	vld [tilespmem:s26+$0x1D0]  }
0x3b4: {  	s14 =	simm.s32 $0x10;
	s15 =	simm.s32 $0xE;
	v11 =	vld [tilespmem:s26+$0x1E0];
	v12 =	vbroadcast v13, $0x0;
	v13 =	vmul.f32 v17, v1;
	v14 =	vand.u32 $0xFFFFFFFD, v18;
	[tilespmem:s26+$0x160] =	vst v16  }
.LBB2_10:
0x3b5: {  	p0 =	slt.u32 s14, $0x78;
	v2 =	vbroadcast v2, $0x0;
	v16 =	vmov s15;
	[tilespmem:s26+$0x180] =	vst v15;
	v6 =	vmul.f32 v6, v1;
	v15 =	vld [tilespmem:s26+$0x1F0]  }
0x3b6: {  	v14 =	vbroadcast v14, $0x0;
	v16 =	vand.u32 $0xFFFFFFFE, v16;
	v17 =	vld.idx.msk [tilespmem:v3+s21+$0x0], $0xffff;
	[tilespmem:s26+$0x190] =	vst v13;
	v3 =	vmul.f32 v7, v1  }
0x3b7: {  	v7 =	vld.idx.msk [tilespmem:v4+s21+$0x0], $0xffff;
	v13 =	vbroadcast v16, $0x0;
	[tilespmem:s26+$0x1A0] =	vst v6;
	v4 =	vmul.f32 v8, v1  }
0x3b8: {  	v6 =	vld.idx.msk [tilespmem:v5+s21+$0x0], $0xffff;
	[tilespmem:s26+$0x1B0] =	vst v3;
	v3 =	vmul.f32 v9, v1  }
0x3b9: {  	v9 =	vmul.f32 v11, v1;
	v8 =	vld.idx.msk [tilespmem:v10+s21+$0x0], $0xffff;
	[tilespmem:s26+$0x1C0] =	vst v4  }
0x3ba: {  	v5 =	vld.idx.msk [tilespmem:v12+s21+$0x0], $0xffff;
	[tilespmem:s26+$0x1D0] =	vst v3;
	v10 =	vmul.f32 v15, v1  }
0x3bb: {  	v4 =	vld.idx.msk [tilespmem:v2+s21+$0x0], $0xffff;
	[tilespmem:s26+$0x1E0] =	vst v9  }
0x3bc: {  	v1 =	vmov v17;
	v3 =	vld.idx.msk [tilespmem:v14+s21+$0x0], $0xffff;
	[tilespmem:s26+$0x1F0] =	vst v10  }
0x3bd: {  	s26 =	sadd.s32 $0x400, s26;
	v2 =	vld.idx.msk [tilespmem:v13+s21+$0x0], $0xffff  }
0x3be: {  	v9 =	vld [tilespmem:s26+$0x170]  }
0x3bf: {  	v10 =	vld [tilespmem:s26+$0xFFFFFE00]  }
0x3c0: {  	v11 =	vld [tilespmem:s26+$0xFFFFFE10]  }
0x3c1: {  	v12 =	vld [tilespmem:s26+$0xFFFFFE20]  }
0x3c2: {  	v13 =	vld [tilespmem:s26+$0xFFFFFE30]  }
0x3c3: {  	v14 =	vld [tilespmem:s26+$0xFFFFFE40];
	v9 =	vmul.f32 v9, v2  }
0x3c4: {  	v10 =	vmul.f32 v10, v7;
	v15 =	vld [tilespmem:s26+$0xFFFFFE50]  }
0x3c5: {  	v11 =	vmul.f32 v11, v7;
	v16 =	vld [tilespmem:s26+$0xFFFFFE60];
	[tilespmem:s26+$0x170] =	vst v9  }
0x3c6: {  	[tilespmem:s26+$0xFFFFFE00] =	vst v10;
	v9 =	vmul.f32 v12, v7;
	v10 =	vld [tilespmem:s26+$0xFFFFFE70]  }
0x3c7: {  	[tilespmem:s26+$0xFFFFFE10] =	vst v11;
	v11 =	vmul.f32 v13, v7;
	v12 =	vld [tilespmem:s26+$0xFFFFFE80]  }
0x3c8: {  	[tilespmem:s26+$0xFFFFFE20] =	vst v9;
	v9 =	vmul.f32 v14, v7;
	v13 =	vld [tilespmem:s26+$0xFFFFFE90]  }
0x3c9: {  	[tilespmem:s26+$0xFFFFFE30] =	vst v11;
	v11 =	vmul.f32 v15, v7;
	v14 =	vld [tilespmem:s26+$0xFFFFFEA0]  }
0x3ca: {  	[tilespmem:s26+$0xFFFFFE40] =	vst v9;
	v9 =	vmul.f32 v16, v7;
	v15 =	vld [tilespmem:s26+$0xFFFFFEB0]  }
0x3cb: {  	[tilespmem:s26+$0xFFFFFE50] =	vst v11;
	v7 =	vmul.f32 v10, v7;
	v10 =	vld [tilespmem:s26+$0xFFFFFEC0]  }
0x3cc: {  	[tilespmem:s26+$0xFFFFFE60] =	vst v9;
	v9 =	vmul.f32 v12, v6;
	v11 =	vld [tilespmem:s26+$0xFFFFFED0]  }
0x3cd: {  	[tilespmem:s26+$0xFFFFFE70] =	vst v7;
	v7 =	vmul.f32 v13, v6;
	v12 =	vld [tilespmem:s26+$0xFFFFFEE0]  }
0x3ce: {  	[tilespmem:s26+$0xFFFFFE80] =	vst v9;
	v9 =	vmul.f32 v14, v6;
	v13 =	vld [tilespmem:s26+$0xFFFFFEF0]  }
0x3cf: {  	[tilespmem:s26+$0xFFFFFE90] =	vst v7;
	v7 =	vmul.f32 v15, v6;
	v14 =	vld [tilespmem:s26+$0xFFFFFF00]  }
0x3d0: {  	[tilespmem:s26+$0xFFFFFEA0] =	vst v9;
	v9 =	vmul.f32 v10, v6;
	v10 =	vld [tilespmem:s26+$0xFFFFFF10]  }
0x3d1: {  	[tilespmem:s26+$0xFFFFFEB0] =	vst v7;
	v7 =	vmul.f32 v11, v6;
	v11 =	vld [tilespmem:s26+$0xFFFFFF20]  }
0x3d2: {  	[tilespmem:s26+$0xFFFFFEC0] =	vst v9;
	v9 =	vmul.f32 v12, v6;
	v12 =	vld [tilespmem:s26+$0xFFFFFF30]  }
0x3d3: {  	[tilespmem:s26+$0xFFFFFED0] =	vst v7;
	v6 =	vmul.f32 v13, v6;
	v7 =	vld [tilespmem:s26+$0xFFFFFF40]  }
0x3d4: {  	[tilespmem:s26+$0xFFFFFEE0] =	vst v9;
	v9 =	vmul.f32 v14, v8;
	v13 =	vld [tilespmem:s26+$0xFFFFFF50]  }
0x3d5: {  	[tilespmem:s26+$0xFFFFFEF0] =	vst v6;
	v6 =	vmul.f32 v10, v8;
	v10 =	vld [tilespmem:s26+$0xFFFFFF60]  }
0x3d6: {  	[tilespmem:s26+$0xFFFFFF00] =	vst v9;
	v9 =	vmul.f32 v11, v8;
	v11 =	vld [tilespmem:s26+$0xFFFFFF70]  }
0x3d7: {  	[tilespmem:s26+$0xFFFFFF10] =	vst v6;
	v6 =	vmul.f32 v12, v8;
	v12 =	vld [tilespmem:s26+$0xFFFFFF80]  }
0x3d8: {  	[tilespmem:s26+$0xFFFFFF20] =	vst v9;
	v7 =	vmul.f32 v7, v8;
	v9 =	vld [tilespmem:s26+$0xFFFFFF90]  }
0x3d9: {  	[tilespmem:s26+$0xFFFFFF30] =	vst v6;
	v6 =	vmul.f32 v13, v8;
	v13 =	vld [tilespmem:s26+$0xFFFFFFA0]  }
0x3da: {  	[tilespmem:s26+$0xFFFFFF40] =	vst v7;
	v7 =	vmul.f32 v10, v8;
	v10 =	vld [tilespmem:s26+$0xFFFFFFB0]  }
0x3db: {  	[tilespmem:s26+$0xFFFFFF50] =	vst v6;
	v6 =	vmul.f32 v11, v8;
	v8 =	vld [tilespmem:s26+$0xFFFFFFC0]  }
0x3dc: {  	[tilespmem:s26+$0xFFFFFF60] =	vst v7;
	v7 =	vmul.f32 v12, v5;
	v11 =	vld [tilespmem:s26+$0xFFFFFFD0]  }
0x3dd: {  	[tilespmem:s26+$0xFFFFFF70] =	vst v6;
	v6 =	vmul.f32 v9, v5;
	v9 =	vld [tilespmem:s26+$0xFFFFFFE0]  }
0x3de: {  	[tilespmem:s26+$0xFFFFFF80] =	vst v7;
	v7 =	vmul.f32 v13, v5;
	v12 =	vld [tilespmem:s26+$0xFFFFFFF0]  }
0x3df: {  	[tilespmem:s26+$0xFFFFFF90] =	vst v6;
	v6 =	vmul.f32 v10, v5;
	v10 =	vld [tilespmem:s26+$0x0]  }
0x3e0: {  	[tilespmem:s26+$0xFFFFFFA0] =	vst v7;
	v7 =	vmul.f32 v8, v5;
	v8 =	vld [tilespmem:s26+$0x10]  }
0x3e1: {  	[tilespmem:s26+$0xFFFFFFB0] =	vst v6;
	v6 =	vmul.f32 v11, v5;
	v11 =	vld [tilespmem:s26+$0x20]  }
0x3e2: {  	[tilespmem:s26+$0xFFFFFFC0] =	vst v7;
	v7 =	vmul.f32 v9, v5;
	v9 =	vld [tilespmem:s26+$0x30]  }
0x3e3: {  	[tilespmem:s26+$0xFFFFFFD0] =	vst v6;
	v5 =	vmul.f32 v12, v5;
	v6 =	vld [tilespmem:s26+$0x40]  }
0x3e4: {  	[tilespmem:s26+$0xFFFFFFE0] =	vst v7;
	v7 =	vmul.f32 v10, v4;
	v10 =	vld [tilespmem:s26+$0x50]  }
0x3e5: {  	[tilespmem:s26+$0xFFFFFFF0] =	vst v5;
	v5 =	vmul.f32 v8, v4;
	v8 =	vld [tilespmem:s26+$0x60]  }
0x3e6: {  	[tilespmem:s26+$0x0] =	vst v7;
	v7 =	vmul.f32 v11, v4;
	v11 =	vld [tilespmem:s26+$0x70]  }
0x3e7: {  	[tilespmem:s26+$0x10] =	vst v5;
	v5 =	vmul.f32 v9, v4;
	v9 =	vld [tilespmem:s26+$0x80]  }
0x3e8: {  	[tilespmem:s26+$0x20] =	vst v7;
	v6 =	vmul.f32 v6, v4;
	v7 =	vld [tilespmem:s26+$0x90]  }
0x3e9: {  	[tilespmem:s26+$0x30] =	vst v5;
	v5 =	vmul.f32 v10, v4;
	v10 =	vld [tilespmem:s26+$0xA0]  }
0x3ea: {  	[tilespmem:s26+$0x40] =	vst v6;
	v6 =	vmul.f32 v8, v4;
	v8 =	vld [tilespmem:s26+$0xB0]  }
0x3eb: {  	[tilespmem:s26+$0x50] =	vst v5;
	v4 =	vmul.f32 v11, v4;
	v5 =	vld [tilespmem:s26+$0xC0]  }
0x3ec: {  	[tilespmem:s26+$0x60] =	vst v6;
	v6 =	vmul.f32 v9, v3;
	v9 =	vld [tilespmem:s26+$0xD0]  }
0x3ed: {  	[tilespmem:s26+$0x70] =	vst v4;
	v4 =	vmul.f32 v7, v3;
	v7 =	vld [tilespmem:s26+$0xE0]  }
0x3ee: {  	[tilespmem:s26+$0x80] =	vst v6;
	v6 =	vmul.f32 v10, v3;
	v10 =	vld [tilespmem:s26+$0xF0]  }
0x3ef: {  	[tilespmem:s26+$0x90] =	vst v4;
	v4 =	vmul.f32 v8, v3;
	v8 =	vld [tilespmem:s26+$0x100]  }
0x3f0: {  	[tilespmem:s26+$0xA0] =	vst v6;
	v5 =	vmul.f32 v5, v3;
	v6 =	vld [tilespmem:s26+$0x110]  }
0x3f1: {  	[tilespmem:s26+$0xB0] =	vst v4;
	v4 =	vmul.f32 v9, v3;
	v9 =	vld [tilespmem:s26+$0x120]  }
0x3f2: {  	[tilespmem:s26+$0xC0] =	vst v5;
	v5 =	vmul.f32 v7, v3;
	v7 =	vld [tilespmem:s26+$0x130]  }
0x3f3: {  	[tilespmem:s26+$0xD0] =	vst v4;
	v4 =	vmul.f32 v10, v3;
	v10 =	vld [tilespmem:s26+$0x140]  }
0x3f4: {  	s15 =	sadd.s32 $0x7, s14;
	v3 =	vmov s14;
	[tilespmem:s26+$0xE0] =	vst v5;
	v5 =	vmul.f32 v8, v2;
	v8 =	vld [tilespmem:s26+$0x150]  }
0x3f5: {  	s16 =	sadd.s32 $0x1, s14;
	s17 =	sadd.s32 $0x2, s14;
	v11 =	vand.u32 $0xFFFFFFF8, v3;
	v3 =	vmov s15;
	[tilespmem:s26+$0xF0] =	vst v4;
	v4 =	vmul.f32 v6, v2;
	v12 =	vld [tilespmem:s26+$0x160]  }
0x3f6: {  	v14 =	vmov s17;
	v13 =	vmov s16;
	s16 =	sadd.s32 $0x4, s14;
	s15 =	sadd.s32 $0x3, s14;
	[tilespmem:s26+$0x100] =	vst v5;
	v5 =	vmul.f32 v9, v2;
	v9 =	vld [tilespmem:s26+$0x180]  }
0x3f7: {  	v16 =	vmov s16;
	v15 =	vmov s15;
	s15 =	sadd.s32 $0x5, s14;
	[tilespmem:s26+$0x110] =	vst v4;
	v7 =	vmul.f32 v7, v2;
	v17 =	vld [tilespmem:s26+$0x190]  }
.Ltmp9:
0x3f8: {  	v4 =	vbroadcast v11, $0x0;
	v11 =	vmov s15;
	[tilespmem:s26+$0x120] =	vst v5;
	v10 =	vmul.f32 v10, v2;
	v6 =	vld [tilespmem:s26+$0x1A0];
	(pc) =	sbr.rel @p0 .LBB2_10-.Ltmp9, $4  }
0x3f9: {  	v5 =	vand.u32 $0xFFFFFFF9, v13;
	v13 =	vand.u32 $0xFFFFFFFA, v14;
	[tilespmem:s26+$0x130] =	vst v7;
	v14 =	vmul.f32 v8, v2;
	v7 =	vld [tilespmem:s26+$0x1B0]  }
0x3fa: {  	v18 =	vand.u32 $0xFFFFFFFB, v15;
	v5 =	vbroadcast v5, $0x0;
	[tilespmem:s26+$0x140] =	vst v10;
	v19 =	vmul.f32 v12, v2;
	v8 =	vld [tilespmem:s26+$0x1C0]  }
0x3fb: {  	v10 =	vbroadcast v13, $0x0;
	v2 =	vand.u32 $0xFFFFFFFC, v16;
	[tilespmem:s26+$0x150] =	vst v14;
	v15 =	vmul.f32 v9, v1;
	v9 =	vld [tilespmem:s26+$0x1D0]  }
0x3fc: {  	s15 =	sadd.s32 $0x6, s14;
	s14 =	sadd.s32 $0x8, s14;
	v12 =	vbroadcast v18, $0x0;
	v14 =	vand.u32 $0xFFFFFFFD, v11;
	[tilespmem:s26+$0x160] =	vst v19;
	v13 =	vmul.f32 v17, v1;
	v11 =	vld [tilespmem:s26+$0x1E0]  }
.Ltmp10:
0x3fd: {  	_ = 	snop;
	(pc) =	sbr.rel .LBB2_11-.Ltmp10, $1  }
0x3fe: {  	_ =	sdelay $0x3  }
.LBB2_13:
0x3ff: {  	s14 =	simm.s32 $0x5  }
0x400: {  	_ =	swait.ge [sflag:s14], $0x4000  }
.Ltmp11:
0x401: {  	[sflag:s14] =	ssyncset.done $0x0;
	(pc) =	sbr.rel .LBB2_14-.Ltmp11, $4  }
0x402: {  	s28 =	simm.s32 $0x6;
	[sflag:s14] =	ssyncadd.s32 $0xFFFFC000  }
0x403: {  	_ =	swait.ge [sflag:s28], $0x4000  }
0x404: {  	[sflag:s28] =	ssyncset.done $0x0  }
0x405: {  	s26 =	simm.s32 $0x0;
	s31 =	smov.u32 s23;
	[sflag:s28] =	ssyncadd.s32 $0xFFFFC000  }
.LBB2_17:
0x406: {  	_ =	sdelay $0x2  }
0x407: {  	v16 =	vld [tilespmem:s28+$0x1F0]  }
0x408: {  	v18 =	vld.idx.msk [tilespmem:v4+s21+$0x0], $0xffff  }
0x409: {  	v23 =	vld.idx.msk [tilespmem:v5+s21+$0x0], $0xffff  }
0x40a: {  	v10 =	vld.idx.msk [tilespmem:v10+s21+$0x0], $0xffff  }
0x40b: {  	v22 =	vbroadcast v2, $0x0;
	v2 =	vmov s15;
	v12 =	vld.idx.msk [tilespmem:v12+s21+$0x0], $0xffff  }
0x40c: {  	s14 =	sadd.s32 $0x400, s28;
	v17 =	vand.u32 $0xFFFFFFFE, v2;
	v2 =	vld.idx.msk [tilespmem:v3+s21+$0x0], $0xffff  }
0x40d: {  	v24 =	vld [tilespmem:s14+$0x170]  }
0x40e: {  	v26 =	vld [tilespmem:s14+$0xFFFFFE00]  }
0x40f: {  	v28 =	vld [tilespmem:s14+$0xFFFFFE10]  }
0x410: {  	[tilespmem:s28+$0x180] =	vst v15;
	v6 =	vmul.f32 v6, v1;
	v30 =	vld [tilespmem:s14+$0xFFFFFE20]  }
0x411: {  	[tilespmem:s28+$0x190] =	vst v13;
	v7 =	vmul.f32 v7, v1;
	v31 =	vld [tilespmem:s14+$0xFFFFFE30]  }
0x412: {  	v25 =	vmul.f32 v8, v1;
	v32 =	vld [tilespmem:s14+$0xFFFFFE40];
	[tilespmem:s28+$0x1A0] =	vst v6  }
0x413: {  	v27 =	vmul.f32 v9, v1;
	v33 =	vld [tilespmem:s14+$0xFFFFFE50];
	[tilespmem:s28+$0x1B0] =	vst v7  }
0x414: {  	v29 =	vmul.f32 v11, v1;
	v34 =	vld [tilespmem:s14+$0xFFFFFE60];
	[tilespmem:s28+$0x1C0] =	vst v25  }
0x415: {  	v35 =	vld [tilespmem:s14+$0xFFFFFE70];
	[tilespmem:s28+$0x1D0] =	vst v27;
	v1 =	vmul.f32 v16, v1  }
0x416: {  	v36 =	vld [tilespmem:s14+$0xFFFFFE80];
	[tilespmem:s28+$0x1E0] =	vst v29;
	v9 =	vmul.f32 v28, v18  }
0x417: {  	v37 =	vld [tilespmem:s14+$0xFFFFFE90];
	[tilespmem:s28+$0x1F0] =	vst v1;
	v1 =	vmul.f32 v26, v18  }
0x418: {  	v39 =	vld [tilespmem:s14+$0xFFFFFEA0];
	v7 =	vmul.f32 v31, v18;
	[tilespmem:s14+$0xFFFFFE10] =	vst v9  }
0x419: {  	v40 =	vld [tilespmem:s14+$0xFFFFFEB0];
	[tilespmem:s14+$0xFFFFFE00] =	vst v1;
	v1 =	vmul.f32 v30, v18  }
0x41a: {  	v42 =	vld [tilespmem:s14+$0xFFFFFEC0];
	v38 =	vmul.f32 v33, v18;
	[tilespmem:s14+$0xFFFFFE30] =	vst v7  }
0x41b: {  	v43 =	vld [tilespmem:s14+$0xFFFFFED0];
	[tilespmem:s14+$0xFFFFFE20] =	vst v1;
	v1 =	vmul.f32 v32, v18  }
0x41c: {  	v44 =	vld [tilespmem:s14+$0xFFFFFEE0];
	v41 =	vmul.f32 v35, v18;
	[tilespmem:s14+$0xFFFFFE50] =	vst v38  }
0x41d: {  	v45 =	vld [tilespmem:s14+$0xFFFFFEF0];
	[tilespmem:s14+$0xFFFFFE40] =	vst v1;
	v1 =	vmul.f32 v34, v18  }
0x41e: {  	v47 =	vld [tilespmem:s14+$0xFFFFFF00];
	v6 =	vmul.f32 v37, v23;
	[tilespmem:s14+$0xFFFFFE70] =	vst v41  }
0x41f: {  	v48 =	vld [tilespmem:s14+$0xFFFFFF10];
	[tilespmem:s14+$0xFFFFFE60] =	vst v1;
	v1 =	vmul.f32 v36, v23  }
0x420: {  	v50 =	vld [tilespmem:s14+$0xFFFFFF20];
	v46 =	vmul.f32 v40, v23;
	[tilespmem:s14+$0xFFFFFE90] =	vst v6  }
0x421: {  	v51 =	vld [tilespmem:s14+$0xFFFFFF30];
	[tilespmem:s14+$0xFFFFFE80] =	vst v1;
	v1 =	vmul.f32 v39, v23  }
0x422: {  	v53 =	vld [tilespmem:s14+$0xFFFFFF40];
	v49 =	vmul.f32 v43, v23;
	[tilespmem:s14+$0xFFFFFEB0] =	vst v46  }
0x423: {  	v54 =	vld [tilespmem:s14+$0xFFFFFF50];
	[tilespmem:s14+$0xFFFFFEA0] =	vst v1;
	v1 =	vmul.f32 v42, v23  }
0x424: {  	v56 =	vld [tilespmem:s14+$0xFFFFFF60];
	v52 =	vmul.f32 v45, v23;
	[tilespmem:s14+$0xFFFFFED0] =	vst v49  }
0x425: {  	v57 =	vld [tilespmem:s14+$0xFFFFFF70];
	[tilespmem:s14+$0xFFFFFEC0] =	vst v1;
	v1 =	vmul.f32 v44, v23  }
0x426: {  	v14 =	vbroadcast v14, $0x0;
	v59 =	vld [tilespmem:s14+$0xFFFFFF80];
	v55 =	vmul.f32 v48, v10;
	[tilespmem:s14+$0xFFFFFEF0] =	vst v52  }
0x427: {  	v60 =	vld [tilespmem:s14+$0xFFFFFF90];
	[tilespmem:s14+$0xFFFFFEE0] =	vst v1;
	v1 =	vmul.f32 v47, v10  }
0x428: {  	v62 =	vld [tilespmem:s14+$0xFFFFFFA0];
	v58 =	vmul.f32 v51, v10;
	[tilespmem:s14+$0xFFFFFF10] =	vst v55  }
0x429: {  	v63 =	vld [tilespmem:s14+$0xFFFFFFB0];
	v3 =	vbroadcast v17, $0x0;
	[tilespmem:s14+$0xFFFFFF00] =	vst v1;
	v1 =	vmul.f32 v50, v10  }
0x42a: {  	v15 =	vld [tilespmem:s14+$0xFFFFFFC0];
	v61 =	vmul.f32 v54, v10;
	[tilespmem:s14+$0xFFFFFF30] =	vst v58  }
0x42b: {  	v19 =	vld [tilespmem:s14+$0xFFFFFFF0];
	[tilespmem:s14+$0xFFFFFF20] =	vst v1;
	v1 =	vmul.f32 v53, v10  }
0x42c: {  	v4 =	vld.idx.msk [tilespmem:v14+s21+$0x0], $0xffff;
	v14 =	vmul.f32 v57, v10;
	[tilespmem:s14+$0xFFFFFF50] =	vst v61  }
0x42d: {  	v5 =	vld.idx.msk [tilespmem:v22+s21+$0x0], $0xffff;
	[tilespmem:s14+$0xFFFFFF40] =	vst v1;
	v1 =	vmul.f32 v56, v10  }
0x42e: {  	v17 =	vmul.f32 v60, v12;
	v22 =	vld [tilespmem:s14+$0x10];
	[tilespmem:s14+$0xFFFFFF70] =	vst v14  }
0x42f: {  	v3 =	vld.idx.msk [tilespmem:v3+s21+$0x0], $0xffff;
	[tilespmem:s14+$0xFFFFFF60] =	vst v1;
	v1 =	vmul.f32 v59, v12  }
0x430: {  	v20 =	vmul.f32 v63, v12;
	[tilespmem:s14+$0xFFFFFF90] =	vst v17;
	v18 =	vld [tilespmem:s14+$0xFFFFFFE0]  }
0x431: {  	v25 =	vld [tilespmem:s14+$0x30];
	[tilespmem:s14+$0xFFFFFF80] =	vst v1;
	v1 =	vmul.f32 v62, v12  }
0x432: {  	v21 =	vld [tilespmem:s14+$0x0];
	v26 =	vmul.f32 v19, v12;
	[tilespmem:s14+$0xFFFFFFB0] =	vst v20  }
0x433: {  	v28 =	vld [tilespmem:s14+$0x50];
	[tilespmem:s14+$0xFFFFFFA0] =	vst v1;
	v1 =	vmul.f32 v15, v12  }
0x434: {  	[tilespmem:s14+$0xFFFFFFF0] =	vst v26;
	v29 =	vmul.f32 v22, v5;
	v13 =	vmul.f32 v24, v3;
	v24 =	vld [tilespmem:s14+$0x20]  }
0x435: {  	v37 =	vld [tilespmem:s14+$0xB0];
	[tilespmem:s14+$0xFFFFFFC0] =	vst v1;
	v1 =	vmul.f32 v18, v12  }
0x436: {  	v27 =	vld [tilespmem:s14+$0x40];
	v32 =	vmul.f32 v25, v5;
	[tilespmem:s14+$0x10] =	vst v29  }
0x437: {  	[tilespmem:s14+$0xFFFFFFE0] =	vst v1;
	v1 =	vmul.f32 v21, v5  }
0x438: {  	v30 =	vld [tilespmem:s14+$0x60];
	v35 =	vmul.f32 v28, v5;
	[tilespmem:s14+$0x30] =	vst v32  }
0x439: {  	v45 =	vld [tilespmem:s14+$0x110];
	[tilespmem:s14+$0x0] =	vst v1;
	v1 =	vmul.f32 v24, v5  }
0x43a: {  	v33 =	vld [tilespmem:s14+$0x80];
	v43 =	vmul.f32 v37, v4;
	[tilespmem:s14+$0x50] =	vst v35  }
0x43b: {  	v48 =	vld [tilespmem:s14+$0x130];
	[tilespmem:s14+$0x20] =	vst v1;
	v1 =	vmul.f32 v27, v5  }
0x43c: {  	[tilespmem:s14+$0xB0] =	vst v43;
	v36 =	vld [tilespmem:s14+$0xA0]  }
0x43d: {  	v34 =	vld [tilespmem:s14+$0x90];
	[tilespmem:s14+$0x40] =	vst v1;
	v1 =	vmul.f32 v30, v5  }
0x43e: {  	v38 =	vld [tilespmem:s14+$0xC0];
	v51 =	vmul.f32 v45, v3;
	[tilespmem:s14+$0x170] =	vst v13  }
0x43f: {  	v16 =	vld [tilespmem:s14+$0xFFFFFFD0];
	[tilespmem:s14+$0x60] =	vst v1;
	v1 =	vmul.f32 v33, v4  }
0x440: {  	v41 =	vld [tilespmem:s14+$0xE0];
	v54 =	vmul.f32 v48, v3;
	[tilespmem:s14+$0x110] =	vst v51  }
0x441: {  	v39 =	vld [tilespmem:s14+$0xD0];
	[tilespmem:s14+$0x80] =	vst v1;
	v1 =	vmul.f32 v36, v4  }
0x442: {  	[tilespmem:s14+$0x130] =	vst v54;
	v40 =	vmul.f32 v34, v4;
	v44 =	vld [tilespmem:s14+$0x100]  }
0x443: {  	v50 =	vld [tilespmem:s14+$0x150];
	[tilespmem:s14+$0xA0] =	vst v1;
	v1 =	vmul.f32 v38, v4  }
0x444: {  	[tilespmem:s14+$0x90] =	vst v40;
	v23 =	vmul.f32 v16, v12;
	v47 =	vld [tilespmem:s14+$0x120]  }
0x445: {  	v53 =	vld [tilespmem:s14+$0x180];
	[tilespmem:s14+$0xC0] =	vst v1;
	v1 =	vmul.f32 v41, v4  }
0x446: {  	v49 =	vld [tilespmem:s14+$0x140];
	v46 =	vmul.f32 v39, v4;
	[tilespmem:s14+$0xFFFFFFD0] =	vst v23  }
0x447: {  	v56 =	vld [tilespmem:s14+$0x1A0];
	[tilespmem:s14+$0xE0] =	vst v1;
	v1 =	vmul.f32 v44, v3  }
0x448: {  	v52 =	vld [tilespmem:s14+$0x160];
	[tilespmem:s14+$0xD0] =	vst v46;
	v57 =	vmul.f32 v50, v3  }
0x449: {  	v31 =	vld [tilespmem:s14+$0x70];
	[tilespmem:s14+$0x100] =	vst v1;
	v1 =	vmul.f32 v47, v3  }
0x44a: {  	v55 =	vld [tilespmem:s14+$0x190];
	[tilespmem:s14+$0x150] =	vst v57;
	v59 =	vmul.f32 v53, v2  }
0x44b: {  	v42 =	vld [tilespmem:s14+$0xF0];
	[tilespmem:s14+$0x120] =	vst v1;
	v1 =	vmul.f32 v49, v3  }
0x44c: {  	v58 =	vld [tilespmem:s14+$0x1B0];
	[tilespmem:s14+$0x180] =	vst v59;
	v62 =	vmul.f32 v56, v2  }
0x44d: {  	[tilespmem:s14+$0x140] =	vst v1;
	v1 =	vmul.f32 v52, v3;
	v3 =	vld [tilespmem:s14+$0x1C0]  }
0x44e: {  	v60 =	vld [tilespmem:s14+$0x1D0];
	[tilespmem:s14+$0x1A0] =	vst v62;
	v5 =	vmul.f32 v31, v5  }
0x44f: {  	v61 =	vld [tilespmem:s14+$0x1E0];
	[tilespmem:s14+$0x160] =	vst v1;
	v1 =	vmul.f32 v55, v2  }
0x450: {  	v63 =	vld [tilespmem:s14+$0x1F0];
	[tilespmem:s14+$0x70] =	vst v5;
	v4 =	vmul.f32 v42, v4  }
0x451: {  	[tilespmem:s14+$0x190] =	vst v1;
	v1 =	vmul.f32 v58, v2  }
0x452: {  	[tilespmem:s14+$0xF0] =	vst v4;
	v3 =	vmul.f32 v3, v2  }
0x453: {  	[tilespmem:s14+$0x1B0] =	vst v1;
	v1 =	vmul.f32 v60, v2  }
0x454: {  	[tilespmem:s14+$0x1C0] =	vst v3;
	v3 =	vmul.f32 v61, v2  }
0x455: {  	[tilespmem:s14+$0x1D0] =	vst v1;
	v1 =	vmul.f32 v63, v2  }
0x456: {  	[tilespmem:s14+$0x1E0] =	vst v3  }
0x457: {  	[tilespmem:s14+$0x1F0] =	vst v1  }
0x458: {  	[spmem:s5] =	stream.indirect.scatter.add.f32 [tilespmem:s11], [sflag:$0x7], $0x80, s22, s13, $0xb8;
	[tilespmem:$0x1F400] =	vst v63  }
0x459: {  	_ =	swait.ge [sflag:s9], $0x4000  }
0x45a: {  	[sflag:s9] =	ssyncset.done $0x0  }
0x45b: {  	[sflag:s9] =	ssyncadd.s32 $0xFFFFC000  }
.LBB2_18:
0x45c: {  	s26 =	sadd.s32 $0x1, s26  }
0x45d: {  	p0 =	sne.s32 s26, $0x3  }
.Ltmp12:
0x45e: {  	_ = 	snop;
	(pc) =	sbr.rel @!p0 .LBB2_19-.Ltmp12, $1  }
0x45f: {  	_ =	sdelay $0x3  }
.LBB2_14:
0x460: {  	s14 =	sshll.u32 s26, $0x5  }
0x461: {  	s15 =	sor.u32 s10, s14  }
0x462: {  	p0 =	sgt.u32 s15, $0x4E  }
.Ltmp13:
0x463: {  	_ = 	snop;
	(pc) =	sbr.rel @p0 .LBB2_18-.Ltmp13, $1  }
0x464: {  	_ =	sdelay $0x3  }
0x465: {  	s14 =	sshll.u32 s15, $0x7  }
0x466: {  	s16 =	smin.u32 s14, $0x2690  }
0x467: {  	s14 =	sshll.u32 s16, $0x4  }
0x468: {  	v1 =	vor.u32 s16, v0;
	s17 =	sadd.s32 s4, s14;
	s14 =	simm.s32 $0x0  }
0x469: {  	[tilespmem:s11], [sflag:$0x8] =	stream.linear.gather [hbm4b:s17+s14], $0x4000, $0x38;
	[tilespmem:$0x1F400] =	vst v63  }
0x46a: {  	_ =	swait.ge [sflag:s29], $0x4000  }
0x46b: {  	[sflag:s29] =	ssyncset.done $0x0  }
0x46c: {  	[sflag:s29] =	ssyncadd.s32 $0xFFFFC000  }
0x46d: {  	v2 =	vld.idx.msk [tilespmem:v1+s12+$0x0], $0xffff;
	_ =	sdelay $0x2  }
0x46e: {  	s23 =	sadd.s32 $0x10, s16  }
0x46f: {  	p0 =	seq.s32 s15, $0x4E;
	s28 =	simm.s32 $0x2700;
	v3 =	vor.u32 s23, v0  }
0x470: {  	s28 =	simm.s32 @!p0 $0x0;
	v2 =	vmul.f32 v2, v2  }
0x471: {  	vm0 =	vlt.u32 v1, s28  }
0x472: {  	[tilespmem:$0x380] =	vst v1;
	v2 =	vsel vm0, $0x0, v2  }
0x473: {  	[tilespmem:$0x300] =	vst v2  }
0x474: {  	v1 =	vld.idx.msk [tilespmem:v3+s12+$0x0], $0xffff;
	_ =	sdelay $0x2  }
0x475: {  	s17 =	sor.u32 $0x20, s16  }
0x476: {  	v2 =	vor.u32 s17, v0  }
0x477: {  	v1 =	vmul.f32 v1, v1  }
0x478: {  	vm9 =	vlt.u32 v3, s28  }
0x479: {  	[tilespmem:$0x390] =	vst v3;
	v1 =	vsel vm9, $0x0, v1  }
0x47a: {  	[tilespmem:$0x310] =	vst v1  }
0x47b: {  	v1 =	vld.idx.msk [tilespmem:v2+s12+$0x0], $0xffff;
	_ =	sdelay $0x2  }
0x47c: {  	s23 =	sadd.s32 $0x30, s16  }
0x47d: {  	v3 =	vor.u32 s23, v0  }
0x47e: {  	v1 =	vmul.f32 v1, v1  }
0x47f: {  	vm10 =	vlt.u32 v2, s28  }
0x480: {  	[tilespmem:$0x3A0] =	vst v2;
	v1 =	vsel vm10, $0x0, v1  }
0x481: {  	[tilespmem:$0x320] =	vst v1  }
0x482: {  	v1 =	vld.idx.msk [tilespmem:v3+s12+$0x0], $0xffff;
	_ =	sdelay $0x2  }
0x483: {  	s17 =	sor.u32 $0x40, s16  }
0x484: {  	v2 =	vor.u32 s17, v0  }
0x485: {  	v1 =	vmul.f32 v1, v1  }
0x486: {  	vm11 =	vlt.u32 v3, s28  }
0x487: {  	[tilespmem:$0x3B0] =	vst v3;
	v1 =	vsel vm11, $0x0, v1  }
0x488: {  	[tilespmem:$0x330] =	vst v1  }
0x489: {  	v1 =	vld.idx.msk [tilespmem:v2+s12+$0x0], $0xffff;
	_ =	sdelay $0x2  }
0x48a: {  	s23 =	sadd.s32 $0x50, s16  }
0x48b: {  	v3 =	vor.u32 s23, v0  }
0x48c: {  	v1 =	vmul.f32 v1, v1  }
0x48d: {  	vm12 =	vlt.u32 v2, s28  }
0x48e: {  	[tilespmem:$0x3C0] =	vst v2;
	v1 =	vsel vm12, $0x0, v1  }
0x48f: {  	[tilespmem:$0x340] =	vst v1  }
0x490: {  	v1 =	vld.idx.msk [tilespmem:v3+s12+$0x0], $0xffff;
	_ =	sdelay $0x2  }
0x491: {  	s17 =	sor.u32 $0x60, s16  }
0x492: {  	v2 =	vor.u32 s17, v0  }
0x493: {  	v1 =	vmul.f32 v1, v1  }
0x494: {  	vm13 =	vlt.u32 v3, s28  }
0x495: {  	[tilespmem:$0x3D0] =	vst v3;
	v1 =	vsel vm13, $0x0, v1  }
0x496: {  	[tilespmem:$0x350] =	vst v1  }
0x497: {  	v1 =	vld.idx.msk [tilespmem:v2+s12+$0x0], $0xffff;
	_ =	sdelay $0x2  }
0x498: {  	s23 =	sadd.s32 $0x70, s16  }
0x499: {  	v3 =	vor.u32 s23, v0  }
0x49a: {  	v1 =	vmul.f32 v1, v1  }
0x49b: {  	vm14 =	vlt.u32 v2, s28  }
0x49c: {  	[tilespmem:$0x3E0] =	vst v2;
	v1 =	vsel vm14, $0x0, v1  }
0x49d: {  	[tilespmem:$0x360] =	vst v1  }
0x49e: {  	v1 =	vld.idx.msk [tilespmem:v3+s12+$0x0], $0xffff  }
0x49f: {  	s16 =	simm.s32 $0x6;
	v2 =	vmov s14  }
0x4a0: {  	v4 =	vmov s16;
	v2 =	vand.u32 $0xFFFFFFF8, v2  }
0x4a1: {  	v4 =	vand.u32 $0xFFFFFFFE, v4;
	v2 =	vbroadcast v2, $0x0  }
0x4a2: {  	v4 =	vbroadcast v4, $0x0  }
0x4a3: {  	v1 =	vmul.f32 v1, v1  }
0x4a4: {  	vm15 =	vlt.u32 v3, s28  }
0x4a5: {  	[tilespmem:$0x3F0] =	vst v3;
	v1 =	vsel vm15, $0x0, v1  }
0x4a6: {  	[tilespmem:$0x370] =	vst v1  }
0x4a7: {  	v1 =	vld.idx.msk [tilespmem:v2+s21+$0x0], $0xffff  }
0x4a8: {  	s17 =	simm.s32 $0x1;
	s28 =	simm.s32 $0x3380;
	v2 =	vld.idx.msk [tilespmem:v4+s21+$0x0], $0xffff  }
0x4a9: {  	v3 =	vmov s17;
	v4 =	vld [tilespmem:s28+$0x170]  }
0x4aa: {  	v3 =	vand.u32 $0xFFFFFFF9, v3;
	v5 =	vld [tilespmem:s28+$0xFFFFFE00]  }
0x4ab: {  	v3 =	vbroadcast v3, $0x0;
	v6 =	vld [tilespmem:s28+$0xFFFFFE10]  }
0x4ac: {  	v7 =	vld [tilespmem:s28+$0xFFFFFE20]  }
0x4ad: {  	v8 =	vld [tilespmem:s28+$0xFFFFFE30]  }
0x4ae: {  	v9 =	vld [tilespmem:s28+$0xFFFFFE40]  }
0x4af: {  	v10 =	vld [tilespmem:s28+$0xFFFFFE50]  }
0x4b0: {  	v11 =	vld [tilespmem:s28+$0xFFFFFE60]  }
0x4b1: {  	v3 =	vld.idx.msk [tilespmem:v3+s21+$0x0], $0xffff  }
0x4b2: {  	v12 =	vld [tilespmem:s28+$0xFFFFFE70]  }
0x4b3: {  	v13 =	vld [tilespmem:s28+$0xFFFFFE80];
	v5 =	vmul.f32 v5, v1  }
0x4b4: {  	v14 =	vld [tilespmem:s28+$0xFFFFFE90];
	v4 =	vmul.f32 v4, v2  }
0x4b5: {  	v15 =	vld [tilespmem:s28+$0xFFFFFEA0];
	v6 =	vmul.f32 v6, v1;
	[tilespmem:s28+$0xFFFFFE00] =	vst v5  }
0x4b6: {  	s23 =	simm.s32 $0x2;
	v16 =	vld [tilespmem:s28+$0xFFFFFEB0];
	v8 =	vmul.f32 v8, v1;
	[tilespmem:s28+$0x170] =	vst v4  }
0x4b7: {  	v9 =	vmul.f32 v9, v1;
	v5 =	vmov s23;
	v4 =	vmul.f32 v7, v1;
	v7 =	vld [tilespmem:s28+$0xFFFFFEC0];
	[tilespmem:s28+$0xFFFFFE10] =	vst v6  }
0x4b8: {  	v6 =	vmul.f32 v13, v3;
	v13 =	vld [tilespmem:s28+$0xFFFFFED0];
	[tilespmem:s28+$0xFFFFFE30] =	vst v8;
	v5 =	vand.u32 $0xFFFFFFFA, v5  }
0x4b9: {  	v8 =	vmul.f32 v10, v1;
	v10 =	vld [tilespmem:s28+$0xFFFFFEF0];
	[tilespmem:s28+$0xFFFFFE40] =	vst v9;
	v5 =	vbroadcast v5, $0x0  }
0x4ba: {  	v9 =	vmul.f32 v11, v1;
	v11 =	vld [tilespmem:s28+$0xFFFFFF00];
	[tilespmem:s28+$0xFFFFFE20] =	vst v4  }
0x4bb: {  	v1 =	vmul.f32 v12, v1;
	v12 =	vld [tilespmem:s28+$0xFFFFFF20];
	[tilespmem:s28+$0xFFFFFE80] =	vst v6  }
0x4bc: {  	s15 =	simm.s32 $0x3;
	v4 =	vld [tilespmem:s28+$0xFFFFFEE0];
	[tilespmem:s28+$0xFFFFFE50] =	vst v8  }
0x4bd: {  	v6 =	vmov s15;
	v8 =	vld [tilespmem:s28+$0xFFFFFF10];
	[tilespmem:s28+$0xFFFFFE60] =	vst v9;
	v9 =	vmul.f32 v14, v3  }
0x4be: {  	[tilespmem:s28+$0xFFFFFE70] =	vst v1;
	v1 =	vmul.f32 v15, v3;
	v14 =	vld [tilespmem:s28+$0xFFFFFF30];
	v6 =	vand.u32 $0xFFFFFFFB, v6  }
0x4bf: {  	v6 =	vbroadcast v6, $0x0;
	[tilespmem:s28+$0xFFFFFE90] =	vst v9;
	v9 =	vmul.f32 v16, v3;
	v5 =	vld.idx.msk [tilespmem:v5+s21+$0x0], $0xffff  }
0x4c0: {  	v15 =	vld [tilespmem:s28+$0xFFFFFF40];
	[tilespmem:s28+$0xFFFFFEA0] =	vst v1;
	v7 =	vmul.f32 v7, v3  }
0x4c1: {  	v13 =	vmul.f32 v13, v3;
	[tilespmem:s28+$0xFFFFFEB0] =	vst v9;
	v9 =	vld [tilespmem:s28+$0xFFFFFF60]  }
0x4c2: {  	[tilespmem:s28+$0xFFFFFEC0] =	vst v7;
	v4 =	vmul.f32 v4, v3;
	v7 =	vld [tilespmem:s28+$0xFFFFFF70]  }
0x4c3: {  	[tilespmem:s28+$0xFFFFFED0] =	vst v13;
	v3 =	vmul.f32 v10, v3;
	v10 =	vld [tilespmem:s28+$0xFFFFFF80]  }
0x4c4: {  	v13 =	vld [tilespmem:s28+$0xFFFFFFB0];
	[tilespmem:s28+$0xFFFFFEE0] =	vst v4;
	v1 =	vmul.f32 v11, v5  }
0x4c5: {  	[tilespmem:s28+$0xFFFFFEF0] =	vst v3;
	v6 =	vld.idx.msk [tilespmem:v6+s21+$0x0], $0xffff;
	v4 =	vmul.f32 v8, v5  }
0x4c6: {  	s16 =	simm.s32 $0x4;
	v11 =	vld [tilespmem:s28+$0xFFFFFF50];
	v3 =	vmul.f32 v12, v5;
	[tilespmem:s28+$0xFFFFFF00] =	vst v1  }
0x4c7: {  	v8 =	vld [tilespmem:s28+$0xFFFFFF90];
	v9 =	vmul.f32 v9, v5;
	v1 =	vmov s16;
	[tilespmem:s28+$0xFFFFFF10] =	vst v4  }
0x4c8: {  	v12 =	vld [tilespmem:s28+$0xFFFFFFA0];
	v4 =	vmul.f32 v14, v5;
	[tilespmem:s28+$0xFFFFFF20] =	vst v3;
	v1 =	vand.u32 $0xFFFFFFFC, v1  }
0x4c9: {  	v3 =	vmul.f32 v15, v5;
	v14 =	vld [tilespmem:s28+$0xFFFFFFC0];
	[tilespmem:s28+$0xFFFFFF60] =	vst v9;
	v1 =	vbroadcast v1, $0x0  }
0x4ca: {  	v9 =	vld [tilespmem:s28+$0x0];
	[tilespmem:s28+$0xFFFFFF30] =	vst v4;
	v4 =	vmul.f32 v10, v6  }
0x4cb: {  	s17 =	simm.s32 $0x5;
	v10 =	vld [tilespmem:s28+$0xFFFFFFD0];
	[tilespmem:s28+$0xFFFFFF40] =	vst v3;
	v11 =	vmul.f32 v11, v5  }
0x4cc: {  	v3 =	vld [tilespmem:s28+$0xFFFFFFE0];
	v5 =	vmul.f32 v7, v5;
	[tilespmem:s28+$0xFFFFFF80] =	vst v4;
	v4 =	vmov s17  }
0x4cd: {  	v7 =	vld [tilespmem:s28+$0xFFFFFFF0];
	v8 =	vmul.f32 v8, v6;
	[tilespmem:s28+$0xFFFFFF50] =	vst v11;
	v4 =	vand.u32 $0xFFFFFFFD, v4  }
0x4ce: {  	[tilespmem:s28+$0xFFFFFF70] =	vst v5;
	v5 =	vmul.f32 v12, v6;
	v11 =	vld [tilespmem:s28+$0x10];
	v4 =	vbroadcast v4, $0x0  }
0x4cf: {  	[tilespmem:s28+$0xFFFFFF90] =	vst v8;
	v8 =	vmul.f32 v13, v6;
	v1 =	vld.idx.msk [tilespmem:v1+s21+$0x0], $0xffff  }
0x4d0: {  	v12 =	vld [tilespmem:s28+$0x20];
	[tilespmem:s28+$0xFFFFFFA0] =	vst v5;
	v5 =	vmul.f32 v14, v6  }
0x4d1: {  	v13 =	vld [tilespmem:s28+$0x30];
	[tilespmem:s28+$0xFFFFFFB0] =	vst v8;
	v8 =	vmul.f32 v10, v6  }
0x4d2: {  	v10 =	vld [tilespmem:s28+$0x40];
	v3 =	vmul.f32 v3, v6;
	[tilespmem:s28+$0xFFFFFFC0] =	vst v5  }
0x4d3: {  	v6 =	vmul.f32 v7, v6;
	[tilespmem:s28+$0xFFFFFFD0] =	vst v8;
	v8 =	vld [tilespmem:s28+$0x60]  }
0x4d4: {  	[tilespmem:s28+$0xFFFFFFE0] =	vst v3;
	v4 =	vld.idx.msk [tilespmem:v4+s21+$0x0], $0xffff;
	v5 =	vmul.f32 v9, v1  }
0x4d5: {  	[tilespmem:s28+$0xFFFFFFF0] =	vst v6;
	v9 =	vld [tilespmem:s28+$0x50];
	v6 =	vmul.f32 v12, v1  }
0x4d6: {  	v3 =	vmul.f32 v11, v1;
	v11 =	vld [tilespmem:s28+$0x90];
	[tilespmem:s28+$0x0] =	vst v5  }
0x4d7: {  	v7 =	vld [tilespmem:s28+$0x80];
	[tilespmem:s28+$0x20] =	vst v6;
	v6 =	vmul.f32 v10, v1  }
0x4d8: {  	v5 =	vld [tilespmem:s28+$0x70];
	[tilespmem:s28+$0x10] =	vst v3;
	v3 =	vmul.f32 v13, v1  }
0x4d9: {  	v10 =	vld [tilespmem:s28+$0xA0];
	[tilespmem:s28+$0x40] =	vst v6;
	v6 =	vmul.f32 v8, v1  }
0x4da: {  	[tilespmem:s28+$0x30] =	vst v3;
	v8 =	vld [tilespmem:s28+$0xC0];
	v3 =	vmul.f32 v9, v1  }
0x4db: {  	v9 =	vld [tilespmem:s28+$0xB0];
	v11 =	vmul.f32 v11, v4;
	[tilespmem:s28+$0x60] =	vst v6  }
0x4dc: {  	s23 =	simm.s32 $0x7;
	v6 =	vld [tilespmem:s28+$0xE0];
	[tilespmem:s28+$0x50] =	vst v3;
	v3 =	vmul.f32 v7, v4  }
0x4dd: {  	v12 =	vmov s23;
	v7 =	vld [tilespmem:s28+$0xD0];
	v5 =	vmul.f32 v5, v1;
	[tilespmem:s28+$0x90] =	vst v11  }
0x4de: {  	v11 =	vld [tilespmem:s28+$0x150];
	[tilespmem:s28+$0x80] =	vst v3  }
0x4df: {  	[tilespmem:s28+$0x70] =	vst v5;
	v3 =	vmul.f32 v10, v4;
	v5 =	vld [tilespmem:s28+$0xF0]  }
0x4e0: {  	v10 =	vld [tilespmem:s28+$0x100];
	v9 =	vmul.f32 v9, v4  }
0x4e1: {  	[tilespmem:s28+$0xA0] =	vst v3;
	v3 =	vmul.f32 v8, v4;
	v8 =	vld [tilespmem:s28+$0x110]  }
0x4e2: {  	v1 =	vld.idx.msk [tilespmem:v12+s21+$0x0], $0xffff;
	[tilespmem:s28+$0xB0] =	vst v9;
	v7 =	vmul.f32 v7, v4  }
0x4e3: {  	v9 =	vld [tilespmem:s28+$0x120];
	v11 =	vmul.f32 v11, v2;
	[tilespmem:s28+$0xC0] =	vst v3  }
0x4e4: {  	s23 =	simm.s32 $0xA;
	v3 =	vmul.f32 v6, v4;
	v6 =	vld [tilespmem:s28+$0x130];
	[tilespmem:s28+$0xD0] =	vst v7;
	v4 =	vmul.f32 v5, v4  }
0x4e5: {  	s17 =	simm.s32 $0x9;
	v13 =	vmov s23;
	v5 =	vld [tilespmem:s28+$0x140];
	[tilespmem:s28+$0x150] =	vst v11  }
0x4e6: {  	s15 =	simm.s32 $0x8;
	s23 =	simm.s32 $0xD;
	v12 =	vmov s17;
	s17 =	simm.s32 $0xC;
	v10 =	vmul.f32 v10, v2;
	[tilespmem:s28+$0xF0] =	vst v4;
	v4 =	vmul.f32 v8, v2;
	v8 =	vld [tilespmem:s28+$0x160]  }
0x4e7: {  	s16 =	simm.s32 $0xF;
	v14 =	vld [tilespmem:s28+$0x180];
	v18 =	vmov s23;
	v15 =	vmov s17;
	v7 =	vmov s15;
	[tilespmem:s28+$0xE0] =	vst v3  }
0x4e8: {  	v17 =	vld [tilespmem:s28+$0x190];
	v7 =	vand.u32 $0xFFFFFFF8, v7;
	v3 =	vmov s16;
	s16 =	simm.s32 $0xB;
	[tilespmem:s28+$0x100] =	vst v10;
	v9 =	vmul.f32 v9, v2  }
0x4e9: {  	v10 =	vmov s16;
	[tilespmem:s28+$0x110] =	vst v4;
	v16 =	vmul.f32 v6, v2;
	v4 =	vbroadcast v7, $0x0;
	v6 =	vld [tilespmem:s28+$0x1A0]  }
0x4ea: {  	v7 =	vld [tilespmem:s28+$0x1B0];
	[tilespmem:s28+$0x120] =	vst v9;
	v9 =	vmul.f32 v5, v2;
	v5 =	vand.u32 $0xFFFFFFF9, v12;
	v12 =	vand.u32 $0xFFFFFFFA, v13  }
0x4eb: {  	v13 =	vand.u32 $0xFFFFFFFB, v10;
	[tilespmem:s28+$0x130] =	vst v16;
	v5 =	vbroadcast v5, $0x0;
	v16 =	vmul.f32 v8, v2;
	v8 =	vld [tilespmem:s28+$0x1C0]  }
0x4ec: {  	v10 =	vbroadcast v12, $0x0;
	[tilespmem:s28+$0x140] =	vst v9;
	v2 =	vand.u32 $0xFFFFFFFC, v15;
	v15 =	vmul.f32 v14, v1;
	v9 =	vld [tilespmem:s28+$0x1D0]  }
0x4ed: {  	s14 =	simm.s32 $0x10;
	s15 =	simm.s32 $0xE;
	v11 =	vld [tilespmem:s28+$0x1E0];
	v12 =	vbroadcast v13, $0x0;
	v13 =	vmul.f32 v17, v1;
	v14 =	vand.u32 $0xFFFFFFFD, v18;
	[tilespmem:s28+$0x160] =	vst v16  }
.LBB2_16:
0x4ee: {  	p0 =	slt.u32 s14, $0x78;
	v2 =	vbroadcast v2, $0x0;
	v16 =	vmov s15;
	[tilespmem:s28+$0x180] =	vst v15;
	v6 =	vmul.f32 v6, v1;
	v15 =	vld [tilespmem:s28+$0x1F0]  }
0x4ef: {  	v14 =	vbroadcast v14, $0x0;
	v16 =	vand.u32 $0xFFFFFFFE, v16;
	v17 =	vld.idx.msk [tilespmem:v3+s21+$0x0], $0xffff;
	[tilespmem:s28+$0x190] =	vst v13;
	v3 =	vmul.f32 v7, v1  }
0x4f0: {  	v7 =	vld.idx.msk [tilespmem:v4+s21+$0x0], $0xffff;
	v13 =	vbroadcast v16, $0x0;
	[tilespmem:s28+$0x1A0] =	vst v6;
	v4 =	vmul.f32 v8, v1  }
0x4f1: {  	v6 =	vld.idx.msk [tilespmem:v5+s21+$0x0], $0xffff;
	[tilespmem:s28+$0x1B0] =	vst v3;
	v3 =	vmul.f32 v9, v1  }
0x4f2: {  	v9 =	vmul.f32 v11, v1;
	v8 =	vld.idx.msk [tilespmem:v10+s21+$0x0], $0xffff;
	[tilespmem:s28+$0x1C0] =	vst v4  }
0x4f3: {  	v5 =	vld.idx.msk [tilespmem:v12+s21+$0x0], $0xffff;
	[tilespmem:s28+$0x1D0] =	vst v3;
	v10 =	vmul.f32 v15, v1  }
0x4f4: {  	v4 =	vld.idx.msk [tilespmem:v2+s21+$0x0], $0xffff;
	[tilespmem:s28+$0x1E0] =	vst v9  }
0x4f5: {  	v1 =	vmov v17;
	v3 =	vld.idx.msk [tilespmem:v14+s21+$0x0], $0xffff;
	[tilespmem:s28+$0x1F0] =	vst v10  }
0x4f6: {  	s28 =	sadd.s32 $0x400, s28;
	v2 =	vld.idx.msk [tilespmem:v13+s21+$0x0], $0xffff  }
0x4f7: {  	v9 =	vld [tilespmem:s28+$0x170]  }
0x4f8: {  	v10 =	vld [tilespmem:s28+$0xFFFFFE00]  }
0x4f9: {  	v11 =	vld [tilespmem:s28+$0xFFFFFE10]  }
0x4fa: {  	v12 =	vld [tilespmem:s28+$0xFFFFFE20]  }
0x4fb: {  	v13 =	vld [tilespmem:s28+$0xFFFFFE30]  }
0x4fc: {  	v14 =	vld [tilespmem:s28+$0xFFFFFE40];
	v9 =	vmul.f32 v9, v2  }
0x4fd: {  	v10 =	vmul.f32 v10, v7;
	v15 =	vld [tilespmem:s28+$0xFFFFFE50]  }
0x4fe: {  	v11 =	vmul.f32 v11, v7;
	v16 =	vld [tilespmem:s28+$0xFFFFFE60];
	[tilespmem:s28+$0x170] =	vst v9  }
0x4ff: {  	[tilespmem:s28+$0xFFFFFE00] =	vst v10;
	v9 =	vmul.f32 v12, v7;
	v10 =	vld [tilespmem:s28+$0xFFFFFE70]  }
0x500: {  	[tilespmem:s28+$0xFFFFFE10] =	vst v11;
	v11 =	vmul.f32 v13, v7;
	v12 =	vld [tilespmem:s28+$0xFFFFFE80]  }
0x501: {  	[tilespmem:s28+$0xFFFFFE20] =	vst v9;
	v9 =	vmul.f32 v14, v7;
	v13 =	vld [tilespmem:s28+$0xFFFFFE90]  }
0x502: {  	[tilespmem:s28+$0xFFFFFE30] =	vst v11;
	v11 =	vmul.f32 v15, v7;
	v14 =	vld [tilespmem:s28+$0xFFFFFEA0]  }
0x503: {  	[tilespmem:s28+$0xFFFFFE40] =	vst v9;
	v9 =	vmul.f32 v16, v7;
	v15 =	vld [tilespmem:s28+$0xFFFFFEB0]  }
0x504: {  	[tilespmem:s28+$0xFFFFFE50] =	vst v11;
	v7 =	vmul.f32 v10, v7;
	v10 =	vld [tilespmem:s28+$0xFFFFFEC0]  }
0x505: {  	[tilespmem:s28+$0xFFFFFE60] =	vst v9;
	v9 =	vmul.f32 v12, v6;
	v11 =	vld [tilespmem:s28+$0xFFFFFED0]  }
0x506: {  	[tilespmem:s28+$0xFFFFFE70] =	vst v7;
	v7 =	vmul.f32 v13, v6;
	v12 =	vld [tilespmem:s28+$0xFFFFFEE0]  }
0x507: {  	[tilespmem:s28+$0xFFFFFE80] =	vst v9;
	v9 =	vmul.f32 v14, v6;
	v13 =	vld [tilespmem:s28+$0xFFFFFEF0]  }
0x508: {  	[tilespmem:s28+$0xFFFFFE90] =	vst v7;
	v7 =	vmul.f32 v15, v6;
	v14 =	vld [tilespmem:s28+$0xFFFFFF00]  }
0x509: {  	[tilespmem:s28+$0xFFFFFEA0] =	vst v9;
	v9 =	vmul.f32 v10, v6;
	v10 =	vld [tilespmem:s28+$0xFFFFFF10]  }
0x50a: {  	[tilespmem:s28+$0xFFFFFEB0] =	vst v7;
	v7 =	vmul.f32 v11, v6;
	v11 =	vld [tilespmem:s28+$0xFFFFFF20]  }
0x50b: {  	[tilespmem:s28+$0xFFFFFEC0] =	vst v9;
	v9 =	vmul.f32 v12, v6;
	v12 =	vld [tilespmem:s28+$0xFFFFFF30]  }
0x50c: {  	[tilespmem:s28+$0xFFFFFED0] =	vst v7;
	v6 =	vmul.f32 v13, v6;
	v7 =	vld [tilespmem:s28+$0xFFFFFF40]  }
0x50d: {  	[tilespmem:s28+$0xFFFFFEE0] =	vst v9;
	v9 =	vmul.f32 v14, v8;
	v13 =	vld [tilespmem:s28+$0xFFFFFF50]  }
0x50e: {  	[tilespmem:s28+$0xFFFFFEF0] =	vst v6;
	v6 =	vmul.f32 v10, v8;
	v10 =	vld [tilespmem:s28+$0xFFFFFF60]  }
0x50f: {  	[tilespmem:s28+$0xFFFFFF00] =	vst v9;
	v9 =	vmul.f32 v11, v8;
	v11 =	vld [tilespmem:s28+$0xFFFFFF70]  }
0x510: {  	[tilespmem:s28+$0xFFFFFF10] =	vst v6;
	v6 =	vmul.f32 v12, v8;
	v12 =	vld [tilespmem:s28+$0xFFFFFF80]  }
0x511: {  	[tilespmem:s28+$0xFFFFFF20] =	vst v9;
	v7 =	vmul.f32 v7, v8;
	v9 =	vld [tilespmem:s28+$0xFFFFFF90]  }
0x512: {  	[tilespmem:s28+$0xFFFFFF30] =	vst v6;
	v6 =	vmul.f32 v13, v8;
	v13 =	vld [tilespmem:s28+$0xFFFFFFA0]  }
0x513: {  	[tilespmem:s28+$0xFFFFFF40] =	vst v7;
	v7 =	vmul.f32 v10, v8;
	v10 =	vld [tilespmem:s28+$0xFFFFFFB0]  }
0x514: {  	[tilespmem:s28+$0xFFFFFF50] =	vst v6;
	v6 =	vmul.f32 v11, v8;
	v8 =	vld [tilespmem:s28+$0xFFFFFFC0]  }
0x515: {  	[tilespmem:s28+$0xFFFFFF60] =	vst v7;
	v7 =	vmul.f32 v12, v5;
	v11 =	vld [tilespmem:s28+$0xFFFFFFD0]  }
0x516: {  	[tilespmem:s28+$0xFFFFFF70] =	vst v6;
	v6 =	vmul.f32 v9, v5;
	v9 =	vld [tilespmem:s28+$0xFFFFFFE0]  }
0x517: {  	[tilespmem:s28+$0xFFFFFF80] =	vst v7;
	v7 =	vmul.f32 v13, v5;
	v12 =	vld [tilespmem:s28+$0xFFFFFFF0]  }
0x518: {  	[tilespmem:s28+$0xFFFFFF90] =	vst v6;
	v6 =	vmul.f32 v10, v5;
	v10 =	vld [tilespmem:s28+$0x0]  }
0x519: {  	[tilespmem:s28+$0xFFFFFFA0] =	vst v7;
	v7 =	vmul.f32 v8, v5;
	v8 =	vld [tilespmem:s28+$0x10]  }
0x51a: {  	[tilespmem:s28+$0xFFFFFFB0] =	vst v6;
	v6 =	vmul.f32 v11, v5;
	v11 =	vld [tilespmem:s28+$0x20]  }
0x51b: {  	[tilespmem:s28+$0xFFFFFFC0] =	vst v7;
	v7 =	vmul.f32 v9, v5;
	v9 =	vld [tilespmem:s28+$0x30]  }
0x51c: {  	[tilespmem:s28+$0xFFFFFFD0] =	vst v6;
	v5 =	vmul.f32 v12, v5;
	v6 =	vld [tilespmem:s28+$0x40]  }
0x51d: {  	[tilespmem:s28+$0xFFFFFFE0] =	vst v7;
	v7 =	vmul.f32 v10, v4;
	v10 =	vld [tilespmem:s28+$0x50]  }
0x51e: {  	[tilespmem:s28+$0xFFFFFFF0] =	vst v5;
	v5 =	vmul.f32 v8, v4;
	v8 =	vld [tilespmem:s28+$0x60]  }
0x51f: {  	[tilespmem:s28+$0x0] =	vst v7;
	v7 =	vmul.f32 v11, v4;
	v11 =	vld [tilespmem:s28+$0x70]  }
0x520: {  	[tilespmem:s28+$0x10] =	vst v5;
	v5 =	vmul.f32 v9, v4;
	v9 =	vld [tilespmem:s28+$0x80]  }
0x521: {  	[tilespmem:s28+$0x20] =	vst v7;
	v6 =	vmul.f32 v6, v4;
	v7 =	vld [tilespmem:s28+$0x90]  }
0x522: {  	[tilespmem:s28+$0x30] =	vst v5;
	v5 =	vmul.f32 v10, v4;
	v10 =	vld [tilespmem:s28+$0xA0]  }
0x523: {  	[tilespmem:s28+$0x40] =	vst v6;
	v6 =	vmul.f32 v8, v4;
	v8 =	vld [tilespmem:s28+$0xB0]  }
0x524: {  	[tilespmem:s28+$0x50] =	vst v5;
	v4 =	vmul.f32 v11, v4;
	v5 =	vld [tilespmem:s28+$0xC0]  }
0x525: {  	[tilespmem:s28+$0x60] =	vst v6;
	v6 =	vmul.f32 v9, v3;
	v9 =	vld [tilespmem:s28+$0xD0]  }
0x526: {  	[tilespmem:s28+$0x70] =	vst v4;
	v4 =	vmul.f32 v7, v3;
	v7 =	vld [tilespmem:s28+$0xE0]  }
0x527: {  	[tilespmem:s28+$0x80] =	vst v6;
	v6 =	vmul.f32 v10, v3;
	v10 =	vld [tilespmem:s28+$0xF0]  }
0x528: {  	[tilespmem:s28+$0x90] =	vst v4;
	v4 =	vmul.f32 v8, v3;
	v8 =	vld [tilespmem:s28+$0x100]  }
0x529: {  	[tilespmem:s28+$0xA0] =	vst v6;
	v5 =	vmul.f32 v5, v3;
	v6 =	vld [tilespmem:s28+$0x110]  }
0x52a: {  	[tilespmem:s28+$0xB0] =	vst v4;
	v4 =	vmul.f32 v9, v3;
	v9 =	vld [tilespmem:s28+$0x120]  }
0x52b: {  	[tilespmem:s28+$0xC0] =	vst v5;
	v5 =	vmul.f32 v7, v3;
	v7 =	vld [tilespmem:s28+$0x130]  }
0x52c: {  	[tilespmem:s28+$0xD0] =	vst v4;
	v4 =	vmul.f32 v10, v3;
	v10 =	vld [tilespmem:s28+$0x140]  }
0x52d: {  	s15 =	sadd.s32 $0x7, s14;
	v3 =	vmov s14;
	[tilespmem:s28+$0xE0] =	vst v5;
	v5 =	vmul.f32 v8, v2;
	v8 =	vld [tilespmem:s28+$0x150]  }
0x52e: {  	s16 =	sadd.s32 $0x1, s14;
	s17 =	sadd.s32 $0x2, s14;
	v11 =	vand.u32 $0xFFFFFFF8, v3;
	v3 =	vmov s15;
	[tilespmem:s28+$0xF0] =	vst v4;
	v4 =	vmul.f32 v6, v2;
	v12 =	vld [tilespmem:s28+$0x160]  }
0x52f: {  	v14 =	vmov s17;
	v13 =	vmov s16;
	s16 =	sadd.s32 $0x4, s14;
	s15 =	sadd.s32 $0x3, s14;
	[tilespmem:s28+$0x100] =	vst v5;
	v5 =	vmul.f32 v9, v2;
	v9 =	vld [tilespmem:s28+$0x180]  }
0x530: {  	v16 =	vmov s16;
	v15 =	vmov s15;
	s15 =	sadd.s32 $0x5, s14;
	[tilespmem:s28+$0x110] =	vst v4;
	v7 =	vmul.f32 v7, v2;
	v17 =	vld [tilespmem:s28+$0x190]  }
.Ltmp14:
0x531: {  	v4 =	vbroadcast v11, $0x0;
	v11 =	vmov s15;
	[tilespmem:s28+$0x120] =	vst v5;
	v10 =	vmul.f32 v10, v2;
	v6 =	vld [tilespmem:s28+$0x1A0];
	(pc) =	sbr.rel @p0 .LBB2_16-.Ltmp14, $4  }
0x532: {  	v5 =	vand.u32 $0xFFFFFFF9, v13;
	v13 =	vand.u32 $0xFFFFFFFA, v14;
	[tilespmem:s28+$0x130] =	vst v7;
	v14 =	vmul.f32 v8, v2;
	v7 =	vld [tilespmem:s28+$0x1B0]  }
0x533: {  	v18 =	vand.u32 $0xFFFFFFFB, v15;
	v5 =	vbroadcast v5, $0x0;
	[tilespmem:s28+$0x140] =	vst v10;
	v19 =	vmul.f32 v12, v2;
	v8 =	vld [tilespmem:s28+$0x1C0]  }
0x534: {  	v10 =	vbroadcast v13, $0x0;
	v2 =	vand.u32 $0xFFFFFFFC, v16;
	[tilespmem:s28+$0x150] =	vst v14;
	v15 =	vmul.f32 v9, v1;
	v9 =	vld [tilespmem:s28+$0x1D0]  }
0x535: {  	s15 =	sadd.s32 $0x6, s14;
	s14 =	sadd.s32 $0x8, s14;
	v12 =	vbroadcast v18, $0x0;
	v14 =	vand.u32 $0xFFFFFFFD, v11;
	[tilespmem:s28+$0x160] =	vst v19;
	v13 =	vmul.f32 v17, v1;
	v11 =	vld [tilespmem:s28+$0x1E0]  }
.Ltmp15:
0x536: {  	_ = 	snop;
	(pc) =	sbr.rel .LBB2_17-.Ltmp15, $1  }
0x537: {  	_ =	sdelay $0x3  }
.LBB2_20:
0x538: {  	_ =	sfence.sel $0x180000  }
0x539: {  	[bflag:$0x0] =	sbarrier.arrive $0xFFFF  }
0x53a: {  	_ =	strace $0x9000004A  }
0x53b: {  	s0 =	stileid.u32;
	[bflag:$0x2] =	sbarrier.arrive $0xFFFF  }
0x53c: {  	p0 =	sne.s32 s0, $0x0;
	s0 =	rddreg [dreg:$0x6]  }
0x53d: {  	s0 =	sadd.s32 @!p0 $0x100000, s0  }
0x53e: {  	[sflag:s0] =	ssyncadd.tile.s32 @!p0 $0x1;
	_ =	shalt  }
.Lfunc_end2:
_tile_overlayer_lowered:
.L_overlay_start_2:
0x53f: {  	(tag) =	ssettag $0x2  }
0x540: {  	s0 =	rddreg [dreg:$0x0];
	s2 =	stileid.u32  }
0x541: {  	s1 =	rddreg [dreg:$0x1];
	p0 =	sne.s32 s2, $0x0  }
0x542: {  	s3 =	rddreg [dreg:$0x2];
	[bflag:$0x3] =	sbarrier.arrive $0xFFFF;
	s2 =	simm.s32 @!p0 $0x1C07  }
0x543: {  	[timem:s3], [sflag:s2] =	dma.local @!p0 [hbm:s0], s1  }
0x544: {  	s0 =	simm.s32 @!p0 $0x7  }
0x545: {  	_ =	swait.ge @!p0 [sflag:s0], s1  }
0x546: {  	s1 =	ssub.s32 @!p0 $0x0, s1;
	[sflag:s0] =	ssyncset.done @!p0 $0x0  }
0x547: {  	[sflag:s0] =	ssyncadd.s32 @!p0 s1  }
0x548: {  	[bflag:$0x3] =	sbarrier.arrive $0xFFFF  }
0x549: {  	_ =	shalt  }

</sc_bundles>
